<compile_context>
chip_gen: v7x
topology: tpu7x:2x2x1
jax: 0.10.2.dev20260603
libtpu: 0.0.44.dev20260713+nightly
codegen_flags: <defaults>
</compile_context>

<pallas_src>
import jax
import jax.numpy as jnp
from jax import lax
from jax.experimental import pallas as pl
from jax.experimental.pallas import tpu as pltpu
from jax.experimental.pallas import tpu_sc as plsc

F32 = jnp.float32
I32 = jnp.int32
HI = None

B = 32
N = 8192
S = 32
NS1 = 64
NCHUNK = 64
R2_1 = 0.02 ** 2
R2_2 = 0.04 ** 2


def _fps_kernel(xs_ref, ys_ref, zs_ref, cx_ref, cy_ref, cz_ref):
    xs = xs_ref[...]
    ys = ys_ref[...]
    zs = zs_ref[...]
    iota_n = jax.lax.broadcasted_iota(I32, (B, N), 1)
    iota_s = jax.lax.broadcasted_iota(I32, (B, S), 1)

    def body(t, carry):
        dists, far, ax, ay, az = carry
        sel = iota_n == far
        cx = jnp.sum(jnp.where(sel, xs, 0.0), axis=1, keepdims=True)
        cy = jnp.sum(jnp.where(sel, ys, 0.0), axis=1, keepdims=True)
        cz = jnp.sum(jnp.where(sel, zs, 0.0), axis=1, keepdims=True)
        ax = jnp.where(iota_s == t, cx, ax)
        ay = jnp.where(iota_s == t, cy, ay)
        az = jnp.where(iota_s == t, cz, az)
        dx = xs - cx
        dy = ys - cy
        dz = zs - cz
        d = dx * dx + dy * dy + dz * dz
        dists = jnp.minimum(dists, d)
        m = jnp.max(dists, axis=1, keepdims=True)
        far = jnp.min(jnp.where(dists == m, iota_n, N), axis=1, keepdims=True)
        return dists, far, ax, ay, az

    dists0 = jnp.full((B, N), 1e10, F32)
    far0 = jnp.zeros((B, 1), I32)
    a0 = jnp.zeros((B, S), F32)
    _, _, ax, ay, az = jax.lax.fori_loop(0, S, body, (dists0, far0, a0, a0, a0))
    cx_ref[...] = ax
    cy_ref[...] = ay
    cz_ref[...] = az


def _mask_kernel(xt_ref, cxs_ref, cys_ref, czs_ref,
                 vmask_ref, ccnt_ref, near_ref):
    xt = xt_ref[0]
    xs = xt[0:1, :]
    ys = xt[1:2, :]
    zs = xt[2:3, :]
    cx = cxs_ref[0]
    cy = cys_ref[0]
    cz = czs_ref[0]
    dx = cx - xs
    dy = cy - ys
    dz = cz - zs
    d = dx * dx + dy * dy + dz * dz
    maskf = jnp.where(d <= R2_1, 1.0, 0.0).astype(F32)
    iota_n = jax.lax.broadcasted_iota(I32, (S, N), 1)
    dmin = jnp.min(d, axis=1, keepdims=True)
    near = jnp.min(jnp.where(d == dmin, iota_n, N), axis=1, keepdims=True)
    vmask_ref[0] = maskf
    csum = jnp.sum(maskf.reshape(S, NCHUNK, 128), axis=2)
    ccnt_ref[0] = csum.astype(I32)
    near_ref[0] = near


def _sc_gather_body(vmask_hbm, ccnt_hbm, near_hbm, table_hbm, out_hbm,
                    vrow, ccv, nearv, idxbuf, idxg, colp, sem):
    info = plsc.get_sparse_core_info()
    nc = info.num_cores
    b = lax.axis_index("s") * nc + lax.axis_index("c")
    iota16 = jax.lax.broadcasted_iota(I32, (16,), 0)

    pltpu.sync_copy(ccnt_hbm.at[pl.ds(b * S * NCHUNK, S * NCHUNK)],
                    ccv.at[pl.ds(0, S * NCHUNK)])
    pltpu.sync_copy(near_hbm.at[pl.ds(b * S, S)], nearv.at[pl.ds(0, S)])

    def s_body(s, _):
        pltpu.sync_copy(vmask_hbm.at[pl.ds((b * S + s) * N, N)], vrow)

        def c_body(c, off):
            cnt_c = ccv[pl.ds(s * NCHUNK + c, 16)][0]
            do = jnp.logical_and(cnt_c > 0, off < NS1)

            @pl.when(do)
            def _(off=off):
                sub = off
                for j in range(8):
                    v = vrow[pl.ds(c * 128 + j * 16, 16)]
                    for q in range(16):
                        pq = v[q] > 0.5

                        @pl.when(pq)
                        def _(sub=sub, j=j, q=q):
                            val = c * 128 + (j * 16 + q)
                            idxbuf[pl.ds(sub, 16)] = (
                                jnp.zeros((16,), I32) + val)

                        sub = sub + jnp.where(pq, 1, 0)

            return off + jnp.where(do, cnt_c, 0)

        off = jax.lax.fori_loop(0, NCHUNK, c_body, jnp.int32(0))

        first0 = idxbuf[pl.ds(0, 16)][0]
        near_s = nearv[pl.ds(s, 16)][0]
        first = jnp.where(off > 0, first0, near_s)
        ebase = b * N * 8
        for k in range(4):
            cur = idxbuf[pl.ds(k * 16, 16)]
            slot = iota16 + (k * 16)
            e_k = jnp.where(slot < off, cur, first) * 8 + ebase
            for j in range(8):
                idxg[pl.ds(j * (S * NS1) + s * NS1 + k * 16, 16)] = e_k + j
        return 0

    jax.lax.fori_loop(0, S, s_body, 0)

    waits = []
    for j in range(8):
        waits.append(pltpu.async_copy(
            table_hbm.at[idxg.at[pl.ds(j * (S * NS1), S * NS1)]],
            colp.at[pl.ds(j * (S * NS1), S * NS1)], sem))
    for w in waits:
        w.wait()
    pltpu.sync_copy(colp, out_hbm.at[pl.ds(b * 8 * S * NS1, 8 * S * NS1)])


def _mlp1_kernel(g_ref,
                 w1_ref, b1_ref, g1_ref, e1_ref,
                 w2_ref, b2_ref, g2_ref, e2_ref,
                 w3_ref, b3_ref, g3_ref, e3_ref,
                 o_ref):
    x = g_ref[0]
    h = jnp.dot(w1_ref[...], x, precision=HI) + b1_ref[...]
    h = jax.nn.relu(g1_ref[...] * h + e1_ref[...])
    h = jnp.dot(w2_ref[...], h, precision=HI) + b2_ref[...]
    h = jax.nn.relu(g2_ref[...] * h + e2_ref[...])
    h = jnp.dot(w3_ref[...], h, precision=HI) + b3_ref[...]
    f = jax.nn.relu(g3_ref[...] * h + e3_ref[...])
    o_ref[0] = jnp.max(f.reshape(128, S, NS1), axis=2)


def _tail_kernel(cxl_ref, cyl_ref, czl_ref, cxs_ref, cys_ref, czs_ref,
                 f1_ref, *p_refs):
    p = [r[...] for r in p_refs[:-1]]
    o_ref = p_refs[-1]
    (w21, b21, g21, e21, w22, b22, g22, e22, w23, b23, g23, e23,
     w31, b31, g31, e31, w32, b32, g32, e32, w33, b33, g33, e33,
     wf1, bf1, gf1, ef1, wf2, bf2, gf2, ef2) = p

    xs = cxl_ref[...]
    ys = cyl_ref[...]
    zs = czl_ref[...]
    iota_n = jax.lax.broadcasted_iota(I32, (B, S), 1)

    def body(t, carry):
        dists, far, ax, ay, az = carry
        sel = iota_n == far
        cx = jnp.sum(jnp.where(sel, xs, 0.0), axis=1, keepdims=True)
        cy = jnp.sum(jnp.where(sel, ys, 0.0), axis=1, keepdims=True)
        cz = jnp.sum(jnp.where(sel, zs, 0.0), axis=1, keepdims=True)
        ax = jnp.where(iota_n == t, cx, ax)
        ay = jnp.where(iota_n == t, cy, ay)
        az = jnp.where(iota_n == t, cz, az)
        dx = xs - cx
        dy = ys - cy
        dz = zs - cz
        d = dx * dx + dy * dy + dz * dz
        dists = jnp.minimum(dists, d)
        m = jnp.max(dists, axis=1, keepdims=True)
        far = jnp.min(jnp.where(dists == m, iota_n, S), axis=1, keepdims=True)
        return dists, far, ax, ay, az

    dists0 = jnp.full((B, S), 1e10, F32)
    far0 = jnp.zeros((B, 1), I32)
    a0 = jnp.zeros((B, S), F32)
    _, _, c2x, c2y, c2z = jax.lax.fori_loop(0, S, body,
                                            (dists0, far0, a0, a0, a0))

    ddx = c2x.reshape(B, 1, S) - cxs_ref[...]
    ddy = c2y.reshape(B, 1, S) - cys_ref[...]
    ddz = c2z.reshape(B, 1, S) - czs_ref[...]
    d2 = ddx * ddx + ddy * ddy + ddz * ddz
    mask2 = d2 <= R2_2
    iota_3 = jax.lax.broadcasted_iota(I32, (B, S, S), 1)
    cnt2 = jnp.sum(jnp.where(mask2, 1.0, 0.0), axis=1, keepdims=True)
    dmin2 = jnp.min(d2, axis=1, keepdims=True)
    near2 = jnp.min(jnp.where(d2 == dmin2, iota_3, S), axis=1, keepdims=True)
    mask2f = jnp.where(mask2, 1.0, 0.0).astype(F32)
    near2f = jnp.where(iota_3 == near2, 1.0, 0.0).astype(F32)
    vf2 = jnp.where(cnt2 > 0, mask2f, near2f)

    x2 = f1_ref[...].reshape(B * S, 128)
    h = jnp.dot(x2, w21, precision=HI) + b21
    h = jax.nn.relu(g21 * h + e21)
    h = jnp.dot(h, w22, precision=HI) + b22
    h = jax.nn.relu(g22 * h + e22)
    h = jnp.dot(h, w23, precision=HI) + b23
    f2 = jax.nn.relu(g23 * h + e23)
    f2v = f2.reshape(B, S, 256)

    cols = []
    for s in range(S):
        m = vf2[:, :, s:s + 1]
        cols.append(jnp.max(jnp.where(m > 0, f2v, 0.0), axis=1, keepdims=True))
    out2 = jnp.concatenate(cols, axis=1)

    x3 = out2.reshape(B * S, 256)
    h = jnp.dot(x3, w31, precision=HI) + b31
    h = jax.nn.relu(g31 * h + e31)
    h = jnp.dot(h, w32, precision=HI) + b32
    h = jax.nn.relu(g32 * h + e32)
    h = jnp.dot(h, w33, precision=HI) + b33
    f3 = jax.nn.relu(g33 * h + e33)
    pooled = jnp.max(f3.reshape(B, S, 512), axis=1)

    y = jnp.dot(pooled, wf1, precision=HI) + bf1
    y = jax.nn.relu(gf1 * y + ef1)
    y = jnp.dot(y, wf2, precision=HI) + bf2
    y = jax.nn.relu(gf2 * y + ef2)
    o_ref[...] = y


def kernel(pc, params):
    pc = pc.astype(F32)
    xs = pc[:, :, 0]
    ys = pc[:, :, 1]
    zs = pc[:, :, 2]

    cx, cy, cz = pl.pallas_call(
        _fps_kernel,
        out_shape=[jax.ShapeDtypeStruct((B, S), F32)] * 3,
    )(xs, ys, zs)

    cxs = cx[:, :, None]
    cys = cy[:, :, None]
    czs = cz[:, :, None]
    xt = jnp.concatenate(
        [jnp.transpose(pc, (0, 2, 1)), jnp.zeros((B, 2, N), F32)], axis=1)

    vmask, ccnt, near = pl.pallas_call(
        _mask_kernel,
        grid=(B,),
        in_specs=[
            pl.BlockSpec((1, 8, N), lambda b: (b, 0, 0)),
            pl.BlockSpec((1, S, 1), lambda b: (b, 0, 0)),
            pl.BlockSpec((1, S, 1), lambda b: (b, 0, 0)),
            pl.BlockSpec((1, S, 1), lambda b: (b, 0, 0)),
        ],
        out_specs=[
            pl.BlockSpec((1, S, N), lambda b: (b, 0, 0)),
            pl.BlockSpec((1, S, NCHUNK), lambda b: (b, 0, 0)),
            pl.BlockSpec((1, S, 1), lambda b: (b, 0, 0)),
        ],
        out_shape=[
            jax.ShapeDtypeStruct((B, S, N), F32),
            jax.ShapeDtypeStruct((B, S, NCHUNK), I32),
            jax.ShapeDtypeStruct((B, S, 1), I32),
        ],
    )(xt, cxs, cys, czs)

    table = jnp.concatenate([pc, jnp.zeros((B, N, 2), F32)],
                            axis=2).reshape(B * N * 8)

    mesh = plsc.VectorSubcoreMesh(core_axis_name="c", subcore_axis_name="s")
    grouped = pl.kernel(
        _sc_gather_body,
        mesh=mesh,
        out_type=jax.ShapeDtypeStruct((B * 8 * S * NS1,), F32),
        scratch_types=[
            pltpu.VMEM((N,), F32),
            pltpu.VMEM((S * NCHUNK + 16,), I32),
            pltpu.VMEM((S + 16,), I32),
            pltpu.VMEM((256,), I32),
            pltpu.VMEM((8 * S * NS1,), I32),
            pltpu.VMEM((8 * S * NS1,), F32),
            pltpu.SemaphoreType.DMA,
        ],
    )(vmask.reshape(B * S * N), ccnt.reshape(B * S * NCHUNK),
      near.reshape(B * S), table)

    sa1 = params["sa1"]
    w_in = []
    for (w, b, g, e) in sa1:
        wt = jnp.transpose(w)
        if wt.shape[1] == 6:
            wt = jnp.concatenate([wt, jnp.zeros((wt.shape[0], 2), F32)],
                                 axis=1)
        w_in += [wt, b[:, None], g[:, None], e[:, None]]

    f1t = pl.pallas_call(
        _mlp1_kernel,
        grid=(B,),
        in_specs=[
            pl.BlockSpec((1, 8, S * NS1), lambda b: (b, 0, 0)),
        ] + [pl.BlockSpec(w.shape, lambda b: (0, 0)) for w in w_in],
        out_specs=pl.BlockSpec((1, 128, S), lambda b: (b, 0, 0)),
        out_shape=jax.ShapeDtypeStruct((B, 128, S), F32),
    )(grouped.reshape(B, 8, S * NS1), *w_in)
    f1 = jnp.transpose(f1t, (0, 2, 1))

    p_in = []
    for name in ("sa2", "sa3", "fc"):
        for (w, b, g, e) in params[name]:
            p_in += [w, b[None, :], g[None, :], e[None, :]]

    out = pl.pallas_call(
        _tail_kernel,
        out_shape=jax.ShapeDtypeStruct((B, 512), F32),
    )(cx, cy, cz, cxs, cys, czs, f1, *p_in)
    return out

# --- scband reference (transcript-rebuilt; emitter-appended) ---
"""Pipeline reference for scband-point-net2-encoder-35450660062077 (READ-ONLY COPY).

The authoritative reference and input builder live on the scoring server;
editing this copy changes nothing except your own understanding.
"""

import jax, jax.numpy as jnp
import numpy as np


def _init_mlp(key, dims):
    layers = []
    for i in range(len(dims) - 1):
        key, k = jax.random.split(key)
        W = jax.random.normal(k, (dims[i], dims[i + 1]), jnp.float32) * 0.05
        b = jnp.zeros((dims[i + 1],), jnp.float32)
        g = jnp.ones((dims[i + 1],), jnp.float32)
        be = jnp.zeros((dims[i + 1],), jnp.float32)
        layers.append((W, b, g, be))
    return key, layers


def setup_inputs(seed: int = 0) -> dict:
    key = jax.random.key(seed)
    key, kpc = jax.random.split(key)
    pc = jax.random.uniform(kpc, (32, 8192, 6), jnp.float32)
    key, sa1 = _init_mlp(key, [6, 64, 64, 128])
    key, sa2 = _init_mlp(key, [128, 128, 128, 256])
    key, sa3 = _init_mlp(key, [256, 256, 256, 512])
    key, fc = _init_mlp(key, [512, 1024, 512])
    return {"pc": pc, "params": {"sa1": sa1, "sa2": sa2, "sa3": sa3, "fc": fc}}


def _fps(xyz, npoint):
    # farthest point sampling; xyz: (B, N, 3)
    B, N, _ = xyz.shape
    dists = jnp.full((B, N), 1e10, jnp.float32)
    farthest = jnp.zeros((B,), jnp.int32)
    idxs = []
    for _ in range(npoint):
        idxs.append(farthest)
        centroid = jnp.take_along_axis(xyz, farthest[:, None, None], axis=1)  # (B,1,3)
        d = jnp.sum((xyz - centroid) ** 2, axis=-1)  # (B,N)
        dists = jnp.minimum(dists, d)
        farthest = jnp.argmax(dists, axis=-1).astype(jnp.int32)
    return jnp.stack(idxs, axis=1)  # (B, npoint)


def _ball_query(radius, nsample, xyz, new_xyz):
    # xyz: (B,N,3), new_xyz: (B,S,3) -> idx (B,S,min(nsample,N))
    B, N, _ = xyz.shape
    S = new_xyz.shape[1]
    sqrdists = jnp.sum((new_xyz[:, :, None, :] - xyz[:, None, :, :]) ** 2, axis=-1)  # (B,S,N)
    group_idx = jnp.broadcast_to(jnp.arange(N, dtype=jnp.int32), (B, S, N))
    group_idx = jnp.where(sqrdists > radius ** 2, N, group_idx)
    group_idx = jnp.sort(group_idx, axis=-1)[:, :, :nsample]
    first = group_idx[:, :, :1]
    group_idx = jnp.where(group_idx == N, jnp.broadcast_to(first, group_idx.shape), group_idx)
    # fallback: if no point within radius at all, use nearest point
    nearest = jnp.argmin(sqrdists, axis=-1).astype(jnp.int32)[:, :, None]
    group_idx = jnp.where(group_idx == N, jnp.broadcast_to(nearest, group_idx.shape), group_idx)
    return group_idx


def _apply_mlp(x, layers):
    # x: (B, C, S, n); conv1x1 + BN(identity running stats, affine) + ReLU
    for (W, b, g, be) in layers:
        x = jnp.einsum('bcsn,cd->bdsn', x, W) + b[None, :, None, None]
        x = g[None, :, None, None] * x + be[None, :, None, None]
        x = jax.nn.relu(x)
    return x


def _sa_module(xyz, features, npoint, radius, nsample, layers):
    fps_idx = _fps(xyz, npoint)  # (B,S)
    new_xyz = jnp.take_along_axis(xyz, fps_idx[:, :, None], axis=1)  # (B,S,3)
    idx = _ball_query(radius, nsample, xyz, new_xyz)  # (B,S,ns)
    grouped = jax.vmap(lambda f, i: f[:, i])(features, idx)  # (B,C,S,ns)
    new_feat = _apply_mlp(grouped, layers)
    new_feat = jnp.max(new_feat, axis=-1)  # (B,C',S)
    return new_xyz, new_feat


def _sa_global(features, layers):
    x = features[:, :, None, :]  # (B,C,1,N)
    x = _apply_mlp(x, layers)
    return jnp.max(x, axis=-1)  # (B,512,1)


def _fc(x, layers):
    for (W, b, g, be) in layers:
        x = x @ W + b
        x = g * x + be
        x = jax.nn.relu(x)
    return x


def reference(pc, params):
    xyz = pc[:, :, :3]
    features = jnp.transpose(pc, (0, 2, 1))  # (B, 3+C, N)
    xyz, features = _sa_module(xyz, features, 32, 0.02, 64, params["sa1"])
    xyz, features = _sa_module(xyz, features, 32, 0.04, 128, params["sa2"])
    features = _sa_global(features, params["sa3"])  # (B,512,1)
    return _fc(features[:, :, 0], params["fc"])  # (B,512)

if __name__ == "__main__":
    import jax
    _d = setup_inputs()
    print(jax.jit(kernel)(*tuple(_d.values())))

</pallas_src>

<mosaic_0001>
#map = affine_map<(d0, d1) -> (0)>
module attributes {stable_mosaic.version = 14 : i64} {
  func.func @_sc_gather_body(%arg0: i32, %arg1: i32, %arg2: memref<8388608xf32, #tpu.memory_space<hbm>>, %arg3: memref<65536xi32, #tpu.memory_space<hbm>>, %arg4: memref<1024xi32, #tpu.memory_space<hbm>>, %arg5: memref<2097152xf32, #tpu.memory_space<hbm>>, %arg6: memref<524288xf32, #tpu.memory_space<hbm>>, %arg7: memref<8192xf32, #tpu.memory_space<vmem>>, %arg8: memref<2064xi32, #tpu.memory_space<vmem>>, %arg9: memref<48xi32, #tpu.memory_space<vmem>>, %arg10: memref<256xi32, #tpu.memory_space<vmem>>, %arg11: memref<16384xi32, #tpu.memory_space<vmem>>, %arg12: memref<16384xf32, #tpu.memory_space<vmem>>, %arg13: memref<!tpu.dma_semaphore, #tpu.memory_space<semaphore_mem>>) attributes {dimension_semantics = [#tpu.dimension_semantics<core_parallel>, #tpu.dimension_semantics<subcore_parallel>], iteration_bounds = array<i64: 2, 16>, scalar_prefetch = 0 : i64, scratch_operands = 7 : i64, tpu.core_type = #tpu.core_type<sc_vector_subcore>, window_params = [{transform_indices = #map}, {transform_indices = #map}, {transform_indices = #map}, {transform_indices = #map}, {transform_indices = #map}]} {
    %mul3A = arith.constant 2 : i32
    %mul3A_0 = arith.muli %arg1, %mul3A : i32
    %add3A = arith.addi %mul3A_0, %arg0 : i32
    %iota3A = tpu.iota {dimensions = array<i32: 0>} : vector<16xi32>
    %mul3A_1 = arith.constant 32 : i32
    %mul3A_2 = arith.muli %add3A, %mul3A_1 : i32
    %mul3A_3 = arith.constant 64 : i32
    %mul3A_4 = arith.muli %mul3A_2, %mul3A_3 : i32
    "tpu.region"() ({
      %run_scoped3A = tpu.sem_alloc : memref<!tpu.dma_semaphore, #tpu.memory_space<semaphore_mem>>
      %dma_start3A_113 = arith.constant 0 : i32
      %dma_start3A_114 = tpu.memref_slice %arg8[%dma_start3A_113] : memref<2064xi32, #tpu.memory_space<vmem>> -> memref<2048xi32, #tpu.memory_space<vmem>>
      %dma_start3A_115 = tpu.memref_slice %arg3[%mul3A_4] : memref<65536xi32, #tpu.memory_space<hbm>> -> memref<2048xi32, #tpu.memory_space<hbm>>
      %dma_start3A_116 = arith.constant 0 : i32
      %dma_start3A_117 = tpu.memref_slice %arg8[%dma_start3A_116] : memref<2064xi32, #tpu.memory_space<vmem>> -> memref<2048xi32, #tpu.memory_space<vmem>>
      %dma_start3A_118 = tpu.memref_slice %arg3[%mul3A_4] : memref<65536xi32, #tpu.memory_space<hbm>> -> memref<2048xi32, #tpu.memory_space<hbm>>
      tpu.enqueue_dma source(%dma_start3A_118 : memref<2048xi32, #tpu.memory_space<hbm>>) target(%dma_start3A_117 : memref<2048xi32, #tpu.memory_space<vmem>>) target_semaphore(%run_scoped3A : memref<!tpu.dma_semaphore, #tpu.memory_space<semaphore_mem>>)
      %dma_wait3A_119 = arith.constant 0 : i32
      %dma_wait3A_120 = tpu.memref_slice %arg8[%dma_wait3A_119] : memref<2064xi32, #tpu.memory_space<vmem>> -> memref<2048xi32, #tpu.memory_space<vmem>>
      %dma_wait3A_121 = tpu.memref_slice %arg3[%mul3A_4] : memref<65536xi32, #tpu.memory_space<hbm>> -> memref<2048xi32, #tpu.memory_space<hbm>>
      %dma_wait3A_122 = arith.constant 0 : i32
      %dma_wait3A_123 = tpu.memref_slice %arg8[%dma_wait3A_122] : memref<2064xi32, #tpu.memory_space<vmem>> -> memref<2048xi32, #tpu.memory_space<vmem>>
      %dma_wait3A_124 = tpu.memref_slice %arg3[%mul3A_4] : memref<65536xi32, #tpu.memory_space<hbm>> -> memref<2048xi32, #tpu.memory_space<hbm>>
      tpu.wait_dma2 semaphore(%run_scoped3A : memref<!tpu.dma_semaphore, #tpu.memory_space<semaphore_mem>>) src(%dma_wait3A_124 : memref<2048xi32, #tpu.memory_space<hbm>>) dst(%dma_wait3A_123 : memref<2048xi32, #tpu.memory_space<vmem>>)
      tpu.yield
    }) : () -> ()
    %mul3A_5 = arith.constant 32 : i32
    %mul3A_6 = arith.muli %add3A, %mul3A_5 : i32
    "tpu.region"() ({
      %run_scoped3A = tpu.sem_alloc : memref<!tpu.dma_semaphore, #tpu.memory_space<semaphore_mem>>
      %dma_start3A_113 = arith.constant 0 : i32
      %dma_start3A_114 = tpu.memref_slice %arg9[%dma_start3A_113] : memref<48xi32, #tpu.memory_space<vmem>> -> memref<32xi32, #tpu.memory_space<vmem>>
      %dma_start3A_115 = tpu.memref_slice %arg4[%mul3A_6] : memref<1024xi32, #tpu.memory_space<hbm>> -> memref<32xi32, #tpu.memory_space<hbm>>
      %dma_start3A_116 = arith.constant 0 : i32
      %dma_start3A_117 = tpu.memref_slice %arg9[%dma_start3A_116] : memref<48xi32, #tpu.memory_space<vmem>> -> memref<32xi32, #tpu.memory_space<vmem>>
      %dma_start3A_118 = tpu.memref_slice %arg4[%mul3A_6] : memref<1024xi32, #tpu.memory_space<hbm>> -> memref<32xi32, #tpu.memory_space<hbm>>
      tpu.enqueue_dma source(%dma_start3A_118 : memref<32xi32, #tpu.memory_space<hbm>>) target(%dma_start3A_117 : memref<32xi32, #tpu.memory_space<vmem>>) target_semaphore(%run_scoped3A : memref<!tpu.dma_semaphore, #tpu.memory_space<semaphore_mem>>)
      %dma_wait3A_119 = arith.constant 0 : i32
      %dma_wait3A_120 = tpu.memref_slice %arg9[%dma_wait3A_119] : memref<48xi32, #tpu.memory_space<vmem>> -> memref<32xi32, #tpu.memory_space<vmem>>
      %dma_wait3A_121 = tpu.memref_slice %arg4[%mul3A_6] : memref<1024xi32, #tpu.memory_space<hbm>> -> memref<32xi32, #tpu.memory_space<hbm>>
      %dma_wait3A_122 = arith.constant 0 : i32
      %dma_wait3A_123 = tpu.memref_slice %arg9[%dma_wait3A_122] : memref<48xi32, #tpu.memory_space<vmem>> -> memref<32xi32, #tpu.memory_space<vmem>>
      %dma_wait3A_124 = tpu.memref_slice %arg4[%mul3A_6] : memref<1024xi32, #tpu.memory_space<hbm>> -> memref<32xi32, #tpu.memory_space<hbm>>
      tpu.wait_dma2 semaphore(%run_scoped3A : memref<!tpu.dma_semaphore, #tpu.memory_space<semaphore_mem>>) src(%dma_wait3A_124 : memref<32xi32, #tpu.memory_space<hbm>>) dst(%dma_wait3A_123 : memref<32xi32, #tpu.memory_space<vmem>>)
      tpu.yield
    }) : () -> ()
    %scan3A = arith.constant 0 : i32
    %scan3A_7 = arith.constant 0 : i32
    %scan3A_8 = arith.constant 32 : i32
    %scan3A_9 = arith.addi %scan3A_7, %scan3A_8 : i32
    %scan3A_10 = arith.constant 1 : i32
    %scan3A_11 = scf.for %scan3A_113 = %scan3A_7 to %scan3A_9 step %scan3A_10 iter_args(%scan3A_114 = %scan3A) -> (i32)  : i32 {
      %mul3A_115 = arith.constant 32 : i32
      %mul3A_116 = arith.muli %add3A, %mul3A_115 : i32
      %add3A_117 = arith.addi %mul3A_116, %scan3A_113 : i32
      %mul3A_118 = arith.constant 8192 : i32
      %mul3A_119 = arith.muli %add3A_117, %mul3A_118 : i32
      "tpu.region"() ({
        %run_scoped3A = tpu.sem_alloc : memref<!tpu.dma_semaphore, #tpu.memory_space<semaphore_mem>>
        %dma_start3A_613 = tpu.memref_slice %arg2[%mul3A_119] : memref<8388608xf32, #tpu.memory_space<hbm>> -> memref<8192xf32, #tpu.memory_space<hbm>>
        %dma_start3A_614 = tpu.memref_slice %arg2[%mul3A_119] : memref<8388608xf32, #tpu.memory_space<hbm>> -> memref<8192xf32, #tpu.memory_space<hbm>>
        tpu.enqueue_dma source(%dma_start3A_614 : memref<8192xf32, #tpu.memory_space<hbm>>) target(%arg7 : memref<8192xf32, #tpu.memory_space<vmem>>) target_semaphore(%run_scoped3A : memref<!tpu.dma_semaphore, #tpu.memory_space<semaphore_mem>>)
        %dma_wait3A_615 = tpu.memref_slice %arg2[%mul3A_119] : memref<8388608xf32, #tpu.memory_space<hbm>> -> memref<8192xf32, #tpu.memory_space<hbm>>
        %dma_wait3A_616 = tpu.memref_slice %arg2[%mul3A_119] : memref<8388608xf32, #tpu.memory_space<hbm>> -> memref<8192xf32, #tpu.memory_space<hbm>>
        tpu.wait_dma2 semaphore(%run_scoped3A : memref<!tpu.dma_semaphore, #tpu.memory_space<semaphore_mem>>) src(%dma_wait3A_616 : memref<8192xf32, #tpu.memory_space<hbm>>) dst(%arg7 : memref<8192xf32, #tpu.memory_space<vmem>>)
        tpu.yield
      }) : () -> ()
      %scan3A_120 = arith.constant 0 : i32
      %scan3A_121 = arith.constant 0 : i32
      %scan3A_122 = arith.constant 64 : i32
      %scan3A_123 = arith.addi %scan3A_121, %scan3A_122 : i32
      %scan3A_124 = arith.constant 1 : i32
      %scan3A_125 = scf.for %scan3A_613 = %scan3A_121 to %scan3A_123 step %scan3A_124 iter_args(%scan3A_614 = %scan3A_120) -> (i32)  : i32 {
        %mul3A_615 = arith.constant 64 : i32
        %mul3A_616 = arith.muli %scan3A_113, %mul3A_615 : i32
        %add3A_617 = arith.addi %mul3A_616, %scan3A_613 : i32
        %get3A_618 = arith.index_cast %add3A_617 : i32 to index
        %get3A_619 = tpu.vector_load %arg8[%get3A_618] {strides = array<i32>} : memref<2064xi32, #tpu.memory_space<vmem>>, vector<16xi32>,
        %get3A_620 = vector.shape_cast %get3A_619 : vector<16xi32> to vector<16xi32>
        %slice3A_621 = vector.extract_strided_slice %get3A_620 {offsets = [0], sizes = [1], strides = [1]} : vector<16xi32> to vector<1xi32>
        %squeeze3A_622 = vector.extract %slice3A_621[0] : i32 from vector<1xi32>
        %gt3A_623 = arith.constant 0 : i32
        %gt3A_624 = arith.cmpi sgt, %squeeze3A_622, %gt3A_623 : i32
        %lt3A_625 = arith.constant 64 : i32
        %lt3A_626 = arith.cmpi slt, %scan3A_614, %lt3A_625 : i32
        %and3A = arith.andi %gt3A_624, %lt3A_626 : i1
        %convert_element_type3A = arith.extui %and3A : i1 to i32
        %cond3A = arith.constant 0 : i32
        %cond3A_627 = arith.cmpi ne, %convert_element_type3A, %cond3A : i32
        scf.if %cond3A_627 {
          %mul3A_630 = arith.constant 128 : i32
          %mul3A_631 = arith.muli %scan3A_613, %mul3A_630 : i32
          %add3A_632 = arith.constant 0 : i32
          %add3A_633 = arith.addi %mul3A_631, %add3A_632 : i32
          %get3A_634 = arith.index_cast %add3A_633 : i32 to index
          %get3A_635 = tpu.vector_load %arg7[%get3A_634] {strides = array<i32>} : memref<8192xf32, #tpu.memory_space<vmem>>, vector<16xf32>,
          %get3A_636 = vector.shape_cast %get3A_635 : vector<16xf32> to vector<16xf32>
          %slice3A_637 = vector.extract_strided_slice %get3A_636 {offsets = [0], sizes = [1], strides = [1]} : vector<16xf32> to vector<1xf32>
          %squeeze3A_638 = vector.extract %slice3A_637[0] : f32 from vector<1xf32>
          %gt3A_639 = arith.constant 5.000000e-01 : f32
          %gt3A_640 = arith.cmpf ogt, %squeeze3A_638, %gt3A_639 : f32
          %convert_element_type3A_641 = arith.extui %gt3A_640 : i1 to i32
          %cond3A_642 = arith.constant 0 : i32
          %cond3A_643 = arith.cmpi ne, %convert_element_type3A_641, %cond3A_642 : i32
          scf.if %cond3A_643 {
            %mul3A_2094 = arith.constant 128 : i32
            %mul3A_2095 = arith.muli %scan3A_613, %mul3A_2094 : i32
            %add3A_2096 = arith.constant 0 : i32
            %add3A_2097 = arith.addi %mul3A_2095, %add3A_2096 : i32
            %broadcast_in_dim3A_2098 = arith.constant 0 : i32
            %broadcast_in_dim3A_2099 = vector.broadcast %broadcast_in_dim3A_2098 : i32 to vector<16xi32>
            %add3A_2100 = vector.broadcast %add3A_2097 : i32 to vector<16xi32>
            %add3A_2101 = arith.addi %broadcast_in_dim3A_2099, %add3A_2100 : vector<16xi32>
            %swap3A_2102 = arith.index_cast %scan3A_614 : i32 to index
            %swap3A_2103 = tpu.vector_load %arg10[%swap3A_2102] {strides = array<i32>} : memref<256xi32, #tpu.memory_space<vmem>>, vector<16xi32>,
            %swap3A_2104 = vector.shape_cast %swap3A_2103 : vector<16xi32> to vector<16xi32>
            %swap3A_2105 = vector.shape_cast %add3A_2101 : vector<16xi32> to vector<16xi32>
            tpu.vector_store %arg10[%swap3A_2102], %swap3A_2105 {strides = array<i32>} : memref<256xi32, #tpu.memory_space<vmem>>, vector<16xi32>,
          } else {
          }
          %jit3A_644 = arith.constant 1 : i32
          %jit3A_645 = arith.constant 0 : i32
          %select_n3A_646 = arith.select %gt3A_640, %jit3A_644, %jit3A_645 : i32
          %add3A_647 = arith.addi %scan3A_614, %select_n3A_646 : i32
          %slice3A_648 = vector.extract_strided_slice %get3A_636 {offsets = [1], sizes = [1], strides = [1]} : vector<16xf32> to vector<1xf32>
          %squeeze3A_649 = vector.extract %slice3A_648[0] : f32 from vector<1xf32>
          %gt3A_650 = arith.constant 5.000000e-01 : f32
          %gt3A_651 = arith.cmpf ogt, %squeeze3A_649, %gt3A_650 : f32
          %convert_element_type3A_652 = arith.extui %gt3A_651 : i1 to i32
          %cond3A_653 = arith.constant 0 : i32
          %cond3A_654 = arith.cmpi ne, %convert_element_type3A_652, %cond3A_653 : i32
          scf.if %cond3A_654 {
            %mul3A_2094 = arith.constant 128 : i32
            %mul3A_2095 = arith.muli %scan3A_613, %mul3A_2094 : i32
            %add3A_2096 = arith.constant 1 : i32
            %add3A_2097 = arith.addi %mul3A_2095, %add3A_2096 : i32
            %broadcast_in_dim3A_2098 = arith.constant 0 : i32
            %broadcast_in_dim3A_2099 = vector.broadcast %broadcast_in_dim3A_2098 : i32 to vector<16xi32>
            %add3A_2100 = vector.broadcast %add3A_2097 : i32 to vector<16xi32>
            %add3A_2101 = arith.addi %broadcast_in_dim3A_2099, %add3A_2100 : vector<16xi32>
            %swap3A_2102 = arith.index_cast %add3A_647 : i32 to index
            %swap3A_2103 = tpu.vector_load %arg10[%swap3A_2102] {strides = array<i32>} : memref<256xi32, #tpu.memory_space<vmem>>, vector<16xi32>,
            %swap3A_2104 = vector.shape_cast %swap3A_2103 : vector<16xi32> to vector<16xi32>
            %swap3A_2105 = vector.shape_cast %add3A_2101 : vector<16xi32> to vector<16xi32>
            tpu.vector_store %arg10[%swap3A_2102], %swap3A_2105 {strides = array<i32>} : memref<256xi32, #tpu.memory_space<vmem>>, vector<16xi32>,
          } else {
          }
          %jit3A_655 = arith.constant 1 : i32
          %jit3A_656 = arith.constant 0 : i32
          %select_n3A_657 = arith.select %gt3A_651, %jit3A_655, %jit3A_656 : i32
          %add3A_658 = arith.addi %add3A_647, %select_n3A_657 : i32
          %slice3A_659 = vector.extract_strided_slice %get3A_636 {offsets = [2], sizes = [1], strides = [1]} : vector<16xf32> to vector<1xf32>
          %squeeze3A_660 = vector.extract %slice3A_659[0] : f32 from vector<1xf32>
          %gt3A_661 = arith.constant 5.000000e-01 : f32
          %gt3A_662 = arith.cmpf ogt, %squeeze3A_660, %gt3A_661 : f32
          %convert_element_type3A_663 = arith.extui %gt3A_662 : i1 to i32
          %cond3A_664 = arith.constant 0 : i32
          %cond3A_665 = arith.cmpi ne, %convert_element_type3A_663, %cond3A_664 : i32
          scf.if %cond3A_665 {
            %mul3A_2094 = arith.constant 128 : i32
            %mul3A_2095 = arith.muli %scan3A_613, %mul3A_2094 : i32
            %add3A_2096 = arith.constant 2 : i32
            %add3A_2097 = arith.addi %mul3A_2095, %add3A_2096 : i32
            %broadcast_in_dim3A_2098 = arith.constant 0 : i32
            %broadcast_in_dim3A_2099 = vector.broadcast %broadcast_in_dim3A_2098 : i32 to vector<16xi32>
            %add3A_2100 = vector.broadcast %add3A_2097 : i32 to vector<16xi32>
            %add3A_2101 = arith.addi %broadcast_in_dim3A_2099, %add3A_2100 : vector<16xi32>
            %swap3A_2102 = arith.index_cast %add3A_658 : i32 to index
            %swap3A_2103 = tpu.vector_load %arg10[%swap3A_2102] {strides = array<i32>} : memref<256xi32, #tpu.memory_space<vmem>>, vector<16xi32>,
            %swap3A_2104 = vector.shape_cast %swap3A_2103 : vector<16xi32> to vector<16xi32>
            %swap3A_2105 = vector.shape_cast %add3A_2101 : vector<16xi32> to vector<16xi32>
            tpu.vector_store %arg10[%swap3A_2102], %swap3A_2105 {strides = array<i32>} : memref<256xi32, #tpu.memory_space<vmem>>, vector<16xi32>,
          } else {
          }
          %jit3A_666 = arith.constant 1 : i32
          %jit3A_667 = arith.constant 0 : i32
          %select_n3A_668 = arith.select %gt3A_662, %jit3A_666, %jit3A_667 : i32
          %add3A_669 = arith.addi %add3A_658, %select_n3A_668 : i32
          %slice3A_670 = vector.extract_strided_slice %get3A_636 {offsets = [3], sizes = [1], strides = [1]} : vector<16xf32> to vector<1xf32>
          %squeeze3A_671 = vector.extract %slice3A_670[0] : f32 from vector<1xf32>
          %gt3A_672 = arith.constant 5.000000e-01 : f32
          %gt3A_673 = arith.cmpf ogt, %squeeze3A_671, %gt3A_672 : f32
          %convert_element_type3A_674 = arith.extui %gt3A_673 : i1 to i32
          %cond3A_675 = arith.constant 0 : i32
          %cond3A_676 = arith.cmpi ne, %convert_element_type3A_674, %cond3A_675 : i32
          scf.if %cond3A_676 {
            %mul3A_2094 = arith.constant 128 : i32
            %mul3A_2095 = arith.muli %scan3A_613, %mul3A_2094 : i32
            %add3A_2096 = arith.constant 3 : i32
            %add3A_2097 = arith.addi %mul3A_2095, %add3A_2096 : i32
            %broadcast_in_dim3A_2098 = arith.constant 0 : i32
            %broadcast_in_dim3A_2099 = vector.broadcast %broadcast_in_dim3A_2098 : i32 to vector<16xi32>
            %add3A_2100 = vector.broadcast %add3A_2097 : i32 to vector<16xi32>
            %add3A_2101 = arith.addi %broadcast_in_dim3A_2099, %add3A_2100 : vector<16xi32>
            %swap3A_2102 = arith.index_cast %add3A_669 : i32 to index
            %swap3A_2103 = tpu.vector_load %arg10[%swap3A_2102] {strides = array<i32>} : memref<256xi32, #tpu.memory_space<vmem>>, vector<16xi32>,
            %swap3A_2104 = vector.shape_cast %swap3A_2103 : vector<16xi32> to vector<16xi32>
            %swap3A_2105 = vector.shape_cast %add3A_2101 : vector<16xi32> to vector<16xi32>
            tpu.vector_store %arg10[%swap3A_2102], %swap3A_2105 {strides = array<i32>} : memref<256xi32, #tpu.memory_space<vmem>>, vector<16xi32>,
          } else {
          }
          %jit3A_677 = arith.constant 1 : i32
          %jit3A_678 = arith.constant 0 : i32
          %select_n3A_679 = arith.select %gt3A_673, %jit3A_677, %jit3A_678 : i32
          %add3A_680 = arith.addi %add3A_669, %select_n3A_679 : i32
          %slice3A_681 = vector.extract_strided_slice %get3A_636 {offsets = [4], sizes = [1], strides = [1]} : vector<16xf32> to vector<1xf32>
          %squeeze3A_682 = vector.extract %slice3A_681[0] : f32 from vector<1xf32>
          %gt3A_683 = arith.constant 5.000000e-01 : f32
          %gt3A_684 = arith.cmpf ogt, %squeeze3A_682, %gt3A_683 : f32
          %convert_element_type3A_685 = arith.extui %gt3A_684 : i1 to i32
          %cond3A_686 = arith.constant 0 : i32
          %cond3A_687 = arith.cmpi ne, %convert_element_type3A_685, %cond3A_686 : i32
          scf.if %cond3A_687 {
            %mul3A_2094 = arith.constant 128 : i32
            %mul3A_2095 = arith.muli %scan3A_613, %mul3A_2094 : i32
            %add3A_2096 = arith.constant 4 : i32
            %add3A_2097 = arith.addi %mul3A_2095, %add3A_2096 : i32
            %broadcast_in_dim3A_2098 = arith.constant 0 : i32
            %broadcast_in_dim3A_2099 = vector.broadcast %broadcast_in_dim3A_2098 : i32 to vector<16xi32>
            %add3A_2100 = vector.broadcast %add3A_2097 : i32 to vector<16xi32>
            %add3A_2101 = arith.addi %broadcast_in_dim3A_2099, %add3A_2100 : vector<16xi32>
            %swap3A_2102 = arith.index_cast %add3A_680 : i32 to index
            %swap3A_2103 = tpu.vector_load %arg10[%swap3A_2102] {strides = array<i32>} : memref<256xi32, #tpu.memory_space<vmem>>, vector<16xi32>,
            %swap3A_2104 = vector.shape_cast %swap3A_2103 : vector<16xi32> to vector<16xi32>
            %swap3A_2105 = vector.shape_cast %add3A_2101 : vector<16xi32> to vector<16xi32>
            tpu.vector_store %arg10[%swap3A_2102], %swap3A_2105 {strides = array<i32>} : memref<256xi32, #tpu.memory_space<vmem>>, vector<16xi32>,
          } else {
          }
          %jit3A_688 = arith.constant 1 : i32
          %jit3A_689 = arith.constant 0 : i32
          %select_n3A_690 = arith.select %gt3A_684, %jit3A_688, %jit3A_689 : i32
          %add3A_691 = arith.addi %add3A_680, %select_n3A_690 : i32
          %slice3A_692 = vector.extract_strided_slice %get3A_636 {offsets = [5], sizes = [1], strides = [1]} : vector<16xf32> to vector<1xf32>
          %squeeze3A_693 = vector.extract %slice3A_692[0] : f32 from vector<1xf32>
          %gt3A_694 = arith.constant 5.000000e-01 : f32
          %gt3A_695 = arith.cmpf ogt, %squeeze3A_693, %gt3A_694 : f32
          %convert_element_type3A_696 = arith.extui %gt3A_695 : i1 to i32
          %cond3A_697 = arith.constant 0 : i32
          %cond3A_698 = arith.cmpi ne, %convert_element_type3A_696, %cond3A_697 : i32
          scf.if %cond3A_698 {
            %mul3A_2094 = arith.constant 128 : i32
            %mul3A_2095 = arith.muli %scan3A_613, %mul3A_2094 : i32
            %add3A_2096 = arith.constant 5 : i32
            %add3A_2097 = arith.addi %mul3A_2095, %add3A_2096 : i32
            %broadcast_in_dim3A_2098 = arith.constant 0 : i32
            %broadcast_in_dim3A_2099 = vector.broadcast %broadcast_in_dim3A_2098 : i32 to vector<16xi32>
            %add3A_2100 = vector.broadcast %add3A_2097 : i32 to vector<16xi32>
            %add3A_2101 = arith.addi %broadcast_in_dim3A_2099, %add3A_2100 : vector<16xi32>
            %swap3A_2102 = arith.index_cast %add3A_691 : i32 to index
            %swap3A_2103 = tpu.vector_load %arg10[%swap3A_2102] {strides = array<i32>} : memref<256xi32, #tpu.memory_space<vmem>>, vector<16xi32>,
            %swap3A_2104 = vector.shape_cast %swap3A_2103 : vector<16xi32> to vector<16xi32>
            %swap3A_2105 = vector.shape_cast %add3A_2101 : vector<16xi32> to vector<16xi32>
            tpu.vector_store %arg10[%swap3A_2102], %swap3A_2105 {strides = array<i32>} : memref<256xi32, #tpu.memory_space<vmem>>, vector<16xi32>,
          } else {
          }
          %jit3A_699 = arith.constant 1 : i32
          %jit3A_700 = arith.constant 0 : i32
          %select_n3A_701 = arith.select %gt3A_695, %jit3A_699, %jit3A_700 : i32
          %add3A_702 = arith.addi %add3A_691, %select_n3A_701 : i32
          %slice3A_703 = vector.extract_strided_slice %get3A_636 {offsets = [6], sizes = [1], strides = [1]} : vector<16xf32> to vector<1xf32>
          %squeeze3A_704 = vector.extract %slice3A_703[0] : f32 from vector<1xf32>
          %gt3A_705 = arith.constant 5.000000e-01 : f32
          %gt3A_706 = arith.cmpf ogt, %squeeze3A_704, %gt3A_705 : f32
          %convert_element_type3A_707 = arith.extui %gt3A_706 : i1 to i32
          %cond3A_708 = arith.constant 0 : i32
          %cond3A_709 = arith.cmpi ne, %convert_element_type3A_707, %cond3A_708 : i32
          scf.if %cond3A_709 {
            %mul3A_2094 = arith.constant 128 : i32
            %mul3A_2095 = arith.muli %scan3A_613, %mul3A_2094 : i32
            %add3A_2096 = arith.constant 6 : i32
            %add3A_2097 = arith.addi %mul3A_2095, %add3A_2096 : i32
            %broadcast_in_dim3A_2098 = arith.constant 0 : i32
            %broadcast_in_dim3A_2099 = vector.broadcast %broadcast_in_dim3A_2098 : i32 to vector<16xi32>
            %add3A_2100 = vector.broadcast %add3A_2097 : i32 to vector<16xi32>
            %add3A_2101 = arith.addi %broadcast_in_dim3A_2099, %add3A_2100 : vector<16xi32>
            %swap3A_2102 = arith.index_cast %add3A_702 : i32 to index
            %swap3A_2103 = tpu.vector_load %arg10[%swap3A_2102] {strides = array<i32>} : memref<256xi32, #tpu.memory_space<vmem>>, vector<16xi32>,
            %swap3A_2104 = vector.shape_cast %swap3A_2103 : vector<16xi32> to vector<16xi32>
            %swap3A_2105 = vector.shape_cast %add3A_2101 : vector<16xi32> to vector<16xi32>
            tpu.vector_store %arg10[%swap3A_2102], %swap3A_2105 {strides = array<i32>} : memref<256xi32, #tpu.memory_space<vmem>>, vector<16xi32>,
          } else {
          }
          %jit3A_710 = arith.constant 1 : i32
          %jit3A_711 = arith.constant 0 : i32
          %select_n3A_712 = arith.select %gt3A_706, %jit3A_710, %jit3A_711 : i32
          %add3A_713 = arith.addi %add3A_702, %select_n3A_712 : i32
          %slice3A_714 = vector.extract_strided_slice %get3A_636 {offsets = [7], sizes = [1], strides = [1]} : vector<16xf32> to vector<1xf32>
          %squeeze3A_715 = vector.extract %slice3A_714[0] : f32 from vector<1xf32>
          %gt3A_716 = arith.constant 5.000000e-01 : f32
          %gt3A_717 = arith.cmpf ogt, %squeeze3A_715, %gt3A_716 : f32
          %convert_element_type3A_718 = arith.extui %gt3A_717 : i1 to i32
          %cond3A_719 = arith.constant 0 : i32
          %cond3A_720 = arith.cmpi ne, %convert_element_type3A_718, %cond3A_719 : i32
          scf.if %cond3A_720 {
            %mul3A_2094 = arith.constant 128 : i32
            %mul3A_2095 = arith.muli %scan3A_613, %mul3A_2094 : i32
            %add3A_2096 = arith.constant 7 : i32
            %add3A_2097 = arith.addi %mul3A_2095, %add3A_2096 : i32
            %broadcast_in_dim3A_2098 = arith.constant 0 : i32
            %broadcast_in_dim3A_2099 = vector.broadcast %broadcast_in_dim3A_2098 : i32 to vector<16xi32>
            %add3A_2100 = vector.broadcast %add3A_2097 : i32 to vector<16xi32>
            %add3A_2101 = arith.addi %broadcast_in_dim3A_2099, %add3A_2100 : vector<16xi32>
            %swap3A_2102 = arith.index_cast %add3A_713 : i32 to index
            %swap3A_2103 = tpu.vector_load %arg10[%swap3A_2102] {strides = array<i32>} : memref<256xi32, #tpu.memory_space<vmem>>, vector<16xi32>,
            %swap3A_2104 = vector.shape_cast %swap3A_2103 : vector<16xi32> to vector<16xi32>
            %swap3A_2105 = vector.shape_cast %add3A_2101 : vector<16xi32> to vector<16xi32>
            tpu.vector_store %arg10[%swap3A_2102], %swap3A_2105 {strides = array<i32>} : memref<256xi32, #tpu.memory_space<vmem>>, vector<16xi32>,
          } else {
          }
          %jit3A_721 = arith.constant 1 : i32
          %jit3A_722 = arith.constant 0 : i32
          %select_n3A_723 = arith.select %gt3A_717, %jit3A_721, %jit3A_722 : i32
          %add3A_724 = arith.addi %add3A_713, %select_n3A_723 : i32
          %slice3A_725 = vector.extract_strided_slice %get3A_636 {offsets = [8], sizes = [1], strides = [1]} : vector<16xf32> to vector<1xf32>
          %squeeze3A_726 = vector.extract %slice3A_725[0] : f32 from vector<1xf32>
          %gt3A_727 = arith.constant 5.000000e-01 : f32
          %gt3A_728 = arith.cmpf ogt, %squeeze3A_726, %gt3A_727 : f32
          %convert_element_type3A_729 = arith.extui %gt3A_728 : i1 to i32
          %cond3A_730 = arith.constant 0 : i32
          %cond3A_731 = arith.cmpi ne, %convert_element_type3A_729, %cond3A_730 : i32
          scf.if %cond3A_731 {
            %mul3A_2094 = arith.constant 128 : i32
            %mul3A_2095 = arith.muli %scan3A_613, %mul3A_2094 : i32
            %add3A_2096 = arith.constant 8 : i32
            %add3A_2097 = arith.addi %mul3A_2095, %add3A_2096 : i32
            %broadcast_in_dim3A_2098 = arith.constant 0 : i32
            %broadcast_in_dim3A_2099 = vector.broadcast %broadcast_in_dim3A_2098 : i32 to vector<16xi32>
            %add3A_2100 = vector.broadcast %add3A_2097 : i32 to vector<16xi32>
            %add3A_2101 = arith.addi %broadcast_in_dim3A_2099, %add3A_2100 : vector<16xi32>
            %swap3A_2102 = arith.index_cast %add3A_724 : i32 to index
            %swap3A_2103 = tpu.vector_load %arg10[%swap3A_2102] {strides = array<i32>} : memref<256xi32, #tpu.memory_space<vmem>>, vector<16xi32>,
            %swap3A_2104 = vector.shape_cast %swap3A_2103 : vector<16xi32> to vector<16xi32>
            %swap3A_2105 = vector.shape_cast %add3A_2101 : vector<16xi32> to vector<16xi32>
            tpu.vector_store %arg10[%swap3A_2102], %swap3A_2105 {strides = array<i32>} : memref<256xi32, #tpu.memory_space<vmem>>, vector<16xi32>,
          } else {
          }
          %jit3A_732 = arith.constant 1 : i32
          %jit3A_733 = arith.constant 0 : i32
          %select_n3A_734 = arith.select %gt3A_728, %jit3A_732, %jit3A_733 : i32
          %add3A_735 = arith.addi %add3A_724, %select_n3A_734 : i32
          %slice3A_736 = vector.extract_strided_slice %get3A_636 {offsets = [9], sizes = [1], strides = [1]} : vector<16xf32> to vector<1xf32>
          %squeeze3A_737 = vector.extract %slice3A_736[0] : f32 from vector<1xf32>
          %gt3A_738 = arith.constant 5.000000e-01 : f32
          %gt3A_739 = arith.cmpf ogt, %squeeze3A_737, %gt3A_738 : f32
          %convert_element_type3A_740 = arith.extui %gt3A_739 : i1 to i32
          %cond3A_741 = arith.constant 0 : i32
          %cond3A_742 = arith.cmpi ne, %convert_element_type3A_740, %cond3A_741 : i32
          scf.if %cond3A_742 {
            %mul3A_2094 = arith.constant 128 : i32
            %mul3A_2095 = arith.muli %scan3A_613, %mul3A_2094 : i32
            %add3A_2096 = arith.constant 9 : i32
            %add3A_2097 = arith.addi %mul3A_2095, %add3A_2096 : i32
            %broadcast_in_dim3A_2098 = arith.constant 0 : i32
            %broadcast_in_dim3A_2099 = vector.broadcast %broadcast_in_dim3A_2098 : i32 to vector<16xi32>
            %add3A_2100 = vector.broadcast %add3A_2097 : i32 to vector<16xi32>
            %add3A_2101 = arith.addi %broadcast_in_dim3A_2099, %add3A_2100 : vector<16xi32>
            %swap3A_2102 = arith.index_cast %add3A_735 : i32 to index
            %swap3A_2103 = tpu.vector_load %arg10[%swap3A_2102] {strides = array<i32>} : memref<256xi32, #tpu.memory_space<vmem>>, vector<16xi32>,
            %swap3A_2104 = vector.shape_cast %swap3A_2103 : vector<16xi32> to vector<16xi32>
            %swap3A_2105 = vector.shape_cast %add3A_2101 : vector<16xi32> to vector<16xi32>
            tpu.vector_store %arg10[%swap3A_2102], %swap3A_2105 {strides = array<i32>} : memref<256xi32, #tpu.memory_space<vmem>>, vector<16xi32>,
          } else {
          }
          %jit3A_743 = arith.constant 1 : i32
          %jit3A_744 = arith.constant 0 : i32
          %select_n3A_745 = arith.select %gt3A_739, %jit3A_743, %jit3A_744 : i32
          %add3A_746 = arith.addi %add3A_735, %select_n3A_745 : i32
          %slice3A_747 = vector.extract_strided_slice %get3A_636 {offsets = [10], sizes = [1], strides = [1]} : vector<16xf32> to vector<1xf32>
          %squeeze3A_748 = vector.extract %slice3A_747[0] : f32 from vector<1xf32>
          %gt3A_749 = arith.constant 5.000000e-01 : f32
          %gt3A_750 = arith.cmpf ogt, %squeeze3A_748, %gt3A_749 : f32
          %convert_element_type3A_751 = arith.extui %gt3A_750 : i1 to i32
          %cond3A_752 = arith.constant 0 : i32
          %cond3A_753 = arith.cmpi ne, %convert_element_type3A_751, %cond3A_752 : i32
          scf.if %cond3A_753 {
            %mul3A_2094 = arith.constant 128 : i32
            %mul3A_2095 = arith.muli %scan3A_613, %mul3A_2094 : i32
            %add3A_2096 = arith.constant 10 : i32
            %add3A_2097 = arith.addi %mul3A_2095, %add3A_2096 : i32
            %broadcast_in_dim3A_2098 = arith.constant 0 : i32
            %broadcast_in_dim3A_2099 = vector.broadcast %broadcast_in_dim3A_2098 : i32 to vector<16xi32>
            %add3A_2100 = vector.broadcast %add3A_2097 : i32 to vector<16xi32>
            %add3A_2101 = arith.addi %broadcast_in_dim3A_2099, %add3A_2100 : vector<16xi32>
            %swap3A_2102 = arith.index_cast %add3A_746 : i32 to index
            %swap3A_2103 = tpu.vector_load %arg10[%swap3A_2102] {strides = array<i32>} : memref<256xi32, #tpu.memory_space<vmem>>, vector<16xi32>,
            %swap3A_2104 = vector.shape_cast %swap3A_2103 : vector<16xi32> to vector<16xi32>
            %swap3A_2105 = vector.shape_cast %add3A_2101 : vector<16xi32> to vector<16xi32>
            tpu.vector_store %arg10[%swap3A_2102], %swap3A_2105 {strides = array<i32>} : memref<256xi32, #tpu.memory_space<vmem>>, vector<16xi32>,
          } else {
          }
          %jit3A_754 = arith.constant 1 : i32
          %jit3A_755 = arith.constant 0 : i32
          %select_n3A_756 = arith.select %gt3A_750, %jit3A_754, %jit3A_755 : i32
          %add3A_757 = arith.addi %add3A_746, %select_n3A_756 : i32
          %slice3A_758 = vector.extract_strided_slice %get3A_636 {offsets = [11], sizes = [1], strides = [1]} : vector<16xf32> to vector<1xf32>
          %squeeze3A_759 = vector.extract %slice3A_758[0] : f32 from vector<1xf32>
          %gt3A_760 = arith.constant 5.000000e-01 : f32
          %gt3A_761 = arith.cmpf ogt, %squeeze3A_759, %gt3A_760 : f32
          %convert_element_type3A_762 = arith.extui %gt3A_761 : i1 to i32
          %cond3A_763 = arith.constant 0 : i32
          %cond3A_764 = arith.cmpi ne, %convert_element_type3A_762, %cond3A_763 : i32
          scf.if %cond3A_764 {
            %mul3A_2094 = arith.constant 128 : i32
            %mul3A_2095 = arith.muli %scan3A_613, %mul3A_2094 : i32
            %add3A_2096 = arith.constant 11 : i32
            %add3A_2097 = arith.addi %mul3A_2095, %add3A_2096 : i32
            %broadcast_in_dim3A_2098 = arith.constant 0 : i32
            %broadcast_in_dim3A_2099 = vector.broadcast %broadcast_in_dim3A_2098 : i32 to vector<16xi32>
            %add3A_2100 = vector.broadcast %add3A_2097 : i32 to vector<16xi32>
            %add3A_2101 = arith.addi %broadcast_in_dim3A_2099, %add3A_2100 : vector<16xi32>
            %swap3A_2102 = arith.index_cast %add3A_757 : i32 to index
            %swap3A_2103 = tpu.vector_load %arg10[%swap3A_2102] {strides = array<i32>} : memref<256xi32, #tpu.memory_space<vmem>>, vector<16xi32>,
            %swap3A_2104 = vector.shape_cast %swap3A_2103 : vector<16xi32> to vector<16xi32>
            %swap3A_2105 = vector.shape_cast %add3A_2101 : vector<16xi32> to vector<16xi32>
            tpu.vector_store %arg10[%swap3A_2102], %swap3A_2105 {strides = array<i32>} : memref<256xi32, #tpu.memory_space<vmem>>, vector<16xi32>,
          } else {
          }
          %jit3A_765 = arith.constant 1 : i32
          %jit3A_766 = arith.constant 0 : i32
          %select_n3A_767 = arith.select %gt3A_761, %jit3A_765, %jit3A_766 : i32
          %add3A_768 = arith.addi %add3A_757, %select_n3A_767 : i32
          %slice3A_769 = vector.extract_strided_slice %get3A_636 {offsets = [12], sizes = [1], strides = [1]} : vector<16xf32> to vector<1xf32>
          %squeeze3A_770 = vector.extract %slice3A_769[0] : f32 from vector<1xf32>
          %gt3A_771 = arith.constant 5.000000e-01 : f32
          %gt3A_772 = arith.cmpf ogt, %squeeze3A_770, %gt3A_771 : f32
          %convert_element_type3A_773 = arith.extui %gt3A_772 : i1 to i32
          %cond3A_774 = arith.constant 0 : i32
          %cond3A_775 = arith.cmpi ne, %convert_element_type3A_773, %cond3A_774 : i32
          scf.if %cond3A_775 {
            %mul3A_2094 = arith.constant 128 : i32
            %mul3A_2095 = arith.muli %scan3A_613, %mul3A_2094 : i32
            %add3A_2096 = arith.constant 12 : i32
            %add3A_2097 = arith.addi %mul3A_2095, %add3A_2096 : i32
            %broadcast_in_dim3A_2098 = arith.constant 0 : i32
            %broadcast_in_dim3A_2099 = vector.broadcast %broadcast_in_dim3A_2098 : i32 to vector<16xi32>
            %add3A_2100 = vector.broadcast %add3A_2097 : i32 to vector<16xi32>
            %add3A_2101 = arith.addi %broadcast_in_dim3A_2099, %add3A_2100 : vector<16xi32>
            %swap3A_2102 = arith.index_cast %add3A_768 : i32 to index
            %swap3A_2103 = tpu.vector_load %arg10[%swap3A_2102] {strides = array<i32>} : memref<256xi32, #tpu.memory_space<vmem>>, vector<16xi32>,
            %swap3A_2104 = vector.shape_cast %swap3A_2103 : vector<16xi32> to vector<16xi32>
            %swap3A_2105 = vector.shape_cast %add3A_2101 : vector<16xi32> to vector<16xi32>
            tpu.vector_store %arg10[%swap3A_2102], %swap3A_2105 {strides = array<i32>} : memref<256xi32, #tpu.memory_space<vmem>>, vector<16xi32>,
          } else {
          }
          %jit3A_776 = arith.constant 1 : i32
          %jit3A_777 = arith.constant 0 : i32
          %select_n3A_778 = arith.select %gt3A_772, %jit3A_776, %jit3A_777 : i32
          %add3A_779 = arith.addi %add3A_768, %select_n3A_778 : i32
          %slice3A_780 = vector.extract_strided_slice %get3A_636 {offsets = [13], sizes = [1], strides = [1]} : vector<16xf32> to vector<1xf32>
          %squeeze3A_781 = vector.extract %slice3A_780[0] : f32 from vector<1xf32>
          %gt3A_782 = arith.constant 5.000000e-01 : f32
          %gt3A_783 = arith.cmpf ogt, %squeeze3A_781, %gt3A_782 : f32
          %convert_element_type3A_784 = arith.extui %gt3A_783 : i1 to i32
          %cond3A_785 = arith.constant 0 : i32
          %cond3A_786 = arith.cmpi ne, %convert_element_type3A_784, %cond3A_785 : i32
          scf.if %cond3A_786 {
            %mul3A_2094 = arith.constant 128 : i32
            %mul3A_2095 = arith.muli %scan3A_613, %mul3A_2094 : i32
            %add3A_2096 = arith.constant 13 : i32
            %add3A_2097 = arith.addi %mul3A_2095, %add3A_2096 : i32
            %broadcast_in_dim3A_2098 = arith.constant 0 : i32
            %broadcast_in_dim3A_2099 = vector.broadcast %broadcast_in_dim3A_2098 : i32 to vector<16xi32>
            %add3A_2100 = vector.broadcast %add3A_2097 : i32 to vector<16xi32>
            %add3A_2101 = arith.addi %broadcast_in_dim3A_2099, %add3A_2100 : vector<16xi32>
            %swap3A_2102 = arith.index_cast %add3A_779 : i32 to index
            %swap3A_2103 = tpu.vector_load %arg10[%swap3A_2102] {strides = array<i32>} : memref<256xi32, #tpu.memory_space<vmem>>, vector<16xi32>,
            %swap3A_2104 = vector.shape_cast %swap3A_2103 : vector<16xi32> to vector<16xi32>
            %swap3A_2105 = vector.shape_cast %add3A_2101 : vector<16xi32> to vector<16xi32>
            tpu.vector_store %arg10[%swap3A_2102], %swap3A_2105 {strides = array<i32>} : memref<256xi32, #tpu.memory_space<vmem>>, vector<16xi32>,
          } else {
          }
          %jit3A_787 = arith.constant 1 : i32
          %jit3A_788 = arith.constant 0 : i32
          %select_n3A_789 = arith.select %gt3A_783, %jit3A_787, %jit3A_788 : i32
          %add3A_790 = arith.addi %add3A_779, %select_n3A_789 : i32
          %slice3A_791 = vector.extract_strided_slice %get3A_636 {offsets = [14], sizes = [1], strides = [1]} : vector<16xf32> to vector<1xf32>
          %squeeze3A_792 = vector.extract %slice3A_791[0] : f32 from vector<1xf32>
          %gt3A_793 = arith.constant 5.000000e-01 : f32
          %gt3A_794 = arith.cmpf ogt, %squeeze3A_792, %gt3A_793 : f32
          %convert_element_type3A_795 = arith.extui %gt3A_794 : i1 to i32
          %cond3A_796 = arith.constant 0 : i32
          %cond3A_797 = arith.cmpi ne, %convert_element_type3A_795, %cond3A_796 : i32
          scf.if %cond3A_797 {
            %mul3A_2094 = arith.constant 128 : i32
            %mul3A_2095 = arith.muli %scan3A_613, %mul3A_2094 : i32
            %add3A_2096 = arith.constant 14 : i32
            %add3A_2097 = arith.addi %mul3A_2095, %add3A_2096 : i32
            %broadcast_in_dim3A_2098 = arith.constant 0 : i32
            %broadcast_in_dim3A_2099 = vector.broadcast %broadcast_in_dim3A_2098 : i32 to vector<16xi32>
            %add3A_2100 = vector.broadcast %add3A_2097 : i32 to vector<16xi32>
            %add3A_2101 = arith.addi %broadcast_in_dim3A_2099, %add3A_2100 : vector<16xi32>
            %swap3A_2102 = arith.index_cast %add3A_790 : i32 to index
            %swap3A_2103 = tpu.vector_load %arg10[%swap3A_2102] {strides = array<i32>} : memref<256xi32, #tpu.memory_space<vmem>>, vector<16xi32>,
            %swap3A_2104 = vector.shape_cast %swap3A_2103 : vector<16xi32> to vector<16xi32>
            %swap3A_2105 = vector.shape_cast %add3A_2101 : vector<16xi32> to vector<16xi32>
            tpu.vector_store %arg10[%swap3A_2102], %swap3A_2105 {strides = array<i32>} : memref<256xi32, #tpu.memory_space<vmem>>, vector<16xi32>,
          } else {
          }
          %jit3A_798 = arith.constant 1 : i32
          %jit3A_799 = arith.constant 0 : i32
          %select_n3A_800 = arith.select %gt3A_794, %jit3A_798, %jit3A_799 : i32
          %add3A_801 = arith.addi %add3A_790, %select_n3A_800 : i32
          %slice3A_802 = vector.extract_strided_slice %get3A_636 {offsets = [15], sizes = [1], strides = [1]} : vector<16xf32> to vector<1xf32>
          %squeeze3A_803 = vector.extract %slice3A_802[0] : f32 from vector<1xf32>
          %gt3A_804 = arith.constant 5.000000e-01 : f32
          %gt3A_805 = arith.cmpf ogt, %squeeze3A_803, %gt3A_804 : f32
          %convert_element_type3A_806 = arith.extui %gt3A_805 : i1 to i32
          %cond3A_807 = arith.constant 0 : i32
          %cond3A_808 = arith.cmpi ne, %convert_element_type3A_806, %cond3A_807 : i32
          scf.if %cond3A_808 {
            %mul3A_2094 = arith.constant 128 : i32
            %mul3A_2095 = arith.muli %scan3A_613, %mul3A_2094 : i32
            %add3A_2096 = arith.constant 15 : i32
            %add3A_2097 = arith.addi %mul3A_2095, %add3A_2096 : i32
            %broadcast_in_dim3A_2098 = arith.constant 0 : i32
            %broadcast_in_dim3A_2099 = vector.broadcast %broadcast_in_dim3A_2098 : i32 to vector<16xi32>
            %add3A_2100 = vector.broadcast %add3A_2097 : i32 to vector<16xi32>
            %add3A_2101 = arith.addi %broadcast_in_dim3A_2099, %add3A_2100 : vector<16xi32>
            %swap3A_2102 = arith.index_cast %add3A_801 : i32 to index
            %swap3A_2103 = tpu.vector_load %arg10[%swap3A_2102] {strides = array<i32>} : memref<256xi32, #tpu.memory_space<vmem>>, vector<16xi32>,
            %swap3A_2104 = vector.shape_cast %swap3A_2103 : vector<16xi32> to vector<16xi32>
            %swap3A_2105 = vector.shape_cast %add3A_2101 : vector<16xi32> to vector<16xi32>
            tpu.vector_store %arg10[%swap3A_2102], %swap3A_2105 {strides = array<i32>} : memref<256xi32, #tpu.memory_space<vmem>>, vector<16xi32>,
          } else {
          }
          %jit3A_809 = arith.constant 1 : i32
          %jit3A_810 = arith.constant 0 : i32
          %select_n3A_811 = arith.select %gt3A_805, %jit3A_809, %jit3A_810 : i32
          %add3A_812 = arith.addi %add3A_801, %select_n3A_811 : i32
          %mul3A_813 = arith.constant 128 : i32
          %mul3A_814 = arith.muli %scan3A_613, %mul3A_813 : i32
          %add3A_815 = arith.constant 16 : i32
          %add3A_816 = arith.addi %mul3A_814, %add3A_815 : i32
          %get3A_817 = arith.index_cast %add3A_816 : i32 to index
          %get3A_818 = tpu.vector_load %arg7[%get3A_817] {strides = array<i32>} : memref<8192xf32, #tpu.memory_space<vmem>>, vector<16xf32>,
          %get3A_819 = vector.shape_cast %get3A_818 : vector<16xf32> to vector<16xf32>
          %slice3A_820 = vector.extract_strided_slice %get3A_819 {offsets = [0], sizes = [1], strides = [1]} : vector<16xf32> to vector<1xf32>
          %squeeze3A_821 = vector.extract %slice3A_820[0] : f32 from vector<1xf32>
          %gt3A_822 = arith.constant 5.000000e-01 : f32
          %gt3A_823 = arith.cmpf ogt, %squeeze3A_821, %gt3A_822 : f32
          %convert_element_type3A_824 = arith.extui %gt3A_823 : i1 to i32
          %cond3A_825 = arith.constant 0 : i32
          %cond3A_826 = arith.cmpi ne, %convert_element_type3A_824, %cond3A_825 : i32
          scf.if %cond3A_826 {
            %mul3A_2094 = arith.constant 128 : i32
            %mul3A_2095 = arith.muli %scan3A_613, %mul3A_2094 : i32
            %add3A_2096 = arith.constant 16 : i32
            %add3A_2097 = arith.addi %mul3A_2095, %add3A_2096 : i32
            %broadcast_in_dim3A_2098 = arith.constant 0 : i32
            %broadcast_in_dim3A_2099 = vector.broadcast %broadcast_in_dim3A_2098 : i32 to vector<16xi32>
            %add3A_2100 = vector.broadcast %add3A_2097 : i32 to vector<16xi32>
            %add3A_2101 = arith.addi %broadcast_in_dim3A_2099, %add3A_2100 : vector<16xi32>
            %swap3A_2102 = arith.index_cast %add3A_812 : i32 to index
            %swap3A_2103 = tpu.vector_load %arg10[%swap3A_2102] {strides = array<i32>} : memref<256xi32, #tpu.memory_space<vmem>>, vector<16xi32>,
            %swap3A_2104 = vector.shape_cast %swap3A_2103 : vector<16xi32> to vector<16xi32>
            %swap3A_2105 = vector.shape_cast %add3A_2101 : vector<16xi32> to vector<16xi32>
            tpu.vector_store %arg10[%swap3A_2102], %swap3A_2105 {strides = array<i32>} : memref<256xi32, #tpu.memory_space<vmem>>, vector<16xi32>,
          } else {
          }
          %jit3A_827 = arith.constant 1 : i32
          %jit3A_828 = arith.constant 0 : i32
          %select_n3A_829 = arith.select %gt3A_823, %jit3A_827, %jit3A_828 : i32
          %add3A_830 = arith.addi %add3A_812, %select_n3A_829 : i32
          %slice3A_831 = vector.extract_strided_slice %get3A_819 {offsets = [1], sizes = [1], strides = [1]} : vector<16xf32> to vector<1xf32>
          %squeeze3A_832 = vector.extract %slice3A_831[0] : f32 from vector<1xf32>
          %gt3A_833 = arith.constant 5.000000e-01 : f32
          %gt3A_834 = arith.cmpf ogt, %squeeze3A_832, %gt3A_833 : f32
          %convert_element_type3A_835 = arith.extui %gt3A_834 : i1 to i32
          %cond3A_836 = arith.constant 0 : i32
          %cond3A_837 = arith.cmpi ne, %convert_element_type3A_835, %cond3A_836 : i32
          scf.if %cond3A_837 {
            %mul3A_2094 = arith.constant 128 : i32
            %mul3A_2095 = arith.muli %scan3A_613, %mul3A_2094 : i32
            %add3A_2096 = arith.constant 17 : i32
            %add3A_2097 = arith.addi %mul3A_2095, %add3A_2096 : i32
            %broadcast_in_dim3A_2098 = arith.constant 0 : i32
            %broadcast_in_dim3A_2099 = vector.broadcast %broadcast_in_dim3A_2098 : i32 to vector<16xi32>
            %add3A_2100 = vector.broadcast %add3A_2097 : i32 to vector<16xi32>
            %add3A_2101 = arith.addi %broadcast_in_dim3A_2099, %add3A_2100 : vector<16xi32>
            %swap3A_2102 = arith.index_cast %add3A_830 : i32 to index
            %swap3A_2103 = tpu.vector_load %arg10[%swap3A_2102] {strides = array<i32>} : memref<256xi32, #tpu.memory_space<vmem>>, vector<16xi32>,
            %swap3A_2104 = vector.shape_cast %swap3A_2103 : vector<16xi32> to vector<16xi32>
            %swap3A_2105 = vector.shape_cast %add3A_2101 : vector<16xi32> to vector<16xi32>
            tpu.vector_store %arg10[%swap3A_2102], %swap3A_2105 {strides = array<i32>} : memref<256xi32, #tpu.memory_space<vmem>>, vector<16xi32>,
          } else {
          }
          %jit3A_838 = arith.constant 1 : i32
          %jit3A_839 = arith.constant 0 : i32
          %select_n3A_840 = arith.select %gt3A_834, %jit3A_838, %jit3A_839 : i32
          %add3A_841 = arith.addi %add3A_830, %select_n3A_840 : i32
          %slice3A_842 = vector.extract_strided_slice %get3A_819 {offsets = [2], sizes = [1], strides = [1]} : vector<16xf32> to vector<1xf32>
          %squeeze3A_843 = vector.extract %slice3A_842[0] : f32 from vector<1xf32>
          %gt3A_844 = arith.constant 5.000000e-01 : f32
          %gt3A_845 = arith.cmpf ogt, %squeeze3A_843, %gt3A_844 : f32
          %convert_element_type3A_846 = arith.extui %gt3A_845 : i1 to i32
          %cond3A_847 = arith.constant 0 : i32
          %cond3A_848 = arith.cmpi ne, %convert_element_type3A_846, %cond3A_847 : i32
          scf.if %cond3A_848 {
            %mul3A_2094 = arith.constant 128 : i32
            %mul3A_2095 = arith.muli %scan3A_613, %mul3A_2094 : i32
            %add3A_2096 = arith.constant 18 : i32
            %add3A_2097 = arith.addi %mul3A_2095, %add3A_2096 : i32
            %broadcast_in_dim3A_2098 = arith.constant 0 : i32
            %broadcast_in_dim3A_2099 = vector.broadcast %broadcast_in_dim3A_2098 : i32 to vector<16xi32>
            %add3A_2100 = vector.broadcast %add3A_2097 : i32 to vector<16xi32>
            %add3A_2101 = arith.addi %broadcast_in_dim3A_2099, %add3A_2100 : vector<16xi32>
            %swap3A_2102 = arith.index_cast %add3A_841 : i32 to index
            %swap3A_2103 = tpu.vector_load %arg10[%swap3A_2102] {strides = array<i32>} : memref<256xi32, #tpu.memory_space<vmem>>, vector<16xi32>,
            %swap3A_2104 = vector.shape_cast %swap3A_2103 : vector<16xi32> to vector<16xi32>
            %swap3A_2105 = vector.shape_cast %add3A_2101 : vector<16xi32> to vector<16xi32>
            tpu.vector_store %arg10[%swap3A_2102], %swap3A_2105 {strides = array<i32>} : memref<256xi32, #tpu.memory_space<vmem>>, vector<16xi32>,
          } else {
          }
          %jit3A_849 = arith.constant 1 : i32
          %jit3A_850 = arith.constant 0 : i32
          %select_n3A_851 = arith.select %gt3A_845, %jit3A_849, %jit3A_850 : i32
          %add3A_852 = arith.addi %add3A_841, %select_n3A_851 : i32
          %slice3A_853 = vector.extract_strided_slice %get3A_819 {offsets = [3], sizes = [1], strides = [1]} : vector<16xf32> to vector<1xf32>
          %squeeze3A_854 = vector.extract %slice3A_853[0] : f32 from vector<1xf32>
          %gt3A_855 = arith.constant 5.000000e-01 : f32
          %gt3A_856 = arith.cmpf ogt, %squeeze3A_854, %gt3A_855 : f32
          %convert_element_type3A_857 = arith.extui %gt3A_856 : i1 to i32
          %cond3A_858 = arith.constant 0 : i32
          %cond3A_859 = arith.cmpi ne, %convert_element_type3A_857, %cond3A_858 : i32
          scf.if %cond3A_859 {
            %mul3A_2094 = arith.constant 128 : i32
            %mul3A_2095 = arith.muli %scan3A_613, %mul3A_2094 : i32
            %add3A_2096 = arith.constant 19 : i32
            %add3A_2097 = arith.addi %mul3A_2095, %add3A_2096 : i32
            %broadcast_in_dim3A_2098 = arith.constant 0 : i32
            %broadcast_in_dim3A_2099 = vector.broadcast %broadcast_in_dim3A_2098 : i32 to vector<16xi32>
            %add3A_2100 = vector.broadcast %add3A_2097 : i32 to vector<16xi32>
            %add3A_2101 = arith.addi %broadcast_in_dim3A_2099, %add3A_2100 : vector<16xi32>
            %swap3A_2102 = arith.index_cast %add3A_852 : i32 to index
            %swap3A_2103 = tpu.vector_load %arg10[%swap3A_2102] {strides = array<i32>} : memref<256xi32, #tpu.memory_space<vmem>>, vector<16xi32>,
            %swap3A_2104 = vector.shape_cast %swap3A_2103 : vector<16xi32> to vector<16xi32>
            %swap3A_2105 = vector.shape_cast %add3A_2101 : vector<16xi32> to vector<16xi32>
            tpu.vector_store %arg10[%swap3A_2102], %swap3A_2105 {strides = array<i32>} : memref<256xi32, #tpu.memory_space<vmem>>, vector<16xi32>,
          } else {
          }
          %jit3A_860 = arith.constant 1 : i32
          %jit3A_861 = arith.constant 0 : i32
          %select_n3A_862 = arith.select %gt3A_856, %jit3A_860, %jit3A_861 : i32
          %add3A_863 = arith.addi %add3A_852, %select_n3A_862 : i32
          %slice3A_864 = vector.extract_strided_slice %get3A_819 {offsets = [4], sizes = [1], strides = [1]} : vector<16xf32> to vector<1xf32>
          %squeeze3A_865 = vector.extract %slice3A_864[0] : f32 from vector<1xf32>
          %gt3A_866 = arith.constant 5.000000e-01 : f32
          %gt3A_867 = arith.cmpf ogt, %squeeze3A_865, %gt3A_866 : f32
          %convert_element_type3A_868 = arith.extui %gt3A_867 : i1 to i32
          %cond3A_869 = arith.constant 0 : i32
          %cond3A_870 = arith.cmpi ne, %convert_element_type3A_868, %cond3A_869 : i32
          scf.if %cond3A_870 {
            %mul3A_2094 = arith.constant 128 : i32
            %mul3A_2095 = arith.muli %scan3A_613, %mul3A_2094 : i32
            %add3A_2096 = arith.constant 20 : i32
            %add3A_2097 = arith.addi %mul3A_2095, %add3A_2096 : i32
            %broadcast_in_dim3A_2098 = arith.constant 0 : i32
            %broadcast_in_dim3A_2099 = vector.broadcast %broadcast_in_dim3A_2098 : i32 to vector<16xi32>
            %add3A_2100 = vector.broadcast %add3A_2097 : i32 to vector<16xi32>
            %add3A_2101 = arith.addi %broadcast_in_dim3A_2099, %add3A_2100 : vector<16xi32>
            %swap3A_2102 = arith.index_cast %add3A_863 : i32 to index
            %swap3A_2103 = tpu.vector_load %arg10[%swap3A_2102] {strides = array<i32>} : memref<256xi32, #tpu.memory_space<vmem>>, vector<16xi32>,
            %swap3A_2104 = vector.shape_cast %swap3A_2103 : vector<16xi32> to vector<16xi32>
            %swap3A_2105 = vector.shape_cast %add3A_2101 : vector<16xi32> to vector<16xi32>
            tpu.vector_store %arg10[%swap3A_2102], %swap3A_2105 {strides = array<i32>} : memref<256xi32, #tpu.memory_space<vmem>>, vector<16xi32>,
          } else {
          }
          %jit3A_871 = arith.constant 1 : i32
          %jit3A_872 = arith.constant 0 : i32
          %select_n3A_873 = arith.select %gt3A_867, %jit3A_871, %jit3A_872 : i32
          %add3A_874 = arith.addi %add3A_863, %select_n3A_873 : i32
          %slice3A_875 = vector.extract_strided_slice %get3A_819 {offsets = [5], sizes = [1], strides = [1]} : vector<16xf32> to vector<1xf32>
          %squeeze3A_876 = vector.extract %slice3A_875[0] : f32 from vector<1xf32>
          %gt3A_877 = arith.constant 5.000000e-01 : f32
          %gt3A_878 = arith.cmpf ogt, %squeeze3A_876, %gt3A_877 : f32
          %convert_element_type3A_879 = arith.extui %gt3A_878 : i1 to i32
          %cond3A_880 = arith.constant 0 : i32
          %cond3A_881 = arith.cmpi ne, %convert_element_type3A_879, %cond3A_880 : i32
          scf.if %cond3A_881 {
            %mul3A_2094 = arith.constant 128 : i32
            %mul3A_2095 = arith.muli %scan3A_613, %mul3A_2094 : i32
            %add3A_2096 = arith.constant 21 : i32
            %add3A_2097 = arith.addi %mul3A_2095, %add3A_2096 : i32
            %broadcast_in_dim3A_2098 = arith.constant 0 : i32
            %broadcast_in_dim3A_2099 = vector.broadcast %broadcast_in_dim3A_2098 : i32 to vector<16xi32>
            %add3A_2100 = vector.broadcast %add3A_2097 : i32 to vector<16xi32>
            %add3A_2101 = arith.addi %broadcast_in_dim3A_2099, %add3A_2100 : vector<16xi32>
            %swap3A_2102 = arith.index_cast %add3A_874 : i32 to index
            %swap3A_2103 = tpu.vector_load %arg10[%swap3A_2102] {strides = array<i32>} : memref<256xi32, #tpu.memory_space<vmem>>, vector<16xi32>,
            %swap3A_2104 = vector.shape_cast %swap3A_2103 : vector<16xi32> to vector<16xi32>
            %swap3A_2105 = vector.shape_cast %add3A_2101 : vector<16xi32> to vector<16xi32>
            tpu.vector_store %arg10[%swap3A_2102], %swap3A_2105 {strides = array<i32>} : memref<256xi32, #tpu.memory_space<vmem>>, vector<16xi32>,
          } else {
          }
          %jit3A_882 = arith.constant 1 : i32
          %jit3A_883 = arith.constant 0 : i32
          %select_n3A_884 = arith.select %gt3A_878, %jit3A_882, %jit3A_883 : i32
          %add3A_885 = arith.addi %add3A_874, %select_n3A_884 : i32
          %slice3A_886 = vector.extract_strided_slice %get3A_819 {offsets = [6], sizes = [1], strides = [1]} : vector<16xf32> to vector<1xf32>
          %squeeze3A_887 = vector.extract %slice3A_886[0] : f32 from vector<1xf32>
          %gt3A_888 = arith.constant 5.000000e-01 : f32
          %gt3A_889 = arith.cmpf ogt, %squeeze3A_887, %gt3A_888 : f32
          %convert_element_type3A_890 = arith.extui %gt3A_889 : i1 to i32
          %cond3A_891 = arith.constant 0 : i32
          %cond3A_892 = arith.cmpi ne, %convert_element_type3A_890, %cond3A_891 : i32
          scf.if %cond3A_892 {
            %mul3A_2094 = arith.constant 128 : i32
            %mul3A_2095 = arith.muli %scan3A_613, %mul3A_2094 : i32
            %add3A_2096 = arith.constant 22 : i32
            %add3A_2097 = arith.addi %mul3A_2095, %add3A_2096 : i32
            %broadcast_in_dim3A_2098 = arith.constant 0 : i32
            %broadcast_in_dim3A_2099 = vector.broadcast %broadcast_in_dim3A_2098 : i32 to vector<16xi32>
            %add3A_2100 = vector.broadcast %add3A_2097 : i32 to vector<16xi32>
            %add3A_2101 = arith.addi %broadcast_in_dim3A_2099, %add3A_2100 : vector<16xi32>
            %swap3A_2102 = arith.index_cast %add3A_885 : i32 to index
            %swap3A_2103 = tpu.vector_load %arg10[%swap3A_2102] {strides = array<i32>} : memref<256xi32, #tpu.memory_space<vmem>>, vector<16xi32>,
            %swap3A_2104 = vector.shape_cast %swap3A_2103 : vector<16xi32> to vector<16xi32>
            %swap3A_2105 = vector.shape_cast %add3A_2101 : vector<16xi32> to vector<16xi32>
            tpu.vector_store %arg10[%swap3A_2102], %swap3A_2105 {strides = array<i32>} : memref<256xi32, #tpu.memory_space<vmem>>, vector<16xi32>,
          } else {
          }
          %jit3A_893 = arith.constant 1 : i32
          %jit3A_894 = arith.constant 0 : i32
          %select_n3A_895 = arith.select %gt3A_889, %jit3A_893, %jit3A_894 : i32
          %add3A_896 = arith.addi %add3A_885, %select_n3A_895 : i32
          %slice3A_897 = vector.extract_strided_slice %get3A_819 {offsets = [7], sizes = [1], strides = [1]} : vector<16xf32> to vector<1xf32>
          %squeeze3A_898 = vector.extract %slice3A_897[0] : f32 from vector<1xf32>
          %gt3A_899 = arith.constant 5.000000e-01 : f32
          %gt3A_900 = arith.cmpf ogt, %squeeze3A_898, %gt3A_899 : f32
          %convert_element_type3A_901 = arith.extui %gt3A_900 : i1 to i32
          %cond3A_902 = arith.constant 0 : i32
          %cond3A_903 = arith.cmpi ne, %convert_element_type3A_901, %cond3A_902 : i32
          scf.if %cond3A_903 {
            %mul3A_2094 = arith.constant 128 : i32
            %mul3A_2095 = arith.muli %scan3A_613, %mul3A_2094 : i32
            %add3A_2096 = arith.constant 23 : i32
            %add3A_2097 = arith.addi %mul3A_2095, %add3A_2096 : i32
            %broadcast_in_dim3A_2098 = arith.constant 0 : i32
            %broadcast_in_dim3A_2099 = vector.broadcast %broadcast_in_dim3A_2098 : i32 to vector<16xi32>
            %add3A_2100 = vector.broadcast %add3A_2097 : i32 to vector<16xi32>
            %add3A_2101 = arith.addi %broadcast_in_dim3A_2099, %add3A_2100 : vector<16xi32>
            %swap3A_2102 = arith.index_cast %add3A_896 : i32 to index
            %swap3A_2103 = tpu.vector_load %arg10[%swap3A_2102] {strides = array<i32>} : memref<256xi32, #tpu.memory_space<vmem>>, vector<16xi32>,
            %swap3A_2104 = vector.shape_cast %swap3A_2103 : vector<16xi32> to vector<16xi32>
            %swap3A_2105 = vector.shape_cast %add3A_2101 : vector<16xi32> to vector<16xi32>
            tpu.vector_store %arg10[%swap3A_2102], %swap3A_2105 {strides = array<i32>} : memref<256xi32, #tpu.memory_space<vmem>>, vector<16xi32>,
          } else {
          }
          %jit3A_904 = arith.constant 1 : i32
          %jit3A_905 = arith.constant 0 : i32
          %select_n3A_906 = arith.select %gt3A_900, %jit3A_904, %jit3A_905 : i32
          %add3A_907 = arith.addi %add3A_896, %select_n3A_906 : i32
          %slice3A_908 = vector.extract_strided_slice %get3A_819 {offsets = [8], sizes = [1], strides = [1]} : vector<16xf32> to vector<1xf32>
          %squeeze3A_909 = vector.extract %slice3A_908[0] : f32 from vector<1xf32>
          %gt3A_910 = arith.constant 5.000000e-01 : f32
          %gt3A_911 = arith.cmpf ogt, %squeeze3A_909, %gt3A_910 : f32
          %convert_element_type3A_912 = arith.extui %gt3A_911 : i1 to i32
          %cond3A_913 = arith.constant 0 : i32
          %cond3A_914 = arith.cmpi ne, %convert_element_type3A_912, %cond3A_913 : i32
          scf.if %cond3A_914 {
            %mul3A_2094 = arith.constant 128 : i32
            %mul3A_2095 = arith.muli %scan3A_613, %mul3A_2094 : i32
            %add3A_2096 = arith.constant 24 : i32
            %add3A_2097 = arith.addi %mul3A_2095, %add3A_2096 : i32
            %broadcast_in_dim3A_2098 = arith.constant 0 : i32
            %broadcast_in_dim3A_2099 = vector.broadcast %broadcast_in_dim3A_2098 : i32 to vector<16xi32>
            %add3A_2100 = vector.broadcast %add3A_2097 : i32 to vector<16xi32>
            %add3A_2101 = arith.addi %broadcast_in_dim3A_2099, %add3A_2100 : vector<16xi32>
            %swap3A_2102 = arith.index_cast %add3A_907 : i32 to index
            %swap3A_2103 = tpu.vector_load %arg10[%swap3A_2102] {strides = array<i32>} : memref<256xi32, #tpu.memory_space<vmem>>, vector<16xi32>,
            %swap3A_2104 = vector.shape_cast %swap3A_2103 : vector<16xi32> to vector<16xi32>
            %swap3A_2105 = vector.shape_cast %add3A_2101 : vector<16xi32> to vector<16xi32>
            tpu.vector_store %arg10[%swap3A_2102], %swap3A_2105 {strides = array<i32>} : memref<256xi32, #tpu.memory_space<vmem>>, vector<16xi32>,
          } else {
          }
          %jit3A_915 = arith.constant 1 : i32
          %jit3A_916 = arith.constant 0 : i32
          %select_n3A_917 = arith.select %gt3A_911, %jit3A_915, %jit3A_916 : i32
          %add3A_918 = arith.addi %add3A_907, %select_n3A_917 : i32
          %slice3A_919 = vector.extract_strided_slice %get3A_819 {offsets = [9], sizes = [1], strides = [1]} : vector<16xf32> to vector<1xf32>
          %squeeze3A_920 = vector.extract %slice3A_919[0] : f32 from vector<1xf32>
          %gt3A_921 = arith.constant 5.000000e-01 : f32
          %gt3A_922 = arith.cmpf ogt, %squeeze3A_920, %gt3A_921 : f32
          %convert_element_type3A_923 = arith.extui %gt3A_922 : i1 to i32
          %cond3A_924 = arith.constant 0 : i32
          %cond3A_925 = arith.cmpi ne, %convert_element_type3A_923, %cond3A_924 : i32
          scf.if %cond3A_925 {
            %mul3A_2094 = arith.constant 128 : i32
            %mul3A_2095 = arith.muli %scan3A_613, %mul3A_2094 : i32
            %add3A_2096 = arith.constant 25 : i32
            %add3A_2097 = arith.addi %mul3A_2095, %add3A_2096 : i32
            %broadcast_in_dim3A_2098 = arith.constant 0 : i32
            %broadcast_in_dim3A_2099 = vector.broadcast %broadcast_in_dim3A_2098 : i32 to vector<16xi32>
            %add3A_2100 = vector.broadcast %add3A_2097 : i32 to vector<16xi32>
            %add3A_2101 = arith.addi %broadcast_in_dim3A_2099, %add3A_2100 : vector<16xi32>
            %swap3A_2102 = arith.index_cast %add3A_918 : i32 to index
            %swap3A_2103 = tpu.vector_load %arg10[%swap3A_2102] {strides = array<i32>} : memref<256xi32, #tpu.memory_space<vmem>>, vector<16xi32>,
            %swap3A_2104 = vector.shape_cast %swap3A_2103 : vector<16xi32> to vector<16xi32>
            %swap3A_2105 = vector.shape_cast %add3A_2101 : vector<16xi32> to vector<16xi32>
            tpu.vector_store %arg10[%swap3A_2102], %swap3A_2105 {strides = array<i32>} : memref<256xi32, #tpu.memory_space<vmem>>, vector<16xi32>,
          } else {
          }
          %jit3A_926 = arith.constant 1 : i32
          %jit3A_927 = arith.constant 0 : i32
          %select_n3A_928 = arith.select %gt3A_922, %jit3A_926, %jit3A_927 : i32
          %add3A_929 = arith.addi %add3A_918, %select_n3A_928 : i32
          %slice3A_930 = vector.extract_strided_slice %get3A_819 {offsets = [10], sizes = [1], strides = [1]} : vector<16xf32> to vector<1xf32>
          %squeeze3A_931 = vector.extract %slice3A_930[0] : f32 from vector<1xf32>
          %gt3A_932 = arith.constant 5.000000e-01 : f32
          %gt3A_933 = arith.cmpf ogt, %squeeze3A_931, %gt3A_932 : f32
          %convert_element_type3A_934 = arith.extui %gt3A_933 : i1 to i32
          %cond3A_935 = arith.constant 0 : i32
          %cond3A_936 = arith.cmpi ne, %convert_element_type3A_934, %cond3A_935 : i32
          scf.if %cond3A_936 {
            %mul3A_2094 = arith.constant 128 : i32
            %mul3A_2095 = arith.muli %scan3A_613, %mul3A_2094 : i32
            %add3A_2096 = arith.constant 26 : i32
            %add3A_2097 = arith.addi %mul3A_2095, %add3A_2096 : i32
            %broadcast_in_dim3A_2098 = arith.constant 0 : i32
            %broadcast_in_dim3A_2099 = vector.broadcast %broadcast_in_dim3A_2098 : i32 to vector<16xi32>
            %add3A_2100 = vector.broadcast %add3A_2097 : i32 to vector<16xi32>
            %add3A_2101 = arith.addi %broadcast_in_dim3A_2099, %add3A_2100 : vector<16xi32>
            %swap3A_2102 = arith.index_cast %add3A_929 : i32 to index
            %swap3A_2103 = tpu.vector_load %arg10[%swap3A_2102] {strides = array<i32>} : memref<256xi32, #tpu.memory_space<vmem>>, vector<16xi32>,
            %swap3A_2104 = vector.shape_cast %swap3A_2103 : vector<16xi32> to vector<16xi32>
            %swap3A_2105 = vector.shape_cast %add3A_2101 : vector<16xi32> to vector<16xi32>
            tpu.vector_store %arg10[%swap3A_2102], %swap3A_2105 {strides = array<i32>} : memref<256xi32, #tpu.memory_space<vmem>>, vector<16xi32>,
          } else {
          }
          %jit3A_937 = arith.constant 1 : i32
          %jit3A_938 = arith.constant 0 : i32
          %select_n3A_939 = arith.select %gt3A_933, %jit3A_937, %jit3A_938 : i32
          %add3A_940 = arith.addi %add3A_929, %select_n3A_939 : i32
          %slice3A_941 = vector.extract_strided_slice %get3A_819 {offsets = [11], sizes = [1], strides = [1]} : vector<16xf32> to vector<1xf32>
          %squeeze3A_942 = vector.extract %slice3A_941[0] : f32 from vector<1xf32>
          %gt3A_943 = arith.constant 5.000000e-01 : f32
          %gt3A_944 = arith.cmpf ogt, %squeeze3A_942, %gt3A_943 : f32
          %convert_element_type3A_945 = arith.extui %gt3A_944 : i1 to i32
          %cond3A_946 = arith.constant 0 : i32
          %cond3A_947 = arith.cmpi ne, %convert_element_type3A_945, %cond3A_946 : i32
          scf.if %cond3A_947 {
            %mul3A_2094 = arith.constant 128 : i32
            %mul3A_2095 = arith.muli %scan3A_613, %mul3A_2094 : i32
            %add3A_2096 = arith.constant 27 : i32
            %add3A_2097 = arith.addi %mul3A_2095, %add3A_2096 : i32
            %broadcast_in_dim3A_2098 = arith.constant 0 : i32
            %broadcast_in_dim3A_2099 = vector.broadcast %broadcast_in_dim3A_2098 : i32 to vector<16xi32>
            %add3A_2100 = vector.broadcast %add3A_2097 : i32 to vector<16xi32>
            %add3A_2101 = arith.addi %broadcast_in_dim3A_2099, %add3A_2100 : vector<16xi32>
            %swap3A_2102 = arith.index_cast %add3A_940 : i32 to index
            %swap3A_2103 = tpu.vector_load %arg10[%swap3A_2102] {strides = array<i32>} : memref<256xi32, #tpu.memory_space<vmem>>, vector<16xi32>,
            %swap3A_2104 = vector.shape_cast %swap3A_2103 : vector<16xi32> to vector<16xi32>
            %swap3A_2105 = vector.shape_cast %add3A_2101 : vector<16xi32> to vector<16xi32>
            tpu.vector_store %arg10[%swap3A_2102], %swap3A_2105 {strides = array<i32>} : memref<256xi32, #tpu.memory_space<vmem>>, vector<16xi32>,
          } else {
          }
          %jit3A_948 = arith.constant 1 : i32
          %jit3A_949 = arith.constant 0 : i32
          %select_n3A_950 = arith.select %gt3A_944, %jit3A_948, %jit3A_949 : i32
          %add3A_951 = arith.addi %add3A_940, %select_n3A_950 : i32
          %slice3A_952 = vector.extract_strided_slice %get3A_819 {offsets = [12], sizes = [1], strides = [1]} : vector<16xf32> to vector<1xf32>
          %squeeze3A_953 = vector.extract %slice3A_952[0] : f32 from vector<1xf32>
          %gt3A_954 = arith.constant 5.000000e-01 : f32
          %gt3A_955 = arith.cmpf ogt, %squeeze3A_953, %gt3A_954 : f32
          %convert_element_type3A_956 = arith.extui %gt3A_955 : i1 to i32
          %cond3A_957 = arith.constant 0 : i32
          %cond3A_958 = arith.cmpi ne, %convert_element_type3A_956, %cond3A_957 : i32
          scf.if %cond3A_958 {
            %mul3A_2094 = arith.constant 128 : i32
            %mul3A_2095 = arith.muli %scan3A_613, %mul3A_2094 : i32
            %add3A_2096 = arith.constant 28 : i32
            %add3A_2097 = arith.addi %mul3A_2095, %add3A_2096 : i32
            %broadcast_in_dim3A_2098 = arith.constant 0 : i32
            %broadcast_in_dim3A_2099 = vector.broadcast %broadcast_in_dim3A_2098 : i32 to vector<16xi32>
            %add3A_2100 = vector.broadcast %add3A_2097 : i32 to vector<16xi32>
            %add3A_2101 = arith.addi %broadcast_in_dim3A_2099, %add3A_2100 : vector<16xi32>
            %swap3A_2102 = arith.index_cast %add3A_951 : i32 to index
            %swap3A_2103 = tpu.vector_load %arg10[%swap3A_2102] {strides = array<i32>} : memref<256xi32, #tpu.memory_space<vmem>>, vector<16xi32>,
            %swap3A_2104 = vector.shape_cast %swap3A_2103 : vector<16xi32> to vector<16xi32>
            %swap3A_2105 = vector.shape_cast %add3A_2101 : vector<16xi32> to vector<16xi32>
            tpu.vector_store %arg10[%swap3A_2102], %swap3A_2105 {strides = array<i32>} : memref<256xi32, #tpu.memory_space<vmem>>, vector<16xi32>,
          } else {
          }
          %jit3A_959 = arith.constant 1 : i32
          %jit3A_960 = arith.constant 0 : i32
          %select_n3A_961 = arith.select %gt3A_955, %jit3A_959, %jit3A_960 : i32
          %add3A_962 = arith.addi %add3A_951, %select_n3A_961 : i32
          %slice3A_963 = vector.extract_strided_slice %get3A_819 {offsets = [13], sizes = [1], strides = [1]} : vector<16xf32> to vector<1xf32>
          %squeeze3A_964 = vector.extract %slice3A_963[0] : f32 from vector<1xf32>
          %gt3A_965 = arith.constant 5.000000e-01 : f32
          %gt3A_966 = arith.cmpf ogt, %squeeze3A_964, %gt3A_965 : f32
          %convert_element_type3A_967 = arith.extui %gt3A_966 : i1 to i32
          %cond3A_968 = arith.constant 0 : i32
          %cond3A_969 = arith.cmpi ne, %convert_element_type3A_967, %cond3A_968 : i32
          scf.if %cond3A_969 {
            %mul3A_2094 = arith.constant 128 : i32
            %mul3A_2095 = arith.muli %scan3A_613, %mul3A_2094 : i32
            %add3A_2096 = arith.constant 29 : i32
            %add3A_2097 = arith.addi %mul3A_2095, %add3A_2096 : i32
            %broadcast_in_dim3A_2098 = arith.constant 0 : i32
            %broadcast_in_dim3A_2099 = vector.broadcast %broadcast_in_dim3A_2098 : i32 to vector<16xi32>
            %add3A_2100 = vector.broadcast %add3A_2097 : i32 to vector<16xi32>
            %add3A_2101 = arith.addi %broadcast_in_dim3A_2099, %add3A_2100 : vector<16xi32>
            %swap3A_2102 = arith.index_cast %add3A_962 : i32 to index
            %swap3A_2103 = tpu.vector_load %arg10[%swap3A_2102] {strides = array<i32>} : memref<256xi32, #tpu.memory_space<vmem>>, vector<16xi32>,
            %swap3A_2104 = vector.shape_cast %swap3A_2103 : vector<16xi32> to vector<16xi32>
            %swap3A_2105 = vector.shape_cast %add3A_2101 : vector<16xi32> to vector<16xi32>
            tpu.vector_store %arg10[%swap3A_2102], %swap3A_2105 {strides = array<i32>} : memref<256xi32, #tpu.memory_space<vmem>>, vector<16xi32>,
          } else {
          }
          %jit3A_970 = arith.constant 1 : i32
          %jit3A_971 = arith.constant 0 : i32
          %select_n3A_972 = arith.select %gt3A_966, %jit3A_970, %jit3A_971 : i32
          %add3A_973 = arith.addi %add3A_962, %select_n3A_972 : i32
          %slice3A_974 = vector.extract_strided_slice %get3A_819 {offsets = [14], sizes = [1], strides = [1]} : vector<16xf32> to vector<1xf32>
          %squeeze3A_975 = vector.extract %slice3A_974[0] : f32 from vector<1xf32>
          %gt3A_976 = arith.constant 5.000000e-01 : f32
          %gt3A_977 = arith.cmpf ogt, %squeeze3A_975, %gt3A_976 : f32
          %convert_element_type3A_978 = arith.extui %gt3A_977 : i1 to i32
          %cond3A_979 = arith.constant 0 : i32
          %cond3A_980 = arith.cmpi ne, %convert_element_type3A_978, %cond3A_979 : i32
          scf.if %cond3A_980 {
            %mul3A_2094 = arith.constant 128 : i32
            %mul3A_2095 = arith.muli %scan3A_613, %mul3A_2094 : i32
            %add3A_2096 = arith.constant 30 : i32
            %add3A_2097 = arith.addi %mul3A_2095, %add3A_2096 : i32
            %broadcast_in_dim3A_2098 = arith.constant 0 : i32
            %broadcast_in_dim3A_2099 = vector.broadcast %broadcast_in_dim3A_2098 : i32 to vector<16xi32>
            %add3A_2100 = vector.broadcast %add3A_2097 : i32 to vector<16xi32>
            %add3A_2101 = arith.addi %broadcast_in_dim3A_2099, %add3A_2100 : vector<16xi32>
            %swap3A_2102 = arith.index_cast %add3A_973 : i32 to index
            %swap3A_2103 = tpu.vector_load %arg10[%swap3A_2102] {strides = array<i32>} : memref<256xi32, #tpu.memory_space<vmem>>, vector<16xi32>,
            %swap3A_2104 = vector.shape_cast %swap3A_2103 : vector<16xi32> to vector<16xi32>
            %swap3A_2105 = vector.shape_cast %add3A_2101 : vector<16xi32> to vector<16xi32>
            tpu.vector_store %arg10[%swap3A_2102], %swap3A_2105 {strides = array<i32>} : memref<256xi32, #tpu.memory_space<vmem>>, vector<16xi32>,
          } else {
          }
          %jit3A_981 = arith.constant 1 : i32
          %jit3A_982 = arith.constant 0 : i32
          %select_n3A_983 = arith.select %gt3A_977, %jit3A_981, %jit3A_982 : i32
          %add3A_984 = arith.addi %add3A_973, %select_n3A_983 : i32
          %slice3A_985 = vector.extract_strided_slice %get3A_819 {offsets = [15], sizes = [1], strides = [1]} : vector<16xf32> to vector<1xf32>
          %squeeze3A_986 = vector.extract %slice3A_985[0] : f32 from vector<1xf32>
          %gt3A_987 = arith.constant 5.000000e-01 : f32
          %gt3A_988 = arith.cmpf ogt, %squeeze3A_986, %gt3A_987 : f32
          %convert_element_type3A_989 = arith.extui %gt3A_988 : i1 to i32
          %cond3A_990 = arith.constant 0 : i32
          %cond3A_991 = arith.cmpi ne, %convert_element_type3A_989, %cond3A_990 : i32
          scf.if %cond3A_991 {
            %mul3A_2094 = arith.constant 128 : i32
            %mul3A_2095 = arith.muli %scan3A_613, %mul3A_2094 : i32
            %add3A_2096 = arith.constant 31 : i32
            %add3A_2097 = arith.addi %mul3A_2095, %add3A_2096 : i32
            %broadcast_in_dim3A_2098 = arith.constant 0 : i32
            %broadcast_in_dim3A_2099 = vector.broadcast %broadcast_in_dim3A_2098 : i32 to vector<16xi32>
            %add3A_2100 = vector.broadcast %add3A_2097 : i32 to vector<16xi32>
            %add3A_2101 = arith.addi %broadcast_in_dim3A_2099, %add3A_2100 : vector<16xi32>
            %swap3A_2102 = arith.index_cast %add3A_984 : i32 to index
            %swap3A_2103 = tpu.vector_load %arg10[%swap3A_2102] {strides = array<i32>} : memref<256xi32, #tpu.memory_space<vmem>>, vector<16xi32>,
            %swap3A_2104 = vector.shape_cast %swap3A_2103 : vector<16xi32> to vector<16xi32>
            %swap3A_2105 = vector.shape_cast %add3A_2101 : vector<16xi32> to vector<16xi32>
            tpu.vector_store %arg10[%swap3A_2102], %swap3A_2105 {strides = array<i32>} : memref<256xi32, #tpu.memory_space<vmem>>, vector<16xi32>,
          } else {
          }
          %jit3A_992 = arith.constant 1 : i32
          %jit3A_993 = arith.constant 0 : i32
          %select_n3A_994 = arith.select %gt3A_988, %jit3A_992, %jit3A_993 : i32
          %add3A_995 = arith.addi %add3A_984, %select_n3A_994 : i32
          %mul3A_996 = arith.constant 128 : i32
          %mul3A_997 = arith.muli %scan3A_613, %mul3A_996 : i32
          %add3A_998 = arith.constant 32 : i32
          %add3A_999 = arith.addi %mul3A_997, %add3A_998 : i32
          %get3A_1000 = arith.index_cast %add3A_999 : i32 to index
          %get3A_1001 = tpu.vector_load %arg7[%get3A_1000] {strides = array<i32>} : memref<8192xf32, #tpu.memory_space<vmem>>, vector<16xf32>,
          %get3A_1002 = vector.shape_cast %get3A_1001 : vector<16xf32> to vector<16xf32>
          %slice3A_1003 = vector.extract_strided_slice %get3A_1002 {offsets = [0], sizes = [1], strides = [1]} : vector<16xf32> to vector<1xf32>
          %squeeze3A_1004 = vector.extract %slice3A_1003[0] : f32 from vector<1xf32>
          %gt3A_1005 = arith.constant 5.000000e-01 : f32
          %gt3A_1006 = arith.cmpf ogt, %squeeze3A_1004, %gt3A_1005 : f32
          %convert_element_type3A_1007 = arith.extui %gt3A_1006 : i1 to i32
          %cond3A_1008 = arith.constant 0 : i32
          %cond3A_1009 = arith.cmpi ne, %convert_element_type3A_1007, %cond3A_1008 : i32
          scf.if %cond3A_1009 {
            %mul3A_2094 = arith.constant 128 : i32
            %mul3A_2095 = arith.muli %scan3A_613, %mul3A_2094 : i32
            %add3A_2096 = arith.constant 32 : i32
            %add3A_2097 = arith.addi %mul3A_2095, %add3A_2096 : i32
            %broadcast_in_dim3A_2098 = arith.constant 0 : i32
            %broadcast_in_dim3A_2099 = vector.broadcast %broadcast_in_dim3A_2098 : i32 to vector<16xi32>
            %add3A_2100 = vector.broadcast %add3A_2097 : i32 to vector<16xi32>
            %add3A_2101 = arith.addi %broadcast_in_dim3A_2099, %add3A_2100 : vector<16xi32>
            %swap3A_2102 = arith.index_cast %add3A_995 : i32 to index
            %swap3A_2103 = tpu.vector_load %arg10[%swap3A_2102] {strides = array<i32>} : memref<256xi32, #tpu.memory_space<vmem>>, vector<16xi32>,
            %swap3A_2104 = vector.shape_cast %swap3A_2103 : vector<16xi32> to vector<16xi32>
            %swap3A_2105 = vector.shape_cast %add3A_2101 : vector<16xi32> to vector<16xi32>
            tpu.vector_store %arg10[%swap3A_2102], %swap3A_2105 {strides = array<i32>} : memref<256xi32, #tpu.memory_space<vmem>>, vector<16xi32>,
          } else {
          }
          %jit3A_1010 = arith.constant 1 : i32
          %jit3A_1011 = arith.constant 0 : i32
          %select_n3A_1012 = arith.select %gt3A_1006, %jit3A_1010, %jit3A_1011 : i32
          %add3A_1013 = arith.addi %add3A_995, %select_n3A_1012 : i32
          %slice3A_1014 = vector.extract_strided_slice %get3A_1002 {offsets = [1], sizes = [1], strides = [1]} : vector<16xf32> to vector<1xf32>
          %squeeze3A_1015 = vector.extract %slice3A_1014[0] : f32 from vector<1xf32>
          %gt3A_1016 = arith.constant 5.000000e-01 : f32
          %gt3A_1017 = arith.cmpf ogt, %squeeze3A_1015, %gt3A_1016 : f32
          %convert_element_type3A_1018 = arith.extui %gt3A_1017 : i1 to i32
          %cond3A_1019 = arith.constant 0 : i32
          %cond3A_1020 = arith.cmpi ne, %convert_element_type3A_1018, %cond3A_1019 : i32
          scf.if %cond3A_1020 {
            %mul3A_2094 = arith.constant 128 : i32
            %mul3A_2095 = arith.muli %scan3A_613, %mul3A_2094 : i32
            %add3A_2096 = arith.constant 33 : i32
            %add3A_2097 = arith.addi %mul3A_2095, %add3A_2096 : i32
            %broadcast_in_dim3A_2098 = arith.constant 0 : i32
            %broadcast_in_dim3A_2099 = vector.broadcast %broadcast_in_dim3A_2098 : i32 to vector<16xi32>
            %add3A_2100 = vector.broadcast %add3A_2097 : i32 to vector<16xi32>
            %add3A_2101 = arith.addi %broadcast_in_dim3A_2099, %add3A_2100 : vector<16xi32>
            %swap3A_2102 = arith.index_cast %add3A_1013 : i32 to index
            %swap3A_2103 = tpu.vector_load %arg10[%swap3A_2102] {strides = array<i32>} : memref<256xi32, #tpu.memory_space<vmem>>, vector<16xi32>,
            %swap3A_2104 = vector.shape_cast %swap3A_2103 : vector<16xi32> to vector<16xi32>
            %swap3A_2105 = vector.shape_cast %add3A_2101 : vector<16xi32> to vector<16xi32>
            tpu.vector_store %arg10[%swap3A_2102], %swap3A_2105 {strides = array<i32>} : memref<256xi32, #tpu.memory_space<vmem>>, vector<16xi32>,
          } else {
          }
          %jit3A_1021 = arith.constant 1 : i32
          %jit3A_1022 = arith.constant 0 : i32
          %select_n3A_1023 = arith.select %gt3A_1017, %jit3A_1021, %jit3A_1022 : i32
          %add3A_1024 = arith.addi %add3A_1013, %select_n3A_1023 : i32
          %slice3A_1025 = vector.extract_strided_slice %get3A_1002 {offsets = [2], sizes = [1], strides = [1]} : vector<16xf32> to vector<1xf32>
          %squeeze3A_1026 = vector.extract %slice3A_1025[0] : f32 from vector<1xf32>
          %gt3A_1027 = arith.constant 5.000000e-01 : f32
          %gt3A_1028 = arith.cmpf ogt, %squeeze3A_1026, %gt3A_1027 : f32
          %convert_element_type3A_1029 = arith.extui %gt3A_1028 : i1 to i32
          %cond3A_1030 = arith.constant 0 : i32
          %cond3A_1031 = arith.cmpi ne, %convert_element_type3A_1029, %cond3A_1030 : i32
          scf.if %cond3A_1031 {
            %mul3A_2094 = arith.constant 128 : i32
            %mul3A_2095 = arith.muli %scan3A_613, %mul3A_2094 : i32
            %add3A_2096 = arith.constant 34 : i32
            %add3A_2097 = arith.addi %mul3A_2095, %add3A_2096 : i32
            %broadcast_in_dim3A_2098 = arith.constant 0 : i32
            %broadcast_in_dim3A_2099 = vector.broadcast %broadcast_in_dim3A_2098 : i32 to vector<16xi32>
            %add3A_2100 = vector.broadcast %add3A_2097 : i32 to vector<16xi32>
            %add3A_2101 = arith.addi %broadcast_in_dim3A_2099, %add3A_2100 : vector<16xi32>
            %swap3A_2102 = arith.index_cast %add3A_1024 : i32 to index
            %swap3A_2103 = tpu.vector_load %arg10[%swap3A_2102] {strides = array<i32>} : memref<256xi32, #tpu.memory_space<vmem>>, vector<16xi32>,
            %swap3A_2104 = vector.shape_cast %swap3A_2103 : vector<16xi32> to vector<16xi32>
            %swap3A_2105 = vector.shape_cast %add3A_2101 : vector<16xi32> to vector<16xi32>
            tpu.vector_store %arg10[%swap3A_2102], %swap3A_2105 {strides = array<i32>} : memref<256xi32, #tpu.memory_space<vmem>>, vector<16xi32>,
          } else {
          }
          %jit3A_1032 = arith.constant 1 : i32
          %jit3A_1033 = arith.constant 0 : i32
          %select_n3A_1034 = arith.select %gt3A_1028, %jit3A_1032, %jit3A_1033 : i32
          %add3A_1035 = arith.addi %add3A_1024, %select_n3A_1034 : i32
          %slice3A_1036 = vector.extract_strided_slice %get3A_1002 {offsets = [3], sizes = [1], strides = [1]} : vector<16xf32> to vector<1xf32>
          %squeeze3A_1037 = vector.extract %slice3A_1036[0] : f32 from vector<1xf32>
          %gt3A_1038 = arith.constant 5.000000e-01 : f32
          %gt3A_1039 = arith.cmpf ogt, %squeeze3A_1037, %gt3A_1038 : f32
          %convert_element_type3A_1040 = arith.extui %gt3A_1039 : i1 to i32
          %cond3A_1041 = arith.constant 0 : i32
          %cond3A_1042 = arith.cmpi ne, %convert_element_type3A_1040, %cond3A_1041 : i32
          scf.if %cond3A_1042 {
            %mul3A_2094 = arith.constant 128 : i32
            %mul3A_2095 = arith.muli %scan3A_613, %mul3A_2094 : i32
            %add3A_2096 = arith.constant 35 : i32
            %add3A_2097 = arith.addi %mul3A_2095, %add3A_2096 : i32
            %broadcast_in_dim3A_2098 = arith.constant 0 : i32
            %broadcast_in_dim3A_2099 = vector.broadcast %broadcast_in_dim3A_2098 : i32 to vector<16xi32>
            %add3A_2100 = vector.broadcast %add3A_2097 : i32 to vector<16xi32>
            %add3A_2101 = arith.addi %broadcast_in_dim3A_2099, %add3A_2100 : vector<16xi32>
            %swap3A_2102 = arith.index_cast %add3A_1035 : i32 to index
            %swap3A_2103 = tpu.vector_load %arg10[%swap3A_2102] {strides = array<i32>} : memref<256xi32, #tpu.memory_space<vmem>>, vector<16xi32>,
            %swap3A_2104 = vector.shape_cast %swap3A_2103 : vector<16xi32> to vector<16xi32>
            %swap3A_2105 = vector.shape_cast %add3A_2101 : vector<16xi32> to vector<16xi32>
            tpu.vector_store %arg10[%swap3A_2102], %swap3A_2105 {strides = array<i32>} : memref<256xi32, #tpu.memory_space<vmem>>, vector<16xi32>,
          } else {
          }
          %jit3A_1043 = arith.constant 1 : i32
          %jit3A_1044 = arith.constant 0 : i32
          %select_n3A_1045 = arith.select %gt3A_1039, %jit3A_1043, %jit3A_1044 : i32
          %add3A_1046 = arith.addi %add3A_1035, %select_n3A_1045 : i32
          %slice3A_1047 = vector.extract_strided_slice %get3A_1002 {offsets = [4], sizes = [1], strides = [1]} : vector<16xf32> to vector<1xf32>
          %squeeze3A_1048 = vector.extract %slice3A_1047[0] : f32 from vector<1xf32>
          %gt3A_1049 = arith.constant 5.000000e-01 : f32
          %gt3A_1050 = arith.cmpf ogt, %squeeze3A_1048, %gt3A_1049 : f32
          %convert_element_type3A_1051 = arith.extui %gt3A_1050 : i1 to i32
          %cond3A_1052 = arith.constant 0 : i32
          %cond3A_1053 = arith.cmpi ne, %convert_element_type3A_1051, %cond3A_1052 : i32
          scf.if %cond3A_1053 {
            %mul3A_2094 = arith.constant 128 : i32
            %mul3A_2095 = arith.muli %scan3A_613, %mul3A_2094 : i32
            %add3A_2096 = arith.constant 36 : i32
            %add3A_2097 = arith.addi %mul3A_2095, %add3A_2096 : i32
            %broadcast_in_dim3A_2098 = arith.constant 0 : i32
            %broadcast_in_dim3A_2099 = vector.broadcast %broadcast_in_dim3A_2098 : i32 to vector<16xi32>
            %add3A_2100 = vector.broadcast %add3A_2097 : i32 to vector<16xi32>
            %add3A_2101 = arith.addi %broadcast_in_dim3A_2099, %add3A_2100 : vector<16xi32>
            %swap3A_2102 = arith.index_cast %add3A_1046 : i32 to index
            %swap3A_2103 = tpu.vector_load %arg10[%swap3A_2102] {strides = array<i32>} : memref<256xi32, #tpu.memory_space<vmem>>, vector<16xi32>,
            %swap3A_2104 = vector.shape_cast %swap3A_2103 : vector<16xi32> to vector<16xi32>
            %swap3A_2105 = vector.shape_cast %add3A_2101 : vector<16xi32> to vector<16xi32>
            tpu.vector_store %arg10[%swap3A_2102], %swap3A_2105 {strides = array<i32>} : memref<256xi32, #tpu.memory_space<vmem>>, vector<16xi32>,
          } else {
          }
          %jit3A_1054 = arith.constant 1 : i32
          %jit3A_1055 = arith.constant 0 : i32
          %select_n3A_1056 = arith.select %gt3A_1050, %jit3A_1054, %jit3A_1055 : i32
          %add3A_1057 = arith.addi %add3A_1046, %select_n3A_1056 : i32
          %slice3A_1058 = vector.extract_strided_slice %get3A_1002 {offsets = [5], sizes = [1], strides = [1]} : vector<16xf32> to vector<1xf32>
          %squeeze3A_1059 = vector.extract %slice3A_1058[0] : f32 from vector<1xf32>
          %gt3A_1060 = arith.constant 5.000000e-01 : f32
          %gt3A_1061 = arith.cmpf ogt, %squeeze3A_1059, %gt3A_1060 : f32
          %convert_element_type3A_1062 = arith.extui %gt3A_1061 : i1 to i32
          %cond3A_1063 = arith.constant 0 : i32
          %cond3A_1064 = arith.cmpi ne, %convert_element_type3A_1062, %cond3A_1063 : i32
          scf.if %cond3A_1064 {
            %mul3A_2094 = arith.constant 128 : i32
            %mul3A_2095 = arith.muli %scan3A_613, %mul3A_2094 : i32
            %add3A_2096 = arith.constant 37 : i32
            %add3A_2097 = arith.addi %mul3A_2095, %add3A_2096 : i32
            %broadcast_in_dim3A_2098 = arith.constant 0 : i32
            %broadcast_in_dim3A_2099 = vector.broadcast %broadcast_in_dim3A_2098 : i32 to vector<16xi32>
            %add3A_2100 = vector.broadcast %add3A_2097 : i32 to vector<16xi32>
            %add3A_2101 = arith.addi %broadcast_in_dim3A_2099, %add3A_2100 : vector<16xi32>
            %swap3A_2102 = arith.index_cast %add3A_1057 : i32 to index
            %swap3A_2103 = tpu.vector_load %arg10[%swap3A_2102] {strides = array<i32>} : memref<256xi32, #tpu.memory_space<vmem>>, vector<16xi32>,
            %swap3A_2104 = vector.shape_cast %swap3A_2103 : vector<16xi32> to vector<16xi32>
            %swap3A_2105 = vector.shape_cast %add3A_2101 : vector<16xi32> to vector<16xi32>
            tpu.vector_store %arg10[%swap3A_2102], %swap3A_2105 {strides = array<i32>} : memref<256xi32, #tpu.memory_space<vmem>>, vector<16xi32>,
          } else {
          }
          %jit3A_1065 = arith.constant 1 : i32
          %jit3A_1066 = arith.constant 0 : i32
          %select_n3A_1067 = arith.select %gt3A_1061, %jit3A_1065, %jit3A_1066 : i32
          %add3A_1068 = arith.addi %add3A_1057, %select_n3A_1067 : i32
          %slice3A_1069 = vector.extract_strided_slice %get3A_1002 {offsets = [6], sizes = [1], strides = [1]} : vector<16xf32> to vector<1xf32>
          %squeeze3A_1070 = vector.extract %slice3A_1069[0] : f32 from vector<1xf32>
          %gt3A_1071 = arith.constant 5.000000e-01 : f32
          %gt3A_1072 = arith.cmpf ogt, %squeeze3A_1070, %gt3A_1071 : f32
          %convert_element_type3A_1073 = arith.extui %gt3A_1072 : i1 to i32
          %cond3A_1074 = arith.constant 0 : i32
          %cond3A_1075 = arith.cmpi ne, %convert_element_type3A_1073, %cond3A_1074 : i32
          scf.if %cond3A_1075 {
            %mul3A_2094 = arith.constant 128 : i32
            %mul3A_2095 = arith.muli %scan3A_613, %mul3A_2094 : i32
            %add3A_2096 = arith.constant 38 : i32
            %add3A_2097 = arith.addi %mul3A_2095, %add3A_2096 : i32
            %broadcast_in_dim3A_2098 = arith.constant 0 : i32
            %broadcast_in_dim3A_2099 = vector.broadcast %broadcast_in_dim3A_2098 : i32 to vector<16xi32>
            %add3A_2100 = vector.broadcast %add3A_2097 : i32 to vector<16xi32>
            %add3A_2101 = arith.addi %broadcast_in_dim3A_2099, %add3A_2100 : vector<16xi32>
            %swap3A_2102 = arith.index_cast %add3A_1068 : i32 to index
            %swap3A_2103 = tpu.vector_load %arg10[%swap3A_2102] {strides = array<i32>} : memref<256xi32, #tpu.memory_space<vmem>>, vector<16xi32>,
            %swap3A_2104 = vector.shape_cast %swap3A_2103 : vector<16xi32> to vector<16xi32>
            %swap3A_2105 = vector.shape_cast %add3A_2101 : vector<16xi32> to vector<16xi32>
            tpu.vector_store %arg10[%swap3A_2102], %swap3A_2105 {strides = array<i32>} : memref<256xi32, #tpu.memory_space<vmem>>, vector<16xi32>,
          } else {
          }
          %jit3A_1076 = arith.constant 1 : i32
          %jit3A_1077 = arith.constant 0 : i32
          %select_n3A_1078 = arith.select %gt3A_1072, %jit3A_1076, %jit3A_1077 : i32
          %add3A_1079 = arith.addi %add3A_1068, %select_n3A_1078 : i32
          %slice3A_1080 = vector.extract_strided_slice %get3A_1002 {offsets = [7], sizes = [1], strides = [1]} : vector<16xf32> to vector<1xf32>
          %squeeze3A_1081 = vector.extract %slice3A_1080[0] : f32 from vector<1xf32>
          %gt3A_1082 = arith.constant 5.000000e-01 : f32
          %gt3A_1083 = arith.cmpf ogt, %squeeze3A_1081, %gt3A_1082 : f32
          %convert_element_type3A_1084 = arith.extui %gt3A_1083 : i1 to i32
          %cond3A_1085 = arith.constant 0 : i32
          %cond3A_1086 = arith.cmpi ne, %convert_element_type3A_1084, %cond3A_1085 : i32
          scf.if %cond3A_1086 {
            %mul3A_2094 = arith.constant 128 : i32
            %mul3A_2095 = arith.muli %scan3A_613, %mul3A_2094 : i32
            %add3A_2096 = arith.constant 39 : i32
            %add3A_2097 = arith.addi %mul3A_2095, %add3A_2096 : i32
            %broadcast_in_dim3A_2098 = arith.constant 0 : i32
            %broadcast_in_dim3A_2099 = vector.broadcast %broadcast_in_dim3A_2098 : i32 to vector<16xi32>
            %add3A_2100 = vector.broadcast %add3A_2097 : i32 to vector<16xi32>
            %add3A_2101 = arith.addi %broadcast_in_dim3A_2099, %add3A_2100 : vector<16xi32>
            %swap3A_2102 = arith.index_cast %add3A_1079 : i32 to index
            %swap3A_2103 = tpu.vector_load %arg10[%swap3A_2102] {strides = array<i32>} : memref<256xi32, #tpu.memory_space<vmem>>, vector<16xi32>,
            %swap3A_2104 = vector.shape_cast %swap3A_2103 : vector<16xi32> to vector<16xi32>
            %swap3A_2105 = vector.shape_cast %add3A_2101 : vector<16xi32> to vector<16xi32>
            tpu.vector_store %arg10[%swap3A_2102], %swap3A_2105 {strides = array<i32>} : memref<256xi32, #tpu.memory_space<vmem>>, vector<16xi32>,
          } else {
          }
          %jit3A_1087 = arith.constant 1 : i32
          %jit3A_1088 = arith.constant 0 : i32
          %select_n3A_1089 = arith.select %gt3A_1083, %jit3A_1087, %jit3A_1088 : i32
          %add3A_1090 = arith.addi %add3A_1079, %select_n3A_1089 : i32
          %slice3A_1091 = vector.extract_strided_slice %get3A_1002 {offsets = [8], sizes = [1], strides = [1]} : vector<16xf32> to vector<1xf32>
          %squeeze3A_1092 = vector.extract %slice3A_1091[0] : f32 from vector<1xf32>
          %gt3A_1093 = arith.constant 5.000000e-01 : f32
          %gt3A_1094 = arith.cmpf ogt, %squeeze3A_1092, %gt3A_1093 : f32
          %convert_element_type3A_1095 = arith.extui %gt3A_1094 : i1 to i32
          %cond3A_1096 = arith.constant 0 : i32
          %cond3A_1097 = arith.cmpi ne, %convert_element_type3A_1095, %cond3A_1096 : i32
          scf.if %cond3A_1097 {
            %mul3A_2094 = arith.constant 128 : i32
            %mul3A_2095 = arith.muli %scan3A_613, %mul3A_2094 : i32
            %add3A_2096 = arith.constant 40 : i32
            %add3A_2097 = arith.addi %mul3A_2095, %add3A_2096 : i32
            %broadcast_in_dim3A_2098 = arith.constant 0 : i32
            %broadcast_in_dim3A_2099 = vector.broadcast %broadcast_in_dim3A_2098 : i32 to vector<16xi32>
            %add3A_2100 = vector.broadcast %add3A_2097 : i32 to vector<16xi32>
            %add3A_2101 = arith.addi %broadcast_in_dim3A_2099, %add3A_2100 : vector<16xi32>
            %swap3A_2102 = arith.index_cast %add3A_1090 : i32 to index
            %swap3A_2103 = tpu.vector_load %arg10[%swap3A_2102] {strides = array<i32>} : memref<256xi32, #tpu.memory_space<vmem>>, vector<16xi32>,
            %swap3A_2104 = vector.shape_cast %swap3A_2103 : vector<16xi32> to vector<16xi32>
            %swap3A_2105 = vector.shape_cast %add3A_2101 : vector<16xi32> to vector<16xi32>
            tpu.vector_store %arg10[%swap3A_2102], %swap3A_2105 {strides = array<i32>} : memref<256xi32, #tpu.memory_space<vmem>>, vector<16xi32>,
          } else {
          }
          %jit3A_1098 = arith.constant 1 : i32
          %jit3A_1099 = arith.constant 0 : i32
          %select_n3A_1100 = arith.select %gt3A_1094, %jit3A_1098, %jit3A_1099 : i32
          %add3A_1101 = arith.addi %add3A_1090, %select_n3A_1100 : i32
          %slice3A_1102 = vector.extract_strided_slice %get3A_1002 {offsets = [9], sizes = [1], strides = [1]} : vector<16xf32> to vector<1xf32>
          %squeeze3A_1103 = vector.extract %slice3A_1102[0] : f32 from vector<1xf32>
          %gt3A_1104 = arith.constant 5.000000e-01 : f32
          %gt3A_1105 = arith.cmpf ogt, %squeeze3A_1103, %gt3A_1104 : f32
          %convert_element_type3A_1106 = arith.extui %gt3A_1105 : i1 to i32
          %cond3A_1107 = arith.constant 0 : i32
          %cond3A_1108 = arith.cmpi ne, %convert_element_type3A_1106, %cond3A_1107 : i32
          scf.if %cond3A_1108 {
            %mul3A_2094 = arith.constant 128 : i32
            %mul3A_2095 = arith.muli %scan3A_613, %mul3A_2094 : i32
            %add3A_2096 = arith.constant 41 : i32
            %add3A_2097 = arith.addi %mul3A_2095, %add3A_2096 : i32
            %broadcast_in_dim3A_2098 = arith.constant 0 : i32
            %broadcast_in_dim3A_2099 = vector.broadcast %broadcast_in_dim3A_2098 : i32 to vector<16xi32>
            %add3A_2100 = vector.broadcast %add3A_2097 : i32 to vector<16xi32>
            %add3A_2101 = arith.addi %broadcast_in_dim3A_2099, %add3A_2100 : vector<16xi32>
            %swap3A_2102 = arith.index_cast %add3A_1101 : i32 to index
            %swap3A_2103 = tpu.vector_load %arg10[%swap3A_2102] {strides = array<i32>} : memref<256xi32, #tpu.memory_space<vmem>>, vector<16xi32>,
            %swap3A_2104 = vector.shape_cast %swap3A_2103 : vector<16xi32> to vector<16xi32>
            %swap3A_2105 = vector.shape_cast %add3A_2101 : vector<16xi32> to vector<16xi32>
            tpu.vector_store %arg10[%swap3A_2102], %swap3A_2105 {strides = array<i32>} : memref<256xi32, #tpu.memory_space<vmem>>, vector<16xi32>,
          } else {
          }
          %jit3A_1109 = arith.constant 1 : i32
          %jit3A_1110 = arith.constant 0 : i32
          %select_n3A_1111 = arith.select %gt3A_1105, %jit3A_1109, %jit3A_1110 : i32
          %add3A_1112 = arith.addi %add3A_1101, %select_n3A_1111 : i32
          %slice3A_1113 = vector.extract_strided_slice %get3A_1002 {offsets = [10], sizes = [1], strides = [1]} : vector<16xf32> to vector<1xf32>
          %squeeze3A_1114 = vector.extract %slice3A_1113[0] : f32 from vector<1xf32>
          %gt3A_1115 = arith.constant 5.000000e-01 : f32
          %gt3A_1116 = arith.cmpf ogt, %squeeze3A_1114, %gt3A_1115 : f32
          %convert_element_type3A_1117 = arith.extui %gt3A_1116 : i1 to i32
          %cond3A_1118 = arith.constant 0 : i32
          %cond3A_1119 = arith.cmpi ne, %convert_element_type3A_1117, %cond3A_1118 : i32
          scf.if %cond3A_1119 {
            %mul3A_2094 = arith.constant 128 : i32
            %mul3A_2095 = arith.muli %scan3A_613, %mul3A_2094 : i32
            %add3A_2096 = arith.constant 42 : i32
            %add3A_2097 = arith.addi %mul3A_2095, %add3A_2096 : i32
            %broadcast_in_dim3A_2098 = arith.constant 0 : i32
            %broadcast_in_dim3A_2099 = vector.broadcast %broadcast_in_dim3A_2098 : i32 to vector<16xi32>
            %add3A_2100 = vector.broadcast %add3A_2097 : i32 to vector<16xi32>
            %add3A_2101 = arith.addi %broadcast_in_dim3A_2099, %add3A_2100 : vector<16xi32>
            %swap3A_2102 = arith.index_cast %add3A_1112 : i32 to index
            %swap3A_2103 = tpu.vector_load %arg10[%swap3A_2102] {strides = array<i32>} : memref<256xi32, #tpu.memory_space<vmem>>, vector<16xi32>,
            %swap3A_2104 = vector.shape_cast %swap3A_2103 : vector<16xi32> to vector<16xi32>
            %swap3A_2105 = vector.shape_cast %add3A_2101 : vector<16xi32> to vector<16xi32>
            tpu.vector_store %arg10[%swap3A_2102], %swap3A_2105 {strides = array<i32>} : memref<256xi32, #tpu.memory_space<vmem>>, vector<16xi32>,
          } else {
          }
          %jit3A_1120 = arith.constant 1 : i32
          %jit3A_1121 = arith.constant 0 : i32
          %select_n3A_1122 = arith.select %gt3A_1116, %jit3A_1120, %jit3A_1121 : i32
          %add3A_1123 = arith.addi %add3A_1112, %select_n3A_1122 : i32
          %slice3A_1124 = vector.extract_strided_slice %get3A_1002 {offsets = [11], sizes = [1], strides = [1]} : vector<16xf32> to vector<1xf32>
          %squeeze3A_1125 = vector.extract %slice3A_1124[0] : f32 from vector<1xf32>
          %gt3A_1126 = arith.constant 5.000000e-01 : f32
          %gt3A_1127 = arith.cmpf ogt, %squeeze3A_1125, %gt3A_1126 : f32
          %convert_element_type3A_1128 = arith.extui %gt3A_1127 : i1 to i32
          %cond3A_1129 = arith.constant 0 : i32
          %cond3A_1130 = arith.cmpi ne, %convert_element_type3A_1128, %cond3A_1129 : i32
          scf.if %cond3A_1130 {
            %mul3A_2094 = arith.constant 128 : i32
            %mul3A_2095 = arith.muli %scan3A_613, %mul3A_2094 : i32
            %add3A_2096 = arith.constant 43 : i32
            %add3A_2097 = arith.addi %mul3A_2095, %add3A_2096 : i32
            %broadcast_in_dim3A_2098 = arith.constant 0 : i32
            %broadcast_in_dim3A_2099 = vector.broadcast %broadcast_in_dim3A_2098 : i32 to vector<16xi32>
            %add3A_2100 = vector.broadcast %add3A_2097 : i32 to vector<16xi32>
            %add3A_2101 = arith.addi %broadcast_in_dim3A_2099, %add3A_2100 : vector<16xi32>
            %swap3A_2102 = arith.index_cast %add3A_1123 : i32 to index
            %swap3A_2103 = tpu.vector_load %arg10[%swap3A_2102] {strides = array<i32>} : memref<256xi32, #tpu.memory_space<vmem>>, vector<16xi32>,
            %swap3A_2104 = vector.shape_cast %swap3A_2103 : vector<16xi32> to vector<16xi32>
            %swap3A_2105 = vector.shape_cast %add3A_2101 : vector<16xi32> to vector<16xi32>
            tpu.vector_store %arg10[%swap3A_2102], %swap3A_2105 {strides = array<i32>} : memref<256xi32, #tpu.memory_space<vmem>>, vector<16xi32>,
          } else {
          }
          %jit3A_1131 = arith.constant 1 : i32
          %jit3A_1132 = arith.constant 0 : i32
          %select_n3A_1133 = arith.select %gt3A_1127, %jit3A_1131, %jit3A_1132 : i32
          %add3A_1134 = arith.addi %add3A_1123, %select_n3A_1133 : i32
          %slice3A_1135 = vector.extract_strided_slice %get3A_1002 {offsets = [12], sizes = [1], strides = [1]} : vector<16xf32> to vector<1xf32>
          %squeeze3A_1136 = vector.extract %slice3A_1135[0] : f32 from vector<1xf32>
          %gt3A_1137 = arith.constant 5.000000e-01 : f32
          %gt3A_1138 = arith.cmpf ogt, %squeeze3A_1136, %gt3A_1137 : f32
          %convert_element_type3A_1139 = arith.extui %gt3A_1138 : i1 to i32
          %cond3A_1140 = arith.constant 0 : i32
          %cond3A_1141 = arith.cmpi ne, %convert_element_type3A_1139, %cond3A_1140 : i32
          scf.if %cond3A_1141 {
            %mul3A_2094 = arith.constant 128 : i32
            %mul3A_2095 = arith.muli %scan3A_613, %mul3A_2094 : i32
            %add3A_2096 = arith.constant 44 : i32
            %add3A_2097 = arith.addi %mul3A_2095, %add3A_2096 : i32
            %broadcast_in_dim3A_2098 = arith.constant 0 : i32
            %broadcast_in_dim3A_2099 = vector.broadcast %broadcast_in_dim3A_2098 : i32 to vector<16xi32>
            %add3A_2100 = vector.broadcast %add3A_2097 : i32 to vector<16xi32>
            %add3A_2101 = arith.addi %broadcast_in_dim3A_2099, %add3A_2100 : vector<16xi32>
            %swap3A_2102 = arith.index_cast %add3A_1134 : i32 to index
            %swap3A_2103 = tpu.vector_load %arg10[%swap3A_2102] {strides = array<i32>} : memref<256xi32, #tpu.memory_space<vmem>>, vector<16xi32>,
            %swap3A_2104 = vector.shape_cast %swap3A_2103 : vector<16xi32> to vector<16xi32>
            %swap3A_2105 = vector.shape_cast %add3A_2101 : vector<16xi32> to vector<16xi32>
            tpu.vector_store %arg10[%swap3A_2102], %swap3A_2105 {strides = array<i32>} : memref<256xi32, #tpu.memory_space<vmem>>, vector<16xi32>,
          } else {
          }
          %jit3A_1142 = arith.constant 1 : i32
          %jit3A_1143 = arith.constant 0 : i32
          %select_n3A_1144 = arith.select %gt3A_1138, %jit3A_1142, %jit3A_1143 : i32
          %add3A_1145 = arith.addi %add3A_1134, %select_n3A_1144 : i32
          %slice3A_1146 = vector.extract_strided_slice %get3A_1002 {offsets = [13], sizes = [1], strides = [1]} : vector<16xf32> to vector<1xf32>
          %squeeze3A_1147 = vector.extract %slice3A_1146[0] : f32 from vector<1xf32>
          %gt3A_1148 = arith.constant 5.000000e-01 : f32
          %gt3A_1149 = arith.cmpf ogt, %squeeze3A_1147, %gt3A_1148 : f32
          %convert_element_type3A_1150 = arith.extui %gt3A_1149 : i1 to i32
          %cond3A_1151 = arith.constant 0 : i32
          %cond3A_1152 = arith.cmpi ne, %convert_element_type3A_1150, %cond3A_1151 : i32
          scf.if %cond3A_1152 {
            %mul3A_2094 = arith.constant 128 : i32
            %mul3A_2095 = arith.muli %scan3A_613, %mul3A_2094 : i32
            %add3A_2096 = arith.constant 45 : i32
            %add3A_2097 = arith.addi %mul3A_2095, %add3A_2096 : i32
            %broadcast_in_dim3A_2098 = arith.constant 0 : i32
            %broadcast_in_dim3A_2099 = vector.broadcast %broadcast_in_dim3A_2098 : i32 to vector<16xi32>
            %add3A_2100 = vector.broadcast %add3A_2097 : i32 to vector<16xi32>
            %add3A_2101 = arith.addi %broadcast_in_dim3A_2099, %add3A_2100 : vector<16xi32>
            %swap3A_2102 = arith.index_cast %add3A_1145 : i32 to index
            %swap3A_2103 = tpu.vector_load %arg10[%swap3A_2102] {strides = array<i32>} : memref<256xi32, #tpu.memory_space<vmem>>, vector<16xi32>,
            %swap3A_2104 = vector.shape_cast %swap3A_2103 : vector<16xi32> to vector<16xi32>
            %swap3A_2105 = vector.shape_cast %add3A_2101 : vector<16xi32> to vector<16xi32>
            tpu.vector_store %arg10[%swap3A_2102], %swap3A_2105 {strides = array<i32>} : memref<256xi32, #tpu.memory_space<vmem>>, vector<16xi32>,
          } else {
          }
          %jit3A_1153 = arith.constant 1 : i32
          %jit3A_1154 = arith.constant 0 : i32
          %select_n3A_1155 = arith.select %gt3A_1149, %jit3A_1153, %jit3A_1154 : i32
          %add3A_1156 = arith.addi %add3A_1145, %select_n3A_1155 : i32
          %slice3A_1157 = vector.extract_strided_slice %get3A_1002 {offsets = [14], sizes = [1], strides = [1]} : vector<16xf32> to vector<1xf32>
          %squeeze3A_1158 = vector.extract %slice3A_1157[0] : f32 from vector<1xf32>
          %gt3A_1159 = arith.constant 5.000000e-01 : f32
          %gt3A_1160 = arith.cmpf ogt, %squeeze3A_1158, %gt3A_1159 : f32
          %convert_element_type3A_1161 = arith.extui %gt3A_1160 : i1 to i32
          %cond3A_1162 = arith.constant 0 : i32
          %cond3A_1163 = arith.cmpi ne, %convert_element_type3A_1161, %cond3A_1162 : i32
          scf.if %cond3A_1163 {
            %mul3A_2094 = arith.constant 128 : i32
            %mul3A_2095 = arith.muli %scan3A_613, %mul3A_2094 : i32
            %add3A_2096 = arith.constant 46 : i32
            %add3A_2097 = arith.addi %mul3A_2095, %add3A_2096 : i32
            %broadcast_in_dim3A_2098 = arith.constant 0 : i32
            %broadcast_in_dim3A_2099 = vector.broadcast %broadcast_in_dim3A_2098 : i32 to vector<16xi32>
            %add3A_2100 = vector.broadcast %add3A_2097 : i32 to vector<16xi32>
            %add3A_2101 = arith.addi %broadcast_in_dim3A_2099, %add3A_2100 : vector<16xi32>
            %swap3A_2102 = arith.index_cast %add3A_1156 : i32 to index
            %swap3A_2103 = tpu.vector_load %arg10[%swap3A_2102] {strides = array<i32>} : memref<256xi32, #tpu.memory_space<vmem>>, vector<16xi32>,
            %swap3A_2104 = vector.shape_cast %swap3A_2103 : vector<16xi32> to vector<16xi32>
            %swap3A_2105 = vector.shape_cast %add3A_2101 : vector<16xi32> to vector<16xi32>
            tpu.vector_store %arg10[%swap3A_2102], %swap3A_2105 {strides = array<i32>} : memref<256xi32, #tpu.memory_space<vmem>>, vector<16xi32>,
          } else {
          }
          %jit3A_1164 = arith.constant 1 : i32
          %jit3A_1165 = arith.constant 0 : i32
          %select_n3A_1166 = arith.select %gt3A_1160, %jit3A_1164, %jit3A_1165 : i32
          %add3A_1167 = arith.addi %add3A_1156, %select_n3A_1166 : i32
          %slice3A_1168 = vector.extract_strided_slice %get3A_1002 {offsets = [15], sizes = [1], strides = [1]} : vector<16xf32> to vector<1xf32>
          %squeeze3A_1169 = vector.extract %slice3A_1168[0] : f32 from vector<1xf32>
          %gt3A_1170 = arith.constant 5.000000e-01 : f32
          %gt3A_1171 = arith.cmpf ogt, %squeeze3A_1169, %gt3A_1170 : f32
          %convert_element_type3A_1172 = arith.extui %gt3A_1171 : i1 to i32
          %cond3A_1173 = arith.constant 0 : i32
          %cond3A_1174 = arith.cmpi ne, %convert_element_type3A_1172, %cond3A_1173 : i32
          scf.if %cond3A_1174 {
            %mul3A_2094 = arith.constant 128 : i32
            %mul3A_2095 = arith.muli %scan3A_613, %mul3A_2094 : i32
            %add3A_2096 = arith.constant 47 : i32
            %add3A_2097 = arith.addi %mul3A_2095, %add3A_2096 : i32
            %broadcast_in_dim3A_2098 = arith.constant 0 : i32
            %broadcast_in_dim3A_2099 = vector.broadcast %broadcast_in_dim3A_2098 : i32 to vector<16xi32>
            %add3A_2100 = vector.broadcast %add3A_2097 : i32 to vector<16xi32>
            %add3A_2101 = arith.addi %broadcast_in_dim3A_2099, %add3A_2100 : vector<16xi32>
            %swap3A_2102 = arith.index_cast %add3A_1167 : i32 to index
            %swap3A_2103 = tpu.vector_load %arg10[%swap3A_2102] {strides = array<i32>} : memref<256xi32, #tpu.memory_space<vmem>>, vector<16xi32>,
            %swap3A_2104 = vector.shape_cast %swap3A_2103 : vector<16xi32> to vector<16xi32>
            %swap3A_2105 = vector.shape_cast %add3A_2101 : vector<16xi32> to vector<16xi32>
            tpu.vector_store %arg10[%swap3A_2102], %swap3A_2105 {strides = array<i32>} : memref<256xi32, #tpu.memory_space<vmem>>, vector<16xi32>,
          } else {
          }
          %jit3A_1175 = arith.constant 1 : i32
          %jit3A_1176 = arith.constant 0 : i32
          %select_n3A_1177 = arith.select %gt3A_1171, %jit3A_1175, %jit3A_1176 : i32
          %add3A_1178 = arith.addi %add3A_1167, %select_n3A_1177 : i32
          %mul3A_1179 = arith.constant 128 : i32
          %mul3A_1180 = arith.muli %scan3A_613, %mul3A_1179 : i32
          %add3A_1181 = arith.constant 48 : i32
          %add3A_1182 = arith.addi %mul3A_1180, %add3A_1181 : i32
          %get3A_1183 = arith.index_cast %add3A_1182 : i32 to index
          %get3A_1184 = tpu.vector_load %arg7[%get3A_1183] {strides = array<i32>} : memref<8192xf32, #tpu.memory_space<vmem>>, vector<16xf32>,
          %get3A_1185 = vector.shape_cast %get3A_1184 : vector<16xf32> to vector<16xf32>
          %slice3A_1186 = vector.extract_strided_slice %get3A_1185 {offsets = [0], sizes = [1], strides = [1]} : vector<16xf32> to vector<1xf32>
          %squeeze3A_1187 = vector.extract %slice3A_1186[0] : f32 from vector<1xf32>
          %gt3A_1188 = arith.constant 5.000000e-01 : f32
          %gt3A_1189 = arith.cmpf ogt, %squeeze3A_1187, %gt3A_1188 : f32
          %convert_element_type3A_1190 = arith.extui %gt3A_1189 : i1 to i32
          %cond3A_1191 = arith.constant 0 : i32
          %cond3A_1192 = arith.cmpi ne, %convert_element_type3A_1190, %cond3A_1191 : i32
          scf.if %cond3A_1192 {
            %mul3A_2094 = arith.constant 128 : i32
            %mul3A_2095 = arith.muli %scan3A_613, %mul3A_2094 : i32
            %add3A_2096 = arith.constant 48 : i32
            %add3A_2097 = arith.addi %mul3A_2095, %add3A_2096 : i32
            %broadcast_in_dim3A_2098 = arith.constant 0 : i32
            %broadcast_in_dim3A_2099 = vector.broadcast %broadcast_in_dim3A_2098 : i32 to vector<16xi32>
            %add3A_2100 = vector.broadcast %add3A_2097 : i32 to vector<16xi32>
            %add3A_2101 = arith.addi %broadcast_in_dim3A_2099, %add3A_2100 : vector<16xi32>
            %swap3A_2102 = arith.index_cast %add3A_1178 : i32 to index
            %swap3A_2103 = tpu.vector_load %arg10[%swap3A_2102] {strides = array<i32>} : memref<256xi32, #tpu.memory_space<vmem>>, vector<16xi32>,
            %swap3A_2104 = vector.shape_cast %swap3A_2103 : vector<16xi32> to vector<16xi32>
            %swap3A_2105 = vector.shape_cast %add3A_2101 : vector<16xi32> to vector<16xi32>
            tpu.vector_store %arg10[%swap3A_2102], %swap3A_2105 {strides = array<i32>} : memref<256xi32, #tpu.memory_space<vmem>>, vector<16xi32>,
          } else {
          }
          %jit3A_1193 = arith.constant 1 : i32
          %jit3A_1194 = arith.constant 0 : i32
          %select_n3A_1195 = arith.select %gt3A_1189, %jit3A_1193, %jit3A_1194 : i32
          %add3A_1196 = arith.addi %add3A_1178, %select_n3A_1195 : i32
          %slice3A_1197 = vector.extract_strided_slice %get3A_1185 {offsets = [1], sizes = [1], strides = [1]} : vector<16xf32> to vector<1xf32>
          %squeeze3A_1198 = vector.extract %slice3A_1197[0] : f32 from vector<1xf32>
          %gt3A_1199 = arith.constant 5.000000e-01 : f32
          %gt3A_1200 = arith.cmpf ogt, %squeeze3A_1198, %gt3A_1199 : f32
          %convert_element_type3A_1201 = arith.extui %gt3A_1200 : i1 to i32
          %cond3A_1202 = arith.constant 0 : i32
          %cond3A_1203 = arith.cmpi ne, %convert_element_type3A_1201, %cond3A_1202 : i32
          scf.if %cond3A_1203 {
            %mul3A_2094 = arith.constant 128 : i32
            %mul3A_2095 = arith.muli %scan3A_613, %mul3A_2094 : i32
            %add3A_2096 = arith.constant 49 : i32
            %add3A_2097 = arith.addi %mul3A_2095, %add3A_2096 : i32
            %broadcast_in_dim3A_2098 = arith.constant 0 : i32
            %broadcast_in_dim3A_2099 = vector.broadcast %broadcast_in_dim3A_2098 : i32 to vector<16xi32>
            %add3A_2100 = vector.broadcast %add3A_2097 : i32 to vector<16xi32>
            %add3A_2101 = arith.addi %broadcast_in_dim3A_2099, %add3A_2100 : vector<16xi32>
            %swap3A_2102 = arith.index_cast %add3A_1196 : i32 to index
            %swap3A_2103 = tpu.vector_load %arg10[%swap3A_2102] {strides = array<i32>} : memref<256xi32, #tpu.memory_space<vmem>>, vector<16xi32>,
            %swap3A_2104 = vector.shape_cast %swap3A_2103 : vector<16xi32> to vector<16xi32>
            %swap3A_2105 = vector.shape_cast %add3A_2101 : vector<16xi32> to vector<16xi32>
            tpu.vector_store %arg10[%swap3A_2102], %swap3A_2105 {strides = array<i32>} : memref<256xi32, #tpu.memory_space<vmem>>, vector<16xi32>,
          } else {
          }
          %jit3A_1204 = arith.constant 1 : i32
          %jit3A_1205 = arith.constant 0 : i32
          %select_n3A_1206 = arith.select %gt3A_1200, %jit3A_1204, %jit3A_1205 : i32
          %add3A_1207 = arith.addi %add3A_1196, %select_n3A_1206 : i32
          %slice3A_1208 = vector.extract_strided_slice %get3A_1185 {offsets = [2], sizes = [1], strides = [1]} : vector<16xf32> to vector<1xf32>
          %squeeze3A_1209 = vector.extract %slice3A_1208[0] : f32 from vector<1xf32>
          %gt3A_1210 = arith.constant 5.000000e-01 : f32
          %gt3A_1211 = arith.cmpf ogt, %squeeze3A_1209, %gt3A_1210 : f32
          %convert_element_type3A_1212 = arith.extui %gt3A_1211 : i1 to i32
          %cond3A_1213 = arith.constant 0 : i32
          %cond3A_1214 = arith.cmpi ne, %convert_element_type3A_1212, %cond3A_1213 : i32
          scf.if %cond3A_1214 {
            %mul3A_2094 = arith.constant 128 : i32
            %mul3A_2095 = arith.muli %scan3A_613, %mul3A_2094 : i32
            %add3A_2096 = arith.constant 50 : i32
            %add3A_2097 = arith.addi %mul3A_2095, %add3A_2096 : i32
            %broadcast_in_dim3A_2098 = arith.constant 0 : i32
            %broadcast_in_dim3A_2099 = vector.broadcast %broadcast_in_dim3A_2098 : i32 to vector<16xi32>
            %add3A_2100 = vector.broadcast %add3A_2097 : i32 to vector<16xi32>
            %add3A_2101 = arith.addi %broadcast_in_dim3A_2099, %add3A_2100 : vector<16xi32>
            %swap3A_2102 = arith.index_cast %add3A_1207 : i32 to index
            %swap3A_2103 = tpu.vector_load %arg10[%swap3A_2102] {strides = array<i32>} : memref<256xi32, #tpu.memory_space<vmem>>, vector<16xi32>,
            %swap3A_2104 = vector.shape_cast %swap3A_2103 : vector<16xi32> to vector<16xi32>
            %swap3A_2105 = vector.shape_cast %add3A_2101 : vector<16xi32> to vector<16xi32>
            tpu.vector_store %arg10[%swap3A_2102], %swap3A_2105 {strides = array<i32>} : memref<256xi32, #tpu.memory_space<vmem>>, vector<16xi32>,
          } else {
          }
          %jit3A_1215 = arith.constant 1 : i32
          %jit3A_1216 = arith.constant 0 : i32
          %select_n3A_1217 = arith.select %gt3A_1211, %jit3A_1215, %jit3A_1216 : i32
          %add3A_1218 = arith.addi %add3A_1207, %select_n3A_1217 : i32
          %slice3A_1219 = vector.extract_strided_slice %get3A_1185 {offsets = [3], sizes = [1], strides = [1]} : vector<16xf32> to vector<1xf32>
          %squeeze3A_1220 = vector.extract %slice3A_1219[0] : f32 from vector<1xf32>
          %gt3A_1221 = arith.constant 5.000000e-01 : f32
          %gt3A_1222 = arith.cmpf ogt, %squeeze3A_1220, %gt3A_1221 : f32
          %convert_element_type3A_1223 = arith.extui %gt3A_1222 : i1 to i32
          %cond3A_1224 = arith.constant 0 : i32
          %cond3A_1225 = arith.cmpi ne, %convert_element_type3A_1223, %cond3A_1224 : i32
          scf.if %cond3A_1225 {
            %mul3A_2094 = arith.constant 128 : i32
            %mul3A_2095 = arith.muli %scan3A_613, %mul3A_2094 : i32
            %add3A_2096 = arith.constant 51 : i32
            %add3A_2097 = arith.addi %mul3A_2095, %add3A_2096 : i32
            %broadcast_in_dim3A_2098 = arith.constant 0 : i32
            %broadcast_in_dim3A_2099 = vector.broadcast %broadcast_in_dim3A_2098 : i32 to vector<16xi32>
            %add3A_2100 = vector.broadcast %add3A_2097 : i32 to vector<16xi32>
            %add3A_2101 = arith.addi %broadcast_in_dim3A_2099, %add3A_2100 : vector<16xi32>
            %swap3A_2102 = arith.index_cast %add3A_1218 : i32 to index
            %swap3A_2103 = tpu.vector_load %arg10[%swap3A_2102] {strides = array<i32>} : memref<256xi32, #tpu.memory_space<vmem>>, vector<16xi32>,
            %swap3A_2104 = vector.shape_cast %swap3A_2103 : vector<16xi32> to vector<16xi32>
            %swap3A_2105 = vector.shape_cast %add3A_2101 : vector<16xi32> to vector<16xi32>
            tpu.vector_store %arg10[%swap3A_2102], %swap3A_2105 {strides = array<i32>} : memref<256xi32, #tpu.memory_space<vmem>>, vector<16xi32>,
          } else {
          }
          %jit3A_1226 = arith.constant 1 : i32
          %jit3A_1227 = arith.constant 0 : i32
          %select_n3A_1228 = arith.select %gt3A_1222, %jit3A_1226, %jit3A_1227 : i32
          %add3A_1229 = arith.addi %add3A_1218, %select_n3A_1228 : i32
          %slice3A_1230 = vector.extract_strided_slice %get3A_1185 {offsets = [4], sizes = [1], strides = [1]} : vector<16xf32> to vector<1xf32>
          %squeeze3A_1231 = vector.extract %slice3A_1230[0] : f32 from vector<1xf32>
          %gt3A_1232 = arith.constant 5.000000e-01 : f32
          %gt3A_1233 = arith.cmpf ogt, %squeeze3A_1231, %gt3A_1232 : f32
          %convert_element_type3A_1234 = arith.extui %gt3A_1233 : i1 to i32
          %cond3A_1235 = arith.constant 0 : i32
          %cond3A_1236 = arith.cmpi ne, %convert_element_type3A_1234, %cond3A_1235 : i32
          scf.if %cond3A_1236 {
            %mul3A_2094 = arith.constant 128 : i32
            %mul3A_2095 = arith.muli %scan3A_613, %mul3A_2094 : i32
            %add3A_2096 = arith.constant 52 : i32
            %add3A_2097 = arith.addi %mul3A_2095, %add3A_2096 : i32
            %broadcast_in_dim3A_2098 = arith.constant 0 : i32
            %broadcast_in_dim3A_2099 = vector.broadcast %broadcast_in_dim3A_2098 : i32 to vector<16xi32>
            %add3A_2100 = vector.broadcast %add3A_2097 : i32 to vector<16xi32>
            %add3A_2101 = arith.addi %broadcast_in_dim3A_2099, %add3A_2100 : vector<16xi32>
            %swap3A_2102 = arith.index_cast %add3A_1229 : i32 to index
            %swap3A_2103 = tpu.vector_load %arg10[%swap3A_2102] {strides = array<i32>} : memref<256xi32, #tpu.memory_space<vmem>>, vector<16xi32>,
            %swap3A_2104 = vector.shape_cast %swap3A_2103 : vector<16xi32> to vector<16xi32>
            %swap3A_2105 = vector.shape_cast %add3A_2101 : vector<16xi32> to vector<16xi32>
            tpu.vector_store %arg10[%swap3A_2102], %swap3A_2105 {strides = array<i32>} : memref<256xi32, #tpu.memory_space<vmem>>, vector<16xi32>,
          } else {
          }
          %jit3A_1237 = arith.constant 1 : i32
          %jit3A_1238 = arith.constant 0 : i32
          %select_n3A_1239 = arith.select %gt3A_1233, %jit3A_1237, %jit3A_1238 : i32
          %add3A_1240 = arith.addi %add3A_1229, %select_n3A_1239 : i32
          %slice3A_1241 = vector.extract_strided_slice %get3A_1185 {offsets = [5], sizes = [1], strides = [1]} : vector<16xf32> to vector<1xf32>
          %squeeze3A_1242 = vector.extract %slice3A_1241[0] : f32 from vector<1xf32>
          %gt3A_1243 = arith.constant 5.000000e-01 : f32
          %gt3A_1244 = arith.cmpf ogt, %squeeze3A_1242, %gt3A_1243 : f32
          %convert_element_type3A_1245 = arith.extui %gt3A_1244 : i1 to i32
          %cond3A_1246 = arith.constant 0 : i32
          %cond3A_1247 = arith.cmpi ne, %convert_element_type3A_1245, %cond3A_1246 : i32
          scf.if %cond3A_1247 {
            %mul3A_2094 = arith.constant 128 : i32
            %mul3A_2095 = arith.muli %scan3A_613, %mul3A_2094 : i32
            %add3A_2096 = arith.constant 53 : i32
            %add3A_2097 = arith.addi %mul3A_2095, %add3A_2096 : i32
            %broadcast_in_dim3A_2098 = arith.constant 0 : i32
            %broadcast_in_dim3A_2099 = vector.broadcast %broadcast_in_dim3A_2098 : i32 to vector<16xi32>
            %add3A_2100 = vector.broadcast %add3A_2097 : i32 to vector<16xi32>
            %add3A_2101 = arith.addi %broadcast_in_dim3A_2099, %add3A_2100 : vector<16xi32>
            %swap3A_2102 = arith.index_cast %add3A_1240 : i32 to index
            %swap3A_2103 = tpu.vector_load %arg10[%swap3A_2102] {strides = array<i32>} : memref<256xi32, #tpu.memory_space<vmem>>, vector<16xi32>,
            %swap3A_2104 = vector.shape_cast %swap3A_2103 : vector<16xi32> to vector<16xi32>
            %swap3A_2105 = vector.shape_cast %add3A_2101 : vector<16xi32> to vector<16xi32>
            tpu.vector_store %arg10[%swap3A_2102], %swap3A_2105 {strides = array<i32>} : memref<256xi32, #tpu.memory_space<vmem>>, vector<16xi32>,
          } else {
          }
          %jit3A_1248 = arith.constant 1 : i32
          %jit3A_1249 = arith.constant 0 : i32
          %select_n3A_1250 = arith.select %gt3A_1244, %jit3A_1248, %jit3A_1249 : i32
          %add3A_1251 = arith.addi %add3A_1240, %select_n3A_1250 : i32
          %slice3A_1252 = vector.extract_strided_slice %get3A_1185 {offsets = [6], sizes = [1], strides = [1]} : vector<16xf32> to vector<1xf32>
          %squeeze3A_1253 = vector.extract %slice3A_1252[0] : f32 from vector<1xf32>
          %gt3A_1254 = arith.constant 5.000000e-01 : f32
          %gt3A_1255 = arith.cmpf ogt, %squeeze3A_1253, %gt3A_1254 : f32
          %convert_element_type3A_1256 = arith.extui %gt3A_1255 : i1 to i32
          %cond3A_1257 = arith.constant 0 : i32
          %cond3A_1258 = arith.cmpi ne, %convert_element_type3A_1256, %cond3A_1257 : i32
          scf.if %cond3A_1258 {
            %mul3A_2094 = arith.constant 128 : i32
            %mul3A_2095 = arith.muli %scan3A_613, %mul3A_2094 : i32
            %add3A_2096 = arith.constant 54 : i32
            %add3A_2097 = arith.addi %mul3A_2095, %add3A_2096 : i32
            %broadcast_in_dim3A_2098 = arith.constant 0 : i32
            %broadcast_in_dim3A_2099 = vector.broadcast %broadcast_in_dim3A_2098 : i32 to vector<16xi32>
            %add3A_2100 = vector.broadcast %add3A_2097 : i32 to vector<16xi32>
            %add3A_2101 = arith.addi %broadcast_in_dim3A_2099, %add3A_2100 : vector<16xi32>
            %swap3A_2102 = arith.index_cast %add3A_1251 : i32 to index
            %swap3A_2103 = tpu.vector_load %arg10[%swap3A_2102] {strides = array<i32>} : memref<256xi32, #tpu.memory_space<vmem>>, vector<16xi32>,
            %swap3A_2104 = vector.shape_cast %swap3A_2103 : vector<16xi32> to vector<16xi32>
            %swap3A_2105 = vector.shape_cast %add3A_2101 : vector<16xi32> to vector<16xi32>
            tpu.vector_store %arg10[%swap3A_2102], %swap3A_2105 {strides = array<i32>} : memref<256xi32, #tpu.memory_space<vmem>>, vector<16xi32>,
          } else {
          }
          %jit3A_1259 = arith.constant 1 : i32
          %jit3A_1260 = arith.constant 0 : i32
          %select_n3A_1261 = arith.select %gt3A_1255, %jit3A_1259, %jit3A_1260 : i32
          %add3A_1262 = arith.addi %add3A_1251, %select_n3A_1261 : i32
          %slice3A_1263 = vector.extract_strided_slice %get3A_1185 {offsets = [7], sizes = [1], strides = [1]} : vector<16xf32> to vector<1xf32>
          %squeeze3A_1264 = vector.extract %slice3A_1263[0] : f32 from vector<1xf32>
          %gt3A_1265 = arith.constant 5.000000e-01 : f32
          %gt3A_1266 = arith.cmpf ogt, %squeeze3A_1264, %gt3A_1265 : f32
          %convert_element_type3A_1267 = arith.extui %gt3A_1266 : i1 to i32
          %cond3A_1268 = arith.constant 0 : i32
          %cond3A_1269 = arith.cmpi ne, %convert_element_type3A_1267, %cond3A_1268 : i32
          scf.if %cond3A_1269 {
            %mul3A_2094 = arith.constant 128 : i32
            %mul3A_2095 = arith.muli %scan3A_613, %mul3A_2094 : i32
            %add3A_2096 = arith.constant 55 : i32
            %add3A_2097 = arith.addi %mul3A_2095, %add3A_2096 : i32
            %broadcast_in_dim3A_2098 = arith.constant 0 : i32
            %broadcast_in_dim3A_2099 = vector.broadcast %broadcast_in_dim3A_2098 : i32 to vector<16xi32>
            %add3A_2100 = vector.broadcast %add3A_2097 : i32 to vector<16xi32>
            %add3A_2101 = arith.addi %broadcast_in_dim3A_2099, %add3A_2100 : vector<16xi32>
            %swap3A_2102 = arith.index_cast %add3A_1262 : i32 to index
            %swap3A_2103 = tpu.vector_load %arg10[%swap3A_2102] {strides = array<i32>} : memref<256xi32, #tpu.memory_space<vmem>>, vector<16xi32>,
            %swap3A_2104 = vector.shape_cast %swap3A_2103 : vector<16xi32> to vector<16xi32>
            %swap3A_2105 = vector.shape_cast %add3A_2101 : vector<16xi32> to vector<16xi32>
            tpu.vector_store %arg10[%swap3A_2102], %swap3A_2105 {strides = array<i32>} : memref<256xi32, #tpu.memory_space<vmem>>, vector<16xi32>,
          } else {
          }
          %jit3A_1270 = arith.constant 1 : i32
          %jit3A_1271 = arith.constant 0 : i32
          %select_n3A_1272 = arith.select %gt3A_1266, %jit3A_1270, %jit3A_1271 : i32
          %add3A_1273 = arith.addi %add3A_1262, %select_n3A_1272 : i32
          %slice3A_1274 = vector.extract_strided_slice %get3A_1185 {offsets = [8], sizes = [1], strides = [1]} : vector<16xf32> to vector<1xf32>
          %squeeze3A_1275 = vector.extract %slice3A_1274[0] : f32 from vector<1xf32>
          %gt3A_1276 = arith.constant 5.000000e-01 : f32
          %gt3A_1277 = arith.cmpf ogt, %squeeze3A_1275, %gt3A_1276 : f32
          %convert_element_type3A_1278 = arith.extui %gt3A_1277 : i1 to i32
          %cond3A_1279 = arith.constant 0 : i32
          %cond3A_1280 = arith.cmpi ne, %convert_element_type3A_1278, %cond3A_1279 : i32
          scf.if %cond3A_1280 {
            %mul3A_2094 = arith.constant 128 : i32
            %mul3A_2095 = arith.muli %scan3A_613, %mul3A_2094 : i32
            %add3A_2096 = arith.constant 56 : i32
            %add3A_2097 = arith.addi %mul3A_2095, %add3A_2096 : i32
            %broadcast_in_dim3A_2098 = arith.constant 0 : i32
            %broadcast_in_dim3A_2099 = vector.broadcast %broadcast_in_dim3A_2098 : i32 to vector<16xi32>
            %add3A_2100 = vector.broadcast %add3A_2097 : i32 to vector<16xi32>
            %add3A_2101 = arith.addi %broadcast_in_dim3A_2099, %add3A_2100 : vector<16xi32>
            %swap3A_2102 = arith.index_cast %add3A_1273 : i32 to index
            %swap3A_2103 = tpu.vector_load %arg10[%swap3A_2102] {strides = array<i32>} : memref<256xi32, #tpu.memory_space<vmem>>, vector<16xi32>,
            %swap3A_2104 = vector.shape_cast %swap3A_2103 : vector<16xi32> to vector<16xi32>
            %swap3A_2105 = vector.shape_cast %add3A_2101 : vector<16xi32> to vector<16xi32>
            tpu.vector_store %arg10[%swap3A_2102], %swap3A_2105 {strides = array<i32>} : memref<256xi32, #tpu.memory_space<vmem>>, vector<16xi32>,
          } else {
          }
          %jit3A_1281 = arith.constant 1 : i32
          %jit3A_1282 = arith.constant 0 : i32
          %select_n3A_1283 = arith.select %gt3A_1277, %jit3A_1281, %jit3A_1282 : i32
          %add3A_1284 = arith.addi %add3A_1273, %select_n3A_1283 : i32
          %slice3A_1285 = vector.extract_strided_slice %get3A_1185 {offsets = [9], sizes = [1], strides = [1]} : vector<16xf32> to vector<1xf32>
          %squeeze3A_1286 = vector.extract %slice3A_1285[0] : f32 from vector<1xf32>
          %gt3A_1287 = arith.constant 5.000000e-01 : f32
          %gt3A_1288 = arith.cmpf ogt, %squeeze3A_1286, %gt3A_1287 : f32
          %convert_element_type3A_1289 = arith.extui %gt3A_1288 : i1 to i32
          %cond3A_1290 = arith.constant 0 : i32
          %cond3A_1291 = arith.cmpi ne, %convert_element_type3A_1289, %cond3A_1290 : i32
          scf.if %cond3A_1291 {
            %mul3A_2094 = arith.constant 128 : i32
            %mul3A_2095 = arith.muli %scan3A_613, %mul3A_2094 : i32
            %add3A_2096 = arith.constant 57 : i32
            %add3A_2097 = arith.addi %mul3A_2095, %add3A_2096 : i32
            %broadcast_in_dim3A_2098 = arith.constant 0 : i32
            %broadcast_in_dim3A_2099 = vector.broadcast %broadcast_in_dim3A_2098 : i32 to vector<16xi32>
            %add3A_2100 = vector.broadcast %add3A_2097 : i32 to vector<16xi32>
            %add3A_2101 = arith.addi %broadcast_in_dim3A_2099, %add3A_2100 : vector<16xi32>
            %swap3A_2102 = arith.index_cast %add3A_1284 : i32 to index
            %swap3A_2103 = tpu.vector_load %arg10[%swap3A_2102] {strides = array<i32>} : memref<256xi32, #tpu.memory_space<vmem>>, vector<16xi32>,
            %swap3A_2104 = vector.shape_cast %swap3A_2103 : vector<16xi32> to vector<16xi32>
            %swap3A_2105 = vector.shape_cast %add3A_2101 : vector<16xi32> to vector<16xi32>
            tpu.vector_store %arg10[%swap3A_2102], %swap3A_2105 {strides = array<i32>} : memref<256xi32, #tpu.memory_space<vmem>>, vector<16xi32>,
          } else {
          }
          %jit3A_1292 = arith.constant 1 : i32
          %jit3A_1293 = arith.constant 0 : i32
          %select_n3A_1294 = arith.select %gt3A_1288, %jit3A_1292, %jit3A_1293 : i32
          %add3A_1295 = arith.addi %add3A_1284, %select_n3A_1294 : i32
          %slice3A_1296 = vector.extract_strided_slice %get3A_1185 {offsets = [10], sizes = [1], strides = [1]} : vector<16xf32> to vector<1xf32>
          %squeeze3A_1297 = vector.extract %slice3A_1296[0] : f32 from vector<1xf32>
          %gt3A_1298 = arith.constant 5.000000e-01 : f32
          %gt3A_1299 = arith.cmpf ogt, %squeeze3A_1297, %gt3A_1298 : f32
          %convert_element_type3A_1300 = arith.extui %gt3A_1299 : i1 to i32
          %cond3A_1301 = arith.constant 0 : i32
          %cond3A_1302 = arith.cmpi ne, %convert_element_type3A_1300, %cond3A_1301 : i32
          scf.if %cond3A_1302 {
            %mul3A_2094 = arith.constant 128 : i32
            %mul3A_2095 = arith.muli %scan3A_613, %mul3A_2094 : i32
            %add3A_2096 = arith.constant 58 : i32
            %add3A_2097 = arith.addi %mul3A_2095, %add3A_2096 : i32
            %broadcast_in_dim3A_2098 = arith.constant 0 : i32
            %broadcast_in_dim3A_2099 = vector.broadcast %broadcast_in_dim3A_2098 : i32 to vector<16xi32>
            %add3A_2100 = vector.broadcast %add3A_2097 : i32 to vector<16xi32>
            %add3A_2101 = arith.addi %broadcast_in_dim3A_2099, %add3A_2100 : vector<16xi32>
            %swap3A_2102 = arith.index_cast %add3A_1295 : i32 to index
            %swap3A_2103 = tpu.vector_load %arg10[%swap3A_2102] {strides = array<i32>} : memref<256xi32, #tpu.memory_space<vmem>>, vector<16xi32>,
            %swap3A_2104 = vector.shape_cast %swap3A_2103 : vector<16xi32> to vector<16xi32>
            %swap3A_2105 = vector.shape_cast %add3A_2101 : vector<16xi32> to vector<16xi32>
            tpu.vector_store %arg10[%swap3A_2102], %swap3A_2105 {strides = array<i32>} : memref<256xi32, #tpu.memory_space<vmem>>, vector<16xi32>,
          } else {
          }
          %jit3A_1303 = arith.constant 1 : i32
          %jit3A_1304 = arith.constant 0 : i32
          %select_n3A_1305 = arith.select %gt3A_1299, %jit3A_1303, %jit3A_1304 : i32
          %add3A_1306 = arith.addi %add3A_1295, %select_n3A_1305 : i32
          %slice3A_1307 = vector.extract_strided_slice %get3A_1185 {offsets = [11], sizes = [1], strides = [1]} : vector<16xf32> to vector<1xf32>
          %squeeze3A_1308 = vector.extract %slice3A_1307[0] : f32 from vector<1xf32>
          %gt3A_1309 = arith.constant 5.000000e-01 : f32
          %gt3A_1310 = arith.cmpf ogt, %squeeze3A_1308, %gt3A_1309 : f32
          %convert_element_type3A_1311 = arith.extui %gt3A_1310 : i1 to i32
          %cond3A_1312 = arith.constant 0 : i32
          %cond3A_1313 = arith.cmpi ne, %convert_element_type3A_1311, %cond3A_1312 : i32
          scf.if %cond3A_1313 {
            %mul3A_2094 = arith.constant 128 : i32
            %mul3A_2095 = arith.muli %scan3A_613, %mul3A_2094 : i32
            %add3A_2096 = arith.constant 59 : i32
            %add3A_2097 = arith.addi %mul3A_2095, %add3A_2096 : i32
            %broadcast_in_dim3A_2098 = arith.constant 0 : i32
            %broadcast_in_dim3A_2099 = vector.broadcast %broadcast_in_dim3A_2098 : i32 to vector<16xi32>
            %add3A_2100 = vector.broadcast %add3A_2097 : i32 to vector<16xi32>
            %add3A_2101 = arith.addi %broadcast_in_dim3A_2099, %add3A_2100 : vector<16xi32>
            %swap3A_2102 = arith.index_cast %add3A_1306 : i32 to index
            %swap3A_2103 = tpu.vector_load %arg10[%swap3A_2102] {strides = array<i32>} : memref<256xi32, #tpu.memory_space<vmem>>, vector<16xi32>,
            %swap3A_2104 = vector.shape_cast %swap3A_2103 : vector<16xi32> to vector<16xi32>
            %swap3A_2105 = vector.shape_cast %add3A_2101 : vector<16xi32> to vector<16xi32>
            tpu.vector_store %arg10[%swap3A_2102], %swap3A_2105 {strides = array<i32>} : memref<256xi32, #tpu.memory_space<vmem>>, vector<16xi32>,
          } else {
          }
          %jit3A_1314 = arith.constant 1 : i32
          %jit3A_1315 = arith.constant 0 : i32
          %select_n3A_1316 = arith.select %gt3A_1310, %jit3A_1314, %jit3A_1315 : i32
          %add3A_1317 = arith.addi %add3A_1306, %select_n3A_1316 : i32
          %slice3A_1318 = vector.extract_strided_slice %get3A_1185 {offsets = [12], sizes = [1], strides = [1]} : vector<16xf32> to vector<1xf32>
          %squeeze3A_1319 = vector.extract %slice3A_1318[0] : f32 from vector<1xf32>
          %gt3A_1320 = arith.constant 5.000000e-01 : f32
          %gt3A_1321 = arith.cmpf ogt, %squeeze3A_1319, %gt3A_1320 : f32
          %convert_element_type3A_1322 = arith.extui %gt3A_1321 : i1 to i32
          %cond3A_1323 = arith.constant 0 : i32
          %cond3A_1324 = arith.cmpi ne, %convert_element_type3A_1322, %cond3A_1323 : i32
          scf.if %cond3A_1324 {
            %mul3A_2094 = arith.constant 128 : i32
            %mul3A_2095 = arith.muli %scan3A_613, %mul3A_2094 : i32
            %add3A_2096 = arith.constant 60 : i32
            %add3A_2097 = arith.addi %mul3A_2095, %add3A_2096 : i32
            %broadcast_in_dim3A_2098 = arith.constant 0 : i32
            %broadcast_in_dim3A_2099 = vector.broadcast %broadcast_in_dim3A_2098 : i32 to vector<16xi32>
            %add3A_2100 = vector.broadcast %add3A_2097 : i32 to vector<16xi32>
            %add3A_2101 = arith.addi %broadcast_in_dim3A_2099, %add3A_2100 : vector<16xi32>
            %swap3A_2102 = arith.index_cast %add3A_1317 : i32 to index
            %swap3A_2103 = tpu.vector_load %arg10[%swap3A_2102] {strides = array<i32>} : memref<256xi32, #tpu.memory_space<vmem>>, vector<16xi32>,
            %swap3A_2104 = vector.shape_cast %swap3A_2103 : vector<16xi32> to vector<16xi32>
            %swap3A_2105 = vector.shape_cast %add3A_2101 : vector<16xi32> to vector<16xi32>
            tpu.vector_store %arg10[%swap3A_2102], %swap3A_2105 {strides = array<i32>} : memref<256xi32, #tpu.memory_space<vmem>>, vector<16xi32>,
          } else {
          }
          %jit3A_1325 = arith.constant 1 : i32
          %jit3A_1326 = arith.constant 0 : i32
          %select_n3A_1327 = arith.select %gt3A_1321, %jit3A_1325, %jit3A_1326 : i32
          %add3A_1328 = arith.addi %add3A_1317, %select_n3A_1327 : i32
          %slice3A_1329 = vector.extract_strided_slice %get3A_1185 {offsets = [13], sizes = [1], strides = [1]} : vector<16xf32> to vector<1xf32>
          %squeeze3A_1330 = vector.extract %slice3A_1329[0] : f32 from vector<1xf32>
          %gt3A_1331 = arith.constant 5.000000e-01 : f32
          %gt3A_1332 = arith.cmpf ogt, %squeeze3A_1330, %gt3A_1331 : f32
          %convert_element_type3A_1333 = arith.extui %gt3A_1332 : i1 to i32
          %cond3A_1334 = arith.constant 0 : i32
          %cond3A_1335 = arith.cmpi ne, %convert_element_type3A_1333, %cond3A_1334 : i32
          scf.if %cond3A_1335 {
            %mul3A_2094 = arith.constant 128 : i32
            %mul3A_2095 = arith.muli %scan3A_613, %mul3A_2094 : i32
            %add3A_2096 = arith.constant 61 : i32
            %add3A_2097 = arith.addi %mul3A_2095, %add3A_2096 : i32
            %broadcast_in_dim3A_2098 = arith.constant 0 : i32
            %broadcast_in_dim3A_2099 = vector.broadcast %broadcast_in_dim3A_2098 : i32 to vector<16xi32>
            %add3A_2100 = vector.broadcast %add3A_2097 : i32 to vector<16xi32>
            %add3A_2101 = arith.addi %broadcast_in_dim3A_2099, %add3A_2100 : vector<16xi32>
            %swap3A_2102 = arith.index_cast %add3A_1328 : i32 to index
            %swap3A_2103 = tpu.vector_load %arg10[%swap3A_2102] {strides = array<i32>} : memref<256xi32, #tpu.memory_space<vmem>>, vector<16xi32>,
            %swap3A_2104 = vector.shape_cast %swap3A_2103 : vector<16xi32> to vector<16xi32>
            %swap3A_2105 = vector.shape_cast %add3A_2101 : vector<16xi32> to vector<16xi32>
            tpu.vector_store %arg10[%swap3A_2102], %swap3A_2105 {strides = array<i32>} : memref<256xi32, #tpu.memory_space<vmem>>, vector<16xi32>,
          } else {
          }
          %jit3A_1336 = arith.constant 1 : i32
          %jit3A_1337 = arith.constant 0 : i32
          %select_n3A_1338 = arith.select %gt3A_1332, %jit3A_1336, %jit3A_1337 : i32
          %add3A_1339 = arith.addi %add3A_1328, %select_n3A_1338 : i32
          %slice3A_1340 = vector.extract_strided_slice %get3A_1185 {offsets = [14], sizes = [1], strides = [1]} : vector<16xf32> to vector<1xf32>
          %squeeze3A_1341 = vector.extract %slice3A_1340[0] : f32 from vector<1xf32>
          %gt3A_1342 = arith.constant 5.000000e-01 : f32
          %gt3A_1343 = arith.cmpf ogt, %squeeze3A_1341, %gt3A_1342 : f32
          %convert_element_type3A_1344 = arith.extui %gt3A_1343 : i1 to i32
          %cond3A_1345 = arith.constant 0 : i32
          %cond3A_1346 = arith.cmpi ne, %convert_element_type3A_1344, %cond3A_1345 : i32
          scf.if %cond3A_1346 {
            %mul3A_2094 = arith.constant 128 : i32
            %mul3A_2095 = arith.muli %scan3A_613, %mul3A_2094 : i32
            %add3A_2096 = arith.constant 62 : i32
            %add3A_2097 = arith.addi %mul3A_2095, %add3A_2096 : i32
            %broadcast_in_dim3A_2098 = arith.constant 0 : i32
            %broadcast_in_dim3A_2099 = vector.broadcast %broadcast_in_dim3A_2098 : i32 to vector<16xi32>
            %add3A_2100 = vector.broadcast %add3A_2097 : i32 to vector<16xi32>
            %add3A_2101 = arith.addi %broadcast_in_dim3A_2099, %add3A_2100 : vector<16xi32>
            %swap3A_2102 = arith.index_cast %add3A_1339 : i32 to index
            %swap3A_2103 = tpu.vector_load %arg10[%swap3A_2102] {strides = array<i32>} : memref<256xi32, #tpu.memory_space<vmem>>, vector<16xi32>,
            %swap3A_2104 = vector.shape_cast %swap3A_2103 : vector<16xi32> to vector<16xi32>
            %swap3A_2105 = vector.shape_cast %add3A_2101 : vector<16xi32> to vector<16xi32>
            tpu.vector_store %arg10[%swap3A_2102], %swap3A_2105 {strides = array<i32>} : memref<256xi32, #tpu.memory_space<vmem>>, vector<16xi32>,
          } else {
          }
          %jit3A_1347 = arith.constant 1 : i32
          %jit3A_1348 = arith.constant 0 : i32
          %select_n3A_1349 = arith.select %gt3A_1343, %jit3A_1347, %jit3A_1348 : i32
          %add3A_1350 = arith.addi %add3A_1339, %select_n3A_1349 : i32
          %slice3A_1351 = vector.extract_strided_slice %get3A_1185 {offsets = [15], sizes = [1], strides = [1]} : vector<16xf32> to vector<1xf32>
          %squeeze3A_1352 = vector.extract %slice3A_1351[0] : f32 from vector<1xf32>
          %gt3A_1353 = arith.constant 5.000000e-01 : f32
          %gt3A_1354 = arith.cmpf ogt, %squeeze3A_1352, %gt3A_1353 : f32
          %convert_element_type3A_1355 = arith.extui %gt3A_1354 : i1 to i32
          %cond3A_1356 = arith.constant 0 : i32
          %cond3A_1357 = arith.cmpi ne, %convert_element_type3A_1355, %cond3A_1356 : i32
          scf.if %cond3A_1357 {
            %mul3A_2094 = arith.constant 128 : i32
            %mul3A_2095 = arith.muli %scan3A_613, %mul3A_2094 : i32
            %add3A_2096 = arith.constant 63 : i32
            %add3A_2097 = arith.addi %mul3A_2095, %add3A_2096 : i32
            %broadcast_in_dim3A_2098 = arith.constant 0 : i32
            %broadcast_in_dim3A_2099 = vector.broadcast %broadcast_in_dim3A_2098 : i32 to vector<16xi32>
            %add3A_2100 = vector.broadcast %add3A_2097 : i32 to vector<16xi32>
            %add3A_2101 = arith.addi %broadcast_in_dim3A_2099, %add3A_2100 : vector<16xi32>
            %swap3A_2102 = arith.index_cast %add3A_1350 : i32 to index
            %swap3A_2103 = tpu.vector_load %arg10[%swap3A_2102] {strides = array<i32>} : memref<256xi32, #tpu.memory_space<vmem>>, vector<16xi32>,
            %swap3A_2104 = vector.shape_cast %swap3A_2103 : vector<16xi32> to vector<16xi32>
            %swap3A_2105 = vector.shape_cast %add3A_2101 : vector<16xi32> to vector<16xi32>
            tpu.vector_store %arg10[%swap3A_2102], %swap3A_2105 {strides = array<i32>} : memref<256xi32, #tpu.memory_space<vmem>>, vector<16xi32>,
          } else {
          }
          %jit3A_1358 = arith.constant 1 : i32
          %jit3A_1359 = arith.constant 0 : i32
          %select_n3A_1360 = arith.select %gt3A_1354, %jit3A_1358, %jit3A_1359 : i32
          %add3A_1361 = arith.addi %add3A_1350, %select_n3A_1360 : i32
          %mul3A_1362 = arith.constant 128 : i32
          %mul3A_1363 = arith.muli %scan3A_613, %mul3A_1362 : i32
          %add3A_1364 = arith.constant 64 : i32
          %add3A_1365 = arith.addi %mul3A_1363, %add3A_1364 : i32
          %get3A_1366 = arith.index_cast %add3A_1365 : i32 to index
          %get3A_1367 = tpu.vector_load %arg7[%get3A_1366] {strides = array<i32>} : memref<8192xf32, #tpu.memory_space<vmem>>, vector<16xf32>,
          %get3A_1368 = vector.shape_cast %get3A_1367 : vector<16xf32> to vector<16xf32>
          %slice3A_1369 = vector.extract_strided_slice %get3A_1368 {offsets = [0], sizes = [1], strides = [1]} : vector<16xf32> to vector<1xf32>
          %squeeze3A_1370 = vector.extract %slice3A_1369[0] : f32 from vector<1xf32>
          %gt3A_1371 = arith.constant 5.000000e-01 : f32
          %gt3A_1372 = arith.cmpf ogt, %squeeze3A_1370, %gt3A_1371 : f32
          %convert_element_type3A_1373 = arith.extui %gt3A_1372 : i1 to i32
          %cond3A_1374 = arith.constant 0 : i32
          %cond3A_1375 = arith.cmpi ne, %convert_element_type3A_1373, %cond3A_1374 : i32
          scf.if %cond3A_1375 {
            %mul3A_2094 = arith.constant 128 : i32
            %mul3A_2095 = arith.muli %scan3A_613, %mul3A_2094 : i32
            %add3A_2096 = arith.constant 64 : i32
            %add3A_2097 = arith.addi %mul3A_2095, %add3A_2096 : i32
            %broadcast_in_dim3A_2098 = arith.constant 0 : i32
            %broadcast_in_dim3A_2099 = vector.broadcast %broadcast_in_dim3A_2098 : i32 to vector<16xi32>
            %add3A_2100 = vector.broadcast %add3A_2097 : i32 to vector<16xi32>
            %add3A_2101 = arith.addi %broadcast_in_dim3A_2099, %add3A_2100 : vector<16xi32>
            %swap3A_2102 = arith.index_cast %add3A_1361 : i32 to index
            %swap3A_2103 = tpu.vector_load %arg10[%swap3A_2102] {strides = array<i32>} : memref<256xi32, #tpu.memory_space<vmem>>, vector<16xi32>,
            %swap3A_2104 = vector.shape_cast %swap3A_2103 : vector<16xi32> to vector<16xi32>
            %swap3A_2105 = vector.shape_cast %add3A_2101 : vector<16xi32> to vector<16xi32>
            tpu.vector_store %arg10[%swap3A_2102], %swap3A_2105 {strides = array<i32>} : memref<256xi32, #tpu.memory_space<vmem>>, vector<16xi32>,
          } else {
          }
          %jit3A_1376 = arith.constant 1 : i32
          %jit3A_1377 = arith.constant 0 : i32
          %select_n3A_1378 = arith.select %gt3A_1372, %jit3A_1376, %jit3A_1377 : i32
          %add3A_1379 = arith.addi %add3A_1361, %select_n3A_1378 : i32
          %slice3A_1380 = vector.extract_strided_slice %get3A_1368 {offsets = [1], sizes = [1], strides = [1]} : vector<16xf32> to vector<1xf32>
          %squeeze3A_1381 = vector.extract %slice3A_1380[0] : f32 from vector<1xf32>
          %gt3A_1382 = arith.constant 5.000000e-01 : f32
          %gt3A_1383 = arith.cmpf ogt, %squeeze3A_1381, %gt3A_1382 : f32
          %convert_element_type3A_1384 = arith.extui %gt3A_1383 : i1 to i32
          %cond3A_1385 = arith.constant 0 : i32
          %cond3A_1386 = arith.cmpi ne, %convert_element_type3A_1384, %cond3A_1385 : i32
          scf.if %cond3A_1386 {
            %mul3A_2094 = arith.constant 128 : i32
            %mul3A_2095 = arith.muli %scan3A_613, %mul3A_2094 : i32
            %add3A_2096 = arith.constant 65 : i32
            %add3A_2097 = arith.addi %mul3A_2095, %add3A_2096 : i32
            %broadcast_in_dim3A_2098 = arith.constant 0 : i32
            %broadcast_in_dim3A_2099 = vector.broadcast %broadcast_in_dim3A_2098 : i32 to vector<16xi32>
            %add3A_2100 = vector.broadcast %add3A_2097 : i32 to vector<16xi32>
            %add3A_2101 = arith.addi %broadcast_in_dim3A_2099, %add3A_2100 : vector<16xi32>
            %swap3A_2102 = arith.index_cast %add3A_1379 : i32 to index
            %swap3A_2103 = tpu.vector_load %arg10[%swap3A_2102] {strides = array<i32>} : memref<256xi32, #tpu.memory_space<vmem>>, vector<16xi32>,
            %swap3A_2104 = vector.shape_cast %swap3A_2103 : vector<16xi32> to vector<16xi32>
            %swap3A_2105 = vector.shape_cast %add3A_2101 : vector<16xi32> to vector<16xi32>
            tpu.vector_store %arg10[%swap3A_2102], %swap3A_2105 {strides = array<i32>} : memref<256xi32, #tpu.memory_space<vmem>>, vector<16xi32>,
          } else {
          }
          %jit3A_1387 = arith.constant 1 : i32
          %jit3A_1388 = arith.constant 0 : i32
          %select_n3A_1389 = arith.select %gt3A_1383, %jit3A_1387, %jit3A_1388 : i32
          %add3A_1390 = arith.addi %add3A_1379, %select_n3A_1389 : i32
          %slice3A_1391 = vector.extract_strided_slice %get3A_1368 {offsets = [2], sizes = [1], strides = [1]} : vector<16xf32> to vector<1xf32>
          %squeeze3A_1392 = vector.extract %slice3A_1391[0] : f32 from vector<1xf32>
          %gt3A_1393 = arith.constant 5.000000e-01 : f32
          %gt3A_1394 = arith.cmpf ogt, %squeeze3A_1392, %gt3A_1393 : f32
          %convert_element_type3A_1395 = arith.extui %gt3A_1394 : i1 to i32
          %cond3A_1396 = arith.constant 0 : i32
          %cond3A_1397 = arith.cmpi ne, %convert_element_type3A_1395, %cond3A_1396 : i32
          scf.if %cond3A_1397 {
            %mul3A_2094 = arith.constant 128 : i32
            %mul3A_2095 = arith.muli %scan3A_613, %mul3A_2094 : i32
            %add3A_2096 = arith.constant 66 : i32
            %add3A_2097 = arith.addi %mul3A_2095, %add3A_2096 : i32
            %broadcast_in_dim3A_2098 = arith.constant 0 : i32
            %broadcast_in_dim3A_2099 = vector.broadcast %broadcast_in_dim3A_2098 : i32 to vector<16xi32>
            %add3A_2100 = vector.broadcast %add3A_2097 : i32 to vector<16xi32>
            %add3A_2101 = arith.addi %broadcast_in_dim3A_2099, %add3A_2100 : vector<16xi32>
            %swap3A_2102 = arith.index_cast %add3A_1390 : i32 to index
            %swap3A_2103 = tpu.vector_load %arg10[%swap3A_2102] {strides = array<i32>} : memref<256xi32, #tpu.memory_space<vmem>>, vector<16xi32>,
            %swap3A_2104 = vector.shape_cast %swap3A_2103 : vector<16xi32> to vector<16xi32>
            %swap3A_2105 = vector.shape_cast %add3A_2101 : vector<16xi32> to vector<16xi32>
            tpu.vector_store %arg10[%swap3A_2102], %swap3A_2105 {strides = array<i32>} : memref<256xi32, #tpu.memory_space<vmem>>, vector<16xi32>,
          } else {
          }
          %jit3A_1398 = arith.constant 1 : i32
          %jit3A_1399 = arith.constant 0 : i32
          %select_n3A_1400 = arith.select %gt3A_1394, %jit3A_1398, %jit3A_1399 : i32
          %add3A_1401 = arith.addi %add3A_1390, %select_n3A_1400 : i32
          %slice3A_1402 = vector.extract_strided_slice %get3A_1368 {offsets = [3], sizes = [1], strides = [1]} : vector<16xf32> to vector<1xf32>
          %squeeze3A_1403 = vector.extract %slice3A_1402[0] : f32 from vector<1xf32>
          %gt3A_1404 = arith.constant 5.000000e-01 : f32
          %gt3A_1405 = arith.cmpf ogt, %squeeze3A_1403, %gt3A_1404 : f32
          %convert_element_type3A_1406 = arith.extui %gt3A_1405 : i1 to i32
          %cond3A_1407 = arith.constant 0 : i32
          %cond3A_1408 = arith.cmpi ne, %convert_element_type3A_1406, %cond3A_1407 : i32
          scf.if %cond3A_1408 {
            %mul3A_2094 = arith.constant 128 : i32
            %mul3A_2095 = arith.muli %scan3A_613, %mul3A_2094 : i32
            %add3A_2096 = arith.constant 67 : i32
            %add3A_2097 = arith.addi %mul3A_2095, %add3A_2096 : i32
            %broadcast_in_dim3A_2098 = arith.constant 0 : i32
            %broadcast_in_dim3A_2099 = vector.broadcast %broadcast_in_dim3A_2098 : i32 to vector<16xi32>
            %add3A_2100 = vector.broadcast %add3A_2097 : i32 to vector<16xi32>
            %add3A_2101 = arith.addi %broadcast_in_dim3A_2099, %add3A_2100 : vector<16xi32>
            %swap3A_2102 = arith.index_cast %add3A_1401 : i32 to index
            %swap3A_2103 = tpu.vector_load %arg10[%swap3A_2102] {strides = array<i32>} : memref<256xi32, #tpu.memory_space<vmem>>, vector<16xi32>,
            %swap3A_2104 = vector.shape_cast %swap3A_2103 : vector<16xi32> to vector<16xi32>
            %swap3A_2105 = vector.shape_cast %add3A_2101 : vector<16xi32> to vector<16xi32>
            tpu.vector_store %arg10[%swap3A_2102], %swap3A_2105 {strides = array<i32>} : memref<256xi32, #tpu.memory_space<vmem>>, vector<16xi32>,
          } else {
          }
          %jit3A_1409 = arith.constant 1 : i32
          %jit3A_1410 = arith.constant 0 : i32
          %select_n3A_1411 = arith.select %gt3A_1405, %jit3A_1409, %jit3A_1410 : i32
          %add3A_1412 = arith.addi %add3A_1401, %select_n3A_1411 : i32
          %slice3A_1413 = vector.extract_strided_slice %get3A_1368 {offsets = [4], sizes = [1], strides = [1]} : vector<16xf32> to vector<1xf32>
          %squeeze3A_1414 = vector.extract %slice3A_1413[0] : f32 from vector<1xf32>
          %gt3A_1415 = arith.constant 5.000000e-01 : f32
          %gt3A_1416 = arith.cmpf ogt, %squeeze3A_1414, %gt3A_1415 : f32
          %convert_element_type3A_1417 = arith.extui %gt3A_1416 : i1 to i32
          %cond3A_1418 = arith.constant 0 : i32
          %cond3A_1419 = arith.cmpi ne, %convert_element_type3A_1417, %cond3A_1418 : i32
          scf.if %cond3A_1419 {
            %mul3A_2094 = arith.constant 128 : i32
            %mul3A_2095 = arith.muli %scan3A_613, %mul3A_2094 : i32
            %add3A_2096 = arith.constant 68 : i32
            %add3A_2097 = arith.addi %mul3A_2095, %add3A_2096 : i32
            %broadcast_in_dim3A_2098 = arith.constant 0 : i32
            %broadcast_in_dim3A_2099 = vector.broadcast %broadcast_in_dim3A_2098 : i32 to vector<16xi32>
            %add3A_2100 = vector.broadcast %add3A_2097 : i32 to vector<16xi32>
            %add3A_2101 = arith.addi %broadcast_in_dim3A_2099, %add3A_2100 : vector<16xi32>
            %swap3A_2102 = arith.index_cast %add3A_1412 : i32 to index
            %swap3A_2103 = tpu.vector_load %arg10[%swap3A_2102] {strides = array<i32>} : memref<256xi32, #tpu.memory_space<vmem>>, vector<16xi32>,
            %swap3A_2104 = vector.shape_cast %swap3A_2103 : vector<16xi32> to vector<16xi32>
            %swap3A_2105 = vector.shape_cast %add3A_2101 : vector<16xi32> to vector<16xi32>
            tpu.vector_store %arg10[%swap3A_2102], %swap3A_2105 {strides = array<i32>} : memref<256xi32, #tpu.memory_space<vmem>>, vector<16xi32>,
          } else {
          }
          %jit3A_1420 = arith.constant 1 : i32
          %jit3A_1421 = arith.constant 0 : i32
          %select_n3A_1422 = arith.select %gt3A_1416, %jit3A_1420, %jit3A_1421 : i32
          %add3A_1423 = arith.addi %add3A_1412, %select_n3A_1422 : i32
          %slice3A_1424 = vector.extract_strided_slice %get3A_1368 {offsets = [5], sizes = [1], strides = [1]} : vector<16xf32> to vector<1xf32>
          %squeeze3A_1425 = vector.extract %slice3A_1424[0] : f32 from vector<1xf32>
          %gt3A_1426 = arith.constant 5.000000e-01 : f32
          %gt3A_1427 = arith.cmpf ogt, %squeeze3A_1425, %gt3A_1426 : f32
          %convert_element_type3A_1428 = arith.extui %gt3A_1427 : i1 to i32
          %cond3A_1429 = arith.constant 0 : i32
          %cond3A_1430 = arith.cmpi ne, %convert_element_type3A_1428, %cond3A_1429 : i32
          scf.if %cond3A_1430 {
            %mul3A_2094 = arith.constant 128 : i32
            %mul3A_2095 = arith.muli %scan3A_613, %mul3A_2094 : i32
            %add3A_2096 = arith.constant 69 : i32
            %add3A_2097 = arith.addi %mul3A_2095, %add3A_2096 : i32
            %broadcast_in_dim3A_2098 = arith.constant 0 : i32
            %broadcast_in_dim3A_2099 = vector.broadcast %broadcast_in_dim3A_2098 : i32 to vector<16xi32>
            %add3A_2100 = vector.broadcast %add3A_2097 : i32 to vector<16xi32>
            %add3A_2101 = arith.addi %broadcast_in_dim3A_2099, %add3A_2100 : vector<16xi32>
            %swap3A_2102 = arith.index_cast %add3A_1423 : i32 to index
            %swap3A_2103 = tpu.vector_load %arg10[%swap3A_2102] {strides = array<i32>} : memref<256xi32, #tpu.memory_space<vmem>>, vector<16xi32>,
            %swap3A_2104 = vector.shape_cast %swap3A_2103 : vector<16xi32> to vector<16xi32>
            %swap3A_2105 = vector.shape_cast %add3A_2101 : vector<16xi32> to vector<16xi32>
            tpu.vector_store %arg10[%swap3A_2102], %swap3A_2105 {strides = array<i32>} : memref<256xi32, #tpu.memory_space<vmem>>, vector<16xi32>,
          } else {
          }
          %jit3A_1431 = arith.constant 1 : i32
          %jit3A_1432 = arith.constant 0 : i32
          %select_n3A_1433 = arith.select %gt3A_1427, %jit3A_1431, %jit3A_1432 : i32
          %add3A_1434 = arith.addi %add3A_1423, %select_n3A_1433 : i32
          %slice3A_1435 = vector.extract_strided_slice %get3A_1368 {offsets = [6], sizes = [1], strides = [1]} : vector<16xf32> to vector<1xf32>
          %squeeze3A_1436 = vector.extract %slice3A_1435[0] : f32 from vector<1xf32>
          %gt3A_1437 = arith.constant 5.000000e-01 : f32
          %gt3A_1438 = arith.cmpf ogt, %squeeze3A_1436, %gt3A_1437 : f32
          %convert_element_type3A_1439 = arith.extui %gt3A_1438 : i1 to i32
          %cond3A_1440 = arith.constant 0 : i32
          %cond3A_1441 = arith.cmpi ne, %convert_element_type3A_1439, %cond3A_1440 : i32
          scf.if %cond3A_1441 {
            %mul3A_2094 = arith.constant 128 : i32
            %mul3A_2095 = arith.muli %scan3A_613, %mul3A_2094 : i32
            %add3A_2096 = arith.constant 70 : i32
            %add3A_2097 = arith.addi %mul3A_2095, %add3A_2096 : i32
            %broadcast_in_dim3A_2098 = arith.constant 0 : i32
            %broadcast_in_dim3A_2099 = vector.broadcast %broadcast_in_dim3A_2098 : i32 to vector<16xi32>
            %add3A_2100 = vector.broadcast %add3A_2097 : i32 to vector<16xi32>
            %add3A_2101 = arith.addi %broadcast_in_dim3A_2099, %add3A_2100 : vector<16xi32>
            %swap3A_2102 = arith.index_cast %add3A_1434 : i32 to index
            %swap3A_2103 = tpu.vector_load %arg10[%swap3A_2102] {strides = array<i32>} : memref<256xi32, #tpu.memory_space<vmem>>, vector<16xi32>,
            %swap3A_2104 = vector.shape_cast %swap3A_2103 : vector<16xi32> to vector<16xi32>
            %swap3A_2105 = vector.shape_cast %add3A_2101 : vector<16xi32> to vector<16xi32>
            tpu.vector_store %arg10[%swap3A_2102], %swap3A_2105 {strides = array<i32>} : memref<256xi32, #tpu.memory_space<vmem>>, vector<16xi32>,
          } else {
          }
          %jit3A_1442 = arith.constant 1 : i32
          %jit3A_1443 = arith.constant 0 : i32
          %select_n3A_1444 = arith.select %gt3A_1438, %jit3A_1442, %jit3A_1443 : i32
          %add3A_1445 = arith.addi %add3A_1434, %select_n3A_1444 : i32
          %slice3A_1446 = vector.extract_strided_slice %get3A_1368 {offsets = [7], sizes = [1], strides = [1]} : vector<16xf32> to vector<1xf32>
          %squeeze3A_1447 = vector.extract %slice3A_1446[0] : f32 from vector<1xf32>
          %gt3A_1448 = arith.constant 5.000000e-01 : f32
          %gt3A_1449 = arith.cmpf ogt, %squeeze3A_1447, %gt3A_1448 : f32
          %convert_element_type3A_1450 = arith.extui %gt3A_1449 : i1 to i32
          %cond3A_1451 = arith.constant 0 : i32
          %cond3A_1452 = arith.cmpi ne, %convert_element_type3A_1450, %cond3A_1451 : i32
          scf.if %cond3A_1452 {
            %mul3A_2094 = arith.constant 128 : i32
            %mul3A_2095 = arith.muli %scan3A_613, %mul3A_2094 : i32
            %add3A_2096 = arith.constant 71 : i32
            %add3A_2097 = arith.addi %mul3A_2095, %add3A_2096 : i32
            %broadcast_in_dim3A_2098 = arith.constant 0 : i32
            %broadcast_in_dim3A_2099 = vector.broadcast %broadcast_in_dim3A_2098 : i32 to vector<16xi32>
            %add3A_2100 = vector.broadcast %add3A_2097 : i32 to vector<16xi32>
            %add3A_2101 = arith.addi %broadcast_in_dim3A_2099, %add3A_2100 : vector<16xi32>
            %swap3A_2102 = arith.index_cast %add3A_1445 : i32 to index
            %swap3A_2103 = tpu.vector_load %arg10[%swap3A_2102] {strides = array<i32>} : memref<256xi32, #tpu.memory_space<vmem>>, vector<16xi32>,
            %swap3A_2104 = vector.shape_cast %swap3A_2103 : vector<16xi32> to vector<16xi32>
            %swap3A_2105 = vector.shape_cast %add3A_2101 : vector<16xi32> to vector<16xi32>
            tpu.vector_store %arg10[%swap3A_2102], %swap3A_2105 {strides = array<i32>} : memref<256xi32, #tpu.memory_space<vmem>>, vector<16xi32>,
          } else {
          }
          %jit3A_1453 = arith.constant 1 : i32
          %jit3A_1454 = arith.constant 0 : i32
          %select_n3A_1455 = arith.select %gt3A_1449, %jit3A_1453, %jit3A_1454 : i32
          %add3A_1456 = arith.addi %add3A_1445, %select_n3A_1455 : i32
          %slice3A_1457 = vector.extract_strided_slice %get3A_1368 {offsets = [8], sizes = [1], strides = [1]} : vector<16xf32> to vector<1xf32>
          %squeeze3A_1458 = vector.extract %slice3A_1457[0] : f32 from vector<1xf32>
          %gt3A_1459 = arith.constant 5.000000e-01 : f32
          %gt3A_1460 = arith.cmpf ogt, %squeeze3A_1458, %gt3A_1459 : f32
          %convert_element_type3A_1461 = arith.extui %gt3A_1460 : i1 to i32
          %cond3A_1462 = arith.constant 0 : i32
          %cond3A_1463 = arith.cmpi ne, %convert_element_type3A_1461, %cond3A_1462 : i32
          scf.if %cond3A_1463 {
            %mul3A_2094 = arith.constant 128 : i32
            %mul3A_2095 = arith.muli %scan3A_613, %mul3A_2094 : i32
            %add3A_2096 = arith.constant 72 : i32
            %add3A_2097 = arith.addi %mul3A_2095, %add3A_2096 : i32
            %broadcast_in_dim3A_2098 = arith.constant 0 : i32
            %broadcast_in_dim3A_2099 = vector.broadcast %broadcast_in_dim3A_2098 : i32 to vector<16xi32>
            %add3A_2100 = vector.broadcast %add3A_2097 : i32 to vector<16xi32>
            %add3A_2101 = arith.addi %broadcast_in_dim3A_2099, %add3A_2100 : vector<16xi32>
            %swap3A_2102 = arith.index_cast %add3A_1456 : i32 to index
            %swap3A_2103 = tpu.vector_load %arg10[%swap3A_2102] {strides = array<i32>} : memref<256xi32, #tpu.memory_space<vmem>>, vector<16xi32>,
            %swap3A_2104 = vector.shape_cast %swap3A_2103 : vector<16xi32> to vector<16xi32>
            %swap3A_2105 = vector.shape_cast %add3A_2101 : vector<16xi32> to vector<16xi32>
            tpu.vector_store %arg10[%swap3A_2102], %swap3A_2105 {strides = array<i32>} : memref<256xi32, #tpu.memory_space<vmem>>, vector<16xi32>,
          } else {
          }
          %jit3A_1464 = arith.constant 1 : i32
          %jit3A_1465 = arith.constant 0 : i32
          %select_n3A_1466 = arith.select %gt3A_1460, %jit3A_1464, %jit3A_1465 : i32
          %add3A_1467 = arith.addi %add3A_1456, %select_n3A_1466 : i32
          %slice3A_1468 = vector.extract_strided_slice %get3A_1368 {offsets = [9], sizes = [1], strides = [1]} : vector<16xf32> to vector<1xf32>
          %squeeze3A_1469 = vector.extract %slice3A_1468[0] : f32 from vector<1xf32>
          %gt3A_1470 = arith.constant 5.000000e-01 : f32
          %gt3A_1471 = arith.cmpf ogt, %squeeze3A_1469, %gt3A_1470 : f32
          %convert_element_type3A_1472 = arith.extui %gt3A_1471 : i1 to i32
          %cond3A_1473 = arith.constant 0 : i32
          %cond3A_1474 = arith.cmpi ne, %convert_element_type3A_1472, %cond3A_1473 : i32
          scf.if %cond3A_1474 {
            %mul3A_2094 = arith.constant 128 : i32
            %mul3A_2095 = arith.muli %scan3A_613, %mul3A_2094 : i32
            %add3A_2096 = arith.constant 73 : i32
            %add3A_2097 = arith.addi %mul3A_2095, %add3A_2096 : i32
            %broadcast_in_dim3A_2098 = arith.constant 0 : i32
            %broadcast_in_dim3A_2099 = vector.broadcast %broadcast_in_dim3A_2098 : i32 to vector<16xi32>
            %add3A_2100 = vector.broadcast %add3A_2097 : i32 to vector<16xi32>
            %add3A_2101 = arith.addi %broadcast_in_dim3A_2099, %add3A_2100 : vector<16xi32>
            %swap3A_2102 = arith.index_cast %add3A_1467 : i32 to index
            %swap3A_2103 = tpu.vector_load %arg10[%swap3A_2102] {strides = array<i32>} : memref<256xi32, #tpu.memory_space<vmem>>, vector<16xi32>,
            %swap3A_2104 = vector.shape_cast %swap3A_2103 : vector<16xi32> to vector<16xi32>
            %swap3A_2105 = vector.shape_cast %add3A_2101 : vector<16xi32> to vector<16xi32>
            tpu.vector_store %arg10[%swap3A_2102], %swap3A_2105 {strides = array<i32>} : memref<256xi32, #tpu.memory_space<vmem>>, vector<16xi32>,
          } else {
          }
          %jit3A_1475 = arith.constant 1 : i32
          %jit3A_1476 = arith.constant 0 : i32
          %select_n3A_1477 = arith.select %gt3A_1471, %jit3A_1475, %jit3A_1476 : i32
          %add3A_1478 = arith.addi %add3A_1467, %select_n3A_1477 : i32
          %slice3A_1479 = vector.extract_strided_slice %get3A_1368 {offsets = [10], sizes = [1], strides = [1]} : vector<16xf32> to vector<1xf32>
          %squeeze3A_1480 = vector.extract %slice3A_1479[0] : f32 from vector<1xf32>
          %gt3A_1481 = arith.constant 5.000000e-01 : f32
          %gt3A_1482 = arith.cmpf ogt, %squeeze3A_1480, %gt3A_1481 : f32
          %convert_element_type3A_1483 = arith.extui %gt3A_1482 : i1 to i32
          %cond3A_1484 = arith.constant 0 : i32
          %cond3A_1485 = arith.cmpi ne, %convert_element_type3A_1483, %cond3A_1484 : i32
          scf.if %cond3A_1485 {
            %mul3A_2094 = arith.constant 128 : i32
            %mul3A_2095 = arith.muli %scan3A_613, %mul3A_2094 : i32
            %add3A_2096 = arith.constant 74 : i32
            %add3A_2097 = arith.addi %mul3A_2095, %add3A_2096 : i32
            %broadcast_in_dim3A_2098 = arith.constant 0 : i32
            %broadcast_in_dim3A_2099 = vector.broadcast %broadcast_in_dim3A_2098 : i32 to vector<16xi32>
            %add3A_2100 = vector.broadcast %add3A_2097 : i32 to vector<16xi32>
            %add3A_2101 = arith.addi %broadcast_in_dim3A_2099, %add3A_2100 : vector<16xi32>
            %swap3A_2102 = arith.index_cast %add3A_1478 : i32 to index
            %swap3A_2103 = tpu.vector_load %arg10[%swap3A_2102] {strides = array<i32>} : memref<256xi32, #tpu.memory_space<vmem>>, vector<16xi32>,
            %swap3A_2104 = vector.shape_cast %swap3A_2103 : vector<16xi32> to vector<16xi32>
            %swap3A_2105 = vector.shape_cast %add3A_2101 : vector<16xi32> to vector<16xi32>
            tpu.vector_store %arg10[%swap3A_2102], %swap3A_2105 {strides = array<i32>} : memref<256xi32, #tpu.memory_space<vmem>>, vector<16xi32>,
          } else {
          }
          %jit3A_1486 = arith.constant 1 : i32
          %jit3A_1487 = arith.constant 0 : i32
          %select_n3A_1488 = arith.select %gt3A_1482, %jit3A_1486, %jit3A_1487 : i32
          %add3A_1489 = arith.addi %add3A_1478, %select_n3A_1488 : i32
          %slice3A_1490 = vector.extract_strided_slice %get3A_1368 {offsets = [11], sizes = [1], strides = [1]} : vector<16xf32> to vector<1xf32>
          %squeeze3A_1491 = vector.extract %slice3A_1490[0] : f32 from vector<1xf32>
          %gt3A_1492 = arith.constant 5.000000e-01 : f32
          %gt3A_1493 = arith.cmpf ogt, %squeeze3A_1491, %gt3A_1492 : f32
          %convert_element_type3A_1494 = arith.extui %gt3A_1493 : i1 to i32
          %cond3A_1495 = arith.constant 0 : i32
          %cond3A_1496 = arith.cmpi ne, %convert_element_type3A_1494, %cond3A_1495 : i32
          scf.if %cond3A_1496 {
            %mul3A_2094 = arith.constant 128 : i32
            %mul3A_2095 = arith.muli %scan3A_613, %mul3A_2094 : i32
            %add3A_2096 = arith.constant 75 : i32
            %add3A_2097 = arith.addi %mul3A_2095, %add3A_2096 : i32
            %broadcast_in_dim3A_2098 = arith.constant 0 : i32
            %broadcast_in_dim3A_2099 = vector.broadcast %broadcast_in_dim3A_2098 : i32 to vector<16xi32>
            %add3A_2100 = vector.broadcast %add3A_2097 : i32 to vector<16xi32>
            %add3A_2101 = arith.addi %broadcast_in_dim3A_2099, %add3A_2100 : vector<16xi32>
            %swap3A_2102 = arith.index_cast %add3A_1489 : i32 to index
            %swap3A_2103 = tpu.vector_load %arg10[%swap3A_2102] {strides = array<i32>} : memref<256xi32, #tpu.memory_space<vmem>>, vector<16xi32>,
            %swap3A_2104 = vector.shape_cast %swap3A_2103 : vector<16xi32> to vector<16xi32>
            %swap3A_2105 = vector.shape_cast %add3A_2101 : vector<16xi32> to vector<16xi32>
            tpu.vector_store %arg10[%swap3A_2102], %swap3A_2105 {strides = array<i32>} : memref<256xi32, #tpu.memory_space<vmem>>, vector<16xi32>,
          } else {
          }
          %jit3A_1497 = arith.constant 1 : i32
          %jit3A_1498 = arith.constant 0 : i32
          %select_n3A_1499 = arith.select %gt3A_1493, %jit3A_1497, %jit3A_1498 : i32
          %add3A_1500 = arith.addi %add3A_1489, %select_n3A_1499 : i32
          %slice3A_1501 = vector.extract_strided_slice %get3A_1368 {offsets = [12], sizes = [1], strides = [1]} : vector<16xf32> to vector<1xf32>
          %squeeze3A_1502 = vector.extract %slice3A_1501[0] : f32 from vector<1xf32>
          %gt3A_1503 = arith.constant 5.000000e-01 : f32
          %gt3A_1504 = arith.cmpf ogt, %squeeze3A_1502, %gt3A_1503 : f32
          %convert_element_type3A_1505 = arith.extui %gt3A_1504 : i1 to i32
          %cond3A_1506 = arith.constant 0 : i32
          %cond3A_1507 = arith.cmpi ne, %convert_element_type3A_1505, %cond3A_1506 : i32
          scf.if %cond3A_1507 {
            %mul3A_2094 = arith.constant 128 : i32
            %mul3A_2095 = arith.muli %scan3A_613, %mul3A_2094 : i32
            %add3A_2096 = arith.constant 76 : i32
            %add3A_2097 = arith.addi %mul3A_2095, %add3A_2096 : i32
            %broadcast_in_dim3A_2098 = arith.constant 0 : i32
            %broadcast_in_dim3A_2099 = vector.broadcast %broadcast_in_dim3A_2098 : i32 to vector<16xi32>
            %add3A_2100 = vector.broadcast %add3A_2097 : i32 to vector<16xi32>
            %add3A_2101 = arith.addi %broadcast_in_dim3A_2099, %add3A_2100 : vector<16xi32>
            %swap3A_2102 = arith.index_cast %add3A_1500 : i32 to index
            %swap3A_2103 = tpu.vector_load %arg10[%swap3A_2102] {strides = array<i32>} : memref<256xi32, #tpu.memory_space<vmem>>, vector<16xi32>,
            %swap3A_2104 = vector.shape_cast %swap3A_2103 : vector<16xi32> to vector<16xi32>
            %swap3A_2105 = vector.shape_cast %add3A_2101 : vector<16xi32> to vector<16xi32>
            tpu.vector_store %arg10[%swap3A_2102], %swap3A_2105 {strides = array<i32>} : memref<256xi32, #tpu.memory_space<vmem>>, vector<16xi32>,
          } else {
          }
          %jit3A_1508 = arith.constant 1 : i32
          %jit3A_1509 = arith.constant 0 : i32
          %select_n3A_1510 = arith.select %gt3A_1504, %jit3A_1508, %jit3A_1509 : i32
          %add3A_1511 = arith.addi %add3A_1500, %select_n3A_1510 : i32
          %slice3A_1512 = vector.extract_strided_slice %get3A_1368 {offsets = [13], sizes = [1], strides = [1]} : vector<16xf32> to vector<1xf32>
          %squeeze3A_1513 = vector.extract %slice3A_1512[0] : f32 from vector<1xf32>
          %gt3A_1514 = arith.constant 5.000000e-01 : f32
          %gt3A_1515 = arith.cmpf ogt, %squeeze3A_1513, %gt3A_1514 : f32
          %convert_element_type3A_1516 = arith.extui %gt3A_1515 : i1 to i32
          %cond3A_1517 = arith.constant 0 : i32
          %cond3A_1518 = arith.cmpi ne, %convert_element_type3A_1516, %cond3A_1517 : i32
          scf.if %cond3A_1518 {
            %mul3A_2094 = arith.constant 128 : i32
            %mul3A_2095 = arith.muli %scan3A_613, %mul3A_2094 : i32
            %add3A_2096 = arith.constant 77 : i32
            %add3A_2097 = arith.addi %mul3A_2095, %add3A_2096 : i32
            %broadcast_in_dim3A_2098 = arith.constant 0 : i32
            %broadcast_in_dim3A_2099 = vector.broadcast %broadcast_in_dim3A_2098 : i32 to vector<16xi32>
            %add3A_2100 = vector.broadcast %add3A_2097 : i32 to vector<16xi32>
            %add3A_2101 = arith.addi %broadcast_in_dim3A_2099, %add3A_2100 : vector<16xi32>
            %swap3A_2102 = arith.index_cast %add3A_1511 : i32 to index
            %swap3A_2103 = tpu.vector_load %arg10[%swap3A_2102] {strides = array<i32>} : memref<256xi32, #tpu.memory_space<vmem>>, vector<16xi32>,
            %swap3A_2104 = vector.shape_cast %swap3A_2103 : vector<16xi32> to vector<16xi32>
            %swap3A_2105 = vector.shape_cast %add3A_2101 : vector<16xi32> to vector<16xi32>
            tpu.vector_store %arg10[%swap3A_2102], %swap3A_2105 {strides = array<i32>} : memref<256xi32, #tpu.memory_space<vmem>>, vector<16xi32>,
          } else {
          }
          %jit3A_1519 = arith.constant 1 : i32
          %jit3A_1520 = arith.constant 0 : i32
          %select_n3A_1521 = arith.select %gt3A_1515, %jit3A_1519, %jit3A_1520 : i32
          %add3A_1522 = arith.addi %add3A_1511, %select_n3A_1521 : i32
          %slice3A_1523 = vector.extract_strided_slice %get3A_1368 {offsets = [14], sizes = [1], strides = [1]} : vector<16xf32> to vector<1xf32>
          %squeeze3A_1524 = vector.extract %slice3A_1523[0] : f32 from vector<1xf32>
          %gt3A_1525 = arith.constant 5.000000e-01 : f32
          %gt3A_1526 = arith.cmpf ogt, %squeeze3A_1524, %gt3A_1525 : f32
          %convert_element_type3A_1527 = arith.extui %gt3A_1526 : i1 to i32
          %cond3A_1528 = arith.constant 0 : i32
          %cond3A_1529 = arith.cmpi ne, %convert_element_type3A_1527, %cond3A_1528 : i32
          scf.if %cond3A_1529 {
            %mul3A_2094 = arith.constant 128 : i32
            %mul3A_2095 = arith.muli %scan3A_613, %mul3A_2094 : i32
            %add3A_2096 = arith.constant 78 : i32
            %add3A_2097 = arith.addi %mul3A_2095, %add3A_2096 : i32
            %broadcast_in_dim3A_2098 = arith.constant 0 : i32
            %broadcast_in_dim3A_2099 = vector.broadcast %broadcast_in_dim3A_2098 : i32 to vector<16xi32>
            %add3A_2100 = vector.broadcast %add3A_2097 : i32 to vector<16xi32>
            %add3A_2101 = arith.addi %broadcast_in_dim3A_2099, %add3A_2100 : vector<16xi32>
            %swap3A_2102 = arith.index_cast %add3A_1522 : i32 to index
            %swap3A_2103 = tpu.vector_load %arg10[%swap3A_2102] {strides = array<i32>} : memref<256xi32, #tpu.memory_space<vmem>>, vector<16xi32>,
            %swap3A_2104 = vector.shape_cast %swap3A_2103 : vector<16xi32> to vector<16xi32>
            %swap3A_2105 = vector.shape_cast %add3A_2101 : vector<16xi32> to vector<16xi32>
            tpu.vector_store %arg10[%swap3A_2102], %swap3A_2105 {strides = array<i32>} : memref<256xi32, #tpu.memory_space<vmem>>, vector<16xi32>,
          } else {
          }
          %jit3A_1530 = arith.constant 1 : i32
          %jit3A_1531 = arith.constant 0 : i32
          %select_n3A_1532 = arith.select %gt3A_1526, %jit3A_1530, %jit3A_1531 : i32
          %add3A_1533 = arith.addi %add3A_1522, %select_n3A_1532 : i32
          %slice3A_1534 = vector.extract_strided_slice %get3A_1368 {offsets = [15], sizes = [1], strides = [1]} : vector<16xf32> to vector<1xf32>
          %squeeze3A_1535 = vector.extract %slice3A_1534[0] : f32 from vector<1xf32>
          %gt3A_1536 = arith.constant 5.000000e-01 : f32
          %gt3A_1537 = arith.cmpf ogt, %squeeze3A_1535, %gt3A_1536 : f32
          %convert_element_type3A_1538 = arith.extui %gt3A_1537 : i1 to i32
          %cond3A_1539 = arith.constant 0 : i32
          %cond3A_1540 = arith.cmpi ne, %convert_element_type3A_1538, %cond3A_1539 : i32
          scf.if %cond3A_1540 {
            %mul3A_2094 = arith.constant 128 : i32
            %mul3A_2095 = arith.muli %scan3A_613, %mul3A_2094 : i32
            %add3A_2096 = arith.constant 79 : i32
            %add3A_2097 = arith.addi %mul3A_2095, %add3A_2096 : i32
            %broadcast_in_dim3A_2098 = arith.constant 0 : i32
            %broadcast_in_dim3A_2099 = vector.broadcast %broadcast_in_dim3A_2098 : i32 to vector<16xi32>
            %add3A_2100 = vector.broadcast %add3A_2097 : i32 to vector<16xi32>
            %add3A_2101 = arith.addi %broadcast_in_dim3A_2099, %add3A_2100 : vector<16xi32>
            %swap3A_2102 = arith.index_cast %add3A_1533 : i32 to index
            %swap3A_2103 = tpu.vector_load %arg10[%swap3A_2102] {strides = array<i32>} : memref<256xi32, #tpu.memory_space<vmem>>, vector<16xi32>,
            %swap3A_2104 = vector.shape_cast %swap3A_2103 : vector<16xi32> to vector<16xi32>
            %swap3A_2105 = vector.shape_cast %add3A_2101 : vector<16xi32> to vector<16xi32>
            tpu.vector_store %arg10[%swap3A_2102], %swap3A_2105 {strides = array<i32>} : memref<256xi32, #tpu.memory_space<vmem>>, vector<16xi32>,
          } else {
          }
          %jit3A_1541 = arith.constant 1 : i32
          %jit3A_1542 = arith.constant 0 : i32
          %select_n3A_1543 = arith.select %gt3A_1537, %jit3A_1541, %jit3A_1542 : i32
          %add3A_1544 = arith.addi %add3A_1533, %select_n3A_1543 : i32
          %mul3A_1545 = arith.constant 128 : i32
          %mul3A_1546 = arith.muli %scan3A_613, %mul3A_1545 : i32
          %add3A_1547 = arith.constant 80 : i32
          %add3A_1548 = arith.addi %mul3A_1546, %add3A_1547 : i32
          %get3A_1549 = arith.index_cast %add3A_1548 : i32 to index
          %get3A_1550 = tpu.vector_load %arg7[%get3A_1549] {strides = array<i32>} : memref<8192xf32, #tpu.memory_space<vmem>>, vector<16xf32>,
          %get3A_1551 = vector.shape_cast %get3A_1550 : vector<16xf32> to vector<16xf32>
          %slice3A_1552 = vector.extract_strided_slice %get3A_1551 {offsets = [0], sizes = [1], strides = [1]} : vector<16xf32> to vector<1xf32>
          %squeeze3A_1553 = vector.extract %slice3A_1552[0] : f32 from vector<1xf32>
          %gt3A_1554 = arith.constant 5.000000e-01 : f32
          %gt3A_1555 = arith.cmpf ogt, %squeeze3A_1553, %gt3A_1554 : f32
          %convert_element_type3A_1556 = arith.extui %gt3A_1555 : i1 to i32
          %cond3A_1557 = arith.constant 0 : i32
          %cond3A_1558 = arith.cmpi ne, %convert_element_type3A_1556, %cond3A_1557 : i32
          scf.if %cond3A_1558 {
            %mul3A_2094 = arith.constant 128 : i32
            %mul3A_2095 = arith.muli %scan3A_613, %mul3A_2094 : i32
            %add3A_2096 = arith.constant 80 : i32
            %add3A_2097 = arith.addi %mul3A_2095, %add3A_2096 : i32
            %broadcast_in_dim3A_2098 = arith.constant 0 : i32
            %broadcast_in_dim3A_2099 = vector.broadcast %broadcast_in_dim3A_2098 : i32 to vector<16xi32>
            %add3A_2100 = vector.broadcast %add3A_2097 : i32 to vector<16xi32>
            %add3A_2101 = arith.addi %broadcast_in_dim3A_2099, %add3A_2100 : vector<16xi32>
            %swap3A_2102 = arith.index_cast %add3A_1544 : i32 to index
            %swap3A_2103 = tpu.vector_load %arg10[%swap3A_2102] {strides = array<i32>} : memref<256xi32, #tpu.memory_space<vmem>>, vector<16xi32>,
            %swap3A_2104 = vector.shape_cast %swap3A_2103 : vector<16xi32> to vector<16xi32>
            %swap3A_2105 = vector.shape_cast %add3A_2101 : vector<16xi32> to vector<16xi32>
            tpu.vector_store %arg10[%swap3A_2102], %swap3A_2105 {strides = array<i32>} : memref<256xi32, #tpu.memory_space<vmem>>, vector<16xi32>,
          } else {
          }
          %jit3A_1559 = arith.constant 1 : i32
          %jit3A_1560 = arith.constant 0 : i32
          %select_n3A_1561 = arith.select %gt3A_1555, %jit3A_1559, %jit3A_1560 : i32
          %add3A_1562 = arith.addi %add3A_1544, %select_n3A_1561 : i32
          %slice3A_1563 = vector.extract_strided_slice %get3A_1551 {offsets = [1], sizes = [1], strides = [1]} : vector<16xf32> to vector<1xf32>
          %squeeze3A_1564 = vector.extract %slice3A_1563[0] : f32 from vector<1xf32>
          %gt3A_1565 = arith.constant 5.000000e-01 : f32
          %gt3A_1566 = arith.cmpf ogt, %squeeze3A_1564, %gt3A_1565 : f32
          %convert_element_type3A_1567 = arith.extui %gt3A_1566 : i1 to i32
          %cond3A_1568 = arith.constant 0 : i32
          %cond3A_1569 = arith.cmpi ne, %convert_element_type3A_1567, %cond3A_1568 : i32
          scf.if %cond3A_1569 {
            %mul3A_2094 = arith.constant 128 : i32
            %mul3A_2095 = arith.muli %scan3A_613, %mul3A_2094 : i32
            %add3A_2096 = arith.constant 81 : i32
            %add3A_2097 = arith.addi %mul3A_2095, %add3A_2096 : i32
            %broadcast_in_dim3A_2098 = arith.constant 0 : i32
            %broadcast_in_dim3A_2099 = vector.broadcast %broadcast_in_dim3A_2098 : i32 to vector<16xi32>
            %add3A_2100 = vector.broadcast %add3A_2097 : i32 to vector<16xi32>
            %add3A_2101 = arith.addi %broadcast_in_dim3A_2099, %add3A_2100 : vector<16xi32>
            %swap3A_2102 = arith.index_cast %add3A_1562 : i32 to index
            %swap3A_2103 = tpu.vector_load %arg10[%swap3A_2102] {strides = array<i32>} : memref<256xi32, #tpu.memory_space<vmem>>, vector<16xi32>,
            %swap3A_2104 = vector.shape_cast %swap3A_2103 : vector<16xi32> to vector<16xi32>
            %swap3A_2105 = vector.shape_cast %add3A_2101 : vector<16xi32> to vector<16xi32>
            tpu.vector_store %arg10[%swap3A_2102], %swap3A_2105 {strides = array<i32>} : memref<256xi32, #tpu.memory_space<vmem>>, vector<16xi32>,
          } else {
          }
          %jit3A_1570 = arith.constant 1 : i32
          %jit3A_1571 = arith.constant 0 : i32
          %select_n3A_1572 = arith.select %gt3A_1566, %jit3A_1570, %jit3A_1571 : i32
          %add3A_1573 = arith.addi %add3A_1562, %select_n3A_1572 : i32
          %slice3A_1574 = vector.extract_strided_slice %get3A_1551 {offsets = [2], sizes = [1], strides = [1]} : vector<16xf32> to vector<1xf32>
          %squeeze3A_1575 = vector.extract %slice3A_1574[0] : f32 from vector<1xf32>
          %gt3A_1576 = arith.constant 5.000000e-01 : f32
          %gt3A_1577 = arith.cmpf ogt, %squeeze3A_1575, %gt3A_1576 : f32
          %convert_element_type3A_1578 = arith.extui %gt3A_1577 : i1 to i32
          %cond3A_1579 = arith.constant 0 : i32
          %cond3A_1580 = arith.cmpi ne, %convert_element_type3A_1578, %cond3A_1579 : i32
          scf.if %cond3A_1580 {
            %mul3A_2094 = arith.constant 128 : i32
            %mul3A_2095 = arith.muli %scan3A_613, %mul3A_2094 : i32
            %add3A_2096 = arith.constant 82 : i32
            %add3A_2097 = arith.addi %mul3A_2095, %add3A_2096 : i32
            %broadcast_in_dim3A_2098 = arith.constant 0 : i32
            %broadcast_in_dim3A_2099 = vector.broadcast %broadcast_in_dim3A_2098 : i32 to vector<16xi32>
            %add3A_2100 = vector.broadcast %add3A_2097 : i32 to vector<16xi32>
            %add3A_2101 = arith.addi %broadcast_in_dim3A_2099, %add3A_2100 : vector<16xi32>
            %swap3A_2102 = arith.index_cast %add3A_1573 : i32 to index
            %swap3A_2103 = tpu.vector_load %arg10[%swap3A_2102] {strides = array<i32>} : memref<256xi32, #tpu.memory_space<vmem>>, vector<16xi32>,
            %swap3A_2104 = vector.shape_cast %swap3A_2103 : vector<16xi32> to vector<16xi32>
            %swap3A_2105 = vector.shape_cast %add3A_2101 : vector<16xi32> to vector<16xi32>
            tpu.vector_store %arg10[%swap3A_2102], %swap3A_2105 {strides = array<i32>} : memref<256xi32, #tpu.memory_space<vmem>>, vector<16xi32>,
          } else {
          }
          %jit3A_1581 = arith.constant 1 : i32
          %jit3A_1582 = arith.constant 0 : i32
          %select_n3A_1583 = arith.select %gt3A_1577, %jit3A_1581, %jit3A_1582 : i32
          %add3A_1584 = arith.addi %add3A_1573, %select_n3A_1583 : i32
          %slice3A_1585 = vector.extract_strided_slice %get3A_1551 {offsets = [3], sizes = [1], strides = [1]} : vector<16xf32> to vector<1xf32>
          %squeeze3A_1586 = vector.extract %slice3A_1585[0] : f32 from vector<1xf32>
          %gt3A_1587 = arith.constant 5.000000e-01 : f32
          %gt3A_1588 = arith.cmpf ogt, %squeeze3A_1586, %gt3A_1587 : f32
          %convert_element_type3A_1589 = arith.extui %gt3A_1588 : i1 to i32
          %cond3A_1590 = arith.constant 0 : i32
          %cond3A_1591 = arith.cmpi ne, %convert_element_type3A_1589, %cond3A_1590 : i32
          scf.if %cond3A_1591 {
            %mul3A_2094 = arith.constant 128 : i32
            %mul3A_2095 = arith.muli %scan3A_613, %mul3A_2094 : i32
            %add3A_2096 = arith.constant 83 : i32
            %add3A_2097 = arith.addi %mul3A_2095, %add3A_2096 : i32
            %broadcast_in_dim3A_2098 = arith.constant 0 : i32
            %broadcast_in_dim3A_2099 = vector.broadcast %broadcast_in_dim3A_2098 : i32 to vector<16xi32>
            %add3A_2100 = vector.broadcast %add3A_2097 : i32 to vector<16xi32>
            %add3A_2101 = arith.addi %broadcast_in_dim3A_2099, %add3A_2100 : vector<16xi32>
            %swap3A_2102 = arith.index_cast %add3A_1584 : i32 to index
            %swap3A_2103 = tpu.vector_load %arg10[%swap3A_2102] {strides = array<i32>} : memref<256xi32, #tpu.memory_space<vmem>>, vector<16xi32>,
            %swap3A_2104 = vector.shape_cast %swap3A_2103 : vector<16xi32> to vector<16xi32>
            %swap3A_2105 = vector.shape_cast %add3A_2101 : vector<16xi32> to vector<16xi32>
            tpu.vector_store %arg10[%swap3A_2102], %swap3A_2105 {strides = array<i32>} : memref<256xi32, #tpu.memory_space<vmem>>, vector<16xi32>,
          } else {
          }
          %jit3A_1592 = arith.constant 1 : i32
          %jit3A_1593 = arith.constant 0 : i32
          %select_n3A_1594 = arith.select %gt3A_1588, %jit3A_1592, %jit3A_1593 : i32
          %add3A_1595 = arith.addi %add3A_1584, %select_n3A_1594 : i32
          %slice3A_1596 = vector.extract_strided_slice %get3A_1551 {offsets = [4], sizes = [1], strides = [1]} : vector<16xf32> to vector<1xf32>
          %squeeze3A_1597 = vector.extract %slice3A_1596[0] : f32 from vector<1xf32>
          %gt3A_1598 = arith.constant 5.000000e-01 : f32
          %gt3A_1599 = arith.cmpf ogt, %squeeze3A_1597, %gt3A_1598 : f32
          %convert_element_type3A_1600 = arith.extui %gt3A_1599 : i1 to i32
          %cond3A_1601 = arith.constant 0 : i32
          %cond3A_1602 = arith.cmpi ne, %convert_element_type3A_1600, %cond3A_1601 : i32
          scf.if %cond3A_1602 {
            %mul3A_2094 = arith.constant 128 : i32
            %mul3A_2095 = arith.muli %scan3A_613, %mul3A_2094 : i32
            %add3A_2096 = arith.constant 84 : i32
            %add3A_2097 = arith.addi %mul3A_2095, %add3A_2096 : i32
            %broadcast_in_dim3A_2098 = arith.constant 0 : i32
            %broadcast_in_dim3A_2099 = vector.broadcast %broadcast_in_dim3A_2098 : i32 to vector<16xi32>
            %add3A_2100 = vector.broadcast %add3A_2097 : i32 to vector<16xi32>
            %add3A_2101 = arith.addi %broadcast_in_dim3A_2099, %add3A_2100 : vector<16xi32>
            %swap3A_2102 = arith.index_cast %add3A_1595 : i32 to index
            %swap3A_2103 = tpu.vector_load %arg10[%swap3A_2102] {strides = array<i32>} : memref<256xi32, #tpu.memory_space<vmem>>, vector<16xi32>,
            %swap3A_2104 = vector.shape_cast %swap3A_2103 : vector<16xi32> to vector<16xi32>
            %swap3A_2105 = vector.shape_cast %add3A_2101 : vector<16xi32> to vector<16xi32>
            tpu.vector_store %arg10[%swap3A_2102], %swap3A_2105 {strides = array<i32>} : memref<256xi32, #tpu.memory_space<vmem>>, vector<16xi32>,
          } else {
          }
          %jit3A_1603 = arith.constant 1 : i32
          %jit3A_1604 = arith.constant 0 : i32
          %select_n3A_1605 = arith.select %gt3A_1599, %jit3A_1603, %jit3A_1604 : i32
          %add3A_1606 = arith.addi %add3A_1595, %select_n3A_1605 : i32
          %slice3A_1607 = vector.extract_strided_slice %get3A_1551 {offsets = [5], sizes = [1], strides = [1]} : vector<16xf32> to vector<1xf32>
          %squeeze3A_1608 = vector.extract %slice3A_1607[0] : f32 from vector<1xf32>
          %gt3A_1609 = arith.constant 5.000000e-01 : f32
          %gt3A_1610 = arith.cmpf ogt, %squeeze3A_1608, %gt3A_1609 : f32
          %convert_element_type3A_1611 = arith.extui %gt3A_1610 : i1 to i32
          %cond3A_1612 = arith.constant 0 : i32
          %cond3A_1613 = arith.cmpi ne, %convert_element_type3A_1611, %cond3A_1612 : i32
          scf.if %cond3A_1613 {
            %mul3A_2094 = arith.constant 128 : i32
            %mul3A_2095 = arith.muli %scan3A_613, %mul3A_2094 : i32
            %add3A_2096 = arith.constant 85 : i32
            %add3A_2097 = arith.addi %mul3A_2095, %add3A_2096 : i32
            %broadcast_in_dim3A_2098 = arith.constant 0 : i32
            %broadcast_in_dim3A_2099 = vector.broadcast %broadcast_in_dim3A_2098 : i32 to vector<16xi32>
            %add3A_2100 = vector.broadcast %add3A_2097 : i32 to vector<16xi32>
            %add3A_2101 = arith.addi %broadcast_in_dim3A_2099, %add3A_2100 : vector<16xi32>
            %swap3A_2102 = arith.index_cast %add3A_1606 : i32 to index
            %swap3A_2103 = tpu.vector_load %arg10[%swap3A_2102] {strides = array<i32>} : memref<256xi32, #tpu.memory_space<vmem>>, vector<16xi32>,
            %swap3A_2104 = vector.shape_cast %swap3A_2103 : vector<16xi32> to vector<16xi32>
            %swap3A_2105 = vector.shape_cast %add3A_2101 : vector<16xi32> to vector<16xi32>
            tpu.vector_store %arg10[%swap3A_2102], %swap3A_2105 {strides = array<i32>} : memref<256xi32, #tpu.memory_space<vmem>>, vector<16xi32>,
          } else {
          }
          %jit3A_1614 = arith.constant 1 : i32
          %jit3A_1615 = arith.constant 0 : i32
          %select_n3A_1616 = arith.select %gt3A_1610, %jit3A_1614, %jit3A_1615 : i32
          %add3A_1617 = arith.addi %add3A_1606, %select_n3A_1616 : i32
          %slice3A_1618 = vector.extract_strided_slice %get3A_1551 {offsets = [6], sizes = [1], strides = [1]} : vector<16xf32> to vector<1xf32>
          %squeeze3A_1619 = vector.extract %slice3A_1618[0] : f32 from vector<1xf32>
          %gt3A_1620 = arith.constant 5.000000e-01 : f32
          %gt3A_1621 = arith.cmpf ogt, %squeeze3A_1619, %gt3A_1620 : f32
          %convert_element_type3A_1622 = arith.extui %gt3A_1621 : i1 to i32
          %cond3A_1623 = arith.constant 0 : i32
          %cond3A_1624 = arith.cmpi ne, %convert_element_type3A_1622, %cond3A_1623 : i32
          scf.if %cond3A_1624 {
            %mul3A_2094 = arith.constant 128 : i32
            %mul3A_2095 = arith.muli %scan3A_613, %mul3A_2094 : i32
            %add3A_2096 = arith.constant 86 : i32
            %add3A_2097 = arith.addi %mul3A_2095, %add3A_2096 : i32
            %broadcast_in_dim3A_2098 = arith.constant 0 : i32
            %broadcast_in_dim3A_2099 = vector.broadcast %broadcast_in_dim3A_2098 : i32 to vector<16xi32>
            %add3A_2100 = vector.broadcast %add3A_2097 : i32 to vector<16xi32>
            %add3A_2101 = arith.addi %broadcast_in_dim3A_2099, %add3A_2100 : vector<16xi32>
            %swap3A_2102 = arith.index_cast %add3A_1617 : i32 to index
            %swap3A_2103 = tpu.vector_load %arg10[%swap3A_2102] {strides = array<i32>} : memref<256xi32, #tpu.memory_space<vmem>>, vector<16xi32>,
            %swap3A_2104 = vector.shape_cast %swap3A_2103 : vector<16xi32> to vector<16xi32>
            %swap3A_2105 = vector.shape_cast %add3A_2101 : vector<16xi32> to vector<16xi32>
            tpu.vector_store %arg10[%swap3A_2102], %swap3A_2105 {strides = array<i32>} : memref<256xi32, #tpu.memory_space<vmem>>, vector<16xi32>,
          } else {
          }
          %jit3A_1625 = arith.constant 1 : i32
          %jit3A_1626 = arith.constant 0 : i32
          %select_n3A_1627 = arith.select %gt3A_1621, %jit3A_1625, %jit3A_1626 : i32
          %add3A_1628 = arith.addi %add3A_1617, %select_n3A_1627 : i32
          %slice3A_1629 = vector.extract_strided_slice %get3A_1551 {offsets = [7], sizes = [1], strides = [1]} : vector<16xf32> to vector<1xf32>
          %squeeze3A_1630 = vector.extract %slice3A_1629[0] : f32 from vector<1xf32>
          %gt3A_1631 = arith.constant 5.000000e-01 : f32
          %gt3A_1632 = arith.cmpf ogt, %squeeze3A_1630, %gt3A_1631 : f32
          %convert_element_type3A_1633 = arith.extui %gt3A_1632 : i1 to i32
          %cond3A_1634 = arith.constant 0 : i32
          %cond3A_1635 = arith.cmpi ne, %convert_element_type3A_1633, %cond3A_1634 : i32
          scf.if %cond3A_1635 {
            %mul3A_2094 = arith.constant 128 : i32
            %mul3A_2095 = arith.muli %scan3A_613, %mul3A_2094 : i32
            %add3A_2096 = arith.constant 87 : i32
            %add3A_2097 = arith.addi %mul3A_2095, %add3A_2096 : i32
            %broadcast_in_dim3A_2098 = arith.constant 0 : i32
            %broadcast_in_dim3A_2099 = vector.broadcast %broadcast_in_dim3A_2098 : i32 to vector<16xi32>
            %add3A_2100 = vector.broadcast %add3A_2097 : i32 to vector<16xi32>
            %add3A_2101 = arith.addi %broadcast_in_dim3A_2099, %add3A_2100 : vector<16xi32>
            %swap3A_2102 = arith.index_cast %add3A_1628 : i32 to index
            %swap3A_2103 = tpu.vector_load %arg10[%swap3A_2102] {strides = array<i32>} : memref<256xi32, #tpu.memory_space<vmem>>, vector<16xi32>,
            %swap3A_2104 = vector.shape_cast %swap3A_2103 : vector<16xi32> to vector<16xi32>
            %swap3A_2105 = vector.shape_cast %add3A_2101 : vector<16xi32> to vector<16xi32>
            tpu.vector_store %arg10[%swap3A_2102], %swap3A_2105 {strides = array<i32>} : memref<256xi32, #tpu.memory_space<vmem>>, vector<16xi32>,
          } else {
          }
          %jit3A_1636 = arith.constant 1 : i32
          %jit3A_1637 = arith.constant 0 : i32
          %select_n3A_1638 = arith.select %gt3A_1632, %jit3A_1636, %jit3A_1637 : i32
          %add3A_1639 = arith.addi %add3A_1628, %select_n3A_1638 : i32
          %slice3A_1640 = vector.extract_strided_slice %get3A_1551 {offsets = [8], sizes = [1], strides = [1]} : vector<16xf32> to vector<1xf32>
          %squeeze3A_1641 = vector.extract %slice3A_1640[0] : f32 from vector<1xf32>
          %gt3A_1642 = arith.constant 5.000000e-01 : f32
          %gt3A_1643 = arith.cmpf ogt, %squeeze3A_1641, %gt3A_1642 : f32
          %convert_element_type3A_1644 = arith.extui %gt3A_1643 : i1 to i32
          %cond3A_1645 = arith.constant 0 : i32
          %cond3A_1646 = arith.cmpi ne, %convert_element_type3A_1644, %cond3A_1645 : i32
          scf.if %cond3A_1646 {
            %mul3A_2094 = arith.constant 128 : i32
            %mul3A_2095 = arith.muli %scan3A_613, %mul3A_2094 : i32
            %add3A_2096 = arith.constant 88 : i32
            %add3A_2097 = arith.addi %mul3A_2095, %add3A_2096 : i32
            %broadcast_in_dim3A_2098 = arith.constant 0 : i32
            %broadcast_in_dim3A_2099 = vector.broadcast %broadcast_in_dim3A_2098 : i32 to vector<16xi32>
            %add3A_2100 = vector.broadcast %add3A_2097 : i32 to vector<16xi32>
            %add3A_2101 = arith.addi %broadcast_in_dim3A_2099, %add3A_2100 : vector<16xi32>
            %swap3A_2102 = arith.index_cast %add3A_1639 : i32 to index
            %swap3A_2103 = tpu.vector_load %arg10[%swap3A_2102] {strides = array<i32>} : memref<256xi32, #tpu.memory_space<vmem>>, vector<16xi32>,
            %swap3A_2104 = vector.shape_cast %swap3A_2103 : vector<16xi32> to vector<16xi32>
            %swap3A_2105 = vector.shape_cast %add3A_2101 : vector<16xi32> to vector<16xi32>
            tpu.vector_store %arg10[%swap3A_2102], %swap3A_2105 {strides = array<i32>} : memref<256xi32, #tpu.memory_space<vmem>>, vector<16xi32>,
          } else {
          }
          %jit3A_1647 = arith.constant 1 : i32
          %jit3A_1648 = arith.constant 0 : i32
          %select_n3A_1649 = arith.select %gt3A_1643, %jit3A_1647, %jit3A_1648 : i32
          %add3A_1650 = arith.addi %add3A_1639, %select_n3A_1649 : i32
          %slice3A_1651 = vector.extract_strided_slice %get3A_1551 {offsets = [9], sizes = [1], strides = [1]} : vector<16xf32> to vector<1xf32>
          %squeeze3A_1652 = vector.extract %slice3A_1651[0] : f32 from vector<1xf32>
          %gt3A_1653 = arith.constant 5.000000e-01 : f32
          %gt3A_1654 = arith.cmpf ogt, %squeeze3A_1652, %gt3A_1653 : f32
          %convert_element_type3A_1655 = arith.extui %gt3A_1654 : i1 to i32
          %cond3A_1656 = arith.constant 0 : i32
          %cond3A_1657 = arith.cmpi ne, %convert_element_type3A_1655, %cond3A_1656 : i32
          scf.if %cond3A_1657 {
            %mul3A_2094 = arith.constant 128 : i32
            %mul3A_2095 = arith.muli %scan3A_613, %mul3A_2094 : i32
            %add3A_2096 = arith.constant 89 : i32
            %add3A_2097 = arith.addi %mul3A_2095, %add3A_2096 : i32
            %broadcast_in_dim3A_2098 = arith.constant 0 : i32
            %broadcast_in_dim3A_2099 = vector.broadcast %broadcast_in_dim3A_2098 : i32 to vector<16xi32>
            %add3A_2100 = vector.broadcast %add3A_2097 : i32 to vector<16xi32>
            %add3A_2101 = arith.addi %broadcast_in_dim3A_2099, %add3A_2100 : vector<16xi32>
            %swap3A_2102 = arith.index_cast %add3A_1650 : i32 to index
            %swap3A_2103 = tpu.vector_load %arg10[%swap3A_2102] {strides = array<i32>} : memref<256xi32, #tpu.memory_space<vmem>>, vector<16xi32>,
            %swap3A_2104 = vector.shape_cast %swap3A_2103 : vector<16xi32> to vector<16xi32>
            %swap3A_2105 = vector.shape_cast %add3A_2101 : vector<16xi32> to vector<16xi32>
            tpu.vector_store %arg10[%swap3A_2102], %swap3A_2105 {strides = array<i32>} : memref<256xi32, #tpu.memory_space<vmem>>, vector<16xi32>,
          } else {
          }
          %jit3A_1658 = arith.constant 1 : i32
          %jit3A_1659 = arith.constant 0 : i32
          %select_n3A_1660 = arith.select %gt3A_1654, %jit3A_1658, %jit3A_1659 : i32
          %add3A_1661 = arith.addi %add3A_1650, %select_n3A_1660 : i32
          %slice3A_1662 = vector.extract_strided_slice %get3A_1551 {offsets = [10], sizes = [1], strides = [1]} : vector<16xf32> to vector<1xf32>
          %squeeze3A_1663 = vector.extract %slice3A_1662[0] : f32 from vector<1xf32>
          %gt3A_1664 = arith.constant 5.000000e-01 : f32
          %gt3A_1665 = arith.cmpf ogt, %squeeze3A_1663, %gt3A_1664 : f32
          %convert_element_type3A_1666 = arith.extui %gt3A_1665 : i1 to i32
          %cond3A_1667 = arith.constant 0 : i32
          %cond3A_1668 = arith.cmpi ne, %convert_element_type3A_1666, %cond3A_1667 : i32
          scf.if %cond3A_1668 {
            %mul3A_2094 = arith.constant 128 : i32
            %mul3A_2095 = arith.muli %scan3A_613, %mul3A_2094 : i32
            %add3A_2096 = arith.constant 90 : i32
            %add3A_2097 = arith.addi %mul3A_2095, %add3A_2096 : i32
            %broadcast_in_dim3A_2098 = arith.constant 0 : i32
            %broadcast_in_dim3A_2099 = vector.broadcast %broadcast_in_dim3A_2098 : i32 to vector<16xi32>
            %add3A_2100 = vector.broadcast %add3A_2097 : i32 to vector<16xi32>
            %add3A_2101 = arith.addi %broadcast_in_dim3A_2099, %add3A_2100 : vector<16xi32>
            %swap3A_2102 = arith.index_cast %add3A_1661 : i32 to index
            %swap3A_2103 = tpu.vector_load %arg10[%swap3A_2102] {strides = array<i32>} : memref<256xi32, #tpu.memory_space<vmem>>, vector<16xi32>,
            %swap3A_2104 = vector.shape_cast %swap3A_2103 : vector<16xi32> to vector<16xi32>
            %swap3A_2105 = vector.shape_cast %add3A_2101 : vector<16xi32> to vector<16xi32>
            tpu.vector_store %arg10[%swap3A_2102], %swap3A_2105 {strides = array<i32>} : memref<256xi32, #tpu.memory_space<vmem>>, vector<16xi32>,
          } else {
          }
          %jit3A_1669 = arith.constant 1 : i32
          %jit3A_1670 = arith.constant 0 : i32
          %select_n3A_1671 = arith.select %gt3A_1665, %jit3A_1669, %jit3A_1670 : i32
          %add3A_1672 = arith.addi %add3A_1661, %select_n3A_1671 : i32
          %slice3A_1673 = vector.extract_strided_slice %get3A_1551 {offsets = [11], sizes = [1], strides = [1]} : vector<16xf32> to vector<1xf32>
          %squeeze3A_1674 = vector.extract %slice3A_1673[0] : f32 from vector<1xf32>
          %gt3A_1675 = arith.constant 5.000000e-01 : f32
          %gt3A_1676 = arith.cmpf ogt, %squeeze3A_1674, %gt3A_1675 : f32
          %convert_element_type3A_1677 = arith.extui %gt3A_1676 : i1 to i32
          %cond3A_1678 = arith.constant 0 : i32
          %cond3A_1679 = arith.cmpi ne, %convert_element_type3A_1677, %cond3A_1678 : i32
          scf.if %cond3A_1679 {
            %mul3A_2094 = arith.constant 128 : i32
            %mul3A_2095 = arith.muli %scan3A_613, %mul3A_2094 : i32
            %add3A_2096 = arith.constant 91 : i32
            %add3A_2097 = arith.addi %mul3A_2095, %add3A_2096 : i32
            %broadcast_in_dim3A_2098 = arith.constant 0 : i32
            %broadcast_in_dim3A_2099 = vector.broadcast %broadcast_in_dim3A_2098 : i32 to vector<16xi32>
            %add3A_2100 = vector.broadcast %add3A_2097 : i32 to vector<16xi32>
            %add3A_2101 = arith.addi %broadcast_in_dim3A_2099, %add3A_2100 : vector<16xi32>
            %swap3A_2102 = arith.index_cast %add3A_1672 : i32 to index
            %swap3A_2103 = tpu.vector_load %arg10[%swap3A_2102] {strides = array<i32>} : memref<256xi32, #tpu.memory_space<vmem>>, vector<16xi32>,
            %swap3A_2104 = vector.shape_cast %swap3A_2103 : vector<16xi32> to vector<16xi32>
            %swap3A_2105 = vector.shape_cast %add3A_2101 : vector<16xi32> to vector<16xi32>
            tpu.vector_store %arg10[%swap3A_2102], %swap3A_2105 {strides = array<i32>} : memref<256xi32, #tpu.memory_space<vmem>>, vector<16xi32>,
          } else {
          }
          %jit3A_1680 = arith.constant 1 : i32
          %jit3A_1681 = arith.constant 0 : i32
          %select_n3A_1682 = arith.select %gt3A_1676, %jit3A_1680, %jit3A_1681 : i32
          %add3A_1683 = arith.addi %add3A_1672, %select_n3A_1682 : i32
          %slice3A_1684 = vector.extract_strided_slice %get3A_1551 {offsets = [12], sizes = [1], strides = [1]} : vector<16xf32> to vector<1xf32>
          %squeeze3A_1685 = vector.extract %slice3A_1684[0] : f32 from vector<1xf32>
          %gt3A_1686 = arith.constant 5.000000e-01 : f32
          %gt3A_1687 = arith.cmpf ogt, %squeeze3A_1685, %gt3A_1686 : f32
          %convert_element_type3A_1688 = arith.extui %gt3A_1687 : i1 to i32
          %cond3A_1689 = arith.constant 0 : i32
          %cond3A_1690 = arith.cmpi ne, %convert_element_type3A_1688, %cond3A_1689 : i32
          scf.if %cond3A_1690 {
            %mul3A_2094 = arith.constant 128 : i32
            %mul3A_2095 = arith.muli %scan3A_613, %mul3A_2094 : i32
            %add3A_2096 = arith.constant 92 : i32
            %add3A_2097 = arith.addi %mul3A_2095, %add3A_2096 : i32
            %broadcast_in_dim3A_2098 = arith.constant 0 : i32
            %broadcast_in_dim3A_2099 = vector.broadcast %broadcast_in_dim3A_2098 : i32 to vector<16xi32>
            %add3A_2100 = vector.broadcast %add3A_2097 : i32 to vector<16xi32>
            %add3A_2101 = arith.addi %broadcast_in_dim3A_2099, %add3A_2100 : vector<16xi32>
            %swap3A_2102 = arith.index_cast %add3A_1683 : i32 to index
            %swap3A_2103 = tpu.vector_load %arg10[%swap3A_2102] {strides = array<i32>} : memref<256xi32, #tpu.memory_space<vmem>>, vector<16xi32>,
            %swap3A_2104 = vector.shape_cast %swap3A_2103 : vector<16xi32> to vector<16xi32>
            %swap3A_2105 = vector.shape_cast %add3A_2101 : vector<16xi32> to vector<16xi32>
            tpu.vector_store %arg10[%swap3A_2102], %swap3A_2105 {strides = array<i32>} : memref<256xi32, #tpu.memory_space<vmem>>, vector<16xi32>,
          } else {
          }
          %jit3A_1691 = arith.constant 1 : i32
          %jit3A_1692 = arith.constant 0 : i32
          %select_n3A_1693 = arith.select %gt3A_1687, %jit3A_1691, %jit3A_1692 : i32
          %add3A_1694 = arith.addi %add3A_1683, %select_n3A_1693 : i32
          %slice3A_1695 = vector.extract_strided_slice %get3A_1551 {offsets = [13], sizes = [1], strides = [1]} : vector<16xf32> to vector<1xf32>
          %squeeze3A_1696 = vector.extract %slice3A_1695[0] : f32 from vector<1xf32>
          %gt3A_1697 = arith.constant 5.000000e-01 : f32
          %gt3A_1698 = arith.cmpf ogt, %squeeze3A_1696, %gt3A_1697 : f32
          %convert_element_type3A_1699 = arith.extui %gt3A_1698 : i1 to i32
          %cond3A_1700 = arith.constant 0 : i32
          %cond3A_1701 = arith.cmpi ne, %convert_element_type3A_1699, %cond3A_1700 : i32
          scf.if %cond3A_1701 {
            %mul3A_2094 = arith.constant 128 : i32
            %mul3A_2095 = arith.muli %scan3A_613, %mul3A_2094 : i32
            %add3A_2096 = arith.constant 93 : i32
            %add3A_2097 = arith.addi %mul3A_2095, %add3A_2096 : i32
            %broadcast_in_dim3A_2098 = arith.constant 0 : i32
            %broadcast_in_dim3A_2099 = vector.broadcast %broadcast_in_dim3A_2098 : i32 to vector<16xi32>
            %add3A_2100 = vector.broadcast %add3A_2097 : i32 to vector<16xi32>
            %add3A_2101 = arith.addi %broadcast_in_dim3A_2099, %add3A_2100 : vector<16xi32>
            %swap3A_2102 = arith.index_cast %add3A_1694 : i32 to index
            %swap3A_2103 = tpu.vector_load %arg10[%swap3A_2102] {strides = array<i32>} : memref<256xi32, #tpu.memory_space<vmem>>, vector<16xi32>,
            %swap3A_2104 = vector.shape_cast %swap3A_2103 : vector<16xi32> to vector<16xi32>
            %swap3A_2105 = vector.shape_cast %add3A_2101 : vector<16xi32> to vector<16xi32>
            tpu.vector_store %arg10[%swap3A_2102], %swap3A_2105 {strides = array<i32>} : memref<256xi32, #tpu.memory_space<vmem>>, vector<16xi32>,
          } else {
          }
          %jit3A_1702 = arith.constant 1 : i32
          %jit3A_1703 = arith.constant 0 : i32
          %select_n3A_1704 = arith.select %gt3A_1698, %jit3A_1702, %jit3A_1703 : i32
          %add3A_1705 = arith.addi %add3A_1694, %select_n3A_1704 : i32
          %slice3A_1706 = vector.extract_strided_slice %get3A_1551 {offsets = [14], sizes = [1], strides = [1]} : vector<16xf32> to vector<1xf32>
          %squeeze3A_1707 = vector.extract %slice3A_1706[0] : f32 from vector<1xf32>
          %gt3A_1708 = arith.constant 5.000000e-01 : f32
          %gt3A_1709 = arith.cmpf ogt, %squeeze3A_1707, %gt3A_1708 : f32
          %convert_element_type3A_1710 = arith.extui %gt3A_1709 : i1 to i32
          %cond3A_1711 = arith.constant 0 : i32
          %cond3A_1712 = arith.cmpi ne, %convert_element_type3A_1710, %cond3A_1711 : i32
          scf.if %cond3A_1712 {
            %mul3A_2094 = arith.constant 128 : i32
            %mul3A_2095 = arith.muli %scan3A_613, %mul3A_2094 : i32
            %add3A_2096 = arith.constant 94 : i32
            %add3A_2097 = arith.addi %mul3A_2095, %add3A_2096 : i32
            %broadcast_in_dim3A_2098 = arith.constant 0 : i32
            %broadcast_in_dim3A_2099 = vector.broadcast %broadcast_in_dim3A_2098 : i32 to vector<16xi32>
            %add3A_2100 = vector.broadcast %add3A_2097 : i32 to vector<16xi32>
            %add3A_2101 = arith.addi %broadcast_in_dim3A_2099, %add3A_2100 : vector<16xi32>
            %swap3A_2102 = arith.index_cast %add3A_1705 : i32 to index
            %swap3A_2103 = tpu.vector_load %arg10[%swap3A_2102] {strides = array<i32>} : memref<256xi32, #tpu.memory_space<vmem>>, vector<16xi32>,
            %swap3A_2104 = vector.shape_cast %swap3A_2103 : vector<16xi32> to vector<16xi32>
            %swap3A_2105 = vector.shape_cast %add3A_2101 : vector<16xi32> to vector<16xi32>
            tpu.vector_store %arg10[%swap3A_2102], %swap3A_2105 {strides = array<i32>} : memref<256xi32, #tpu.memory_space<vmem>>, vector<16xi32>,
          } else {
          }
          %jit3A_1713 = arith.constant 1 : i32
          %jit3A_1714 = arith.constant 0 : i32
          %select_n3A_1715 = arith.select %gt3A_1709, %jit3A_1713, %jit3A_1714 : i32
          %add3A_1716 = arith.addi %add3A_1705, %select_n3A_1715 : i32
          %slice3A_1717 = vector.extract_strided_slice %get3A_1551 {offsets = [15], sizes = [1], strides = [1]} : vector<16xf32> to vector<1xf32>
          %squeeze3A_1718 = vector.extract %slice3A_1717[0] : f32 from vector<1xf32>
          %gt3A_1719 = arith.constant 5.000000e-01 : f32
          %gt3A_1720 = arith.cmpf ogt, %squeeze3A_1718, %gt3A_1719 : f32
          %convert_element_type3A_1721 = arith.extui %gt3A_1720 : i1 to i32
          %cond3A_1722 = arith.constant 0 : i32
          %cond3A_1723 = arith.cmpi ne, %convert_element_type3A_1721, %cond3A_1722 : i32
          scf.if %cond3A_1723 {
            %mul3A_2094 = arith.constant 128 : i32
            %mul3A_2095 = arith.muli %scan3A_613, %mul3A_2094 : i32
            %add3A_2096 = arith.constant 95 : i32
            %add3A_2097 = arith.addi %mul3A_2095, %add3A_2096 : i32
            %broadcast_in_dim3A_2098 = arith.constant 0 : i32
            %broadcast_in_dim3A_2099 = vector.broadcast %broadcast_in_dim3A_2098 : i32 to vector<16xi32>
            %add3A_2100 = vector.broadcast %add3A_2097 : i32 to vector<16xi32>
            %add3A_2101 = arith.addi %broadcast_in_dim3A_2099, %add3A_2100 : vector<16xi32>
            %swap3A_2102 = arith.index_cast %add3A_1716 : i32 to index
            %swap3A_2103 = tpu.vector_load %arg10[%swap3A_2102] {strides = array<i32>} : memref<256xi32, #tpu.memory_space<vmem>>, vector<16xi32>,
            %swap3A_2104 = vector.shape_cast %swap3A_2103 : vector<16xi32> to vector<16xi32>
            %swap3A_2105 = vector.shape_cast %add3A_2101 : vector<16xi32> to vector<16xi32>
            tpu.vector_store %arg10[%swap3A_2102], %swap3A_2105 {strides = array<i32>} : memref<256xi32, #tpu.memory_space<vmem>>, vector<16xi32>,
          } else {
          }
          %jit3A_1724 = arith.constant 1 : i32
          %jit3A_1725 = arith.constant 0 : i32
          %select_n3A_1726 = arith.select %gt3A_1720, %jit3A_1724, %jit3A_1725 : i32
          %add3A_1727 = arith.addi %add3A_1716, %select_n3A_1726 : i32
          %mul3A_1728 = arith.constant 128 : i32
          %mul3A_1729 = arith.muli %scan3A_613, %mul3A_1728 : i32
          %add3A_1730 = arith.constant 96 : i32
          %add3A_1731 = arith.addi %mul3A_1729, %add3A_1730 : i32
          %get3A_1732 = arith.index_cast %add3A_1731 : i32 to index
          %get3A_1733 = tpu.vector_load %arg7[%get3A_1732] {strides = array<i32>} : memref<8192xf32, #tpu.memory_space<vmem>>, vector<16xf32>,
          %get3A_1734 = vector.shape_cast %get3A_1733 : vector<16xf32> to vector<16xf32>
          %slice3A_1735 = vector.extract_strided_slice %get3A_1734 {offsets = [0], sizes = [1], strides = [1]} : vector<16xf32> to vector<1xf32>
          %squeeze3A_1736 = vector.extract %slice3A_1735[0] : f32 from vector<1xf32>
          %gt3A_1737 = arith.constant 5.000000e-01 : f32
          %gt3A_1738 = arith.cmpf ogt, %squeeze3A_1736, %gt3A_1737 : f32
          %convert_element_type3A_1739 = arith.extui %gt3A_1738 : i1 to i32
          %cond3A_1740 = arith.constant 0 : i32
          %cond3A_1741 = arith.cmpi ne, %convert_element_type3A_1739, %cond3A_1740 : i32
          scf.if %cond3A_1741 {
            %mul3A_2094 = arith.constant 128 : i32
            %mul3A_2095 = arith.muli %scan3A_613, %mul3A_2094 : i32
            %add3A_2096 = arith.constant 96 : i32
            %add3A_2097 = arith.addi %mul3A_2095, %add3A_2096 : i32
            %broadcast_in_dim3A_2098 = arith.constant 0 : i32
            %broadcast_in_dim3A_2099 = vector.broadcast %broadcast_in_dim3A_2098 : i32 to vector<16xi32>
            %add3A_2100 = vector.broadcast %add3A_2097 : i32 to vector<16xi32>
            %add3A_2101 = arith.addi %broadcast_in_dim3A_2099, %add3A_2100 : vector<16xi32>
            %swap3A_2102 = arith.index_cast %add3A_1727 : i32 to index
            %swap3A_2103 = tpu.vector_load %arg10[%swap3A_2102] {strides = array<i32>} : memref<256xi32, #tpu.memory_space<vmem>>, vector<16xi32>,
            %swap3A_2104 = vector.shape_cast %swap3A_2103 : vector<16xi32> to vector<16xi32>
            %swap3A_2105 = vector.shape_cast %add3A_2101 : vector<16xi32> to vector<16xi32>
            tpu.vector_store %arg10[%swap3A_2102], %swap3A_2105 {strides = array<i32>} : memref<256xi32, #tpu.memory_space<vmem>>, vector<16xi32>,
          } else {
          }
          %jit3A_1742 = arith.constant 1 : i32
          %jit3A_1743 = arith.constant 0 : i32
          %select_n3A_1744 = arith.select %gt3A_1738, %jit3A_1742, %jit3A_1743 : i32
          %add3A_1745 = arith.addi %add3A_1727, %select_n3A_1744 : i32
          %slice3A_1746 = vector.extract_strided_slice %get3A_1734 {offsets = [1], sizes = [1], strides = [1]} : vector<16xf32> to vector<1xf32>
          %squeeze3A_1747 = vector.extract %slice3A_1746[0] : f32 from vector<1xf32>
          %gt3A_1748 = arith.constant 5.000000e-01 : f32
          %gt3A_1749 = arith.cmpf ogt, %squeeze3A_1747, %gt3A_1748 : f32
          %convert_element_type3A_1750 = arith.extui %gt3A_1749 : i1 to i32
          %cond3A_1751 = arith.constant 0 : i32
          %cond3A_1752 = arith.cmpi ne, %convert_element_type3A_1750, %cond3A_1751 : i32
          scf.if %cond3A_1752 {
            %mul3A_2094 = arith.constant 128 : i32
            %mul3A_2095 = arith.muli %scan3A_613, %mul3A_2094 : i32
            %add3A_2096 = arith.constant 97 : i32
            %add3A_2097 = arith.addi %mul3A_2095, %add3A_2096 : i32
            %broadcast_in_dim3A_2098 = arith.constant 0 : i32
            %broadcast_in_dim3A_2099 = vector.broadcast %broadcast_in_dim3A_2098 : i32 to vector<16xi32>
            %add3A_2100 = vector.broadcast %add3A_2097 : i32 to vector<16xi32>
            %add3A_2101 = arith.addi %broadcast_in_dim3A_2099, %add3A_2100 : vector<16xi32>
            %swap3A_2102 = arith.index_cast %add3A_1745 : i32 to index
            %swap3A_2103 = tpu.vector_load %arg10[%swap3A_2102] {strides = array<i32>} : memref<256xi32, #tpu.memory_space<vmem>>, vector<16xi32>,
            %swap3A_2104 = vector.shape_cast %swap3A_2103 : vector<16xi32> to vector<16xi32>
            %swap3A_2105 = vector.shape_cast %add3A_2101 : vector<16xi32> to vector<16xi32>
            tpu.vector_store %arg10[%swap3A_2102], %swap3A_2105 {strides = array<i32>} : memref<256xi32, #tpu.memory_space<vmem>>, vector<16xi32>,
          } else {
          }
          %jit3A_1753 = arith.constant 1 : i32
          %jit3A_1754 = arith.constant 0 : i32
          %select_n3A_1755 = arith.select %gt3A_1749, %jit3A_1753, %jit3A_1754 : i32
          %add3A_1756 = arith.addi %add3A_1745, %select_n3A_1755 : i32
          %slice3A_1757 = vector.extract_strided_slice %get3A_1734 {offsets = [2], sizes = [1], strides = [1]} : vector<16xf32> to vector<1xf32>
          %squeeze3A_1758 = vector.extract %slice3A_1757[0] : f32 from vector<1xf32>
          %gt3A_1759 = arith.constant 5.000000e-01 : f32
          %gt3A_1760 = arith.cmpf ogt, %squeeze3A_1758, %gt3A_1759 : f32
          %convert_element_type3A_1761 = arith.extui %gt3A_1760 : i1 to i32
          %cond3A_1762 = arith.constant 0 : i32
          %cond3A_1763 = arith.cmpi ne, %convert_element_type3A_1761, %cond3A_1762 : i32
          scf.if %cond3A_1763 {
            %mul3A_2094 = arith.constant 128 : i32
            %mul3A_2095 = arith.muli %scan3A_613, %mul3A_2094 : i32
            %add3A_2096 = arith.constant 98 : i32
            %add3A_2097 = arith.addi %mul3A_2095, %add3A_2096 : i32
            %broadcast_in_dim3A_2098 = arith.constant 0 : i32
            %broadcast_in_dim3A_2099 = vector.broadcast %broadcast_in_dim3A_2098 : i32 to vector<16xi32>
            %add3A_2100 = vector.broadcast %add3A_2097 : i32 to vector<16xi32>
            %add3A_2101 = arith.addi %broadcast_in_dim3A_2099, %add3A_2100 : vector<16xi32>
            %swap3A_2102 = arith.index_cast %add3A_1756 : i32 to index
            %swap3A_2103 = tpu.vector_load %arg10[%swap3A_2102] {strides = array<i32>} : memref<256xi32, #tpu.memory_space<vmem>>, vector<16xi32>,
            %swap3A_2104 = vector.shape_cast %swap3A_2103 : vector<16xi32> to vector<16xi32>
            %swap3A_2105 = vector.shape_cast %add3A_2101 : vector<16xi32> to vector<16xi32>
            tpu.vector_store %arg10[%swap3A_2102], %swap3A_2105 {strides = array<i32>} : memref<256xi32, #tpu.memory_space<vmem>>, vector<16xi32>,
          } else {
          }
          %jit3A_1764 = arith.constant 1 : i32
          %jit3A_1765 = arith.constant 0 : i32
          %select_n3A_1766 = arith.select %gt3A_1760, %jit3A_1764, %jit3A_1765 : i32
          %add3A_1767 = arith.addi %add3A_1756, %select_n3A_1766 : i32
          %slice3A_1768 = vector.extract_strided_slice %get3A_1734 {offsets = [3], sizes = [1], strides = [1]} : vector<16xf32> to vector<1xf32>
          %squeeze3A_1769 = vector.extract %slice3A_1768[0] : f32 from vector<1xf32>
          %gt3A_1770 = arith.constant 5.000000e-01 : f32
          %gt3A_1771 = arith.cmpf ogt, %squeeze3A_1769, %gt3A_1770 : f32
          %convert_element_type3A_1772 = arith.extui %gt3A_1771 : i1 to i32
          %cond3A_1773 = arith.constant 0 : i32
          %cond3A_1774 = arith.cmpi ne, %convert_element_type3A_1772, %cond3A_1773 : i32
          scf.if %cond3A_1774 {
            %mul3A_2094 = arith.constant 128 : i32
            %mul3A_2095 = arith.muli %scan3A_613, %mul3A_2094 : i32
            %add3A_2096 = arith.constant 99 : i32
            %add3A_2097 = arith.addi %mul3A_2095, %add3A_2096 : i32
            %broadcast_in_dim3A_2098 = arith.constant 0 : i32
            %broadcast_in_dim3A_2099 = vector.broadcast %broadcast_in_dim3A_2098 : i32 to vector<16xi32>
            %add3A_2100 = vector.broadcast %add3A_2097 : i32 to vector<16xi32>
            %add3A_2101 = arith.addi %broadcast_in_dim3A_2099, %add3A_2100 : vector<16xi32>
            %swap3A_2102 = arith.index_cast %add3A_1767 : i32 to index
            %swap3A_2103 = tpu.vector_load %arg10[%swap3A_2102] {strides = array<i32>} : memref<256xi32, #tpu.memory_space<vmem>>, vector<16xi32>,
            %swap3A_2104 = vector.shape_cast %swap3A_2103 : vector<16xi32> to vector<16xi32>
            %swap3A_2105 = vector.shape_cast %add3A_2101 : vector<16xi32> to vector<16xi32>
            tpu.vector_store %arg10[%swap3A_2102], %swap3A_2105 {strides = array<i32>} : memref<256xi32, #tpu.memory_space<vmem>>, vector<16xi32>,
          } else {
          }
          %jit3A_1775 = arith.constant 1 : i32
          %jit3A_1776 = arith.constant 0 : i32
          %select_n3A_1777 = arith.select %gt3A_1771, %jit3A_1775, %jit3A_1776 : i32
          %add3A_1778 = arith.addi %add3A_1767, %select_n3A_1777 : i32
          %slice3A_1779 = vector.extract_strided_slice %get3A_1734 {offsets = [4], sizes = [1], strides = [1]} : vector<16xf32> to vector<1xf32>
          %squeeze3A_1780 = vector.extract %slice3A_1779[0] : f32 from vector<1xf32>
          %gt3A_1781 = arith.constant 5.000000e-01 : f32
          %gt3A_1782 = arith.cmpf ogt, %squeeze3A_1780, %gt3A_1781 : f32
          %convert_element_type3A_1783 = arith.extui %gt3A_1782 : i1 to i32
          %cond3A_1784 = arith.constant 0 : i32
          %cond3A_1785 = arith.cmpi ne, %convert_element_type3A_1783, %cond3A_1784 : i32
          scf.if %cond3A_1785 {
            %mul3A_2094 = arith.constant 128 : i32
            %mul3A_2095 = arith.muli %scan3A_613, %mul3A_2094 : i32
            %add3A_2096 = arith.constant 100 : i32
            %add3A_2097 = arith.addi %mul3A_2095, %add3A_2096 : i32
            %broadcast_in_dim3A_2098 = arith.constant 0 : i32
            %broadcast_in_dim3A_2099 = vector.broadcast %broadcast_in_dim3A_2098 : i32 to vector<16xi32>
            %add3A_2100 = vector.broadcast %add3A_2097 : i32 to vector<16xi32>
            %add3A_2101 = arith.addi %broadcast_in_dim3A_2099, %add3A_2100 : vector<16xi32>
            %swap3A_2102 = arith.index_cast %add3A_1778 : i32 to index
            %swap3A_2103 = tpu.vector_load %arg10[%swap3A_2102] {strides = array<i32>} : memref<256xi32, #tpu.memory_space<vmem>>, vector<16xi32>,
            %swap3A_2104 = vector.shape_cast %swap3A_2103 : vector<16xi32> to vector<16xi32>
            %swap3A_2105 = vector.shape_cast %add3A_2101 : vector<16xi32> to vector<16xi32>
            tpu.vector_store %arg10[%swap3A_2102], %swap3A_2105 {strides = array<i32>} : memref<256xi32, #tpu.memory_space<vmem>>, vector<16xi32>,
          } else {
          }
          %jit3A_1786 = arith.constant 1 : i32
          %jit3A_1787 = arith.constant 0 : i32
          %select_n3A_1788 = arith.select %gt3A_1782, %jit3A_1786, %jit3A_1787 : i32
          %add3A_1789 = arith.addi %add3A_1778, %select_n3A_1788 : i32
          %slice3A_1790 = vector.extract_strided_slice %get3A_1734 {offsets = [5], sizes = [1], strides = [1]} : vector<16xf32> to vector<1xf32>
          %squeeze3A_1791 = vector.extract %slice3A_1790[0] : f32 from vector<1xf32>
          %gt3A_1792 = arith.constant 5.000000e-01 : f32
          %gt3A_1793 = arith.cmpf ogt, %squeeze3A_1791, %gt3A_1792 : f32
          %convert_element_type3A_1794 = arith.extui %gt3A_1793 : i1 to i32
          %cond3A_1795 = arith.constant 0 : i32
          %cond3A_1796 = arith.cmpi ne, %convert_element_type3A_1794, %cond3A_1795 : i32
          scf.if %cond3A_1796 {
            %mul3A_2094 = arith.constant 128 : i32
            %mul3A_2095 = arith.muli %scan3A_613, %mul3A_2094 : i32
            %add3A_2096 = arith.constant 101 : i32
            %add3A_2097 = arith.addi %mul3A_2095, %add3A_2096 : i32
            %broadcast_in_dim3A_2098 = arith.constant 0 : i32
            %broadcast_in_dim3A_2099 = vector.broadcast %broadcast_in_dim3A_2098 : i32 to vector<16xi32>
            %add3A_2100 = vector.broadcast %add3A_2097 : i32 to vector<16xi32>
            %add3A_2101 = arith.addi %broadcast_in_dim3A_2099, %add3A_2100 : vector<16xi32>
            %swap3A_2102 = arith.index_cast %add3A_1789 : i32 to index
            %swap3A_2103 = tpu.vector_load %arg10[%swap3A_2102] {strides = array<i32>} : memref<256xi32, #tpu.memory_space<vmem>>, vector<16xi32>,
            %swap3A_2104 = vector.shape_cast %swap3A_2103 : vector<16xi32> to vector<16xi32>
            %swap3A_2105 = vector.shape_cast %add3A_2101 : vector<16xi32> to vector<16xi32>
            tpu.vector_store %arg10[%swap3A_2102], %swap3A_2105 {strides = array<i32>} : memref<256xi32, #tpu.memory_space<vmem>>, vector<16xi32>,
          } else {
          }
          %jit3A_1797 = arith.constant 1 : i32
          %jit3A_1798 = arith.constant 0 : i32
          %select_n3A_1799 = arith.select %gt3A_1793, %jit3A_1797, %jit3A_1798 : i32
          %add3A_1800 = arith.addi %add3A_1789, %select_n3A_1799 : i32
          %slice3A_1801 = vector.extract_strided_slice %get3A_1734 {offsets = [6], sizes = [1], strides = [1]} : vector<16xf32> to vector<1xf32>
          %squeeze3A_1802 = vector.extract %slice3A_1801[0] : f32 from vector<1xf32>
          %gt3A_1803 = arith.constant 5.000000e-01 : f32
          %gt3A_1804 = arith.cmpf ogt, %squeeze3A_1802, %gt3A_1803 : f32
          %convert_element_type3A_1805 = arith.extui %gt3A_1804 : i1 to i32
          %cond3A_1806 = arith.constant 0 : i32
          %cond3A_1807 = arith.cmpi ne, %convert_element_type3A_1805, %cond3A_1806 : i32
          scf.if %cond3A_1807 {
            %mul3A_2094 = arith.constant 128 : i32
            %mul3A_2095 = arith.muli %scan3A_613, %mul3A_2094 : i32
            %add3A_2096 = arith.constant 102 : i32
            %add3A_2097 = arith.addi %mul3A_2095, %add3A_2096 : i32
            %broadcast_in_dim3A_2098 = arith.constant 0 : i32
            %broadcast_in_dim3A_2099 = vector.broadcast %broadcast_in_dim3A_2098 : i32 to vector<16xi32>
            %add3A_2100 = vector.broadcast %add3A_2097 : i32 to vector<16xi32>
            %add3A_2101 = arith.addi %broadcast_in_dim3A_2099, %add3A_2100 : vector<16xi32>
            %swap3A_2102 = arith.index_cast %add3A_1800 : i32 to index
            %swap3A_2103 = tpu.vector_load %arg10[%swap3A_2102] {strides = array<i32>} : memref<256xi32, #tpu.memory_space<vmem>>, vector<16xi32>,
            %swap3A_2104 = vector.shape_cast %swap3A_2103 : vector<16xi32> to vector<16xi32>
            %swap3A_2105 = vector.shape_cast %add3A_2101 : vector<16xi32> to vector<16xi32>
            tpu.vector_store %arg10[%swap3A_2102], %swap3A_2105 {strides = array<i32>} : memref<256xi32, #tpu.memory_space<vmem>>, vector<16xi32>,
          } else {
          }
          %jit3A_1808 = arith.constant 1 : i32
          %jit3A_1809 = arith.constant 0 : i32
          %select_n3A_1810 = arith.select %gt3A_1804, %jit3A_1808, %jit3A_1809 : i32
          %add3A_1811 = arith.addi %add3A_1800, %select_n3A_1810 : i32
          %slice3A_1812 = vector.extract_strided_slice %get3A_1734 {offsets = [7], sizes = [1], strides = [1]} : vector<16xf32> to vector<1xf32>
          %squeeze3A_1813 = vector.extract %slice3A_1812[0] : f32 from vector<1xf32>
          %gt3A_1814 = arith.constant 5.000000e-01 : f32
          %gt3A_1815 = arith.cmpf ogt, %squeeze3A_1813, %gt3A_1814 : f32
          %convert_element_type3A_1816 = arith.extui %gt3A_1815 : i1 to i32
          %cond3A_1817 = arith.constant 0 : i32
          %cond3A_1818 = arith.cmpi ne, %convert_element_type3A_1816, %cond3A_1817 : i32
          scf.if %cond3A_1818 {
            %mul3A_2094 = arith.constant 128 : i32
            %mul3A_2095 = arith.muli %scan3A_613, %mul3A_2094 : i32
            %add3A_2096 = arith.constant 103 : i32
            %add3A_2097 = arith.addi %mul3A_2095, %add3A_2096 : i32
            %broadcast_in_dim3A_2098 = arith.constant 0 : i32
            %broadcast_in_dim3A_2099 = vector.broadcast %broadcast_in_dim3A_2098 : i32 to vector<16xi32>
            %add3A_2100 = vector.broadcast %add3A_2097 : i32 to vector<16xi32>
            %add3A_2101 = arith.addi %broadcast_in_dim3A_2099, %add3A_2100 : vector<16xi32>
            %swap3A_2102 = arith.index_cast %add3A_1811 : i32 to index
            %swap3A_2103 = tpu.vector_load %arg10[%swap3A_2102] {strides = array<i32>} : memref<256xi32, #tpu.memory_space<vmem>>, vector<16xi32>,
            %swap3A_2104 = vector.shape_cast %swap3A_2103 : vector<16xi32> to vector<16xi32>
            %swap3A_2105 = vector.shape_cast %add3A_2101 : vector<16xi32> to vector<16xi32>
            tpu.vector_store %arg10[%swap3A_2102], %swap3A_2105 {strides = array<i32>} : memref<256xi32, #tpu.memory_space<vmem>>, vector<16xi32>,
          } else {
          }
          %jit3A_1819 = arith.constant 1 : i32
          %jit3A_1820 = arith.constant 0 : i32
          %select_n3A_1821 = arith.select %gt3A_1815, %jit3A_1819, %jit3A_1820 : i32
          %add3A_1822 = arith.addi %add3A_1811, %select_n3A_1821 : i32
          %slice3A_1823 = vector.extract_strided_slice %get3A_1734 {offsets = [8], sizes = [1], strides = [1]} : vector<16xf32> to vector<1xf32>
          %squeeze3A_1824 = vector.extract %slice3A_1823[0] : f32 from vector<1xf32>
          %gt3A_1825 = arith.constant 5.000000e-01 : f32
          %gt3A_1826 = arith.cmpf ogt, %squeeze3A_1824, %gt3A_1825 : f32
          %convert_element_type3A_1827 = arith.extui %gt3A_1826 : i1 to i32
          %cond3A_1828 = arith.constant 0 : i32
          %cond3A_1829 = arith.cmpi ne, %convert_element_type3A_1827, %cond3A_1828 : i32
          scf.if %cond3A_1829 {
            %mul3A_2094 = arith.constant 128 : i32
            %mul3A_2095 = arith.muli %scan3A_613, %mul3A_2094 : i32
            %add3A_2096 = arith.constant 104 : i32
            %add3A_2097 = arith.addi %mul3A_2095, %add3A_2096 : i32
            %broadcast_in_dim3A_2098 = arith.constant 0 : i32
            %broadcast_in_dim3A_2099 = vector.broadcast %broadcast_in_dim3A_2098 : i32 to vector<16xi32>
            %add3A_2100 = vector.broadcast %add3A_2097 : i32 to vector<16xi32>
            %add3A_2101 = arith.addi %broadcast_in_dim3A_2099, %add3A_2100 : vector<16xi32>
            %swap3A_2102 = arith.index_cast %add3A_1822 : i32 to index
            %swap3A_2103 = tpu.vector_load %arg10[%swap3A_2102] {strides = array<i32>} : memref<256xi32, #tpu.memory_space<vmem>>, vector<16xi32>,
            %swap3A_2104 = vector.shape_cast %swap3A_2103 : vector<16xi32> to vector<16xi32>
            %swap3A_2105 = vector.shape_cast %add3A_2101 : vector<16xi32> to vector<16xi32>
            tpu.vector_store %arg10[%swap3A_2102], %swap3A_2105 {strides = array<i32>} : memref<256xi32, #tpu.memory_space<vmem>>, vector<16xi32>,
          } else {
          }
          %jit3A_1830 = arith.constant 1 : i32
          %jit3A_1831 = arith.constant 0 : i32
          %select_n3A_1832 = arith.select %gt3A_1826, %jit3A_1830, %jit3A_1831 : i32
          %add3A_1833 = arith.addi %add3A_1822, %select_n3A_1832 : i32
          %slice3A_1834 = vector.extract_strided_slice %get3A_1734 {offsets = [9], sizes = [1], strides = [1]} : vector<16xf32> to vector<1xf32>
          %squeeze3A_1835 = vector.extract %slice3A_1834[0] : f32 from vector<1xf32>
          %gt3A_1836 = arith.constant 5.000000e-01 : f32
          %gt3A_1837 = arith.cmpf ogt, %squeeze3A_1835, %gt3A_1836 : f32
          %convert_element_type3A_1838 = arith.extui %gt3A_1837 : i1 to i32
          %cond3A_1839 = arith.constant 0 : i32
          %cond3A_1840 = arith.cmpi ne, %convert_element_type3A_1838, %cond3A_1839 : i32
          scf.if %cond3A_1840 {
            %mul3A_2094 = arith.constant 128 : i32
            %mul3A_2095 = arith.muli %scan3A_613, %mul3A_2094 : i32
            %add3A_2096 = arith.constant 105 : i32
            %add3A_2097 = arith.addi %mul3A_2095, %add3A_2096 : i32
            %broadcast_in_dim3A_2098 = arith.constant 0 : i32
            %broadcast_in_dim3A_2099 = vector.broadcast %broadcast_in_dim3A_2098 : i32 to vector<16xi32>
            %add3A_2100 = vector.broadcast %add3A_2097 : i32 to vector<16xi32>
            %add3A_2101 = arith.addi %broadcast_in_dim3A_2099, %add3A_2100 : vector<16xi32>
            %swap3A_2102 = arith.index_cast %add3A_1833 : i32 to index
            %swap3A_2103 = tpu.vector_load %arg10[%swap3A_2102] {strides = array<i32>} : memref<256xi32, #tpu.memory_space<vmem>>, vector<16xi32>,
            %swap3A_2104 = vector.shape_cast %swap3A_2103 : vector<16xi32> to vector<16xi32>
            %swap3A_2105 = vector.shape_cast %add3A_2101 : vector<16xi32> to vector<16xi32>
            tpu.vector_store %arg10[%swap3A_2102], %swap3A_2105 {strides = array<i32>} : memref<256xi32, #tpu.memory_space<vmem>>, vector<16xi32>,
          } else {
          }
          %jit3A_1841 = arith.constant 1 : i32
          %jit3A_1842 = arith.constant 0 : i32
          %select_n3A_1843 = arith.select %gt3A_1837, %jit3A_1841, %jit3A_1842 : i32
          %add3A_1844 = arith.addi %add3A_1833, %select_n3A_1843 : i32
          %slice3A_1845 = vector.extract_strided_slice %get3A_1734 {offsets = [10], sizes = [1], strides = [1]} : vector<16xf32> to vector<1xf32>
          %squeeze3A_1846 = vector.extract %slice3A_1845[0] : f32 from vector<1xf32>
          %gt3A_1847 = arith.constant 5.000000e-01 : f32
          %gt3A_1848 = arith.cmpf ogt, %squeeze3A_1846, %gt3A_1847 : f32
          %convert_element_type3A_1849 = arith.extui %gt3A_1848 : i1 to i32
          %cond3A_1850 = arith.constant 0 : i32
          %cond3A_1851 = arith.cmpi ne, %convert_element_type3A_1849, %cond3A_1850 : i32
          scf.if %cond3A_1851 {
            %mul3A_2094 = arith.constant 128 : i32
            %mul3A_2095 = arith.muli %scan3A_613, %mul3A_2094 : i32
            %add3A_2096 = arith.constant 106 : i32
            %add3A_2097 = arith.addi %mul3A_2095, %add3A_2096 : i32
            %broadcast_in_dim3A_2098 = arith.constant 0 : i32
            %broadcast_in_dim3A_2099 = vector.broadcast %broadcast_in_dim3A_2098 : i32 to vector<16xi32>
            %add3A_2100 = vector.broadcast %add3A_2097 : i32 to vector<16xi32>
            %add3A_2101 = arith.addi %broadcast_in_dim3A_2099, %add3A_2100 : vector<16xi32>
            %swap3A_2102 = arith.index_cast %add3A_1844 : i32 to index
            %swap3A_2103 = tpu.vector_load %arg10[%swap3A_2102] {strides = array<i32>} : memref<256xi32, #tpu.memory_space<vmem>>, vector<16xi32>,
            %swap3A_2104 = vector.shape_cast %swap3A_2103 : vector<16xi32> to vector<16xi32>
            %swap3A_2105 = vector.shape_cast %add3A_2101 : vector<16xi32> to vector<16xi32>
            tpu.vector_store %arg10[%swap3A_2102], %swap3A_2105 {strides = array<i32>} : memref<256xi32, #tpu.memory_space<vmem>>, vector<16xi32>,
          } else {
          }
          %jit3A_1852 = arith.constant 1 : i32
          %jit3A_1853 = arith.constant 0 : i32
          %select_n3A_1854 = arith.select %gt3A_1848, %jit3A_1852, %jit3A_1853 : i32
          %add3A_1855 = arith.addi %add3A_1844, %select_n3A_1854 : i32
          %slice3A_1856 = vector.extract_strided_slice %get3A_1734 {offsets = [11], sizes = [1], strides = [1]} : vector<16xf32> to vector<1xf32>
          %squeeze3A_1857 = vector.extract %slice3A_1856[0] : f32 from vector<1xf32>
          %gt3A_1858 = arith.constant 5.000000e-01 : f32
          %gt3A_1859 = arith.cmpf ogt, %squeeze3A_1857, %gt3A_1858 : f32
          %convert_element_type3A_1860 = arith.extui %gt3A_1859 : i1 to i32
          %cond3A_1861 = arith.constant 0 : i32
          %cond3A_1862 = arith.cmpi ne, %convert_element_type3A_1860, %cond3A_1861 : i32
          scf.if %cond3A_1862 {
            %mul3A_2094 = arith.constant 128 : i32
            %mul3A_2095 = arith.muli %scan3A_613, %mul3A_2094 : i32
            %add3A_2096 = arith.constant 107 : i32
            %add3A_2097 = arith.addi %mul3A_2095, %add3A_2096 : i32
            %broadcast_in_dim3A_2098 = arith.constant 0 : i32
            %broadcast_in_dim3A_2099 = vector.broadcast %broadcast_in_dim3A_2098 : i32 to vector<16xi32>
            %add3A_2100 = vector.broadcast %add3A_2097 : i32 to vector<16xi32>
            %add3A_2101 = arith.addi %broadcast_in_dim3A_2099, %add3A_2100 : vector<16xi32>
            %swap3A_2102 = arith.index_cast %add3A_1855 : i32 to index
            %swap3A_2103 = tpu.vector_load %arg10[%swap3A_2102] {strides = array<i32>} : memref<256xi32, #tpu.memory_space<vmem>>, vector<16xi32>,
            %swap3A_2104 = vector.shape_cast %swap3A_2103 : vector<16xi32> to vector<16xi32>
            %swap3A_2105 = vector.shape_cast %add3A_2101 : vector<16xi32> to vector<16xi32>
            tpu.vector_store %arg10[%swap3A_2102], %swap3A_2105 {strides = array<i32>} : memref<256xi32, #tpu.memory_space<vmem>>, vector<16xi32>,
          } else {
          }
          %jit3A_1863 = arith.constant 1 : i32
          %jit3A_1864 = arith.constant 0 : i32
          %select_n3A_1865 = arith.select %gt3A_1859, %jit3A_1863, %jit3A_1864 : i32
          %add3A_1866 = arith.addi %add3A_1855, %select_n3A_1865 : i32
          %slice3A_1867 = vector.extract_strided_slice %get3A_1734 {offsets = [12], sizes = [1], strides = [1]} : vector<16xf32> to vector<1xf32>
          %squeeze3A_1868 = vector.extract %slice3A_1867[0] : f32 from vector<1xf32>
          %gt3A_1869 = arith.constant 5.000000e-01 : f32
          %gt3A_1870 = arith.cmpf ogt, %squeeze3A_1868, %gt3A_1869 : f32
          %convert_element_type3A_1871 = arith.extui %gt3A_1870 : i1 to i32
          %cond3A_1872 = arith.constant 0 : i32
          %cond3A_1873 = arith.cmpi ne, %convert_element_type3A_1871, %cond3A_1872 : i32
          scf.if %cond3A_1873 {
            %mul3A_2094 = arith.constant 128 : i32
            %mul3A_2095 = arith.muli %scan3A_613, %mul3A_2094 : i32
            %add3A_2096 = arith.constant 108 : i32
            %add3A_2097 = arith.addi %mul3A_2095, %add3A_2096 : i32
            %broadcast_in_dim3A_2098 = arith.constant 0 : i32
            %broadcast_in_dim3A_2099 = vector.broadcast %broadcast_in_dim3A_2098 : i32 to vector<16xi32>
            %add3A_2100 = vector.broadcast %add3A_2097 : i32 to vector<16xi32>
            %add3A_2101 = arith.addi %broadcast_in_dim3A_2099, %add3A_2100 : vector<16xi32>
            %swap3A_2102 = arith.index_cast %add3A_1866 : i32 to index
            %swap3A_2103 = tpu.vector_load %arg10[%swap3A_2102] {strides = array<i32>} : memref<256xi32, #tpu.memory_space<vmem>>, vector<16xi32>,
            %swap3A_2104 = vector.shape_cast %swap3A_2103 : vector<16xi32> to vector<16xi32>
            %swap3A_2105 = vector.shape_cast %add3A_2101 : vector<16xi32> to vector<16xi32>
            tpu.vector_store %arg10[%swap3A_2102], %swap3A_2105 {strides = array<i32>} : memref<256xi32, #tpu.memory_space<vmem>>, vector<16xi32>,
          } else {
          }
          %jit3A_1874 = arith.constant 1 : i32
          %jit3A_1875 = arith.constant 0 : i32
          %select_n3A_1876 = arith.select %gt3A_1870, %jit3A_1874, %jit3A_1875 : i32
          %add3A_1877 = arith.addi %add3A_1866, %select_n3A_1876 : i32
          %slice3A_1878 = vector.extract_strided_slice %get3A_1734 {offsets = [13], sizes = [1], strides = [1]} : vector<16xf32> to vector<1xf32>
          %squeeze3A_1879 = vector.extract %slice3A_1878[0] : f32 from vector<1xf32>
          %gt3A_1880 = arith.constant 5.000000e-01 : f32
          %gt3A_1881 = arith.cmpf ogt, %squeeze3A_1879, %gt3A_1880 : f32
          %convert_element_type3A_1882 = arith.extui %gt3A_1881 : i1 to i32
          %cond3A_1883 = arith.constant 0 : i32
          %cond3A_1884 = arith.cmpi ne, %convert_element_type3A_1882, %cond3A_1883 : i32
          scf.if %cond3A_1884 {
            %mul3A_2094 = arith.constant 128 : i32
            %mul3A_2095 = arith.muli %scan3A_613, %mul3A_2094 : i32
            %add3A_2096 = arith.constant 109 : i32
            %add3A_2097 = arith.addi %mul3A_2095, %add3A_2096 : i32
            %broadcast_in_dim3A_2098 = arith.constant 0 : i32
            %broadcast_in_dim3A_2099 = vector.broadcast %broadcast_in_dim3A_2098 : i32 to vector<16xi32>
            %add3A_2100 = vector.broadcast %add3A_2097 : i32 to vector<16xi32>
            %add3A_2101 = arith.addi %broadcast_in_dim3A_2099, %add3A_2100 : vector<16xi32>
            %swap3A_2102 = arith.index_cast %add3A_1877 : i32 to index
            %swap3A_2103 = tpu.vector_load %arg10[%swap3A_2102] {strides = array<i32>} : memref<256xi32, #tpu.memory_space<vmem>>, vector<16xi32>,
            %swap3A_2104 = vector.shape_cast %swap3A_2103 : vector<16xi32> to vector<16xi32>
            %swap3A_2105 = vector.shape_cast %add3A_2101 : vector<16xi32> to vector<16xi32>
            tpu.vector_store %arg10[%swap3A_2102], %swap3A_2105 {strides = array<i32>} : memref<256xi32, #tpu.memory_space<vmem>>, vector<16xi32>,
          } else {
          }
          %jit3A_1885 = arith.constant 1 : i32
          %jit3A_1886 = arith.constant 0 : i32
          %select_n3A_1887 = arith.select %gt3A_1881, %jit3A_1885, %jit3A_1886 : i32
          %add3A_1888 = arith.addi %add3A_1877, %select_n3A_1887 : i32
          %slice3A_1889 = vector.extract_strided_slice %get3A_1734 {offsets = [14], sizes = [1], strides = [1]} : vector<16xf32> to vector<1xf32>
          %squeeze3A_1890 = vector.extract %slice3A_1889[0] : f32 from vector<1xf32>
          %gt3A_1891 = arith.constant 5.000000e-01 : f32
          %gt3A_1892 = arith.cmpf ogt, %squeeze3A_1890, %gt3A_1891 : f32
          %convert_element_type3A_1893 = arith.extui %gt3A_1892 : i1 to i32
          %cond3A_1894 = arith.constant 0 : i32
          %cond3A_1895 = arith.cmpi ne, %convert_element_type3A_1893, %cond3A_1894 : i32
          scf.if %cond3A_1895 {
            %mul3A_2094 = arith.constant 128 : i32
            %mul3A_2095 = arith.muli %scan3A_613, %mul3A_2094 : i32
            %add3A_2096 = arith.constant 110 : i32
            %add3A_2097 = arith.addi %mul3A_2095, %add3A_2096 : i32
            %broadcast_in_dim3A_2098 = arith.constant 0 : i32
            %broadcast_in_dim3A_2099 = vector.broadcast %broadcast_in_dim3A_2098 : i32 to vector<16xi32>
            %add3A_2100 = vector.broadcast %add3A_2097 : i32 to vector<16xi32>
            %add3A_2101 = arith.addi %broadcast_in_dim3A_2099, %add3A_2100 : vector<16xi32>
            %swap3A_2102 = arith.index_cast %add3A_1888 : i32 to index
            %swap3A_2103 = tpu.vector_load %arg10[%swap3A_2102] {strides = array<i32>} : memref<256xi32, #tpu.memory_space<vmem>>, vector<16xi32>,
            %swap3A_2104 = vector.shape_cast %swap3A_2103 : vector<16xi32> to vector<16xi32>
            %swap3A_2105 = vector.shape_cast %add3A_2101 : vector<16xi32> to vector<16xi32>
            tpu.vector_store %arg10[%swap3A_2102], %swap3A_2105 {strides = array<i32>} : memref<256xi32, #tpu.memory_space<vmem>>, vector<16xi32>,
          } else {
          }
          %jit3A_1896 = arith.constant 1 : i32
          %jit3A_1897 = arith.constant 0 : i32
          %select_n3A_1898 = arith.select %gt3A_1892, %jit3A_1896, %jit3A_1897 : i32
          %add3A_1899 = arith.addi %add3A_1888, %select_n3A_1898 : i32
          %slice3A_1900 = vector.extract_strided_slice %get3A_1734 {offsets = [15], sizes = [1], strides = [1]} : vector<16xf32> to vector<1xf32>
          %squeeze3A_1901 = vector.extract %slice3A_1900[0] : f32 from vector<1xf32>
          %gt3A_1902 = arith.constant 5.000000e-01 : f32
          %gt3A_1903 = arith.cmpf ogt, %squeeze3A_1901, %gt3A_1902 : f32
          %convert_element_type3A_1904 = arith.extui %gt3A_1903 : i1 to i32
          %cond3A_1905 = arith.constant 0 : i32
          %cond3A_1906 = arith.cmpi ne, %convert_element_type3A_1904, %cond3A_1905 : i32
          scf.if %cond3A_1906 {
            %mul3A_2094 = arith.constant 128 : i32
            %mul3A_2095 = arith.muli %scan3A_613, %mul3A_2094 : i32
            %add3A_2096 = arith.constant 111 : i32
            %add3A_2097 = arith.addi %mul3A_2095, %add3A_2096 : i32
            %broadcast_in_dim3A_2098 = arith.constant 0 : i32
            %broadcast_in_dim3A_2099 = vector.broadcast %broadcast_in_dim3A_2098 : i32 to vector<16xi32>
            %add3A_2100 = vector.broadcast %add3A_2097 : i32 to vector<16xi32>
            %add3A_2101 = arith.addi %broadcast_in_dim3A_2099, %add3A_2100 : vector<16xi32>
            %swap3A_2102 = arith.index_cast %add3A_1899 : i32 to index
            %swap3A_2103 = tpu.vector_load %arg10[%swap3A_2102] {strides = array<i32>} : memref<256xi32, #tpu.memory_space<vmem>>, vector<16xi32>,
            %swap3A_2104 = vector.shape_cast %swap3A_2103 : vector<16xi32> to vector<16xi32>
            %swap3A_2105 = vector.shape_cast %add3A_2101 : vector<16xi32> to vector<16xi32>
            tpu.vector_store %arg10[%swap3A_2102], %swap3A_2105 {strides = array<i32>} : memref<256xi32, #tpu.memory_space<vmem>>, vector<16xi32>,
          } else {
          }
          %jit3A_1907 = arith.constant 1 : i32
          %jit3A_1908 = arith.constant 0 : i32
          %select_n3A_1909 = arith.select %gt3A_1903, %jit3A_1907, %jit3A_1908 : i32
          %add3A_1910 = arith.addi %add3A_1899, %select_n3A_1909 : i32
          %mul3A_1911 = arith.constant 128 : i32
          %mul3A_1912 = arith.muli %scan3A_613, %mul3A_1911 : i32
          %add3A_1913 = arith.constant 112 : i32
          %add3A_1914 = arith.addi %mul3A_1912, %add3A_1913 : i32
          %get3A_1915 = arith.index_cast %add3A_1914 : i32 to index
          %get3A_1916 = tpu.vector_load %arg7[%get3A_1915] {strides = array<i32>} : memref<8192xf32, #tpu.memory_space<vmem>>, vector<16xf32>,
          %get3A_1917 = vector.shape_cast %get3A_1916 : vector<16xf32> to vector<16xf32>
          %slice3A_1918 = vector.extract_strided_slice %get3A_1917 {offsets = [0], sizes = [1], strides = [1]} : vector<16xf32> to vector<1xf32>
          %squeeze3A_1919 = vector.extract %slice3A_1918[0] : f32 from vector<1xf32>
          %gt3A_1920 = arith.constant 5.000000e-01 : f32
          %gt3A_1921 = arith.cmpf ogt, %squeeze3A_1919, %gt3A_1920 : f32
          %convert_element_type3A_1922 = arith.extui %gt3A_1921 : i1 to i32
          %cond3A_1923 = arith.constant 0 : i32
          %cond3A_1924 = arith.cmpi ne, %convert_element_type3A_1922, %cond3A_1923 : i32
          scf.if %cond3A_1924 {
            %mul3A_2094 = arith.constant 128 : i32
            %mul3A_2095 = arith.muli %scan3A_613, %mul3A_2094 : i32
            %add3A_2096 = arith.constant 112 : i32
            %add3A_2097 = arith.addi %mul3A_2095, %add3A_2096 : i32
            %broadcast_in_dim3A_2098 = arith.constant 0 : i32
            %broadcast_in_dim3A_2099 = vector.broadcast %broadcast_in_dim3A_2098 : i32 to vector<16xi32>
            %add3A_2100 = vector.broadcast %add3A_2097 : i32 to vector<16xi32>
            %add3A_2101 = arith.addi %broadcast_in_dim3A_2099, %add3A_2100 : vector<16xi32>
            %swap3A_2102 = arith.index_cast %add3A_1910 : i32 to index
            %swap3A_2103 = tpu.vector_load %arg10[%swap3A_2102] {strides = array<i32>} : memref<256xi32, #tpu.memory_space<vmem>>, vector<16xi32>,
            %swap3A_2104 = vector.shape_cast %swap3A_2103 : vector<16xi32> to vector<16xi32>
            %swap3A_2105 = vector.shape_cast %add3A_2101 : vector<16xi32> to vector<16xi32>
            tpu.vector_store %arg10[%swap3A_2102], %swap3A_2105 {strides = array<i32>} : memref<256xi32, #tpu.memory_space<vmem>>, vector<16xi32>,
          } else {
          }
          %jit3A_1925 = arith.constant 1 : i32
          %jit3A_1926 = arith.constant 0 : i32
          %select_n3A_1927 = arith.select %gt3A_1921, %jit3A_1925, %jit3A_1926 : i32
          %add3A_1928 = arith.addi %add3A_1910, %select_n3A_1927 : i32
          %slice3A_1929 = vector.extract_strided_slice %get3A_1917 {offsets = [1], sizes = [1], strides = [1]} : vector<16xf32> to vector<1xf32>
          %squeeze3A_1930 = vector.extract %slice3A_1929[0] : f32 from vector<1xf32>
          %gt3A_1931 = arith.constant 5.000000e-01 : f32
          %gt3A_1932 = arith.cmpf ogt, %squeeze3A_1930, %gt3A_1931 : f32
          %convert_element_type3A_1933 = arith.extui %gt3A_1932 : i1 to i32
          %cond3A_1934 = arith.constant 0 : i32
          %cond3A_1935 = arith.cmpi ne, %convert_element_type3A_1933, %cond3A_1934 : i32
          scf.if %cond3A_1935 {
            %mul3A_2094 = arith.constant 128 : i32
            %mul3A_2095 = arith.muli %scan3A_613, %mul3A_2094 : i32
            %add3A_2096 = arith.constant 113 : i32
            %add3A_2097 = arith.addi %mul3A_2095, %add3A_2096 : i32
            %broadcast_in_dim3A_2098 = arith.constant 0 : i32
            %broadcast_in_dim3A_2099 = vector.broadcast %broadcast_in_dim3A_2098 : i32 to vector<16xi32>
            %add3A_2100 = vector.broadcast %add3A_2097 : i32 to vector<16xi32>
            %add3A_2101 = arith.addi %broadcast_in_dim3A_2099, %add3A_2100 : vector<16xi32>
            %swap3A_2102 = arith.index_cast %add3A_1928 : i32 to index
            %swap3A_2103 = tpu.vector_load %arg10[%swap3A_2102] {strides = array<i32>} : memref<256xi32, #tpu.memory_space<vmem>>, vector<16xi32>,
            %swap3A_2104 = vector.shape_cast %swap3A_2103 : vector<16xi32> to vector<16xi32>
            %swap3A_2105 = vector.shape_cast %add3A_2101 : vector<16xi32> to vector<16xi32>
            tpu.vector_store %arg10[%swap3A_2102], %swap3A_2105 {strides = array<i32>} : memref<256xi32, #tpu.memory_space<vmem>>, vector<16xi32>,
          } else {
          }
          %jit3A_1936 = arith.constant 1 : i32
          %jit3A_1937 = arith.constant 0 : i32
          %select_n3A_1938 = arith.select %gt3A_1932, %jit3A_1936, %jit3A_1937 : i32
          %add3A_1939 = arith.addi %add3A_1928, %select_n3A_1938 : i32
          %slice3A_1940 = vector.extract_strided_slice %get3A_1917 {offsets = [2], sizes = [1], strides = [1]} : vector<16xf32> to vector<1xf32>
          %squeeze3A_1941 = vector.extract %slice3A_1940[0] : f32 from vector<1xf32>
          %gt3A_1942 = arith.constant 5.000000e-01 : f32
          %gt3A_1943 = arith.cmpf ogt, %squeeze3A_1941, %gt3A_1942 : f32
          %convert_element_type3A_1944 = arith.extui %gt3A_1943 : i1 to i32
          %cond3A_1945 = arith.constant 0 : i32
          %cond3A_1946 = arith.cmpi ne, %convert_element_type3A_1944, %cond3A_1945 : i32
          scf.if %cond3A_1946 {
            %mul3A_2094 = arith.constant 128 : i32
            %mul3A_2095 = arith.muli %scan3A_613, %mul3A_2094 : i32
            %add3A_2096 = arith.constant 114 : i32
            %add3A_2097 = arith.addi %mul3A_2095, %add3A_2096 : i32
            %broadcast_in_dim3A_2098 = arith.constant 0 : i32
            %broadcast_in_dim3A_2099 = vector.broadcast %broadcast_in_dim3A_2098 : i32 to vector<16xi32>
            %add3A_2100 = vector.broadcast %add3A_2097 : i32 to vector<16xi32>
            %add3A_2101 = arith.addi %broadcast_in_dim3A_2099, %add3A_2100 : vector<16xi32>
            %swap3A_2102 = arith.index_cast %add3A_1939 : i32 to index
            %swap3A_2103 = tpu.vector_load %arg10[%swap3A_2102] {strides = array<i32>} : memref<256xi32, #tpu.memory_space<vmem>>, vector<16xi32>,
            %swap3A_2104 = vector.shape_cast %swap3A_2103 : vector<16xi32> to vector<16xi32>
            %swap3A_2105 = vector.shape_cast %add3A_2101 : vector<16xi32> to vector<16xi32>
            tpu.vector_store %arg10[%swap3A_2102], %swap3A_2105 {strides = array<i32>} : memref<256xi32, #tpu.memory_space<vmem>>, vector<16xi32>,
          } else {
          }
          %jit3A_1947 = arith.constant 1 : i32
          %jit3A_1948 = arith.constant 0 : i32
          %select_n3A_1949 = arith.select %gt3A_1943, %jit3A_1947, %jit3A_1948 : i32
          %add3A_1950 = arith.addi %add3A_1939, %select_n3A_1949 : i32
          %slice3A_1951 = vector.extract_strided_slice %get3A_1917 {offsets = [3], sizes = [1], strides = [1]} : vector<16xf32> to vector<1xf32>
          %squeeze3A_1952 = vector.extract %slice3A_1951[0] : f32 from vector<1xf32>
          %gt3A_1953 = arith.constant 5.000000e-01 : f32
          %gt3A_1954 = arith.cmpf ogt, %squeeze3A_1952, %gt3A_1953 : f32
          %convert_element_type3A_1955 = arith.extui %gt3A_1954 : i1 to i32
          %cond3A_1956 = arith.constant 0 : i32
          %cond3A_1957 = arith.cmpi ne, %convert_element_type3A_1955, %cond3A_1956 : i32
          scf.if %cond3A_1957 {
            %mul3A_2094 = arith.constant 128 : i32
            %mul3A_2095 = arith.muli %scan3A_613, %mul3A_2094 : i32
            %add3A_2096 = arith.constant 115 : i32
            %add3A_2097 = arith.addi %mul3A_2095, %add3A_2096 : i32
            %broadcast_in_dim3A_2098 = arith.constant 0 : i32
            %broadcast_in_dim3A_2099 = vector.broadcast %broadcast_in_dim3A_2098 : i32 to vector<16xi32>
            %add3A_2100 = vector.broadcast %add3A_2097 : i32 to vector<16xi32>
            %add3A_2101 = arith.addi %broadcast_in_dim3A_2099, %add3A_2100 : vector<16xi32>
            %swap3A_2102 = arith.index_cast %add3A_1950 : i32 to index
            %swap3A_2103 = tpu.vector_load %arg10[%swap3A_2102] {strides = array<i32>} : memref<256xi32, #tpu.memory_space<vmem>>, vector<16xi32>,
            %swap3A_2104 = vector.shape_cast %swap3A_2103 : vector<16xi32> to vector<16xi32>
            %swap3A_2105 = vector.shape_cast %add3A_2101 : vector<16xi32> to vector<16xi32>
            tpu.vector_store %arg10[%swap3A_2102], %swap3A_2105 {strides = array<i32>} : memref<256xi32, #tpu.memory_space<vmem>>, vector<16xi32>,
          } else {
          }
          %jit3A_1958 = arith.constant 1 : i32
          %jit3A_1959 = arith.constant 0 : i32
          %select_n3A_1960 = arith.select %gt3A_1954, %jit3A_1958, %jit3A_1959 : i32
          %add3A_1961 = arith.addi %add3A_1950, %select_n3A_1960 : i32
          %slice3A_1962 = vector.extract_strided_slice %get3A_1917 {offsets = [4], sizes = [1], strides = [1]} : vector<16xf32> to vector<1xf32>
          %squeeze3A_1963 = vector.extract %slice3A_1962[0] : f32 from vector<1xf32>
          %gt3A_1964 = arith.constant 5.000000e-01 : f32
          %gt3A_1965 = arith.cmpf ogt, %squeeze3A_1963, %gt3A_1964 : f32
          %convert_element_type3A_1966 = arith.extui %gt3A_1965 : i1 to i32
          %cond3A_1967 = arith.constant 0 : i32
          %cond3A_1968 = arith.cmpi ne, %convert_element_type3A_1966, %cond3A_1967 : i32
          scf.if %cond3A_1968 {
            %mul3A_2094 = arith.constant 128 : i32
            %mul3A_2095 = arith.muli %scan3A_613, %mul3A_2094 : i32
            %add3A_2096 = arith.constant 116 : i32
            %add3A_2097 = arith.addi %mul3A_2095, %add3A_2096 : i32
            %broadcast_in_dim3A_2098 = arith.constant 0 : i32
            %broadcast_in_dim3A_2099 = vector.broadcast %broadcast_in_dim3A_2098 : i32 to vector<16xi32>
            %add3A_2100 = vector.broadcast %add3A_2097 : i32 to vector<16xi32>
            %add3A_2101 = arith.addi %broadcast_in_dim3A_2099, %add3A_2100 : vector<16xi32>
            %swap3A_2102 = arith.index_cast %add3A_1961 : i32 to index
            %swap3A_2103 = tpu.vector_load %arg10[%swap3A_2102] {strides = array<i32>} : memref<256xi32, #tpu.memory_space<vmem>>, vector<16xi32>,
            %swap3A_2104 = vector.shape_cast %swap3A_2103 : vector<16xi32> to vector<16xi32>
            %swap3A_2105 = vector.shape_cast %add3A_2101 : vector<16xi32> to vector<16xi32>
            tpu.vector_store %arg10[%swap3A_2102], %swap3A_2105 {strides = array<i32>} : memref<256xi32, #tpu.memory_space<vmem>>, vector<16xi32>,
          } else {
          }
          %jit3A_1969 = arith.constant 1 : i32
          %jit3A_1970 = arith.constant 0 : i32
          %select_n3A_1971 = arith.select %gt3A_1965, %jit3A_1969, %jit3A_1970 : i32
          %add3A_1972 = arith.addi %add3A_1961, %select_n3A_1971 : i32
          %slice3A_1973 = vector.extract_strided_slice %get3A_1917 {offsets = [5], sizes = [1], strides = [1]} : vector<16xf32> to vector<1xf32>
          %squeeze3A_1974 = vector.extract %slice3A_1973[0] : f32 from vector<1xf32>
          %gt3A_1975 = arith.constant 5.000000e-01 : f32
          %gt3A_1976 = arith.cmpf ogt, %squeeze3A_1974, %gt3A_1975 : f32
          %convert_element_type3A_1977 = arith.extui %gt3A_1976 : i1 to i32
          %cond3A_1978 = arith.constant 0 : i32
          %cond3A_1979 = arith.cmpi ne, %convert_element_type3A_1977, %cond3A_1978 : i32
          scf.if %cond3A_1979 {
            %mul3A_2094 = arith.constant 128 : i32
            %mul3A_2095 = arith.muli %scan3A_613, %mul3A_2094 : i32
            %add3A_2096 = arith.constant 117 : i32
            %add3A_2097 = arith.addi %mul3A_2095, %add3A_2096 : i32
            %broadcast_in_dim3A_2098 = arith.constant 0 : i32
            %broadcast_in_dim3A_2099 = vector.broadcast %broadcast_in_dim3A_2098 : i32 to vector<16xi32>
            %add3A_2100 = vector.broadcast %add3A_2097 : i32 to vector<16xi32>
            %add3A_2101 = arith.addi %broadcast_in_dim3A_2099, %add3A_2100 : vector<16xi32>
            %swap3A_2102 = arith.index_cast %add3A_1972 : i32 to index
            %swap3A_2103 = tpu.vector_load %arg10[%swap3A_2102] {strides = array<i32>} : memref<256xi32, #tpu.memory_space<vmem>>, vector<16xi32>,
            %swap3A_2104 = vector.shape_cast %swap3A_2103 : vector<16xi32> to vector<16xi32>
            %swap3A_2105 = vector.shape_cast %add3A_2101 : vector<16xi32> to vector<16xi32>
            tpu.vector_store %arg10[%swap3A_2102], %swap3A_2105 {strides = array<i32>} : memref<256xi32, #tpu.memory_space<vmem>>, vector<16xi32>,
          } else {
          }
          %jit3A_1980 = arith.constant 1 : i32
          %jit3A_1981 = arith.constant 0 : i32
          %select_n3A_1982 = arith.select %gt3A_1976, %jit3A_1980, %jit3A_1981 : i32
          %add3A_1983 = arith.addi %add3A_1972, %select_n3A_1982 : i32
          %slice3A_1984 = vector.extract_strided_slice %get3A_1917 {offsets = [6], sizes = [1], strides = [1]} : vector<16xf32> to vector<1xf32>
          %squeeze3A_1985 = vector.extract %slice3A_1984[0] : f32 from vector<1xf32>
          %gt3A_1986 = arith.constant 5.000000e-01 : f32
          %gt3A_1987 = arith.cmpf ogt, %squeeze3A_1985, %gt3A_1986 : f32
          %convert_element_type3A_1988 = arith.extui %gt3A_1987 : i1 to i32
          %cond3A_1989 = arith.constant 0 : i32
          %cond3A_1990 = arith.cmpi ne, %convert_element_type3A_1988, %cond3A_1989 : i32
          scf.if %cond3A_1990 {
            %mul3A_2094 = arith.constant 128 : i32
            %mul3A_2095 = arith.muli %scan3A_613, %mul3A_2094 : i32
            %add3A_2096 = arith.constant 118 : i32
            %add3A_2097 = arith.addi %mul3A_2095, %add3A_2096 : i32
            %broadcast_in_dim3A_2098 = arith.constant 0 : i32
            %broadcast_in_dim3A_2099 = vector.broadcast %broadcast_in_dim3A_2098 : i32 to vector<16xi32>
            %add3A_2100 = vector.broadcast %add3A_2097 : i32 to vector<16xi32>
            %add3A_2101 = arith.addi %broadcast_in_dim3A_2099, %add3A_2100 : vector<16xi32>
            %swap3A_2102 = arith.index_cast %add3A_1983 : i32 to index
            %swap3A_2103 = tpu.vector_load %arg10[%swap3A_2102] {strides = array<i32>} : memref<256xi32, #tpu.memory_space<vmem>>, vector<16xi32>,
            %swap3A_2104 = vector.shape_cast %swap3A_2103 : vector<16xi32> to vector<16xi32>
            %swap3A_2105 = vector.shape_cast %add3A_2101 : vector<16xi32> to vector<16xi32>
            tpu.vector_store %arg10[%swap3A_2102], %swap3A_2105 {strides = array<i32>} : memref<256xi32, #tpu.memory_space<vmem>>, vector<16xi32>,
          } else {
          }
          %jit3A_1991 = arith.constant 1 : i32
          %jit3A_1992 = arith.constant 0 : i32
          %select_n3A_1993 = arith.select %gt3A_1987, %jit3A_1991, %jit3A_1992 : i32
          %add3A_1994 = arith.addi %add3A_1983, %select_n3A_1993 : i32
          %slice3A_1995 = vector.extract_strided_slice %get3A_1917 {offsets = [7], sizes = [1], strides = [1]} : vector<16xf32> to vector<1xf32>
          %squeeze3A_1996 = vector.extract %slice3A_1995[0] : f32 from vector<1xf32>
          %gt3A_1997 = arith.constant 5.000000e-01 : f32
          %gt3A_1998 = arith.cmpf ogt, %squeeze3A_1996, %gt3A_1997 : f32
          %convert_element_type3A_1999 = arith.extui %gt3A_1998 : i1 to i32
          %cond3A_2000 = arith.constant 0 : i32
          %cond3A_2001 = arith.cmpi ne, %convert_element_type3A_1999, %cond3A_2000 : i32
          scf.if %cond3A_2001 {
            %mul3A_2094 = arith.constant 128 : i32
            %mul3A_2095 = arith.muli %scan3A_613, %mul3A_2094 : i32
            %add3A_2096 = arith.constant 119 : i32
            %add3A_2097 = arith.addi %mul3A_2095, %add3A_2096 : i32
            %broadcast_in_dim3A_2098 = arith.constant 0 : i32
            %broadcast_in_dim3A_2099 = vector.broadcast %broadcast_in_dim3A_2098 : i32 to vector<16xi32>
            %add3A_2100 = vector.broadcast %add3A_2097 : i32 to vector<16xi32>
            %add3A_2101 = arith.addi %broadcast_in_dim3A_2099, %add3A_2100 : vector<16xi32>
            %swap3A_2102 = arith.index_cast %add3A_1994 : i32 to index
            %swap3A_2103 = tpu.vector_load %arg10[%swap3A_2102] {strides = array<i32>} : memref<256xi32, #tpu.memory_space<vmem>>, vector<16xi32>,
            %swap3A_2104 = vector.shape_cast %swap3A_2103 : vector<16xi32> to vector<16xi32>
            %swap3A_2105 = vector.shape_cast %add3A_2101 : vector<16xi32> to vector<16xi32>
            tpu.vector_store %arg10[%swap3A_2102], %swap3A_2105 {strides = array<i32>} : memref<256xi32, #tpu.memory_space<vmem>>, vector<16xi32>,
          } else {
          }
          %jit3A_2002 = arith.constant 1 : i32
          %jit3A_2003 = arith.constant 0 : i32
          %select_n3A_2004 = arith.select %gt3A_1998, %jit3A_2002, %jit3A_2003 : i32
          %add3A_2005 = arith.addi %add3A_1994, %select_n3A_2004 : i32
          %slice3A_2006 = vector.extract_strided_slice %get3A_1917 {offsets = [8], sizes = [1], strides = [1]} : vector<16xf32> to vector<1xf32>
          %squeeze3A_2007 = vector.extract %slice3A_2006[0] : f32 from vector<1xf32>
          %gt3A_2008 = arith.constant 5.000000e-01 : f32
          %gt3A_2009 = arith.cmpf ogt, %squeeze3A_2007, %gt3A_2008 : f32
          %convert_element_type3A_2010 = arith.extui %gt3A_2009 : i1 to i32
          %cond3A_2011 = arith.constant 0 : i32
          %cond3A_2012 = arith.cmpi ne, %convert_element_type3A_2010, %cond3A_2011 : i32
          scf.if %cond3A_2012 {
            %mul3A_2094 = arith.constant 128 : i32
            %mul3A_2095 = arith.muli %scan3A_613, %mul3A_2094 : i32
            %add3A_2096 = arith.constant 120 : i32
            %add3A_2097 = arith.addi %mul3A_2095, %add3A_2096 : i32
            %broadcast_in_dim3A_2098 = arith.constant 0 : i32
            %broadcast_in_dim3A_2099 = vector.broadcast %broadcast_in_dim3A_2098 : i32 to vector<16xi32>
            %add3A_2100 = vector.broadcast %add3A_2097 : i32 to vector<16xi32>
            %add3A_2101 = arith.addi %broadcast_in_dim3A_2099, %add3A_2100 : vector<16xi32>
            %swap3A_2102 = arith.index_cast %add3A_2005 : i32 to index
            %swap3A_2103 = tpu.vector_load %arg10[%swap3A_2102] {strides = array<i32>} : memref<256xi32, #tpu.memory_space<vmem>>, vector<16xi32>,
            %swap3A_2104 = vector.shape_cast %swap3A_2103 : vector<16xi32> to vector<16xi32>
            %swap3A_2105 = vector.shape_cast %add3A_2101 : vector<16xi32> to vector<16xi32>
            tpu.vector_store %arg10[%swap3A_2102], %swap3A_2105 {strides = array<i32>} : memref<256xi32, #tpu.memory_space<vmem>>, vector<16xi32>,
          } else {
          }
          %jit3A_2013 = arith.constant 1 : i32
          %jit3A_2014 = arith.constant 0 : i32
          %select_n3A_2015 = arith.select %gt3A_2009, %jit3A_2013, %jit3A_2014 : i32
          %add3A_2016 = arith.addi %add3A_2005, %select_n3A_2015 : i32
          %slice3A_2017 = vector.extract_strided_slice %get3A_1917 {offsets = [9], sizes = [1], strides = [1]} : vector<16xf32> to vector<1xf32>
          %squeeze3A_2018 = vector.extract %slice3A_2017[0] : f32 from vector<1xf32>
          %gt3A_2019 = arith.constant 5.000000e-01 : f32
          %gt3A_2020 = arith.cmpf ogt, %squeeze3A_2018, %gt3A_2019 : f32
          %convert_element_type3A_2021 = arith.extui %gt3A_2020 : i1 to i32
          %cond3A_2022 = arith.constant 0 : i32
          %cond3A_2023 = arith.cmpi ne, %convert_element_type3A_2021, %cond3A_2022 : i32
          scf.if %cond3A_2023 {
            %mul3A_2094 = arith.constant 128 : i32
            %mul3A_2095 = arith.muli %scan3A_613, %mul3A_2094 : i32
            %add3A_2096 = arith.constant 121 : i32
            %add3A_2097 = arith.addi %mul3A_2095, %add3A_2096 : i32
            %broadcast_in_dim3A_2098 = arith.constant 0 : i32
            %broadcast_in_dim3A_2099 = vector.broadcast %broadcast_in_dim3A_2098 : i32 to vector<16xi32>
            %add3A_2100 = vector.broadcast %add3A_2097 : i32 to vector<16xi32>
            %add3A_2101 = arith.addi %broadcast_in_dim3A_2099, %add3A_2100 : vector<16xi32>
            %swap3A_2102 = arith.index_cast %add3A_2016 : i32 to index
            %swap3A_2103 = tpu.vector_load %arg10[%swap3A_2102] {strides = array<i32>} : memref<256xi32, #tpu.memory_space<vmem>>, vector<16xi32>,
            %swap3A_2104 = vector.shape_cast %swap3A_2103 : vector<16xi32> to vector<16xi32>
            %swap3A_2105 = vector.shape_cast %add3A_2101 : vector<16xi32> to vector<16xi32>
            tpu.vector_store %arg10[%swap3A_2102], %swap3A_2105 {strides = array<i32>} : memref<256xi32, #tpu.memory_space<vmem>>, vector<16xi32>,
          } else {
          }
          %jit3A_2024 = arith.constant 1 : i32
          %jit3A_2025 = arith.constant 0 : i32
          %select_n3A_2026 = arith.select %gt3A_2020, %jit3A_2024, %jit3A_2025 : i32
          %add3A_2027 = arith.addi %add3A_2016, %select_n3A_2026 : i32
          %slice3A_2028 = vector.extract_strided_slice %get3A_1917 {offsets = [10], sizes = [1], strides = [1]} : vector<16xf32> to vector<1xf32>
          %squeeze3A_2029 = vector.extract %slice3A_2028[0] : f32 from vector<1xf32>
          %gt3A_2030 = arith.constant 5.000000e-01 : f32
          %gt3A_2031 = arith.cmpf ogt, %squeeze3A_2029, %gt3A_2030 : f32
          %convert_element_type3A_2032 = arith.extui %gt3A_2031 : i1 to i32
          %cond3A_2033 = arith.constant 0 : i32
          %cond3A_2034 = arith.cmpi ne, %convert_element_type3A_2032, %cond3A_2033 : i32
          scf.if %cond3A_2034 {
            %mul3A_2094 = arith.constant 128 : i32
            %mul3A_2095 = arith.muli %scan3A_613, %mul3A_2094 : i32
            %add3A_2096 = arith.constant 122 : i32
            %add3A_2097 = arith.addi %mul3A_2095, %add3A_2096 : i32
            %broadcast_in_dim3A_2098 = arith.constant 0 : i32
            %broadcast_in_dim3A_2099 = vector.broadcast %broadcast_in_dim3A_2098 : i32 to vector<16xi32>
            %add3A_2100 = vector.broadcast %add3A_2097 : i32 to vector<16xi32>
            %add3A_2101 = arith.addi %broadcast_in_dim3A_2099, %add3A_2100 : vector<16xi32>
            %swap3A_2102 = arith.index_cast %add3A_2027 : i32 to index
            %swap3A_2103 = tpu.vector_load %arg10[%swap3A_2102] {strides = array<i32>} : memref<256xi32, #tpu.memory_space<vmem>>, vector<16xi32>,
            %swap3A_2104 = vector.shape_cast %swap3A_2103 : vector<16xi32> to vector<16xi32>
            %swap3A_2105 = vector.shape_cast %add3A_2101 : vector<16xi32> to vector<16xi32>
            tpu.vector_store %arg10[%swap3A_2102], %swap3A_2105 {strides = array<i32>} : memref<256xi32, #tpu.memory_space<vmem>>, vector<16xi32>,
          } else {
          }
          %jit3A_2035 = arith.constant 1 : i32
          %jit3A_2036 = arith.constant 0 : i32
          %select_n3A_2037 = arith.select %gt3A_2031, %jit3A_2035, %jit3A_2036 : i32
          %add3A_2038 = arith.addi %add3A_2027, %select_n3A_2037 : i32
          %slice3A_2039 = vector.extract_strided_slice %get3A_1917 {offsets = [11], sizes = [1], strides = [1]} : vector<16xf32> to vector<1xf32>
          %squeeze3A_2040 = vector.extract %slice3A_2039[0] : f32 from vector<1xf32>
          %gt3A_2041 = arith.constant 5.000000e-01 : f32
          %gt3A_2042 = arith.cmpf ogt, %squeeze3A_2040, %gt3A_2041 : f32
          %convert_element_type3A_2043 = arith.extui %gt3A_2042 : i1 to i32
          %cond3A_2044 = arith.constant 0 : i32
          %cond3A_2045 = arith.cmpi ne, %convert_element_type3A_2043, %cond3A_2044 : i32
          scf.if %cond3A_2045 {
            %mul3A_2094 = arith.constant 128 : i32
            %mul3A_2095 = arith.muli %scan3A_613, %mul3A_2094 : i32
            %add3A_2096 = arith.constant 123 : i32
            %add3A_2097 = arith.addi %mul3A_2095, %add3A_2096 : i32
            %broadcast_in_dim3A_2098 = arith.constant 0 : i32
            %broadcast_in_dim3A_2099 = vector.broadcast %broadcast_in_dim3A_2098 : i32 to vector<16xi32>
            %add3A_2100 = vector.broadcast %add3A_2097 : i32 to vector<16xi32>
            %add3A_2101 = arith.addi %broadcast_in_dim3A_2099, %add3A_2100 : vector<16xi32>
            %swap3A_2102 = arith.index_cast %add3A_2038 : i32 to index
            %swap3A_2103 = tpu.vector_load %arg10[%swap3A_2102] {strides = array<i32>} : memref<256xi32, #tpu.memory_space<vmem>>, vector<16xi32>,
            %swap3A_2104 = vector.shape_cast %swap3A_2103 : vector<16xi32> to vector<16xi32>
            %swap3A_2105 = vector.shape_cast %add3A_2101 : vector<16xi32> to vector<16xi32>
            tpu.vector_store %arg10[%swap3A_2102], %swap3A_2105 {strides = array<i32>} : memref<256xi32, #tpu.memory_space<vmem>>, vector<16xi32>,
          } else {
          }
          %jit3A_2046 = arith.constant 1 : i32
          %jit3A_2047 = arith.constant 0 : i32
          %select_n3A_2048 = arith.select %gt3A_2042, %jit3A_2046, %jit3A_2047 : i32
          %add3A_2049 = arith.addi %add3A_2038, %select_n3A_2048 : i32
          %slice3A_2050 = vector.extract_strided_slice %get3A_1917 {offsets = [12], sizes = [1], strides = [1]} : vector<16xf32> to vector<1xf32>
          %squeeze3A_2051 = vector.extract %slice3A_2050[0] : f32 from vector<1xf32>
          %gt3A_2052 = arith.constant 5.000000e-01 : f32
          %gt3A_2053 = arith.cmpf ogt, %squeeze3A_2051, %gt3A_2052 : f32
          %convert_element_type3A_2054 = arith.extui %gt3A_2053 : i1 to i32
          %cond3A_2055 = arith.constant 0 : i32
          %cond3A_2056 = arith.cmpi ne, %convert_element_type3A_2054, %cond3A_2055 : i32
          scf.if %cond3A_2056 {
            %mul3A_2094 = arith.constant 128 : i32
            %mul3A_2095 = arith.muli %scan3A_613, %mul3A_2094 : i32
            %add3A_2096 = arith.constant 124 : i32
            %add3A_2097 = arith.addi %mul3A_2095, %add3A_2096 : i32
            %broadcast_in_dim3A_2098 = arith.constant 0 : i32
            %broadcast_in_dim3A_2099 = vector.broadcast %broadcast_in_dim3A_2098 : i32 to vector<16xi32>
            %add3A_2100 = vector.broadcast %add3A_2097 : i32 to vector<16xi32>
            %add3A_2101 = arith.addi %broadcast_in_dim3A_2099, %add3A_2100 : vector<16xi32>
            %swap3A_2102 = arith.index_cast %add3A_2049 : i32 to index
            %swap3A_2103 = tpu.vector_load %arg10[%swap3A_2102] {strides = array<i32>} : memref<256xi32, #tpu.memory_space<vmem>>, vector<16xi32>,
            %swap3A_2104 = vector.shape_cast %swap3A_2103 : vector<16xi32> to vector<16xi32>
            %swap3A_2105 = vector.shape_cast %add3A_2101 : vector<16xi32> to vector<16xi32>
            tpu.vector_store %arg10[%swap3A_2102], %swap3A_2105 {strides = array<i32>} : memref<256xi32, #tpu.memory_space<vmem>>, vector<16xi32>,
          } else {
          }
          %jit3A_2057 = arith.constant 1 : i32
          %jit3A_2058 = arith.constant 0 : i32
          %select_n3A_2059 = arith.select %gt3A_2053, %jit3A_2057, %jit3A_2058 : i32
          %add3A_2060 = arith.addi %add3A_2049, %select_n3A_2059 : i32
          %slice3A_2061 = vector.extract_strided_slice %get3A_1917 {offsets = [13], sizes = [1], strides = [1]} : vector<16xf32> to vector<1xf32>
          %squeeze3A_2062 = vector.extract %slice3A_2061[0] : f32 from vector<1xf32>
          %gt3A_2063 = arith.constant 5.000000e-01 : f32
          %gt3A_2064 = arith.cmpf ogt, %squeeze3A_2062, %gt3A_2063 : f32
          %convert_element_type3A_2065 = arith.extui %gt3A_2064 : i1 to i32
          %cond3A_2066 = arith.constant 0 : i32
          %cond3A_2067 = arith.cmpi ne, %convert_element_type3A_2065, %cond3A_2066 : i32
          scf.if %cond3A_2067 {
            %mul3A_2094 = arith.constant 128 : i32
            %mul3A_2095 = arith.muli %scan3A_613, %mul3A_2094 : i32
            %add3A_2096 = arith.constant 125 : i32
            %add3A_2097 = arith.addi %mul3A_2095, %add3A_2096 : i32
            %broadcast_in_dim3A_2098 = arith.constant 0 : i32
            %broadcast_in_dim3A_2099 = vector.broadcast %broadcast_in_dim3A_2098 : i32 to vector<16xi32>
            %add3A_2100 = vector.broadcast %add3A_2097 : i32 to vector<16xi32>
            %add3A_2101 = arith.addi %broadcast_in_dim3A_2099, %add3A_2100 : vector<16xi32>
            %swap3A_2102 = arith.index_cast %add3A_2060 : i32 to index
            %swap3A_2103 = tpu.vector_load %arg10[%swap3A_2102] {strides = array<i32>} : memref<256xi32, #tpu.memory_space<vmem>>, vector<16xi32>,
            %swap3A_2104 = vector.shape_cast %swap3A_2103 : vector<16xi32> to vector<16xi32>
            %swap3A_2105 = vector.shape_cast %add3A_2101 : vector<16xi32> to vector<16xi32>
            tpu.vector_store %arg10[%swap3A_2102], %swap3A_2105 {strides = array<i32>} : memref<256xi32, #tpu.memory_space<vmem>>, vector<16xi32>,
          } else {
          }
          %jit3A_2068 = arith.constant 1 : i32
          %jit3A_2069 = arith.constant 0 : i32
          %select_n3A_2070 = arith.select %gt3A_2064, %jit3A_2068, %jit3A_2069 : i32
          %add3A_2071 = arith.addi %add3A_2060, %select_n3A_2070 : i32
          %slice3A_2072 = vector.extract_strided_slice %get3A_1917 {offsets = [14], sizes = [1], strides = [1]} : vector<16xf32> to vector<1xf32>
          %squeeze3A_2073 = vector.extract %slice3A_2072[0] : f32 from vector<1xf32>
          %gt3A_2074 = arith.constant 5.000000e-01 : f32
          %gt3A_2075 = arith.cmpf ogt, %squeeze3A_2073, %gt3A_2074 : f32
          %convert_element_type3A_2076 = arith.extui %gt3A_2075 : i1 to i32
          %cond3A_2077 = arith.constant 0 : i32
          %cond3A_2078 = arith.cmpi ne, %convert_element_type3A_2076, %cond3A_2077 : i32
          scf.if %cond3A_2078 {
            %mul3A_2094 = arith.constant 128 : i32
            %mul3A_2095 = arith.muli %scan3A_613, %mul3A_2094 : i32
            %add3A_2096 = arith.constant 126 : i32
            %add3A_2097 = arith.addi %mul3A_2095, %add3A_2096 : i32
            %broadcast_in_dim3A_2098 = arith.constant 0 : i32
            %broadcast_in_dim3A_2099 = vector.broadcast %broadcast_in_dim3A_2098 : i32 to vector<16xi32>
            %add3A_2100 = vector.broadcast %add3A_2097 : i32 to vector<16xi32>
            %add3A_2101 = arith.addi %broadcast_in_dim3A_2099, %add3A_2100 : vector<16xi32>
            %swap3A_2102 = arith.index_cast %add3A_2071 : i32 to index
            %swap3A_2103 = tpu.vector_load %arg10[%swap3A_2102] {strides = array<i32>} : memref<256xi32, #tpu.memory_space<vmem>>, vector<16xi32>,
            %swap3A_2104 = vector.shape_cast %swap3A_2103 : vector<16xi32> to vector<16xi32>
            %swap3A_2105 = vector.shape_cast %add3A_2101 : vector<16xi32> to vector<16xi32>
            tpu.vector_store %arg10[%swap3A_2102], %swap3A_2105 {strides = array<i32>} : memref<256xi32, #tpu.memory_space<vmem>>, vector<16xi32>,
          } else {
          }
          %jit3A_2079 = arith.constant 1 : i32
          %jit3A_2080 = arith.constant 0 : i32
          %select_n3A_2081 = arith.select %gt3A_2075, %jit3A_2079, %jit3A_2080 : i32
          %add3A_2082 = arith.addi %add3A_2071, %select_n3A_2081 : i32
          %slice3A_2083 = vector.extract_strided_slice %get3A_1917 {offsets = [15], sizes = [1], strides = [1]} : vector<16xf32> to vector<1xf32>
          %squeeze3A_2084 = vector.extract %slice3A_2083[0] : f32 from vector<1xf32>
          %gt3A_2085 = arith.constant 5.000000e-01 : f32
          %gt3A_2086 = arith.cmpf ogt, %squeeze3A_2084, %gt3A_2085 : f32
          %convert_element_type3A_2087 = arith.extui %gt3A_2086 : i1 to i32
          %cond3A_2088 = arith.constant 0 : i32
          %cond3A_2089 = arith.cmpi ne, %convert_element_type3A_2087, %cond3A_2088 : i32
          scf.if %cond3A_2089 {
            %mul3A_2094 = arith.constant 128 : i32
            %mul3A_2095 = arith.muli %scan3A_613, %mul3A_2094 : i32
            %add3A_2096 = arith.constant 127 : i32
            %add3A_2097 = arith.addi %mul3A_2095, %add3A_2096 : i32
            %broadcast_in_dim3A_2098 = arith.constant 0 : i32
            %broadcast_in_dim3A_2099 = vector.broadcast %broadcast_in_dim3A_2098 : i32 to vector<16xi32>
            %add3A_2100 = vector.broadcast %add3A_2097 : i32 to vector<16xi32>
            %add3A_2101 = arith.addi %broadcast_in_dim3A_2099, %add3A_2100 : vector<16xi32>
            %swap3A_2102 = arith.index_cast %add3A_2082 : i32 to index
            %swap3A_2103 = tpu.vector_load %arg10[%swap3A_2102] {strides = array<i32>} : memref<256xi32, #tpu.memory_space<vmem>>, vector<16xi32>,
            %swap3A_2104 = vector.shape_cast %swap3A_2103 : vector<16xi32> to vector<16xi32>
            %swap3A_2105 = vector.shape_cast %add3A_2101 : vector<16xi32> to vector<16xi32>
            tpu.vector_store %arg10[%swap3A_2102], %swap3A_2105 {strides = array<i32>} : memref<256xi32, #tpu.memory_space<vmem>>, vector<16xi32>,
          } else {
          }
          %jit3A_2090 = arith.constant 1 : i32
          %jit3A_2091 = arith.constant 0 : i32
          %select_n3A_2092 = arith.select %gt3A_2086, %jit3A_2090, %jit3A_2091 : i32
          %add3A_2093 = arith.addi %add3A_2082, %select_n3A_2092 : i32
        } else {
        }
        %jit3A = arith.constant 0 : i32
        %select_n3A_628 = arith.select %and3A, %squeeze3A_622, %jit3A : i32
        %add3A_629 = arith.addi %scan3A_614, %select_n3A_628 : i32
        scf.yield %add3A_629 : i32
      }
      %scan3A_126 = arith.constant 64 : i32
      %get3A = arith.constant 0 : index
      %get3A_127 = tpu.vector_load %arg10[%get3A] {strides = array<i32>} : memref<256xi32, #tpu.memory_space<vmem>>, vector<16xi32>,
      %get3A_128 = vector.shape_cast %get3A_127 : vector<16xi32> to vector<16xi32>
      %slice3A = vector.extract_strided_slice %get3A_128 {offsets = [0], sizes = [1], strides = [1]} : vector<16xi32> to vector<1xi32>
      %squeeze3A = vector.extract %slice3A[0] : i32 from vector<1xi32>
      %get3A_129 = arith.index_cast %scan3A_113 : i32 to index
      %get3A_130 = tpu.vector_load %arg9[%get3A_129] {strides = array<i32>} : memref<48xi32, #tpu.memory_space<vmem>>, vector<16xi32>,
      %get3A_131 = vector.shape_cast %get3A_130 : vector<16xi32> to vector<16xi32>
      %slice3A_132 = vector.extract_strided_slice %get3A_131 {offsets = [0], sizes = [1], strides = [1]} : vector<16xi32> to vector<1xi32>
      %squeeze3A_133 = vector.extract %slice3A_132[0] : i32 from vector<1xi32>
      %gt3A = arith.constant 0 : i32
      %gt3A_134 = arith.cmpi sgt, %scan3A_125, %gt3A : i32
      %select_n3A = arith.select %gt3A_134, %squeeze3A, %squeeze3A_133 : i32
      %mul3A_135 = arith.constant 8192 : i32
      %mul3A_136 = arith.muli %add3A, %mul3A_135 : i32
      %mul3A_137 = arith.constant 8 : i32
      %mul3A_138 = arith.muli %mul3A_136, %mul3A_137 : i32
      %get3A_139 = arith.constant 0 : index
      %get3A_140 = tpu.vector_load %arg10[%get3A_139] {strides = array<i32>} : memref<256xi32, #tpu.memory_space<vmem>>, vector<16xi32>,
      %get3A_141 = vector.shape_cast %get3A_140 : vector<16xi32> to vector<16xi32>
      %add3A_142 = arith.constant 0 : i32
      %add3A_143 = vector.broadcast %add3A_142 : i32 to vector<16xi32>
      %add3A_144 = arith.addi %iota3A, %add3A_143 : vector<16xi32>
      %lt3A = vector.broadcast %scan3A_125 : i32 to vector<16xi32>
      %lt3A_145 = arith.cmpi slt, %add3A_144, %lt3A : vector<16xi32>
      %broadcast_in_dim3A = vector.broadcast %select_n3A : i32 to vector<16xi32>
      %select_n3A_146 = arith.select %lt3A_145, %get3A_141, %broadcast_in_dim3A : vector<16xi1>, vector<16xi32>
      %mul3A_147 = arith.constant 8 : i32
      %mul3A_148 = vector.broadcast %mul3A_147 : i32 to vector<16xi32>
      %mul3A_149 = arith.muli %select_n3A_146, %mul3A_148 : vector<16xi32>
      %add3A_150 = vector.broadcast %mul3A_138 : i32 to vector<16xi32>
      %add3A_151 = arith.addi %mul3A_149, %add3A_150 : vector<16xi32>
      %add3A_152 = arith.constant 0 : i32
      %add3A_153 = vector.broadcast %add3A_152 : i32 to vector<16xi32>
      %add3A_154 = arith.addi %add3A_151, %add3A_153 : vector<16xi32>
      %mul3A_155 = arith.constant 64 : i32
      %mul3A_156 = arith.muli %scan3A_113, %mul3A_155 : i32
      %add3A_157 = arith.constant 0 : i32
      %add3A_158 = arith.addi %add3A_157, %mul3A_156 : i32
      %add3A_159 = arith.constant 0 : i32
      %add3A_160 = arith.addi %add3A_158, %add3A_159 : i32
      %swap3A = arith.index_cast %add3A_160 : i32 to index
      %swap3A_161 = tpu.vector_load %arg11[%swap3A] {strides = array<i32>} : memref<16384xi32, #tpu.memory_space<vmem>>, vector<16xi32>,
      %swap3A_162 = vector.shape_cast %swap3A_161 : vector<16xi32> to vector<16xi32>
      %swap3A_163 = vector.shape_cast %add3A_154 : vector<16xi32> to vector<16xi32>
      tpu.vector_store %arg11[%swap3A], %swap3A_163 {strides = array<i32>} : memref<16384xi32, #tpu.memory_space<vmem>>, vector<16xi32>,
      %add3A_164 = arith.constant 1 : i32
      %add3A_165 = vector.broadcast %add3A_164 : i32 to vector<16xi32>
      %add3A_166 = arith.addi %add3A_151, %add3A_165 : vector<16xi32>
      %mul3A_167 = arith.constant 64 : i32
      %mul3A_168 = arith.muli %scan3A_113, %mul3A_167 : i32
      %add3A_169 = arith.constant 2048 : i32
      %add3A_170 = arith.addi %add3A_169, %mul3A_168 : i32
      %add3A_171 = arith.constant 0 : i32
      %add3A_172 = arith.addi %add3A_170, %add3A_171 : i32
      %swap3A_173 = arith.index_cast %add3A_172 : i32 to index
      %swap3A_174 = tpu.vector_load %arg11[%swap3A_173] {strides = array<i32>} : memref<16384xi32, #tpu.memory_space<vmem>>, vector<16xi32>,
      %swap3A_175 = vector.shape_cast %swap3A_174 : vector<16xi32> to vector<16xi32>
      %swap3A_176 = vector.shape_cast %add3A_166 : vector<16xi32> to vector<16xi32>
      tpu.vector_store %arg11[%swap3A_173], %swap3A_176 {strides = array<i32>} : memref<16384xi32, #tpu.memory_space<vmem>>, vector<16xi32>,
      %add3A_177 = arith.constant 2 : i32
      %add3A_178 = vector.broadcast %add3A_177 : i32 to vector<16xi32>
      %add3A_179 = arith.addi %add3A_151, %add3A_178 : vector<16xi32>
      %mul3A_180 = arith.constant 64 : i32
      %mul3A_181 = arith.muli %scan3A_113, %mul3A_180 : i32
      %add3A_182 = arith.constant 4096 : i32
      %add3A_183 = arith.addi %add3A_182, %mul3A_181 : i32
      %add3A_184 = arith.constant 0 : i32
      %add3A_185 = arith.addi %add3A_183, %add3A_184 : i32
      %swap3A_186 = arith.index_cast %add3A_185 : i32 to index
      %swap3A_187 = tpu.vector_load %arg11[%swap3A_186] {strides = array<i32>} : memref<16384xi32, #tpu.memory_space<vmem>>, vector<16xi32>,
      %swap3A_188 = vector.shape_cast %swap3A_187 : vector<16xi32> to vector<16xi32>
      %swap3A_189 = vector.shape_cast %add3A_179 : vector<16xi32> to vector<16xi32>
      tpu.vector_store %arg11[%swap3A_186], %swap3A_189 {strides = array<i32>} : memref<16384xi32, #tpu.memory_space<vmem>>, vector<16xi32>,
      %add3A_190 = arith.constant 3 : i32
      %add3A_191 = vector.broadcast %add3A_190 : i32 to vector<16xi32>
      %add3A_192 = arith.addi %add3A_151, %add3A_191 : vector<16xi32>
      %mul3A_193 = arith.constant 64 : i32
      %mul3A_194 = arith.muli %scan3A_113, %mul3A_193 : i32
      %add3A_195 = arith.constant 6144 : i32
      %add3A_196 = arith.addi %add3A_195, %mul3A_194 : i32
      %add3A_197 = arith.constant 0 : i32
      %add3A_198 = arith.addi %add3A_196, %add3A_197 : i32
      %swap3A_199 = arith.index_cast %add3A_198 : i32 to index
      %swap3A_200 = tpu.vector_load %arg11[%swap3A_199] {strides = array<i32>} : memref<16384xi32, #tpu.memory_space<vmem>>, vector<16xi32>,
      %swap3A_201 = vector.shape_cast %swap3A_200 : vector<16xi32> to vector<16xi32>
      %swap3A_202 = vector.shape_cast %add3A_192 : vector<16xi32> to vector<16xi32>
      tpu.vector_store %arg11[%swap3A_199], %swap3A_202 {strides = array<i32>} : memref<16384xi32, #tpu.memory_space<vmem>>, vector<16xi32>,
      %add3A_203 = arith.constant 4 : i32
      %add3A_204 = vector.broadcast %add3A_203 : i32 to vector<16xi32>
      %add3A_205 = arith.addi %add3A_151, %add3A_204 : vector<16xi32>
      %mul3A_206 = arith.constant 64 : i32
      %mul3A_207 = arith.muli %scan3A_113, %mul3A_206 : i32
      %add3A_208 = arith.constant 8192 : i32
      %add3A_209 = arith.addi %add3A_208, %mul3A_207 : i32
      %add3A_210 = arith.constant 0 : i32
      %add3A_211 = arith.addi %add3A_209, %add3A_210 : i32
      %swap3A_212 = arith.index_cast %add3A_211 : i32 to index
      %swap3A_213 = tpu.vector_load %arg11[%swap3A_212] {strides = array<i32>} : memref<16384xi32, #tpu.memory_space<vmem>>, vector<16xi32>,
      %swap3A_214 = vector.shape_cast %swap3A_213 : vector<16xi32> to vector<16xi32>
      %swap3A_215 = vector.shape_cast %add3A_205 : vector<16xi32> to vector<16xi32>
      tpu.vector_store %arg11[%swap3A_212], %swap3A_215 {strides = array<i32>} : memref<16384xi32, #tpu.memory_space<vmem>>, vector<16xi32>,
      %add3A_216 = arith.constant 5 : i32
      %add3A_217 = vector.broadcast %add3A_216 : i32 to vector<16xi32>
      %add3A_218 = arith.addi %add3A_151, %add3A_217 : vector<16xi32>
      %mul3A_219 = arith.constant 64 : i32
      %mul3A_220 = arith.muli %scan3A_113, %mul3A_219 : i32
      %add3A_221 = arith.constant 10240 : i32
      %add3A_222 = arith.addi %add3A_221, %mul3A_220 : i32
      %add3A_223 = arith.constant 0 : i32
      %add3A_224 = arith.addi %add3A_222, %add3A_223 : i32
      %swap3A_225 = arith.index_cast %add3A_224 : i32 to index
      %swap3A_226 = tpu.vector_load %arg11[%swap3A_225] {strides = array<i32>} : memref<16384xi32, #tpu.memory_space<vmem>>, vector<16xi32>,
      %swap3A_227 = vector.shape_cast %swap3A_226 : vector<16xi32> to vector<16xi32>
      %swap3A_228 = vector.shape_cast %add3A_218 : vector<16xi32> to vector<16xi32>
      tpu.vector_store %arg11[%swap3A_225], %swap3A_228 {strides = array<i32>} : memref<16384xi32, #tpu.memory_space<vmem>>, vector<16xi32>,
      %add3A_229 = arith.constant 6 : i32
      %add3A_230 = vector.broadcast %add3A_229 : i32 to vector<16xi32>
      %add3A_231 = arith.addi %add3A_151, %add3A_230 : vector<16xi32>
      %mul3A_232 = arith.constant 64 : i32
      %mul3A_233 = arith.muli %scan3A_113, %mul3A_232 : i32
      %add3A_234 = arith.constant 12288 : i32
      %add3A_235 = arith.addi %add3A_234, %mul3A_233 : i32
      %add3A_236 = arith.constant 0 : i32
      %add3A_237 = arith.addi %add3A_235, %add3A_236 : i32
      %swap3A_238 = arith.index_cast %add3A_237 : i32 to index
      %swap3A_239 = tpu.vector_load %arg11[%swap3A_238] {strides = array<i32>} : memref<16384xi32, #tpu.memory_space<vmem>>, vector<16xi32>,
      %swap3A_240 = vector.shape_cast %swap3A_239 : vector<16xi32> to vector<16xi32>
      %swap3A_241 = vector.shape_cast %add3A_231 : vector<16xi32> to vector<16xi32>
      tpu.vector_store %arg11[%swap3A_238], %swap3A_241 {strides = array<i32>} : memref<16384xi32, #tpu.memory_space<vmem>>, vector<16xi32>,
      %add3A_242 = arith.constant 7 : i32
      %add3A_243 = vector.broadcast %add3A_242 : i32 to vector<16xi32>
      %add3A_244 = arith.addi %add3A_151, %add3A_243 : vector<16xi32>
      %mul3A_245 = arith.constant 64 : i32
      %mul3A_246 = arith.muli %scan3A_113, %mul3A_245 : i32
      %add3A_247 = arith.constant 14336 : i32
      %add3A_248 = arith.addi %add3A_247, %mul3A_246 : i32
      %add3A_249 = arith.constant 0 : i32
      %add3A_250 = arith.addi %add3A_248, %add3A_249 : i32
      %swap3A_251 = arith.index_cast %add3A_250 : i32 to index
      %swap3A_252 = tpu.vector_load %arg11[%swap3A_251] {strides = array<i32>} : memref<16384xi32, #tpu.memory_space<vmem>>, vector<16xi32>,
      %swap3A_253 = vector.shape_cast %swap3A_252 : vector<16xi32> to vector<16xi32>
      %swap3A_254 = vector.shape_cast %add3A_244 : vector<16xi32> to vector<16xi32>
      tpu.vector_store %arg11[%swap3A_251], %swap3A_254 {strides = array<i32>} : memref<16384xi32, #tpu.memory_space<vmem>>, vector<16xi32>,
      %get3A_255 = arith.constant 16 : index
      %get3A_256 = tpu.vector_load %arg10[%get3A_255] {strides = array<i32>} : memref<256xi32, #tpu.memory_space<vmem>>, vector<16xi32>,
      %get3A_257 = vector.shape_cast %get3A_256 : vector<16xi32> to vector<16xi32>
      %add3A_258 = arith.constant 16 : i32
      %add3A_259 = vector.broadcast %add3A_258 : i32 to vector<16xi32>
      %add3A_260 = arith.addi %iota3A, %add3A_259 : vector<16xi32>
      %lt3A_261 = vector.broadcast %scan3A_125 : i32 to vector<16xi32>
      %lt3A_262 = arith.cmpi slt, %add3A_260, %lt3A_261 : vector<16xi32>
      %broadcast_in_dim3A_263 = vector.broadcast %select_n3A : i32 to vector<16xi32>
      %select_n3A_264 = arith.select %lt3A_262, %get3A_257, %broadcast_in_dim3A_263 : vector<16xi1>, vector<16xi32>
      %mul3A_265 = arith.constant 8 : i32
      %mul3A_266 = vector.broadcast %mul3A_265 : i32 to vector<16xi32>
      %mul3A_267 = arith.muli %select_n3A_264, %mul3A_266 : vector<16xi32>
      %add3A_268 = vector.broadcast %mul3A_138 : i32 to vector<16xi32>
      %add3A_269 = arith.addi %mul3A_267, %add3A_268 : vector<16xi32>
      %add3A_270 = arith.constant 0 : i32
      %add3A_271 = vector.broadcast %add3A_270 : i32 to vector<16xi32>
      %add3A_272 = arith.addi %add3A_269, %add3A_271 : vector<16xi32>
      %mul3A_273 = arith.constant 64 : i32
      %mul3A_274 = arith.muli %scan3A_113, %mul3A_273 : i32
      %add3A_275 = arith.constant 0 : i32
      %add3A_276 = arith.addi %add3A_275, %mul3A_274 : i32
      %add3A_277 = arith.constant 16 : i32
      %add3A_278 = arith.addi %add3A_276, %add3A_277 : i32
      %swap3A_279 = arith.index_cast %add3A_278 : i32 to index
      %swap3A_280 = tpu.vector_load %arg11[%swap3A_279] {strides = array<i32>} : memref<16384xi32, #tpu.memory_space<vmem>>, vector<16xi32>,
      %swap3A_281 = vector.shape_cast %swap3A_280 : vector<16xi32> to vector<16xi32>
      %swap3A_282 = vector.shape_cast %add3A_272 : vector<16xi32> to vector<16xi32>
      tpu.vector_store %arg11[%swap3A_279], %swap3A_282 {strides = array<i32>} : memref<16384xi32, #tpu.memory_space<vmem>>, vector<16xi32>,
      %add3A_283 = arith.constant 1 : i32
      %add3A_284 = vector.broadcast %add3A_283 : i32 to vector<16xi32>
      %add3A_285 = arith.addi %add3A_269, %add3A_284 : vector<16xi32>
      %mul3A_286 = arith.constant 64 : i32
      %mul3A_287 = arith.muli %scan3A_113, %mul3A_286 : i32
      %add3A_288 = arith.constant 2048 : i32
      %add3A_289 = arith.addi %add3A_288, %mul3A_287 : i32
      %add3A_290 = arith.constant 16 : i32
      %add3A_291 = arith.addi %add3A_289, %add3A_290 : i32
      %swap3A_292 = arith.index_cast %add3A_291 : i32 to index
      %swap3A_293 = tpu.vector_load %arg11[%swap3A_292] {strides = array<i32>} : memref<16384xi32, #tpu.memory_space<vmem>>, vector<16xi32>,
      %swap3A_294 = vector.shape_cast %swap3A_293 : vector<16xi32> to vector<16xi32>
      %swap3A_295 = vector.shape_cast %add3A_285 : vector<16xi32> to vector<16xi32>
      tpu.vector_store %arg11[%swap3A_292], %swap3A_295 {strides = array<i32>} : memref<16384xi32, #tpu.memory_space<vmem>>, vector<16xi32>,
      %add3A_296 = arith.constant 2 : i32
      %add3A_297 = vector.broadcast %add3A_296 : i32 to vector<16xi32>
      %add3A_298 = arith.addi %add3A_269, %add3A_297 : vector<16xi32>
      %mul3A_299 = arith.constant 64 : i32
      %mul3A_300 = arith.muli %scan3A_113, %mul3A_299 : i32
      %add3A_301 = arith.constant 4096 : i32
      %add3A_302 = arith.addi %add3A_301, %mul3A_300 : i32
      %add3A_303 = arith.constant 16 : i32
      %add3A_304 = arith.addi %add3A_302, %add3A_303 : i32
      %swap3A_305 = arith.index_cast %add3A_304 : i32 to index
      %swap3A_306 = tpu.vector_load %arg11[%swap3A_305] {strides = array<i32>} : memref<16384xi32, #tpu.memory_space<vmem>>, vector<16xi32>,
      %swap3A_307 = vector.shape_cast %swap3A_306 : vector<16xi32> to vector<16xi32>
      %swap3A_308 = vector.shape_cast %add3A_298 : vector<16xi32> to vector<16xi32>
      tpu.vector_store %arg11[%swap3A_305], %swap3A_308 {strides = array<i32>} : memref<16384xi32, #tpu.memory_space<vmem>>, vector<16xi32>,
      %add3A_309 = arith.constant 3 : i32
      %add3A_310 = vector.broadcast %add3A_309 : i32 to vector<16xi32>
      %add3A_311 = arith.addi %add3A_269, %add3A_310 : vector<16xi32>
      %mul3A_312 = arith.constant 64 : i32
      %mul3A_313 = arith.muli %scan3A_113, %mul3A_312 : i32
      %add3A_314 = arith.constant 6144 : i32
      %add3A_315 = arith.addi %add3A_314, %mul3A_313 : i32
      %add3A_316 = arith.constant 16 : i32
      %add3A_317 = arith.addi %add3A_315, %add3A_316 : i32
      %swap3A_318 = arith.index_cast %add3A_317 : i32 to index
      %swap3A_319 = tpu.vector_load %arg11[%swap3A_318] {strides = array<i32>} : memref<16384xi32, #tpu.memory_space<vmem>>, vector<16xi32>,
      %swap3A_320 = vector.shape_cast %swap3A_319 : vector<16xi32> to vector<16xi32>
      %swap3A_321 = vector.shape_cast %add3A_311 : vector<16xi32> to vector<16xi32>
      tpu.vector_store %arg11[%swap3A_318], %swap3A_321 {strides = array<i32>} : memref<16384xi32, #tpu.memory_space<vmem>>, vector<16xi32>,
      %add3A_322 = arith.constant 4 : i32
      %add3A_323 = vector.broadcast %add3A_322 : i32 to vector<16xi32>
      %add3A_324 = arith.addi %add3A_269, %add3A_323 : vector<16xi32>
      %mul3A_325 = arith.constant 64 : i32
      %mul3A_326 = arith.muli %scan3A_113, %mul3A_325 : i32
      %add3A_327 = arith.constant 8192 : i32
      %add3A_328 = arith.addi %add3A_327, %mul3A_326 : i32
      %add3A_329 = arith.constant 16 : i32
      %add3A_330 = arith.addi %add3A_328, %add3A_329 : i32
      %swap3A_331 = arith.index_cast %add3A_330 : i32 to index
      %swap3A_332 = tpu.vector_load %arg11[%swap3A_331] {strides = array<i32>} : memref<16384xi32, #tpu.memory_space<vmem>>, vector<16xi32>,
      %swap3A_333 = vector.shape_cast %swap3A_332 : vector<16xi32> to vector<16xi32>
      %swap3A_334 = vector.shape_cast %add3A_324 : vector<16xi32> to vector<16xi32>
      tpu.vector_store %arg11[%swap3A_331], %swap3A_334 {strides = array<i32>} : memref<16384xi32, #tpu.memory_space<vmem>>, vector<16xi32>,
      %add3A_335 = arith.constant 5 : i32
      %add3A_336 = vector.broadcast %add3A_335 : i32 to vector<16xi32>
      %add3A_337 = arith.addi %add3A_269, %add3A_336 : vector<16xi32>
      %mul3A_338 = arith.constant 64 : i32
      %mul3A_339 = arith.muli %scan3A_113, %mul3A_338 : i32
      %add3A_340 = arith.constant 10240 : i32
      %add3A_341 = arith.addi %add3A_340, %mul3A_339 : i32
      %add3A_342 = arith.constant 16 : i32
      %add3A_343 = arith.addi %add3A_341, %add3A_342 : i32
      %swap3A_344 = arith.index_cast %add3A_343 : i32 to index
      %swap3A_345 = tpu.vector_load %arg11[%swap3A_344] {strides = array<i32>} : memref<16384xi32, #tpu.memory_space<vmem>>, vector<16xi32>,
      %swap3A_346 = vector.shape_cast %swap3A_345 : vector<16xi32> to vector<16xi32>
      %swap3A_347 = vector.shape_cast %add3A_337 : vector<16xi32> to vector<16xi32>
      tpu.vector_store %arg11[%swap3A_344], %swap3A_347 {strides = array<i32>} : memref<16384xi32, #tpu.memory_space<vmem>>, vector<16xi32>,
      %add3A_348 = arith.constant 6 : i32
      %add3A_349 = vector.broadcast %add3A_348 : i32 to vector<16xi32>
      %add3A_350 = arith.addi %add3A_269, %add3A_349 : vector<16xi32>
      %mul3A_351 = arith.constant 64 : i32
      %mul3A_352 = arith.muli %scan3A_113, %mul3A_351 : i32
      %add3A_353 = arith.constant 12288 : i32
      %add3A_354 = arith.addi %add3A_353, %mul3A_352 : i32
      %add3A_355 = arith.constant 16 : i32
      %add3A_356 = arith.addi %add3A_354, %add3A_355 : i32
      %swap3A_357 = arith.index_cast %add3A_356 : i32 to index
      %swap3A_358 = tpu.vector_load %arg11[%swap3A_357] {strides = array<i32>} : memref<16384xi32, #tpu.memory_space<vmem>>, vector<16xi32>,
      %swap3A_359 = vector.shape_cast %swap3A_358 : vector<16xi32> to vector<16xi32>
      %swap3A_360 = vector.shape_cast %add3A_350 : vector<16xi32> to vector<16xi32>
      tpu.vector_store %arg11[%swap3A_357], %swap3A_360 {strides = array<i32>} : memref<16384xi32, #tpu.memory_space<vmem>>, vector<16xi32>,
      %add3A_361 = arith.constant 7 : i32
      %add3A_362 = vector.broadcast %add3A_361 : i32 to vector<16xi32>
      %add3A_363 = arith.addi %add3A_269, %add3A_362 : vector<16xi32>
      %mul3A_364 = arith.constant 64 : i32
      %mul3A_365 = arith.muli %scan3A_113, %mul3A_364 : i32
      %add3A_366 = arith.constant 14336 : i32
      %add3A_367 = arith.addi %add3A_366, %mul3A_365 : i32
      %add3A_368 = arith.constant 16 : i32
      %add3A_369 = arith.addi %add3A_367, %add3A_368 : i32
      %swap3A_370 = arith.index_cast %add3A_369 : i32 to index
      %swap3A_371 = tpu.vector_load %arg11[%swap3A_370] {strides = array<i32>} : memref<16384xi32, #tpu.memory_space<vmem>>, vector<16xi32>,
      %swap3A_372 = vector.shape_cast %swap3A_371 : vector<16xi32> to vector<16xi32>
      %swap3A_373 = vector.shape_cast %add3A_363 : vector<16xi32> to vector<16xi32>
      tpu.vector_store %arg11[%swap3A_370], %swap3A_373 {strides = array<i32>} : memref<16384xi32, #tpu.memory_space<vmem>>, vector<16xi32>,
      %get3A_374 = arith.constant 32 : index
      %get3A_375 = tpu.vector_load %arg10[%get3A_374] {strides = array<i32>} : memref<256xi32, #tpu.memory_space<vmem>>, vector<16xi32>,
      %get3A_376 = vector.shape_cast %get3A_375 : vector<16xi32> to vector<16xi32>
      %add3A_377 = arith.constant 32 : i32
      %add3A_378 = vector.broadcast %add3A_377 : i32 to vector<16xi32>
      %add3A_379 = arith.addi %iota3A, %add3A_378 : vector<16xi32>
      %lt3A_380 = vector.broadcast %scan3A_125 : i32 to vector<16xi32>
      %lt3A_381 = arith.cmpi slt, %add3A_379, %lt3A_380 : vector<16xi32>
      %broadcast_in_dim3A_382 = vector.broadcast %select_n3A : i32 to vector<16xi32>
      %select_n3A_383 = arith.select %lt3A_381, %get3A_376, %broadcast_in_dim3A_382 : vector<16xi1>, vector<16xi32>
      %mul3A_384 = arith.constant 8 : i32
      %mul3A_385 = vector.broadcast %mul3A_384 : i32 to vector<16xi32>
      %mul3A_386 = arith.muli %select_n3A_383, %mul3A_385 : vector<16xi32>
      %add3A_387 = vector.broadcast %mul3A_138 : i32 to vector<16xi32>
      %add3A_388 = arith.addi %mul3A_386, %add3A_387 : vector<16xi32>
      %add3A_389 = arith.constant 0 : i32
      %add3A_390 = vector.broadcast %add3A_389 : i32 to vector<16xi32>
      %add3A_391 = arith.addi %add3A_388, %add3A_390 : vector<16xi32>
      %mul3A_392 = arith.constant 64 : i32
      %mul3A_393 = arith.muli %scan3A_113, %mul3A_392 : i32
      %add3A_394 = arith.constant 0 : i32
      %add3A_395 = arith.addi %add3A_394, %mul3A_393 : i32
      %add3A_396 = arith.constant 32 : i32
      %add3A_397 = arith.addi %add3A_395, %add3A_396 : i32
      %swap3A_398 = arith.index_cast %add3A_397 : i32 to index
      %swap3A_399 = tpu.vector_load %arg11[%swap3A_398] {strides = array<i32>} : memref<16384xi32, #tpu.memory_space<vmem>>, vector<16xi32>,
      %swap3A_400 = vector.shape_cast %swap3A_399 : vector<16xi32> to vector<16xi32>
      %swap3A_401 = vector.shape_cast %add3A_391 : vector<16xi32> to vector<16xi32>
      tpu.vector_store %arg11[%swap3A_398], %swap3A_401 {strides = array<i32>} : memref<16384xi32, #tpu.memory_space<vmem>>, vector<16xi32>,
      %add3A_402 = arith.constant 1 : i32
      %add3A_403 = vector.broadcast %add3A_402 : i32 to vector<16xi32>
      %add3A_404 = arith.addi %add3A_388, %add3A_403 : vector<16xi32>
      %mul3A_405 = arith.constant 64 : i32
      %mul3A_406 = arith.muli %scan3A_113, %mul3A_405 : i32
      %add3A_407 = arith.constant 2048 : i32
      %add3A_408 = arith.addi %add3A_407, %mul3A_406 : i32
      %add3A_409 = arith.constant 32 : i32
      %add3A_410 = arith.addi %add3A_408, %add3A_409 : i32
      %swap3A_411 = arith.index_cast %add3A_410 : i32 to index
      %swap3A_412 = tpu.vector_load %arg11[%swap3A_411] {strides = array<i32>} : memref<16384xi32, #tpu.memory_space<vmem>>, vector<16xi32>,
      %swap3A_413 = vector.shape_cast %swap3A_412 : vector<16xi32> to vector<16xi32>
      %swap3A_414 = vector.shape_cast %add3A_404 : vector<16xi32> to vector<16xi32>
      tpu.vector_store %arg11[%swap3A_411], %swap3A_414 {strides = array<i32>} : memref<16384xi32, #tpu.memory_space<vmem>>, vector<16xi32>,
      %add3A_415 = arith.constant 2 : i32
      %add3A_416 = vector.broadcast %add3A_415 : i32 to vector<16xi32>
      %add3A_417 = arith.addi %add3A_388, %add3A_416 : vector<16xi32>
      %mul3A_418 = arith.constant 64 : i32
      %mul3A_419 = arith.muli %scan3A_113, %mul3A_418 : i32
      %add3A_420 = arith.constant 4096 : i32
      %add3A_421 = arith.addi %add3A_420, %mul3A_419 : i32
      %add3A_422 = arith.constant 32 : i32
      %add3A_423 = arith.addi %add3A_421, %add3A_422 : i32
      %swap3A_424 = arith.index_cast %add3A_423 : i32 to index
      %swap3A_425 = tpu.vector_load %arg11[%swap3A_424] {strides = array<i32>} : memref<16384xi32, #tpu.memory_space<vmem>>, vector<16xi32>,
      %swap3A_426 = vector.shape_cast %swap3A_425 : vector<16xi32> to vector<16xi32>
      %swap3A_427 = vector.shape_cast %add3A_417 : vector<16xi32> to vector<16xi32>
      tpu.vector_store %arg11[%swap3A_424], %swap3A_427 {strides = array<i32>} : memref<16384xi32, #tpu.memory_space<vmem>>, vector<16xi32>,
      %add3A_428 = arith.constant 3 : i32
      %add3A_429 = vector.broadcast %add3A_428 : i32 to vector<16xi32>
      %add3A_430 = arith.addi %add3A_388, %add3A_429 : vector<16xi32>
      %mul3A_431 = arith.constant 64 : i32
      %mul3A_432 = arith.muli %scan3A_113, %mul3A_431 : i32
      %add3A_433 = arith.constant 6144 : i32
      %add3A_434 = arith.addi %add3A_433, %mul3A_432 : i32
      %add3A_435 = arith.constant 32 : i32
      %add3A_436 = arith.addi %add3A_434, %add3A_435 : i32
      %swap3A_437 = arith.index_cast %add3A_436 : i32 to index
      %swap3A_438 = tpu.vector_load %arg11[%swap3A_437] {strides = array<i32>} : memref<16384xi32, #tpu.memory_space<vmem>>, vector<16xi32>,
      %swap3A_439 = vector.shape_cast %swap3A_438 : vector<16xi32> to vector<16xi32>
      %swap3A_440 = vector.shape_cast %add3A_430 : vector<16xi32> to vector<16xi32>
      tpu.vector_store %arg11[%swap3A_437], %swap3A_440 {strides = array<i32>} : memref<16384xi32, #tpu.memory_space<vmem>>, vector<16xi32>,
      %add3A_441 = arith.constant 4 : i32
      %add3A_442 = vector.broadcast %add3A_441 : i32 to vector<16xi32>
      %add3A_443 = arith.addi %add3A_388, %add3A_442 : vector<16xi32>
      %mul3A_444 = arith.constant 64 : i32
      %mul3A_445 = arith.muli %scan3A_113, %mul3A_444 : i32
      %add3A_446 = arith.constant 8192 : i32
      %add3A_447 = arith.addi %add3A_446, %mul3A_445 : i32
      %add3A_448 = arith.constant 32 : i32
      %add3A_449 = arith.addi %add3A_447, %add3A_448 : i32
      %swap3A_450 = arith.index_cast %add3A_449 : i32 to index
      %swap3A_451 = tpu.vector_load %arg11[%swap3A_450] {strides = array<i32>} : memref<16384xi32, #tpu.memory_space<vmem>>, vector<16xi32>,
      %swap3A_452 = vector.shape_cast %swap3A_451 : vector<16xi32> to vector<16xi32>
      %swap3A_453 = vector.shape_cast %add3A_443 : vector<16xi32> to vector<16xi32>
      tpu.vector_store %arg11[%swap3A_450], %swap3A_453 {strides = array<i32>} : memref<16384xi32, #tpu.memory_space<vmem>>, vector<16xi32>,
      %add3A_454 = arith.constant 5 : i32
      %add3A_455 = vector.broadcast %add3A_454 : i32 to vector<16xi32>
      %add3A_456 = arith.addi %add3A_388, %add3A_455 : vector<16xi32>
      %mul3A_457 = arith.constant 64 : i32
      %mul3A_458 = arith.muli %scan3A_113, %mul3A_457 : i32
      %add3A_459 = arith.constant 10240 : i32
      %add3A_460 = arith.addi %add3A_459, %mul3A_458 : i32
      %add3A_461 = arith.constant 32 : i32
      %add3A_462 = arith.addi %add3A_460, %add3A_461 : i32
      %swap3A_463 = arith.index_cast %add3A_462 : i32 to index
      %swap3A_464 = tpu.vector_load %arg11[%swap3A_463] {strides = array<i32>} : memref<16384xi32, #tpu.memory_space<vmem>>, vector<16xi32>,
      %swap3A_465 = vector.shape_cast %swap3A_464 : vector<16xi32> to vector<16xi32>
      %swap3A_466 = vector.shape_cast %add3A_456 : vector<16xi32> to vector<16xi32>
      tpu.vector_store %arg11[%swap3A_463], %swap3A_466 {strides = array<i32>} : memref<16384xi32, #tpu.memory_space<vmem>>, vector<16xi32>,
      %add3A_467 = arith.constant 6 : i32
      %add3A_468 = vector.broadcast %add3A_467 : i32 to vector<16xi32>
      %add3A_469 = arith.addi %add3A_388, %add3A_468 : vector<16xi32>
      %mul3A_470 = arith.constant 64 : i32
      %mul3A_471 = arith.muli %scan3A_113, %mul3A_470 : i32
      %add3A_472 = arith.constant 12288 : i32
      %add3A_473 = arith.addi %add3A_472, %mul3A_471 : i32
      %add3A_474 = arith.constant 32 : i32
      %add3A_475 = arith.addi %add3A_473, %add3A_474 : i32
      %swap3A_476 = arith.index_cast %add3A_475 : i32 to index
      %swap3A_477 = tpu.vector_load %arg11[%swap3A_476] {strides = array<i32>} : memref<16384xi32, #tpu.memory_space<vmem>>, vector<16xi32>,
      %swap3A_478 = vector.shape_cast %swap3A_477 : vector<16xi32> to vector<16xi32>
      %swap3A_479 = vector.shape_cast %add3A_469 : vector<16xi32> to vector<16xi32>
      tpu.vector_store %arg11[%swap3A_476], %swap3A_479 {strides = array<i32>} : memref<16384xi32, #tpu.memory_space<vmem>>, vector<16xi32>,
      %add3A_480 = arith.constant 7 : i32
      %add3A_481 = vector.broadcast %add3A_480 : i32 to vector<16xi32>
      %add3A_482 = arith.addi %add3A_388, %add3A_481 : vector<16xi32>
      %mul3A_483 = arith.constant 64 : i32
      %mul3A_484 = arith.muli %scan3A_113, %mul3A_483 : i32
      %add3A_485 = arith.constant 14336 : i32
      %add3A_486 = arith.addi %add3A_485, %mul3A_484 : i32
      %add3A_487 = arith.constant 32 : i32
      %add3A_488 = arith.addi %add3A_486, %add3A_487 : i32
      %swap3A_489 = arith.index_cast %add3A_488 : i32 to index
      %swap3A_490 = tpu.vector_load %arg11[%swap3A_489] {strides = array<i32>} : memref<16384xi32, #tpu.memory_space<vmem>>, vector<16xi32>,
      %swap3A_491 = vector.shape_cast %swap3A_490 : vector<16xi32> to vector<16xi32>
      %swap3A_492 = vector.shape_cast %add3A_482 : vector<16xi32> to vector<16xi32>
      tpu.vector_store %arg11[%swap3A_489], %swap3A_492 {strides = array<i32>} : memref<16384xi32, #tpu.memory_space<vmem>>, vector<16xi32>,
      %get3A_493 = arith.constant 48 : index
      %get3A_494 = tpu.vector_load %arg10[%get3A_493] {strides = array<i32>} : memref<256xi32, #tpu.memory_space<vmem>>, vector<16xi32>,
      %get3A_495 = vector.shape_cast %get3A_494 : vector<16xi32> to vector<16xi32>
      %add3A_496 = arith.constant 48 : i32
      %add3A_497 = vector.broadcast %add3A_496 : i32 to vector<16xi32>
      %add3A_498 = arith.addi %iota3A, %add3A_497 : vector<16xi32>
      %lt3A_499 = vector.broadcast %scan3A_125 : i32 to vector<16xi32>
      %lt3A_500 = arith.cmpi slt, %add3A_498, %lt3A_499 : vector<16xi32>
      %broadcast_in_dim3A_501 = vector.broadcast %select_n3A : i32 to vector<16xi32>
      %select_n3A_502 = arith.select %lt3A_500, %get3A_495, %broadcast_in_dim3A_501 : vector<16xi1>, vector<16xi32>
      %mul3A_503 = arith.constant 8 : i32
      %mul3A_504 = vector.broadcast %mul3A_503 : i32 to vector<16xi32>
      %mul3A_505 = arith.muli %select_n3A_502, %mul3A_504 : vector<16xi32>
      %add3A_506 = vector.broadcast %mul3A_138 : i32 to vector<16xi32>
      %add3A_507 = arith.addi %mul3A_505, %add3A_506 : vector<16xi32>
      %add3A_508 = arith.constant 0 : i32
      %add3A_509 = vector.broadcast %add3A_508 : i32 to vector<16xi32>
      %add3A_510 = arith.addi %add3A_507, %add3A_509 : vector<16xi32>
      %mul3A_511 = arith.constant 64 : i32
      %mul3A_512 = arith.muli %scan3A_113, %mul3A_511 : i32
      %add3A_513 = arith.constant 0 : i32
      %add3A_514 = arith.addi %add3A_513, %mul3A_512 : i32
      %add3A_515 = arith.constant 48 : i32
      %add3A_516 = arith.addi %add3A_514, %add3A_515 : i32
      %swap3A_517 = arith.index_cast %add3A_516 : i32 to index
      %swap3A_518 = tpu.vector_load %arg11[%swap3A_517] {strides = array<i32>} : memref<16384xi32, #tpu.memory_space<vmem>>, vector<16xi32>,
      %swap3A_519 = vector.shape_cast %swap3A_518 : vector<16xi32> to vector<16xi32>
      %swap3A_520 = vector.shape_cast %add3A_510 : vector<16xi32> to vector<16xi32>
      tpu.vector_store %arg11[%swap3A_517], %swap3A_520 {strides = array<i32>} : memref<16384xi32, #tpu.memory_space<vmem>>, vector<16xi32>,
      %add3A_521 = arith.constant 1 : i32
      %add3A_522 = vector.broadcast %add3A_521 : i32 to vector<16xi32>
      %add3A_523 = arith.addi %add3A_507, %add3A_522 : vector<16xi32>
      %mul3A_524 = arith.constant 64 : i32
      %mul3A_525 = arith.muli %scan3A_113, %mul3A_524 : i32
      %add3A_526 = arith.constant 2048 : i32
      %add3A_527 = arith.addi %add3A_526, %mul3A_525 : i32
      %add3A_528 = arith.constant 48 : i32
      %add3A_529 = arith.addi %add3A_527, %add3A_528 : i32
      %swap3A_530 = arith.index_cast %add3A_529 : i32 to index
      %swap3A_531 = tpu.vector_load %arg11[%swap3A_530] {strides = array<i32>} : memref<16384xi32, #tpu.memory_space<vmem>>, vector<16xi32>,
      %swap3A_532 = vector.shape_cast %swap3A_531 : vector<16xi32> to vector<16xi32>
      %swap3A_533 = vector.shape_cast %add3A_523 : vector<16xi32> to vector<16xi32>
      tpu.vector_store %arg11[%swap3A_530], %swap3A_533 {strides = array<i32>} : memref<16384xi32, #tpu.memory_space<vmem>>, vector<16xi32>,
      %add3A_534 = arith.constant 2 : i32
      %add3A_535 = vector.broadcast %add3A_534 : i32 to vector<16xi32>
      %add3A_536 = arith.addi %add3A_507, %add3A_535 : vector<16xi32>
      %mul3A_537 = arith.constant 64 : i32
      %mul3A_538 = arith.muli %scan3A_113, %mul3A_537 : i32
      %add3A_539 = arith.constant 4096 : i32
      %add3A_540 = arith.addi %add3A_539, %mul3A_538 : i32
      %add3A_541 = arith.constant 48 : i32
      %add3A_542 = arith.addi %add3A_540, %add3A_541 : i32
      %swap3A_543 = arith.index_cast %add3A_542 : i32 to index
      %swap3A_544 = tpu.vector_load %arg11[%swap3A_543] {strides = array<i32>} : memref<16384xi32, #tpu.memory_space<vmem>>, vector<16xi32>,
      %swap3A_545 = vector.shape_cast %swap3A_544 : vector<16xi32> to vector<16xi32>
      %swap3A_546 = vector.shape_cast %add3A_536 : vector<16xi32> to vector<16xi32>
      tpu.vector_store %arg11[%swap3A_543], %swap3A_546 {strides = array<i32>} : memref<16384xi32, #tpu.memory_space<vmem>>, vector<16xi32>,
      %add3A_547 = arith.constant 3 : i32
      %add3A_548 = vector.broadcast %add3A_547 : i32 to vector<16xi32>
      %add3A_549 = arith.addi %add3A_507, %add3A_548 : vector<16xi32>
      %mul3A_550 = arith.constant 64 : i32
      %mul3A_551 = arith.muli %scan3A_113, %mul3A_550 : i32
      %add3A_552 = arith.constant 6144 : i32
      %add3A_553 = arith.addi %add3A_552, %mul3A_551 : i32
      %add3A_554 = arith.constant 48 : i32
      %add3A_555 = arith.addi %add3A_553, %add3A_554 : i32
      %swap3A_556 = arith.index_cast %add3A_555 : i32 to index
      %swap3A_557 = tpu.vector_load %arg11[%swap3A_556] {strides = array<i32>} : memref<16384xi32, #tpu.memory_space<vmem>>, vector<16xi32>,
      %swap3A_558 = vector.shape_cast %swap3A_557 : vector<16xi32> to vector<16xi32>
      %swap3A_559 = vector.shape_cast %add3A_549 : vector<16xi32> to vector<16xi32>
      tpu.vector_store %arg11[%swap3A_556], %swap3A_559 {strides = array<i32>} : memref<16384xi32, #tpu.memory_space<vmem>>, vector<16xi32>,
      %add3A_560 = arith.constant 4 : i32
      %add3A_561 = vector.broadcast %add3A_560 : i32 to vector<16xi32>
      %add3A_562 = arith.addi %add3A_507, %add3A_561 : vector<16xi32>
      %mul3A_563 = arith.constant 64 : i32
      %mul3A_564 = arith.muli %scan3A_113, %mul3A_563 : i32
      %add3A_565 = arith.constant 8192 : i32
      %add3A_566 = arith.addi %add3A_565, %mul3A_564 : i32
      %add3A_567 = arith.constant 48 : i32
      %add3A_568 = arith.addi %add3A_566, %add3A_567 : i32
      %swap3A_569 = arith.index_cast %add3A_568 : i32 to index
      %swap3A_570 = tpu.vector_load %arg11[%swap3A_569] {strides = array<i32>} : memref<16384xi32, #tpu.memory_space<vmem>>, vector<16xi32>,
      %swap3A_571 = vector.shape_cast %swap3A_570 : vector<16xi32> to vector<16xi32>
      %swap3A_572 = vector.shape_cast %add3A_562 : vector<16xi32> to vector<16xi32>
      tpu.vector_store %arg11[%swap3A_569], %swap3A_572 {strides = array<i32>} : memref<16384xi32, #tpu.memory_space<vmem>>, vector<16xi32>,
      %add3A_573 = arith.constant 5 : i32
      %add3A_574 = vector.broadcast %add3A_573 : i32 to vector<16xi32>
      %add3A_575 = arith.addi %add3A_507, %add3A_574 : vector<16xi32>
      %mul3A_576 = arith.constant 64 : i32
      %mul3A_577 = arith.muli %scan3A_113, %mul3A_576 : i32
      %add3A_578 = arith.constant 10240 : i32
      %add3A_579 = arith.addi %add3A_578, %mul3A_577 : i32
      %add3A_580 = arith.constant 48 : i32
      %add3A_581 = arith.addi %add3A_579, %add3A_580 : i32
      %swap3A_582 = arith.index_cast %add3A_581 : i32 to index
      %swap3A_583 = tpu.vector_load %arg11[%swap3A_582] {strides = array<i32>} : memref<16384xi32, #tpu.memory_space<vmem>>, vector<16xi32>,
      %swap3A_584 = vector.shape_cast %swap3A_583 : vector<16xi32> to vector<16xi32>
      %swap3A_585 = vector.shape_cast %add3A_575 : vector<16xi32> to vector<16xi32>
      tpu.vector_store %arg11[%swap3A_582], %swap3A_585 {strides = array<i32>} : memref<16384xi32, #tpu.memory_space<vmem>>, vector<16xi32>,
      %add3A_586 = arith.constant 6 : i32
      %add3A_587 = vector.broadcast %add3A_586 : i32 to vector<16xi32>
      %add3A_588 = arith.addi %add3A_507, %add3A_587 : vector<16xi32>
      %mul3A_589 = arith.constant 64 : i32
      %mul3A_590 = arith.muli %scan3A_113, %mul3A_589 : i32
      %add3A_591 = arith.constant 12288 : i32
      %add3A_592 = arith.addi %add3A_591, %mul3A_590 : i32
      %add3A_593 = arith.constant 48 : i32
      %add3A_594 = arith.addi %add3A_592, %add3A_593 : i32
      %swap3A_595 = arith.index_cast %add3A_594 : i32 to index
      %swap3A_596 = tpu.vector_load %arg11[%swap3A_595] {strides = array<i32>} : memref<16384xi32, #tpu.memory_space<vmem>>, vector<16xi32>,
      %swap3A_597 = vector.shape_cast %swap3A_596 : vector<16xi32> to vector<16xi32>
      %swap3A_598 = vector.shape_cast %add3A_588 : vector<16xi32> to vector<16xi32>
      tpu.vector_store %arg11[%swap3A_595], %swap3A_598 {strides = array<i32>} : memref<16384xi32, #tpu.memory_space<vmem>>, vector<16xi32>,
      %add3A_599 = arith.constant 7 : i32
      %add3A_600 = vector.broadcast %add3A_599 : i32 to vector<16xi32>
      %add3A_601 = arith.addi %add3A_507, %add3A_600 : vector<16xi32>
      %mul3A_602 = arith.constant 64 : i32
      %mul3A_603 = arith.muli %scan3A_113, %mul3A_602 : i32
      %add3A_604 = arith.constant 14336 : i32
      %add3A_605 = arith.addi %add3A_604, %mul3A_603 : i32
      %add3A_606 = arith.constant 48 : i32
      %add3A_607 = arith.addi %add3A_605, %add3A_606 : i32
      %swap3A_608 = arith.index_cast %add3A_607 : i32 to index
      %swap3A_609 = tpu.vector_load %arg11[%swap3A_608] {strides = array<i32>} : memref<16384xi32, #tpu.memory_space<vmem>>, vector<16xi32>,
      %swap3A_610 = vector.shape_cast %swap3A_609 : vector<16xi32> to vector<16xi32>
      %swap3A_611 = vector.shape_cast %add3A_601 : vector<16xi32> to vector<16xi32>
      tpu.vector_store %arg11[%swap3A_608], %swap3A_611 {strides = array<i32>} : memref<16384xi32, #tpu.memory_space<vmem>>, vector<16xi32>,
      %scan3A_612 = arith.constant 0 : i32
      scf.yield %scan3A_612 : i32
    }
    %scan3A_12 = arith.constant 32 : i32
    %dma_start3A = arith.constant 0 : i32
    %dma_start3A_13 = tpu.memref_slice %arg12[%dma_start3A] : memref<16384xf32, #tpu.memory_space<vmem>> -> memref<2048xf32, #tpu.memory_space<vmem>>
    %dma_start3A_14 = arith.constant 0 : i32
    %dma_start3A_15 = tpu.memref_slice %arg11[%dma_start3A_14] : memref<16384xi32, #tpu.memory_space<vmem>> -> memref<2048xi32, #tpu.memory_space<vmem>>
    %dma_start3A_16 = arith.constant 0 : i32
    %dma_start3A_17 = tpu.memref_slice %arg5[%dma_start3A_16] : memref<2097152xf32, #tpu.memory_space<hbm>> -> memref<2097152xf32, #tpu.memory_space<hbm>>
    tpu.enqueue_indirect_dma source(%dma_start3A_17 : memref<2097152xf32, #tpu.memory_space<hbm>>) target(%dma_start3A_13 : memref<2048xf32, #tpu.memory_space<vmem>>) offsets(%dma_start3A_15 : memref<2048xi32, #tpu.memory_space<vmem>>) semaphore(%arg13 : memref<!tpu.dma_semaphore, #tpu.memory_space<semaphore_mem>>)
    %dma_start3A_18 = arith.constant 2048 : i32
    %dma_start3A_19 = tpu.memref_slice %arg12[%dma_start3A_18] : memref<16384xf32, #tpu.memory_space<vmem>> -> memref<2048xf32, #tpu.memory_space<vmem>>
    %dma_start3A_20 = arith.constant 2048 : i32
    %dma_start3A_21 = tpu.memref_slice %arg11[%dma_start3A_20] : memref<16384xi32, #tpu.memory_space<vmem>> -> memref<2048xi32, #tpu.memory_space<vmem>>
    %dma_start3A_22 = arith.constant 0 : i32
    %dma_start3A_23 = tpu.memref_slice %arg5[%dma_start3A_22] : memref<2097152xf32, #tpu.memory_space<hbm>> -> memref<2097152xf32, #tpu.memory_space<hbm>>
    tpu.enqueue_indirect_dma source(%dma_start3A_23 : memref<2097152xf32, #tpu.memory_space<hbm>>) target(%dma_start3A_19 : memref<2048xf32, #tpu.memory_space<vmem>>) offsets(%dma_start3A_21 : memref<2048xi32, #tpu.memory_space<vmem>>) semaphore(%arg13 : memref<!tpu.dma_semaphore, #tpu.memory_space<semaphore_mem>>)
    %dma_start3A_24 = arith.constant 4096 : i32
    %dma_start3A_25 = tpu.memref_slice %arg12[%dma_start3A_24] : memref<16384xf32, #tpu.memory_space<vmem>> -> memref<2048xf32, #tpu.memory_space<vmem>>
    %dma_start3A_26 = arith.constant 4096 : i32
    %dma_start3A_27 = tpu.memref_slice %arg11[%dma_start3A_26] : memref<16384xi32, #tpu.memory_space<vmem>> -> memref<2048xi32, #tpu.memory_space<vmem>>
    %dma_start3A_28 = arith.constant 0 : i32
    %dma_start3A_29 = tpu.memref_slice %arg5[%dma_start3A_28] : memref<2097152xf32, #tpu.memory_space<hbm>> -> memref<2097152xf32, #tpu.memory_space<hbm>>
    tpu.enqueue_indirect_dma source(%dma_start3A_29 : memref<2097152xf32, #tpu.memory_space<hbm>>) target(%dma_start3A_25 : memref<2048xf32, #tpu.memory_space<vmem>>) offsets(%dma_start3A_27 : memref<2048xi32, #tpu.memory_space<vmem>>) semaphore(%arg13 : memref<!tpu.dma_semaphore, #tpu.memory_space<semaphore_mem>>)
    %dma_start3A_30 = arith.constant 6144 : i32
    %dma_start3A_31 = tpu.memref_slice %arg12[%dma_start3A_30] : memref<16384xf32, #tpu.memory_space<vmem>> -> memref<2048xf32, #tpu.memory_space<vmem>>
    %dma_start3A_32 = arith.constant 6144 : i32
    %dma_start3A_33 = tpu.memref_slice %arg11[%dma_start3A_32] : memref<16384xi32, #tpu.memory_space<vmem>> -> memref<2048xi32, #tpu.memory_space<vmem>>
    %dma_start3A_34 = arith.constant 0 : i32
    %dma_start3A_35 = tpu.memref_slice %arg5[%dma_start3A_34] : memref<2097152xf32, #tpu.memory_space<hbm>> -> memref<2097152xf32, #tpu.memory_space<hbm>>
    tpu.enqueue_indirect_dma source(%dma_start3A_35 : memref<2097152xf32, #tpu.memory_space<hbm>>) target(%dma_start3A_31 : memref<2048xf32, #tpu.memory_space<vmem>>) offsets(%dma_start3A_33 : memref<2048xi32, #tpu.memory_space<vmem>>) semaphore(%arg13 : memref<!tpu.dma_semaphore, #tpu.memory_space<semaphore_mem>>)
    %dma_start3A_36 = arith.constant 8192 : i32
    %dma_start3A_37 = tpu.memref_slice %arg12[%dma_start3A_36] : memref<16384xf32, #tpu.memory_space<vmem>> -> memref<2048xf32, #tpu.memory_space<vmem>>
    %dma_start3A_38 = arith.constant 8192 : i32
    %dma_start3A_39 = tpu.memref_slice %arg11[%dma_start3A_38] : memref<16384xi32, #tpu.memory_space<vmem>> -> memref<2048xi32, #tpu.memory_space<vmem>>
    %dma_start3A_40 = arith.constant 0 : i32
    %dma_start3A_41 = tpu.memref_slice %arg5[%dma_start3A_40] : memref<2097152xf32, #tpu.memory_space<hbm>> -> memref<2097152xf32, #tpu.memory_space<hbm>>
    tpu.enqueue_indirect_dma source(%dma_start3A_41 : memref<2097152xf32, #tpu.memory_space<hbm>>) target(%dma_start3A_37 : memref<2048xf32, #tpu.memory_space<vmem>>) offsets(%dma_start3A_39 : memref<2048xi32, #tpu.memory_space<vmem>>) semaphore(%arg13 : memref<!tpu.dma_semaphore, #tpu.memory_space<semaphore_mem>>)
    %dma_start3A_42 = arith.constant 10240 : i32
    %dma_start3A_43 = tpu.memref_slice %arg12[%dma_start3A_42] : memref<16384xf32, #tpu.memory_space<vmem>> -> memref<2048xf32, #tpu.memory_space<vmem>>
    %dma_start3A_44 = arith.constant 10240 : i32
    %dma_start3A_45 = tpu.memref_slice %arg11[%dma_start3A_44] : memref<16384xi32, #tpu.memory_space<vmem>> -> memref<2048xi32, #tpu.memory_space<vmem>>
    %dma_start3A_46 = arith.constant 0 : i32
    %dma_start3A_47 = tpu.memref_slice %arg5[%dma_start3A_46] : memref<2097152xf32, #tpu.memory_space<hbm>> -> memref<2097152xf32, #tpu.memory_space<hbm>>
    tpu.enqueue_indirect_dma source(%dma_start3A_47 : memref<2097152xf32, #tpu.memory_space<hbm>>) target(%dma_start3A_43 : memref<2048xf32, #tpu.memory_space<vmem>>) offsets(%dma_start3A_45 : memref<2048xi32, #tpu.memory_space<vmem>>) semaphore(%arg13 : memref<!tpu.dma_semaphore, #tpu.memory_space<semaphore_mem>>)
    %dma_start3A_48 = arith.constant 12288 : i32
    %dma_start3A_49 = tpu.memref_slice %arg12[%dma_start3A_48] : memref<16384xf32, #tpu.memory_space<vmem>> -> memref<2048xf32, #tpu.memory_space<vmem>>
    %dma_start3A_50 = arith.constant 12288 : i32
    %dma_start3A_51 = tpu.memref_slice %arg11[%dma_start3A_50] : memref<16384xi32, #tpu.memory_space<vmem>> -> memref<2048xi32, #tpu.memory_space<vmem>>
    %dma_start3A_52 = arith.constant 0 : i32
    %dma_start3A_53 = tpu.memref_slice %arg5[%dma_start3A_52] : memref<2097152xf32, #tpu.memory_space<hbm>> -> memref<2097152xf32, #tpu.memory_space<hbm>>
    tpu.enqueue_indirect_dma source(%dma_start3A_53 : memref<2097152xf32, #tpu.memory_space<hbm>>) target(%dma_start3A_49 : memref<2048xf32, #tpu.memory_space<vmem>>) offsets(%dma_start3A_51 : memref<2048xi32, #tpu.memory_space<vmem>>) semaphore(%arg13 : memref<!tpu.dma_semaphore, #tpu.memory_space<semaphore_mem>>)
    %dma_start3A_54 = arith.constant 14336 : i32
    %dma_start3A_55 = tpu.memref_slice %arg12[%dma_start3A_54] : memref<16384xf32, #tpu.memory_space<vmem>> -> memref<2048xf32, #tpu.memory_space<vmem>>
    %dma_start3A_56 = arith.constant 14336 : i32
    %dma_start3A_57 = tpu.memref_slice %arg11[%dma_start3A_56] : memref<16384xi32, #tpu.memory_space<vmem>> -> memref<2048xi32, #tpu.memory_space<vmem>>
    %dma_start3A_58 = arith.constant 0 : i32
    %dma_start3A_59 = tpu.memref_slice %arg5[%dma_start3A_58] : memref<2097152xf32, #tpu.memory_space<hbm>> -> memref<2097152xf32, #tpu.memory_space<hbm>>
    tpu.enqueue_indirect_dma source(%dma_start3A_59 : memref<2097152xf32, #tpu.memory_space<hbm>>) target(%dma_start3A_55 : memref<2048xf32, #tpu.memory_space<vmem>>) offsets(%dma_start3A_57 : memref<2048xi32, #tpu.memory_space<vmem>>) semaphore(%arg13 : memref<!tpu.dma_semaphore, #tpu.memory_space<semaphore_mem>>)
    %dma_wait3A = arith.constant 0 : i32
    %dma_wait3A_60 = tpu.memref_slice %arg12[%dma_wait3A] : memref<16384xf32, #tpu.memory_space<vmem>> -> memref<2048xf32, #tpu.memory_space<vmem>>
    %dma_wait3A_61 = arith.constant 0 : i32
    %dma_wait3A_62 = tpu.memref_slice %arg11[%dma_wait3A_61] : memref<16384xi32, #tpu.memory_space<vmem>> -> memref<2048xi32, #tpu.memory_space<vmem>>
    %dma_wait3A_63 = arith.constant 0 : i32
    %dma_wait3A_64 = tpu.memref_slice %arg5[%dma_wait3A_63] : memref<2097152xf32, #tpu.memory_space<hbm>> -> memref<2097152xf32, #tpu.memory_space<hbm>>
    tpu.wait_indirect_dma semaphore(%arg13 : memref<!tpu.dma_semaphore, #tpu.memory_space<semaphore_mem>>) src(%dma_wait3A_64 : memref<2097152xf32, #tpu.memory_space<hbm>>) dst(%dma_wait3A_60 : memref<2048xf32, #tpu.memory_space<vmem>>)
    %dma_wait3A_65 = arith.constant 2048 : i32
    %dma_wait3A_66 = tpu.memref_slice %arg12[%dma_wait3A_65] : memref<16384xf32, #tpu.memory_space<vmem>> -> memref<2048xf32, #tpu.memory_space<vmem>>
    %dma_wait3A_67 = arith.constant 2048 : i32
    %dma_wait3A_68 = tpu.memref_slice %arg11[%dma_wait3A_67] : memref<16384xi32, #tpu.memory_space<vmem>> -> memref<2048xi32, #tpu.memory_space<vmem>>
    %dma_wait3A_69 = arith.constant 0 : i32
    %dma_wait3A_70 = tpu.memref_slice %arg5[%dma_wait3A_69] : memref<2097152xf32, #tpu.memory_space<hbm>> -> memref<2097152xf32, #tpu.memory_space<hbm>>
    tpu.wait_indirect_dma semaphore(%arg13 : memref<!tpu.dma_semaphore, #tpu.memory_space<semaphore_mem>>) src(%dma_wait3A_70 : memref<2097152xf32, #tpu.memory_space<hbm>>) dst(%dma_wait3A_66 : memref<2048xf32, #tpu.memory_space<vmem>>)
    %dma_wait3A_71 = arith.constant 4096 : i32
    %dma_wait3A_72 = tpu.memref_slice %arg12[%dma_wait3A_71] : memref<16384xf32, #tpu.memory_space<vmem>> -> memref<2048xf32, #tpu.memory_space<vmem>>
    %dma_wait3A_73 = arith.constant 4096 : i32
    %dma_wait3A_74 = tpu.memref_slice %arg11[%dma_wait3A_73] : memref<16384xi32, #tpu.memory_space<vmem>> -> memref<2048xi32, #tpu.memory_space<vmem>>
    %dma_wait3A_75 = arith.constant 0 : i32
    %dma_wait3A_76 = tpu.memref_slice %arg5[%dma_wait3A_75] : memref<2097152xf32, #tpu.memory_space<hbm>> -> memref<2097152xf32, #tpu.memory_space<hbm>>
    tpu.wait_indirect_dma semaphore(%arg13 : memref<!tpu.dma_semaphore, #tpu.memory_space<semaphore_mem>>) src(%dma_wait3A_76 : memref<2097152xf32, #tpu.memory_space<hbm>>) dst(%dma_wait3A_72 : memref<2048xf32, #tpu.memory_space<vmem>>)
    %dma_wait3A_77 = arith.constant 6144 : i32
    %dma_wait3A_78 = tpu.memref_slice %arg12[%dma_wait3A_77] : memref<16384xf32, #tpu.memory_space<vmem>> -> memref<2048xf32, #tpu.memory_space<vmem>>
    %dma_wait3A_79 = arith.constant 6144 : i32
    %dma_wait3A_80 = tpu.memref_slice %arg11[%dma_wait3A_79] : memref<16384xi32, #tpu.memory_space<vmem>> -> memref<2048xi32, #tpu.memory_space<vmem>>
    %dma_wait3A_81 = arith.constant 0 : i32
    %dma_wait3A_82 = tpu.memref_slice %arg5[%dma_wait3A_81] : memref<2097152xf32, #tpu.memory_space<hbm>> -> memref<2097152xf32, #tpu.memory_space<hbm>>
    tpu.wait_indirect_dma semaphore(%arg13 : memref<!tpu.dma_semaphore, #tpu.memory_space<semaphore_mem>>) src(%dma_wait3A_82 : memref<2097152xf32, #tpu.memory_space<hbm>>) dst(%dma_wait3A_78 : memref<2048xf32, #tpu.memory_space<vmem>>)
    %dma_wait3A_83 = arith.constant 8192 : i32
    %dma_wait3A_84 = tpu.memref_slice %arg12[%dma_wait3A_83] : memref<16384xf32, #tpu.memory_space<vmem>> -> memref<2048xf32, #tpu.memory_space<vmem>>
    %dma_wait3A_85 = arith.constant 8192 : i32
    %dma_wait3A_86 = tpu.memref_slice %arg11[%dma_wait3A_85] : memref<16384xi32, #tpu.memory_space<vmem>> -> memref<2048xi32, #tpu.memory_space<vmem>>
    %dma_wait3A_87 = arith.constant 0 : i32
    %dma_wait3A_88 = tpu.memref_slice %arg5[%dma_wait3A_87] : memref<2097152xf32, #tpu.memory_space<hbm>> -> memref<2097152xf32, #tpu.memory_space<hbm>>
    tpu.wait_indirect_dma semaphore(%arg13 : memref<!tpu.dma_semaphore, #tpu.memory_space<semaphore_mem>>) src(%dma_wait3A_88 : memref<2097152xf32, #tpu.memory_space<hbm>>) dst(%dma_wait3A_84 : memref<2048xf32, #tpu.memory_space<vmem>>)
    %dma_wait3A_89 = arith.constant 10240 : i32
    %dma_wait3A_90 = tpu.memref_slice %arg12[%dma_wait3A_89] : memref<16384xf32, #tpu.memory_space<vmem>> -> memref<2048xf32, #tpu.memory_space<vmem>>
    %dma_wait3A_91 = arith.constant 10240 : i32
    %dma_wait3A_92 = tpu.memref_slice %arg11[%dma_wait3A_91] : memref<16384xi32, #tpu.memory_space<vmem>> -> memref<2048xi32, #tpu.memory_space<vmem>>
    %dma_wait3A_93 = arith.constant 0 : i32
    %dma_wait3A_94 = tpu.memref_slice %arg5[%dma_wait3A_93] : memref<2097152xf32, #tpu.memory_space<hbm>> -> memref<2097152xf32, #tpu.memory_space<hbm>>
    tpu.wait_indirect_dma semaphore(%arg13 : memref<!tpu.dma_semaphore, #tpu.memory_space<semaphore_mem>>) src(%dma_wait3A_94 : memref<2097152xf32, #tpu.memory_space<hbm>>) dst(%dma_wait3A_90 : memref<2048xf32, #tpu.memory_space<vmem>>)
    %dma_wait3A_95 = arith.constant 12288 : i32
    %dma_wait3A_96 = tpu.memref_slice %arg12[%dma_wait3A_95] : memref<16384xf32, #tpu.memory_space<vmem>> -> memref<2048xf32, #tpu.memory_space<vmem>>
    %dma_wait3A_97 = arith.constant 12288 : i32
    %dma_wait3A_98 = tpu.memref_slice %arg11[%dma_wait3A_97] : memref<16384xi32, #tpu.memory_space<vmem>> -> memref<2048xi32, #tpu.memory_space<vmem>>
    %dma_wait3A_99 = arith.constant 0 : i32
    %dma_wait3A_100 = tpu.memref_slice %arg5[%dma_wait3A_99] : memref<2097152xf32, #tpu.memory_space<hbm>> -> memref<2097152xf32, #tpu.memory_space<hbm>>
    tpu.wait_indirect_dma semaphore(%arg13 : memref<!tpu.dma_semaphore, #tpu.memory_space<semaphore_mem>>) src(%dma_wait3A_100 : memref<2097152xf32, #tpu.memory_space<hbm>>) dst(%dma_wait3A_96 : memref<2048xf32, #tpu.memory_space<vmem>>)
    %dma_wait3A_101 = arith.constant 14336 : i32
    %dma_wait3A_102 = tpu.memref_slice %arg12[%dma_wait3A_101] : memref<16384xf32, #tpu.memory_space<vmem>> -> memref<2048xf32, #tpu.memory_space<vmem>>
    %dma_wait3A_103 = arith.constant 14336 : i32
    %dma_wait3A_104 = tpu.memref_slice %arg11[%dma_wait3A_103] : memref<16384xi32, #tpu.memory_space<vmem>> -> memref<2048xi32, #tpu.memory_space<vmem>>
    %dma_wait3A_105 = arith.constant 0 : i32
    %dma_wait3A_106 = tpu.memref_slice %arg5[%dma_wait3A_105] : memref<2097152xf32, #tpu.memory_space<hbm>> -> memref<2097152xf32, #tpu.memory_space<hbm>>
    tpu.wait_indirect_dma semaphore(%arg13 : memref<!tpu.dma_semaphore, #tpu.memory_space<semaphore_mem>>) src(%dma_wait3A_106 : memref<2097152xf32, #tpu.memory_space<hbm>>) dst(%dma_wait3A_102 : memref<2048xf32, #tpu.memory_space<vmem>>)
    %mul3A_107 = arith.constant 8 : i32
    %mul3A_108 = arith.muli %add3A, %mul3A_107 : i32
    %mul3A_109 = arith.constant 32 : i32
    %mul3A_110 = arith.muli %mul3A_108, %mul3A_109 : i32
    %mul3A_111 = arith.constant 64 : i32
    %mul3A_112 = arith.muli %mul3A_110, %mul3A_111 : i32
    "tpu.region"() ({
      %run_scoped3A = tpu.sem_alloc : memref<!tpu.dma_semaphore, #tpu.memory_space<semaphore_mem>>
      %dma_start3A_113 = tpu.memref_slice %arg6[%mul3A_112] : memref<524288xf32, #tpu.memory_space<hbm>> -> memref<16384xf32, #tpu.memory_space<hbm>>
      %dma_start3A_114 = tpu.memref_slice %arg6[%mul3A_112] : memref<524288xf32, #tpu.memory_space<hbm>> -> memref<16384xf32, #tpu.memory_space<hbm>>
      tpu.enqueue_dma source(%arg12 : memref<16384xf32, #tpu.memory_space<vmem>>) target(%dma_start3A_114 : memref<16384xf32, #tpu.memory_space<hbm>>) target_semaphore(%run_scoped3A : memref<!tpu.dma_semaphore, #tpu.memory_space<semaphore_mem>>)
      %dma_wait3A_115 = tpu.memref_slice %arg6[%mul3A_112] : memref<524288xf32, #tpu.memory_space<hbm>> -> memref<16384xf32, #tpu.memory_space<hbm>>
      %dma_wait3A_116 = tpu.memref_slice %arg6[%mul3A_112] : memref<524288xf32, #tpu.memory_space<hbm>> -> memref<16384xf32, #tpu.memory_space<hbm>>
      tpu.wait_dma2 semaphore(%run_scoped3A : memref<!tpu.dma_semaphore, #tpu.memory_space<semaphore_mem>>) src(%arg12 : memref<16384xf32, #tpu.memory_space<vmem>>) dst(%dma_wait3A_116 : memref<16384xf32, #tpu.memory_space<hbm>>)
      tpu.yield
    }) : () -> ()
    return
  }
}

module attributes {stable_mosaic.version = 14 : i64} {
  func.func @_fps_kernel(%arg0: memref<32x8192xf32, #tpu.memory_space<vmem>>, %arg1: memref<32x8192xf32, #tpu.memory_space<vmem>>, %arg2: memref<32x8192xf32, #tpu.memory_space<vmem>>, %arg3: memref<32x32xf32, #tpu.memory_space<vmem>>, %arg4: memref<32x32xf32, #tpu.memory_space<vmem>>, %arg5: memref<32x32xf32, #tpu.memory_space<vmem>>) attributes {dimension_semantics = [], scalar_prefetch = 0 : i64, scratch_operands = 0 : i64, tpu.core_type = #tpu.core_type<tc>} {
    %get3A = arith.constant 0 : index
    %get3A_0 = arith.constant 0 : index
    %get3A_1 = vector.load %arg0[%get3A, %get3A_0] : memref<32x8192xf32, #tpu.memory_space<vmem>>, vector<32x8192xf32>
    %get3A_2 = arith.constant 0 : index
    %get3A_3 = arith.constant 0 : index
    %get3A_4 = vector.load %arg1[%get3A_2, %get3A_3] : memref<32x8192xf32, #tpu.memory_space<vmem>>, vector<32x8192xf32>
    %get3A_5 = arith.constant 0 : index
    %get3A_6 = arith.constant 0 : index
    %get3A_7 = vector.load %arg2[%get3A_5, %get3A_6] : memref<32x8192xf32, #tpu.memory_space<vmem>>, vector<32x8192xf32>
    %iota3A = tpu.iota {dimensions = array<i32: 1>} : vector<32x8192xi32>
    %iota3A_8 = tpu.iota {dimensions = array<i32: 1>} : vector<32x32xi32>
    %broadcast_in_dim3A = arith.constant 1.000000e+10 : f32
    %broadcast_in_dim3A_9 = vector.broadcast %broadcast_in_dim3A : f32 to vector<32x8192xf32>
    %broadcast_in_dim3A_10 = arith.constant 0 : i32
    %broadcast_in_dim3A_11 = vector.broadcast %broadcast_in_dim3A_10 : i32 to vector<32x1xi32>
    %broadcast_in_dim3A_12 = arith.constant 0.000000e+00 : f32
    %broadcast_in_dim3A_13 = vector.broadcast %broadcast_in_dim3A_12 : f32 to vector<32x32xf32>
    %scan3A = arith.constant 0 : i32
    %scan3A_14 = arith.constant 32 : i32
    %scan3A_15 = arith.addi %scan3A, %scan3A_14 : i32
    %scan3A_16 = arith.constant 1 : i32
    %scan3A_17:5 = scf.for %scan3A_27 = %scan3A to %scan3A_15 step %scan3A_16 iter_args(%scan3A_28 = %broadcast_in_dim3A_9, %scan3A_29 = %broadcast_in_dim3A_11, %scan3A_30 = %broadcast_in_dim3A_13, %scan3A_31 = %broadcast_in_dim3A_13, %scan3A_32 = %broadcast_in_dim3A_13) -> (vector<32x8192xf32>, vector<32x1xi32>, vector<32x32xf32>, vector<32x32xf32>, vector<32x32xf32>)  : i32 {
      %eq3A = vector.broadcast %scan3A_29 : vector<32x1xi32> to vector<32x8192xi32>
      %eq3A_33 = arith.cmpi eq, %iota3A, %eq3A : vector<32x8192xi32>
      %jit3A = arith.constant 0.000000e+00 : f32
      %broadcast_in_dim3A_34 = vector.broadcast %jit3A : f32 to vector<32x8192xf32>
      %select_n3A = arith.select %eq3A_33, %get3A_1, %broadcast_in_dim3A_34 : vector<32x8192xi1>, vector<32x8192xf32>
      %reduce_sum3A = arith.constant dense<0.000000e+00> : vector<32xf32>
      %reduce_sum3A_35 = vector.multi_reduction <add>, %select_n3A, %reduce_sum3A [1] : vector<32x8192xf32> to vector<32xf32>
      %broadcast_in_dim3A_36 = vector.shape_cast %reduce_sum3A_35 : vector<32xf32> to vector<32x1xf32>
      %jit3A_37 = arith.constant 0.000000e+00 : f32
      %broadcast_in_dim3A_38 = vector.broadcast %jit3A_37 : f32 to vector<32x8192xf32>
      %select_n3A_39 = arith.select %eq3A_33, %get3A_4, %broadcast_in_dim3A_38 : vector<32x8192xi1>, vector<32x8192xf32>
      %reduce_sum3A_40 = arith.constant dense<0.000000e+00> : vector<32xf32>
      %reduce_sum3A_41 = vector.multi_reduction <add>, %select_n3A_39, %reduce_sum3A_40 [1] : vector<32x8192xf32> to vector<32xf32>
      %broadcast_in_dim3A_42 = vector.shape_cast %reduce_sum3A_41 : vector<32xf32> to vector<32x1xf32>
      %jit3A_43 = arith.constant 0.000000e+00 : f32
      %broadcast_in_dim3A_44 = vector.broadcast %jit3A_43 : f32 to vector<32x8192xf32>
      %select_n3A_45 = arith.select %eq3A_33, %get3A_7, %broadcast_in_dim3A_44 : vector<32x8192xi1>, vector<32x8192xf32>
      %reduce_sum3A_46 = arith.constant dense<0.000000e+00> : vector<32xf32>
      %reduce_sum3A_47 = vector.multi_reduction <add>, %select_n3A_45, %reduce_sum3A_46 [1] : vector<32x8192xf32> to vector<32xf32>
      %broadcast_in_dim3A_48 = vector.shape_cast %reduce_sum3A_47 : vector<32xf32> to vector<32x1xf32>
      %eq3A_49 = vector.broadcast %scan3A_27 : i32 to vector<32x32xi32>
      %eq3A_50 = arith.cmpi eq, %iota3A_8, %eq3A_49 : vector<32x32xi32>
      %broadcast_in_dim3A_51 = vector.shape_cast %broadcast_in_dim3A_36 : vector<32x1xf32> to vector<32x1xf32>
      %broadcast_in_dim3A_52 = vector.broadcast %broadcast_in_dim3A_51 : vector<32x1xf32> to vector<32x32xf32>
      %select_n3A_53 = arith.select %eq3A_50, %broadcast_in_dim3A_52, %scan3A_30 : vector<32x32xi1>, vector<32x32xf32>
      %eq3A_54 = vector.broadcast %scan3A_27 : i32 to vector<32x32xi32>
      %eq3A_55 = arith.cmpi eq, %iota3A_8, %eq3A_54 : vector<32x32xi32>
      %broadcast_in_dim3A_56 = vector.shape_cast %broadcast_in_dim3A_42 : vector<32x1xf32> to vector<32x1xf32>
      %broadcast_in_dim3A_57 = vector.broadcast %broadcast_in_dim3A_56 : vector<32x1xf32> to vector<32x32xf32>
      %select_n3A_58 = arith.select %eq3A_55, %broadcast_in_dim3A_57, %scan3A_31 : vector<32x32xi1>, vector<32x32xf32>
      %eq3A_59 = vector.broadcast %scan3A_27 : i32 to vector<32x32xi32>
      %eq3A_60 = arith.cmpi eq, %iota3A_8, %eq3A_59 : vector<32x32xi32>
      %broadcast_in_dim3A_61 = vector.shape_cast %broadcast_in_dim3A_48 : vector<32x1xf32> to vector<32x1xf32>
      %broadcast_in_dim3A_62 = vector.broadcast %broadcast_in_dim3A_61 : vector<32x1xf32> to vector<32x32xf32>
      %select_n3A_63 = arith.select %eq3A_60, %broadcast_in_dim3A_62, %scan3A_32 : vector<32x32xi1>, vector<32x32xf32>
      %sub3A = vector.broadcast %broadcast_in_dim3A_36 : vector<32x1xf32> to vector<32x8192xf32>
      %sub3A_64 = arith.subf %get3A_1, %sub3A : vector<32x8192xf32>
      %sub3A_65 = vector.broadcast %broadcast_in_dim3A_42 : vector<32x1xf32> to vector<32x8192xf32>
      %sub3A_66 = arith.subf %get3A_4, %sub3A_65 : vector<32x8192xf32>
      %sub3A_67 = vector.broadcast %broadcast_in_dim3A_48 : vector<32x1xf32> to vector<32x8192xf32>
      %sub3A_68 = arith.subf %get3A_7, %sub3A_67 : vector<32x8192xf32>
      %mul3A = arith.mulf %sub3A_64, %sub3A_64 : vector<32x8192xf32>
      %mul3A_69 = arith.mulf %sub3A_66, %sub3A_66 : vector<32x8192xf32>
      %add3A = arith.addf %mul3A, %mul3A_69 : vector<32x8192xf32>
      %mul3A_70 = arith.mulf %sub3A_68, %sub3A_68 : vector<32x8192xf32>
      %add3A_71 = arith.addf %add3A, %mul3A_70 : vector<32x8192xf32>
      %min3A = arith.minimumf %scan3A_28, %add3A_71 : vector<32x8192xf32>
      %reduce_max3A = arith.constant dense<0xFF800000> : vector<32xf32>
      %reduce_max3A_72 = vector.multi_reduction <maximumf>, %min3A, %reduce_max3A [1] : vector<32x8192xf32> to vector<32xf32>
      %broadcast_in_dim3A_73 = vector.shape_cast %reduce_max3A_72 : vector<32xf32> to vector<32x1xf32>
      %eq3A_74 = vector.broadcast %broadcast_in_dim3A_73 : vector<32x1xf32> to vector<32x8192xf32>
      %eq3A_75 = arith.cmpf oeq, %min3A, %eq3A_74 : vector<32x8192xf32>
      %jit3A_76 = arith.constant 8192 : i32
      %broadcast_in_dim3A_77 = vector.broadcast %jit3A_76 : i32 to vector<32x8192xi32>
      %select_n3A_78 = arith.select %eq3A_75, %iota3A, %broadcast_in_dim3A_77 : vector<32x8192xi1>, vector<32x8192xi32>
      %reduce_min3A = arith.constant dense<2147483647> : vector<32xi32>
      %reduce_min3A_79 = vector.multi_reduction <minsi>, %select_n3A_78, %reduce_min3A [1] : vector<32x8192xi32> to vector<32xi32>
      %broadcast_in_dim3A_80 = vector.shape_cast %reduce_min3A_79 : vector<32xi32> to vector<32x1xi32>
      scf.yield %min3A, %broadcast_in_dim3A_80, %select_n3A_53, %select_n3A_58, %select_n3A_63 : vector<32x8192xf32>, vector<32x1xi32>, vector<32x32xf32>, vector<32x32xf32>, vector<32x32xf32>
    }
    %scan3A_18 = arith.constant 32 : i32
    %swap3A = arith.constant 0 : index
    %swap3A_19 = arith.constant 0 : index
    %swap3A_20 = vector.load %arg3[%swap3A, %swap3A_19] : memref<32x32xf32, #tpu.memory_space<vmem>>, vector<32x32xf32>
    tpu.vector_store %arg3[%swap3A, %swap3A_19], %scan3A_17#2 {strides = array<i32>} : memref<32x32xf32, #tpu.memory_space<vmem>>, vector<32x32xf32>,
    %swap3A_21 = arith.constant 0 : index
    %swap3A_22 = arith.constant 0 : index
    %swap3A_23 = vector.load %arg4[%swap3A_21, %swap3A_22] : memref<32x32xf32, #tpu.memory_space<vmem>>, vector<32x32xf32>
    tpu.vector_store %arg4[%swap3A_21, %swap3A_22], %scan3A_17#3 {strides = array<i32>} : memref<32x32xf32, #tpu.memory_space<vmem>>, vector<32x32xf32>,
    %swap3A_24 = arith.constant 0 : index
    %swap3A_25 = arith.constant 0 : index
    %swap3A_26 = vector.load %arg5[%swap3A_24, %swap3A_25] : memref<32x32xf32, #tpu.memory_space<vmem>>, vector<32x32xf32>
    tpu.vector_store %arg5[%swap3A_24, %swap3A_25], %scan3A_17#4 {strides = array<i32>} : memref<32x32xf32, #tpu.memory_space<vmem>>, vector<32x32xf32>,
    return
  }
}

module attributes {stable_mosaic.version = 14 : i64} {
  func.func @_mask_kernel(%arg0: i32, %arg1: memref<1x8x8192xf32, #tpu.memory_space<vmem>>, %arg2: memref<1x32x1xf32, #tpu.memory_space<vmem>>, %arg3: memref<1x32x1xf32, #tpu.memory_space<vmem>>, %arg4: memref<1x32x1xf32, #tpu.memory_space<vmem>>, %arg5: memref<1x32x8192xf32, #tpu.memory_space<vmem>>, %arg6: memref<1x32x64xi32, #tpu.memory_space<vmem>>, %arg7: memref<1x32x1xi32, #tpu.memory_space<vmem>>) attributes {dimension_semantics = [#tpu.dimension_semantics<arbitrary>], iteration_bounds = array<i64: 32>, scalar_prefetch = 0 : i64, scratch_operands = 0 : i64, tpu.core_type = #tpu.core_type<tc>, window_params = [{transform_indices = @transform_0, window_bounds = array<i64: 1, 8, 8192>}, {transform_indices = @transform_1, window_bounds = array<i64: 1, 32, 1>}, {transform_indices = @transform_2, window_bounds = array<i64: 1, 32, 1>}, {transform_indices = @transform_3, window_bounds = array<i64: 1, 32, 1>}, {transform_indices = @transform_4, window_bounds = array<i64: 1, 32, 8192>}, {transform_indices = @transform_5, window_bounds = array<i64: 1, 32, 64>}, {transform_indices = @transform_6, window_bounds = array<i64: 1, 32, 1>}]} {
    %get3A = arith.constant 0 : index
    %get3A_0 = arith.constant 0 : index
    %get3A_1 = arith.constant 0 : index
    %get3A_2 = vector.load %arg1[%get3A, %get3A_0, %get3A_1] : memref<1x8x8192xf32, #tpu.memory_space<vmem>>, vector<1x8x8192xf32>
    %get3A_3 = vector.shape_cast %get3A_2 : vector<1x8x8192xf32> to vector<8x8192xf32>
    %slice3A = vector.extract_strided_slice %get3A_3 {offsets = [0, 0], sizes = [1, 8192], strides = [1, 1]} : vector<8x8192xf32> to vector<1x8192xf32>
    %slice3A_4 = vector.extract_strided_slice %get3A_3 {offsets = [1, 0], sizes = [1, 8192], strides = [1, 1]} : vector<8x8192xf32> to vector<1x8192xf32>
    %slice3A_5 = vector.extract_strided_slice %get3A_3 {offsets = [2, 0], sizes = [1, 8192], strides = [1, 1]} : vector<8x8192xf32> to vector<1x8192xf32>
    %get3A_6 = arith.constant 0 : index
    %get3A_7 = arith.constant 0 : index
    %get3A_8 = arith.constant 0 : index
    %get3A_9 = vector.load %arg2[%get3A_6, %get3A_7, %get3A_8] : memref<1x32x1xf32, #tpu.memory_space<vmem>>, vector<1x32x1xf32>
    %get3A_10 = vector.shape_cast %get3A_9 : vector<1x32x1xf32> to vector<32x1xf32>
    %get3A_11 = arith.constant 0 : index
    %get3A_12 = arith.constant 0 : index
    %get3A_13 = arith.constant 0 : index
    %get3A_14 = vector.load %arg3[%get3A_11, %get3A_12, %get3A_13] : memref<1x32x1xf32, #tpu.memory_space<vmem>>, vector<1x32x1xf32>
    %get3A_15 = vector.shape_cast %get3A_14 : vector<1x32x1xf32> to vector<32x1xf32>
    %get3A_16 = arith.constant 0 : index
    %get3A_17 = arith.constant 0 : index
    %get3A_18 = arith.constant 0 : index
    %get3A_19 = vector.load %arg4[%get3A_16, %get3A_17, %get3A_18] : memref<1x32x1xf32, #tpu.memory_space<vmem>>, vector<1x32x1xf32>
    %get3A_20 = vector.shape_cast %get3A_19 : vector<1x32x1xf32> to vector<32x1xf32>
    %sub3A = vector.broadcast %get3A_10 : vector<32x1xf32> to vector<32x8192xf32>
    %sub3A_21 = vector.broadcast %slice3A : vector<1x8192xf32> to vector<32x8192xf32>
    %sub3A_22 = arith.subf %sub3A, %sub3A_21 : vector<32x8192xf32>
    %sub3A_23 = vector.broadcast %get3A_15 : vector<32x1xf32> to vector<32x8192xf32>
    %sub3A_24 = vector.broadcast %slice3A_4 : vector<1x8192xf32> to vector<32x8192xf32>
    %sub3A_25 = arith.subf %sub3A_23, %sub3A_24 : vector<32x8192xf32>
    %sub3A_26 = vector.broadcast %get3A_20 : vector<32x1xf32> to vector<32x8192xf32>
    %sub3A_27 = vector.broadcast %slice3A_5 : vector<1x8192xf32> to vector<32x8192xf32>
    %sub3A_28 = arith.subf %sub3A_26, %sub3A_27 : vector<32x8192xf32>
    %mul3A = arith.mulf %sub3A_22, %sub3A_22 : vector<32x8192xf32>
    %mul3A_29 = arith.mulf %sub3A_25, %sub3A_25 : vector<32x8192xf32>
    %add3A = arith.addf %mul3A, %mul3A_29 : vector<32x8192xf32>
    %mul3A_30 = arith.mulf %sub3A_28, %sub3A_28 : vector<32x8192xf32>
    %add3A_31 = arith.addf %add3A, %mul3A_30 : vector<32x8192xf32>
    %le3A = arith.constant 4.000000e-04 : f32
    %le3A_32 = vector.broadcast %le3A : f32 to vector<32x8192xf32>
    %le3A_33 = arith.cmpf ole, %add3A_31, %le3A_32 : vector<32x8192xf32>
    %jit3A = arith.constant 1.000000e+00 : f32
    %jit3A_34 = arith.constant 0.000000e+00 : f32
    %broadcast_in_dim3A = vector.broadcast %jit3A : f32 to vector<32x8192xf32>
    %broadcast_in_dim3A_35 = vector.broadcast %jit3A_34 : f32 to vector<32x8192xf32>
    %select_n3A = arith.select %le3A_33, %broadcast_in_dim3A, %broadcast_in_dim3A_35 : vector<32x8192xi1>, vector<32x8192xf32>
    %iota3A = tpu.iota {dimensions = array<i32: 1>} : vector<32x8192xi32>
    %reduce_min3A = arith.constant dense<0x7F800000> : vector<32xf32>
    %reduce_min3A_36 = vector.multi_reduction <minimumf>, %add3A_31, %reduce_min3A [1] : vector<32x8192xf32> to vector<32xf32>
    %broadcast_in_dim3A_37 = vector.shape_cast %reduce_min3A_36 : vector<32xf32> to vector<32x1xf32>
    %eq3A = vector.broadcast %broadcast_in_dim3A_37 : vector<32x1xf32> to vector<32x8192xf32>
    %eq3A_38 = arith.cmpf oeq, %add3A_31, %eq3A : vector<32x8192xf32>
    %jit3A_39 = arith.constant 8192 : i32
    %broadcast_in_dim3A_40 = vector.broadcast %jit3A_39 : i32 to vector<32x8192xi32>
    %select_n3A_41 = arith.select %eq3A_38, %iota3A, %broadcast_in_dim3A_40 : vector<32x8192xi1>, vector<32x8192xi32>
    %reduce_min3A_42 = arith.constant dense<2147483647> : vector<32xi32>
    %reduce_min3A_43 = vector.multi_reduction <minsi>, %select_n3A_41, %reduce_min3A_42 [1] : vector<32x8192xi32> to vector<32xi32>
    %broadcast_in_dim3A_44 = vector.shape_cast %reduce_min3A_43 : vector<32xi32> to vector<32x1xi32>
    %swap3A = arith.constant 0 : index
    %swap3A_45 = arith.constant 0 : index
    %swap3A_46 = arith.constant 0 : index
    %swap3A_47 = vector.load %arg5[%swap3A, %swap3A_45, %swap3A_46] : memref<1x32x8192xf32, #tpu.memory_space<vmem>>, vector<1x32x8192xf32>
    %swap3A_48 = vector.shape_cast %swap3A_47 : vector<1x32x8192xf32> to vector<32x8192xf32>
    %swap3A_49 = vector.shape_cast %select_n3A : vector<32x8192xf32> to vector<1x32x8192xf32>
    tpu.vector_store %arg5[%swap3A, %swap3A_45, %swap3A_46], %swap3A_49 {strides = array<i32>} : memref<1x32x8192xf32, #tpu.memory_space<vmem>>, vector<1x32x8192xf32>,
    %reshape3A = vector.shape_cast %select_n3A : vector<32x8192xf32> to vector<32x64x128xf32>
    %reduce_sum3A = arith.constant dense<0.000000e+00> : vector<32x64xf32>
    %reduce_sum3A_50 = vector.multi_reduction <add>, %reshape3A, %reduce_sum3A [2] : vector<32x64x128xf32> to vector<32x64xf32>
    %convert_element_type3A = arith.fptosi %reduce_sum3A_50 : vector<32x64xf32> to vector<32x64xi32>
    %swap3A_51 = arith.constant 0 : index
    %swap3A_52 = arith.constant 0 : index
    %swap3A_53 = arith.constant 0 : index
    %swap3A_54 = vector.load %arg6[%swap3A_51, %swap3A_52, %swap3A_53] : memref<1x32x64xi32, #tpu.memory_space<vmem>>, vector<1x32x64xi32>
    %swap3A_55 = vector.shape_cast %swap3A_54 : vector<1x32x64xi32> to vector<32x64xi32>
    %swap3A_56 = vector.shape_cast %convert_element_type3A : vector<32x64xi32> to vector<1x32x64xi32>
    tpu.vector_store %arg6[%swap3A_51, %swap3A_52, %swap3A_53], %swap3A_56 {strides = array<i32>} : memref<1x32x64xi32, #tpu.memory_space<vmem>>, vector<1x32x64xi32>,
    %swap3A_57 = arith.constant 0 : index
    %swap3A_58 = arith.constant 0 : index
    %swap3A_59 = arith.constant 0 : index
    %swap3A_60 = vector.load %arg7[%swap3A_57, %swap3A_58, %swap3A_59] : memref<1x32x1xi32, #tpu.memory_space<vmem>>, vector<1x32x1xi32>
    %swap3A_61 = vector.shape_cast %swap3A_60 : vector<1x32x1xi32> to vector<32x1xi32>
    %swap3A_62 = vector.shape_cast %broadcast_in_dim3A_44 : vector<32x1xi32> to vector<1x32x1xi32>
    tpu.vector_store %arg7[%swap3A_57, %swap3A_58, %swap3A_59], %swap3A_62 {strides = array<i32>} : memref<1x32x1xi32, #tpu.memory_space<vmem>>, vector<1x32x1xi32>,
    return
  }
  func.func @transform_0(%arg0: i32) -> (i32, i32, i32) {
    %c0_i32 = arith.constant 0 : i32
    %c0_i32_0 = arith.constant 0 : i32
    %c0_i32_1 = arith.constant 0 : i32
    return %arg0, %c0_i32, %c0_i32_0 : i32, i32, i32
  }
  func.func @transform_1(%arg0: i32) -> (i32, i32, i32) {
    %c0_i32 = arith.constant 0 : i32
    %c0_i32_0 = arith.constant 0 : i32
    %c0_i32_1 = arith.constant 0 : i32
    return %arg0, %c0_i32, %c0_i32_0 : i32, i32, i32
  }
  func.func @transform_2(%arg0: i32) -> (i32, i32, i32) {
    %c0_i32 = arith.constant 0 : i32
    %c0_i32_0 = arith.constant 0 : i32
    %c0_i32_1 = arith.constant 0 : i32
    return %arg0, %c0_i32, %c0_i32_0 : i32, i32, i32
  }
  func.func @transform_3(%arg0: i32) -> (i32, i32, i32) {
    %c0_i32 = arith.constant 0 : i32
    %c0_i32_0 = arith.constant 0 : i32
    %c0_i32_1 = arith.constant 0 : i32
    return %arg0, %c0_i32, %c0_i32_0 : i32, i32, i32
  }
  func.func @transform_4(%arg0: i32) -> (i32, i32, i32) {
    %c0_i32 = arith.constant 0 : i32
    %c0_i32_0 = arith.constant 0 : i32
    %c0_i32_1 = arith.constant 0 : i32
    return %arg0, %c0_i32, %c0_i32_0 : i32, i32, i32
  }
  func.func @transform_5(%arg0: i32) -> (i32, i32, i32) {
    %c0_i32 = arith.constant 0 : i32
    %c0_i32_0 = arith.constant 0 : i32
    %c0_i32_1 = arith.constant 0 : i32
    return %arg0, %c0_i32, %c0_i32_0 : i32, i32, i32
  }
  func.func @transform_6(%arg0: i32) -> (i32, i32, i32) {
    %c0_i32 = arith.constant 0 : i32
    %c0_i32_0 = arith.constant 0 : i32
    %c0_i32_1 = arith.constant 0 : i32
    return %arg0, %c0_i32, %c0_i32_0 : i32, i32, i32
  }
}

module attributes {stable_mosaic.version = 14 : i64} {
  func.func @_mlp1_kernel(%arg0: i32, %arg1: memref<1x8x2048xf32, #tpu.memory_space<vmem>>, %arg2: memref<64x8xf32, #tpu.memory_space<vmem>>, %arg3: memref<64x1xf32, #tpu.memory_space<vmem>>, %arg4: memref<64x1xf32, #tpu.memory_space<vmem>>, %arg5: memref<64x1xf32, #tpu.memory_space<vmem>>, %arg6: memref<64x64xf32, #tpu.memory_space<vmem>>, %arg7: memref<64x1xf32, #tpu.memory_space<vmem>>, %arg8: memref<64x1xf32, #tpu.memory_space<vmem>>, %arg9: memref<64x1xf32, #tpu.memory_space<vmem>>, %arg10: memref<128x64xf32, #tpu.memory_space<vmem>>, %arg11: memref<128x1xf32, #tpu.memory_space<vmem>>, %arg12: memref<128x1xf32, #tpu.memory_space<vmem>>, %arg13: memref<128x1xf32, #tpu.memory_space<vmem>>, %arg14: memref<1x128x32xf32, #tpu.memory_space<vmem>>) attributes {dimension_semantics = [#tpu.dimension_semantics<arbitrary>], iteration_bounds = array<i64: 32>, scalar_prefetch = 0 : i64, scratch_operands = 0 : i64, tpu.core_type = #tpu.core_type<tc>, window_params = [{transform_indices = @transform_0, window_bounds = array<i64: 1, 8, 2048>}, {pipeline_mode = #tpu.pipeline_mode<synchronous>, transform_indices = @transform_1, window_bounds = array<i64: 64, 8>}, {pipeline_mode = #tpu.pipeline_mode<synchronous>, transform_indices = @transform_2, window_bounds = array<i64: 64, 1>}, {pipeline_mode = #tpu.pipeline_mode<synchronous>, transform_indices = @transform_3, window_bounds = array<i64: 64, 1>}, {pipeline_mode = #tpu.pipeline_mode<synchronous>, transform_indices = @transform_4, window_bounds = array<i64: 64, 1>}, {pipeline_mode = #tpu.pipeline_mode<synchronous>, transform_indices = @transform_5, window_bounds = array<i64: 64, 64>}, {pipeline_mode = #tpu.pipeline_mode<synchronous>, transform_indices = @transform_6, window_bounds = array<i64: 64, 1>}, {pipeline_mode = #tpu.pipeline_mode<synchronous>, transform_indices = @transform_7, window_bounds = array<i64: 64, 1>}, {pipeline_mode = #tpu.pipeline_mode<synchronous>, transform_indices = @transform_8, window_bounds = array<i64: 64, 1>}, {pipeline_mode = #tpu.pipeline_mode<synchronous>, transform_indices = @transform_9, window_bounds = array<i64: 128, 64>}, {pipeline_mode = #tpu.pipeline_mode<synchronous>, transform_indices = @transform_10, window_bounds = array<i64: 128, 1>}, {pipeline_mode = #tpu.pipeline_mode<synchronous>, transform_indices = @transform_11, window_bounds = array<i64: 128, 1>}, {pipeline_mode = #tpu.pipeline_mode<synchronous>, transform_indices = @transform_12, window_bounds = array<i64: 128, 1>}, {transform_indices = @transform_13, window_bounds = array<i64: 1, 128, 32>}]} {
    %get3A = arith.constant 0 : index
    %get3A_0 = arith.constant 0 : index
    %get3A_1 = arith.constant 0 : index
    %get3A_2 = vector.load %arg1[%get3A, %get3A_0, %get3A_1] : memref<1x8x2048xf32, #tpu.memory_space<vmem>>, vector<1x8x2048xf32>
    %get3A_3 = vector.shape_cast %get3A_2 : vector<1x8x2048xf32> to vector<8x2048xf32>
    %get3A_4 = arith.constant 0 : index
    %get3A_5 = arith.constant 0 : index
    %get3A_6 = vector.load %arg2[%get3A_4, %get3A_5] : memref<64x8xf32, #tpu.memory_space<vmem>>, vector<64x8xf32>
    %dot_general3A = arith.constant dense<0.000000e+00> : vector<64x2048xf32>
    %dot_general3A_7 = tpu.matmul %get3A_6, %get3A_3, %dot_general3A {dimension_numbers = #tpu.dot_dimension_numbers<[1], [0], [0], [1], [0, 0, 1, 1], [], []>, transpose_lhs_hint = false} : vector<64x8xf32>, vector<8x2048xf32>, vector<64x2048xf32> -> vector<64x2048xf32>
    %get3A_8 = arith.constant 0 : index
    %get3A_9 = arith.constant 0 : index
    %get3A_10 = vector.load %arg3[%get3A_8, %get3A_9] : memref<64x1xf32, #tpu.memory_space<vmem>>, vector<64x1xf32>
    %add3A = vector.broadcast %get3A_10 : vector<64x1xf32> to vector<64x2048xf32>
    %add3A_11 = arith.addf %dot_general3A_7, %add3A : vector<64x2048xf32>
    %get3A_12 = arith.constant 0 : index
    %get3A_13 = arith.constant 0 : index
    %get3A_14 = vector.load %arg4[%get3A_12, %get3A_13] : memref<64x1xf32, #tpu.memory_space<vmem>>, vector<64x1xf32>
    %mul3A = vector.broadcast %get3A_14 : vector<64x1xf32> to vector<64x2048xf32>
    %mul3A_15 = arith.mulf %mul3A, %add3A_11 : vector<64x2048xf32>
    %get3A_16 = arith.constant 0 : index
    %get3A_17 = arith.constant 0 : index
    %get3A_18 = vector.load %arg5[%get3A_16, %get3A_17] : memref<64x1xf32, #tpu.memory_space<vmem>>, vector<64x1xf32>
    %add3A_19 = vector.broadcast %get3A_18 : vector<64x1xf32> to vector<64x2048xf32>
    %add3A_20 = arith.addf %mul3A_15, %add3A_19 : vector<64x2048xf32>
    %max3A = arith.constant 0.000000e+00 : f32
    %max3A_21 = vector.broadcast %max3A : f32 to vector<64x2048xf32>
    %max3A_22 = arith.maximumf %add3A_20, %max3A_21 : vector<64x2048xf32>
    %get3A_23 = arith.constant 0 : index
    %get3A_24 = arith.constant 0 : index
    %get3A_25 = vector.load %arg6[%get3A_23, %get3A_24] : memref<64x64xf32, #tpu.memory_space<vmem>>, vector<64x64xf32>
    %dot_general3A_26 = arith.constant dense<0.000000e+00> : vector<64x2048xf32>
    %dot_general3A_27 = tpu.matmul %get3A_25, %max3A_22, %dot_general3A_26 {dimension_numbers = #tpu.dot_dimension_numbers<[1], [0], [0], [1], [0, 0, 1, 1], [], []>, transpose_lhs_hint = false} : vector<64x64xf32>, vector<64x2048xf32>, vector<64x2048xf32> -> vector<64x2048xf32>
    %get3A_28 = arith.constant 0 : index
    %get3A_29 = arith.constant 0 : index
    %get3A_30 = vector.load %arg7[%get3A_28, %get3A_29] : memref<64x1xf32, #tpu.memory_space<vmem>>, vector<64x1xf32>
    %add3A_31 = vector.broadcast %get3A_30 : vector<64x1xf32> to vector<64x2048xf32>
    %add3A_32 = arith.addf %dot_general3A_27, %add3A_31 : vector<64x2048xf32>
    %get3A_33 = arith.constant 0 : index
    %get3A_34 = arith.constant 0 : index
    %get3A_35 = vector.load %arg8[%get3A_33, %get3A_34] : memref<64x1xf32, #tpu.memory_space<vmem>>, vector<64x1xf32>
    %mul3A_36 = vector.broadcast %get3A_35 : vector<64x1xf32> to vector<64x2048xf32>
    %mul3A_37 = arith.mulf %mul3A_36, %add3A_32 : vector<64x2048xf32>
    %get3A_38 = arith.constant 0 : index
    %get3A_39 = arith.constant 0 : index
    %get3A_40 = vector.load %arg9[%get3A_38, %get3A_39] : memref<64x1xf32, #tpu.memory_space<vmem>>, vector<64x1xf32>
    %add3A_41 = vector.broadcast %get3A_40 : vector<64x1xf32> to vector<64x2048xf32>
    %add3A_42 = arith.addf %mul3A_37, %add3A_41 : vector<64x2048xf32>
    %max3A_43 = arith.constant 0.000000e+00 : f32
    %max3A_44 = vector.broadcast %max3A_43 : f32 to vector<64x2048xf32>
    %max3A_45 = arith.maximumf %add3A_42, %max3A_44 : vector<64x2048xf32>
    %get3A_46 = arith.constant 0 : index
    %get3A_47 = arith.constant 0 : index
    %get3A_48 = vector.load %arg10[%get3A_46, %get3A_47] : memref<128x64xf32, #tpu.memory_space<vmem>>, vector<128x64xf32>
    %dot_general3A_49 = arith.constant dense<0.000000e+00> : vector<128x2048xf32>
    %dot_general3A_50 = tpu.matmul %get3A_48, %max3A_45, %dot_general3A_49 {dimension_numbers = #tpu.dot_dimension_numbers<[1], [0], [0], [1], [0, 0, 1, 1], [], []>, transpose_lhs_hint = false} : vector<128x64xf32>, vector<64x2048xf32>, vector<128x2048xf32> -> vector<128x2048xf32>
    %get3A_51 = arith.constant 0 : index
    %get3A_52 = arith.constant 0 : index
    %get3A_53 = vector.load %arg11[%get3A_51, %get3A_52] : memref<128x1xf32, #tpu.memory_space<vmem>>, vector<128x1xf32>
    %add3A_54 = vector.broadcast %get3A_53 : vector<128x1xf32> to vector<128x2048xf32>
    %add3A_55 = arith.addf %dot_general3A_50, %add3A_54 : vector<128x2048xf32>
    %get3A_56 = arith.constant 0 : index
    %get3A_57 = arith.constant 0 : index
    %get3A_58 = vector.load %arg12[%get3A_56, %get3A_57] : memref<128x1xf32, #tpu.memory_space<vmem>>, vector<128x1xf32>
    %mul3A_59 = vector.broadcast %get3A_58 : vector<128x1xf32> to vector<128x2048xf32>
    %mul3A_60 = arith.mulf %mul3A_59, %add3A_55 : vector<128x2048xf32>
    %get3A_61 = arith.constant 0 : index
    %get3A_62 = arith.constant 0 : index
    %get3A_63 = vector.load %arg13[%get3A_61, %get3A_62] : memref<128x1xf32, #tpu.memory_space<vmem>>, vector<128x1xf32>
    %add3A_64 = vector.broadcast %get3A_63 : vector<128x1xf32> to vector<128x2048xf32>
    %add3A_65 = arith.addf %mul3A_60, %add3A_64 : vector<128x2048xf32>
    %max3A_66 = arith.constant 0.000000e+00 : f32
    %max3A_67 = vector.broadcast %max3A_66 : f32 to vector<128x2048xf32>
    %max3A_68 = arith.maximumf %add3A_65, %max3A_67 : vector<128x2048xf32>
    %reshape3A = vector.shape_cast %max3A_68 : vector<128x2048xf32> to vector<128x32x64xf32>
    %reduce_max3A = arith.constant dense<0xFF800000> : vector<128x32xf32>
    %reduce_max3A_69 = vector.multi_reduction <maximumf>, %reshape3A, %reduce_max3A [2] : vector<128x32x64xf32> to vector<128x32xf32>
    %swap3A = arith.constant 0 : index
    %swap3A_70 = arith.constant 0 : index
    %swap3A_71 = arith.constant 0 : index
    %swap3A_72 = vector.load %arg14[%swap3A, %swap3A_70, %swap3A_71] : memref<1x128x32xf32, #tpu.memory_space<vmem>>, vector<1x128x32xf32>
    %swap3A_73 = vector.shape_cast %swap3A_72 : vector<1x128x32xf32> to vector<128x32xf32>
    %swap3A_74 = vector.shape_cast %reduce_max3A_69 : vector<128x32xf32> to vector<1x128x32xf32>
    tpu.vector_store %arg14[%swap3A, %swap3A_70, %swap3A_71], %swap3A_74 {strides = array<i32>} : memref<1x128x32xf32, #tpu.memory_space<vmem>>, vector<1x128x32xf32>,
    return
  }
  func.func @transform_0(%arg0: i32) -> (i32, i32, i32) {
    %c0_i32 = arith.constant 0 : i32
    %c0_i32_0 = arith.constant 0 : i32
    %c0_i32_1 = arith.constant 0 : i32
    return %arg0, %c0_i32, %c0_i32_0 : i32, i32, i32
  }
  func.func @transform_1(%arg0: i32) -> (i32, i32) {
    %c0_i32 = arith.constant 0 : i32
    %c0_i32_0 = arith.constant 0 : i32
    %c0_i32_1 = arith.constant 0 : i32
    return %c0_i32, %c0_i32_0 : i32, i32
  }
  func.func @transform_2(%arg0: i32) -> (i32, i32) {
    %c0_i32 = arith.constant 0 : i32
    %c0_i32_0 = arith.constant 0 : i32
    %c0_i32_1 = arith.constant 0 : i32
    return %c0_i32, %c0_i32_0 : i32, i32
  }
  func.func @transform_3(%arg0: i32) -> (i32, i32) {
    %c0_i32 = arith.constant 0 : i32
    %c0_i32_0 = arith.constant 0 : i32
    %c0_i32_1 = arith.constant 0 : i32
    return %c0_i32, %c0_i32_0 : i32, i32
  }
  func.func @transform_4(%arg0: i32) -> (i32, i32) {
    %c0_i32 = arith.constant 0 : i32
    %c0_i32_0 = arith.constant 0 : i32
    %c0_i32_1 = arith.constant 0 : i32
    return %c0_i32, %c0_i32_0 : i32, i32
  }
  func.func @transform_5(%arg0: i32) -> (i32, i32) {
    %c0_i32 = arith.constant 0 : i32
    %c0_i32_0 = arith.constant 0 : i32
    %c0_i32_1 = arith.constant 0 : i32
    return %c0_i32, %c0_i32_0 : i32, i32
  }
  func.func @transform_6(%arg0: i32) -> (i32, i32) {
    %c0_i32 = arith.constant 0 : i32
    %c0_i32_0 = arith.constant 0 : i32
    %c0_i32_1 = arith.constant 0 : i32
    return %c0_i32, %c0_i32_0 : i32, i32
  }
  func.func @transform_7(%arg0: i32) -> (i32, i32) {
    %c0_i32 = arith.constant 0 : i32
    %c0_i32_0 = arith.constant 0 : i32
    %c0_i32_1 = arith.constant 0 : i32
    return %c0_i32, %c0_i32_0 : i32, i32
  }
  func.func @transform_8(%arg0: i32) -> (i32, i32) {
    %c0_i32 = arith.constant 0 : i32
    %c0_i32_0 = arith.constant 0 : i32
    %c0_i32_1 = arith.constant 0 : i32
    return %c0_i32, %c0_i32_0 : i32, i32
  }
  func.func @transform_9(%arg0: i32) -> (i32, i32) {
    %c0_i32 = arith.constant 0 : i32
    %c0_i32_0 = arith.constant 0 : i32
    %c0_i32_1 = arith.constant 0 : i32
    return %c0_i32, %c0_i32_0 : i32, i32
  }
  func.func @transform_10(%arg0: i32) -> (i32, i32) {
    %c0_i32 = arith.constant 0 : i32
    %c0_i32_0 = arith.constant 0 : i32
    %c0_i32_1 = arith.constant 0 : i32
    return %c0_i32, %c0_i32_0 : i32, i32
  }
  func.func @transform_11(%arg0: i32) -> (i32, i32) {
    %c0_i32 = arith.constant 0 : i32
    %c0_i32_0 = arith.constant 0 : i32
    %c0_i32_1 = arith.constant 0 : i32
    return %c0_i32, %c0_i32_0 : i32, i32
  }
  func.func @transform_12(%arg0: i32) -> (i32, i32) {
    %c0_i32 = arith.constant 0 : i32
    %c0_i32_0 = arith.constant 0 : i32
    %c0_i32_1 = arith.constant 0 : i32
    return %c0_i32, %c0_i32_0 : i32, i32
  }
  func.func @transform_13(%arg0: i32) -> (i32, i32, i32) {
    %c0_i32 = arith.constant 0 : i32
    %c0_i32_0 = arith.constant 0 : i32
    %c0_i32_1 = arith.constant 0 : i32
    return %arg0, %c0_i32, %c0_i32_0 : i32, i32, i32
  }
}

module attributes {stable_mosaic.version = 14 : i64} {
  func.func @_tail_kernel(%arg0: memref<32x32xf32, #tpu.memory_space<vmem>>, %arg1: memref<32x32xf32, #tpu.memory_space<vmem>>, %arg2: memref<32x32xf32, #tpu.memory_space<vmem>>, %arg3: memref<32x32x1xf32, #tpu.memory_space<vmem>>, %arg4: memref<32x32x1xf32, #tpu.memory_space<vmem>>, %arg5: memref<32x32x1xf32, #tpu.memory_space<vmem>>, %arg6: memref<32x32x128xf32, #tpu.memory_space<vmem>>, %arg7: memref<128x128xf32, #tpu.memory_space<vmem>>, %arg8: memref<1x128xf32, #tpu.memory_space<vmem>>, %arg9: memref<1x128xf32, #tpu.memory_space<vmem>>, %arg10: memref<1x128xf32, #tpu.memory_space<vmem>>, %arg11: memref<128x128xf32, #tpu.memory_space<vmem>>, %arg12: memref<1x128xf32, #tpu.memory_space<vmem>>, %arg13: memref<1x128xf32, #tpu.memory_space<vmem>>, %arg14: memref<1x128xf32, #tpu.memory_space<vmem>>, %arg15: memref<128x256xf32, #tpu.memory_space<vmem>>, %arg16: memref<1x256xf32, #tpu.memory_space<vmem>>, %arg17: memref<1x256xf32, #tpu.memory_space<vmem>>, %arg18: memref<1x256xf32, #tpu.memory_space<vmem>>, %arg19: memref<256x256xf32, #tpu.memory_space<vmem>>, %arg20: memref<1x256xf32, #tpu.memory_space<vmem>>, %arg21: memref<1x256xf32, #tpu.memory_space<vmem>>, %arg22: memref<1x256xf32, #tpu.memory_space<vmem>>, %arg23: memref<256x256xf32, #tpu.memory_space<vmem>>, %arg24: memref<1x256xf32, #tpu.memory_space<vmem>>, %arg25: memref<1x256xf32, #tpu.memory_space<vmem>>, %arg26: memref<1x256xf32, #tpu.memory_space<vmem>>, %arg27: memref<256x512xf32, #tpu.memory_space<vmem>>, %arg28: memref<1x512xf32, #tpu.memory_space<vmem>>, %arg29: memref<1x512xf32, #tpu.memory_space<vmem>>, %arg30: memref<1x512xf32, #tpu.memory_space<vmem>>, %arg31: memref<512x1024xf32, #tpu.memory_space<vmem>>, %arg32: memref<1x1024xf32, #tpu.memory_space<vmem>>, %arg33: memref<1x1024xf32, #tpu.memory_space<vmem>>, %arg34: memref<1x1024xf32, #tpu.memory_space<vmem>>, %arg35: memref<1024x512xf32, #tpu.memory_space<vmem>>, %arg36: memref<1x512xf32, #tpu.memory_space<vmem>>, %arg37: memref<1x512xf32, #tpu.memory_space<vmem>>, %arg38: memref<1x512xf32, #tpu.memory_space<vmem>>, %arg39: memref<32x512xf32, #tpu.memory_space<vmem>>) attributes {dimension_semantics = [], scalar_prefetch = 0 : i64, scratch_operands = 0 : i64, tpu.core_type = #tpu.core_type<tc>} {
    %get3A = arith.constant 0 : index
    %get3A_0 = arith.constant 0 : index
    %get3A_1 = vector.load %arg7[%get3A, %get3A_0] : memref<128x128xf32, #tpu.memory_space<vmem>>, vector<128x128xf32>
    %get3A_2 = arith.constant 0 : index
    %get3A_3 = arith.constant 0 : index
    %get3A_4 = vector.load %arg8[%get3A_2, %get3A_3] : memref<1x128xf32, #tpu.memory_space<vmem>>, vector<1x128xf32>
    %get3A_5 = arith.constant 0 : index
    %get3A_6 = arith.constant 0 : index
    %get3A_7 = vector.load %arg9[%get3A_5, %get3A_6] : memref<1x128xf32, #tpu.memory_space<vmem>>, vector<1x128xf32>
    %get3A_8 = arith.constant 0 : index
    %get3A_9 = arith.constant 0 : index
    %get3A_10 = vector.load %arg10[%get3A_8, %get3A_9] : memref<1x128xf32, #tpu.memory_space<vmem>>, vector<1x128xf32>
    %get3A_11 = arith.constant 0 : index
    %get3A_12 = arith.constant 0 : index
    %get3A_13 = vector.load %arg11[%get3A_11, %get3A_12] : memref<128x128xf32, #tpu.memory_space<vmem>>, vector<128x128xf32>
    %get3A_14 = arith.constant 0 : index
    %get3A_15 = arith.constant 0 : index
    %get3A_16 = vector.load %arg12[%get3A_14, %get3A_15] : memref<1x128xf32, #tpu.memory_space<vmem>>, vector<1x128xf32>
    %get3A_17 = arith.constant 0 : index
    %get3A_18 = arith.constant 0 : index
    %get3A_19 = vector.load %arg13[%get3A_17, %get3A_18] : memref<1x128xf32, #tpu.memory_space<vmem>>, vector<1x128xf32>
    %get3A_20 = arith.constant 0 : index
    %get3A_21 = arith.constant 0 : index
    %get3A_22 = vector.load %arg14[%get3A_20, %get3A_21] : memref<1x128xf32, #tpu.memory_space<vmem>>, vector<1x128xf32>
    %get3A_23 = arith.constant 0 : index
    %get3A_24 = arith.constant 0 : index
    %get3A_25 = vector.load %arg15[%get3A_23, %get3A_24] : memref<128x256xf32, #tpu.memory_space<vmem>>, vector<128x256xf32>
    %get3A_26 = arith.constant 0 : index
    %get3A_27 = arith.constant 0 : index
    %get3A_28 = vector.load %arg16[%get3A_26, %get3A_27] : memref<1x256xf32, #tpu.memory_space<vmem>>, vector<1x256xf32>
    %get3A_29 = arith.constant 0 : index
    %get3A_30 = arith.constant 0 : index
    %get3A_31 = vector.load %arg17[%get3A_29, %get3A_30] : memref<1x256xf32, #tpu.memory_space<vmem>>, vector<1x256xf32>
    %get3A_32 = arith.constant 0 : index
    %get3A_33 = arith.constant 0 : index
    %get3A_34 = vector.load %arg18[%get3A_32, %get3A_33] : memref<1x256xf32, #tpu.memory_space<vmem>>, vector<1x256xf32>
    %get3A_35 = arith.constant 0 : index
    %get3A_36 = arith.constant 0 : index
    %get3A_37 = vector.load %arg19[%get3A_35, %get3A_36] : memref<256x256xf32, #tpu.memory_space<vmem>>, vector<256x256xf32>
    %get3A_38 = arith.constant 0 : index
    %get3A_39 = arith.constant 0 : index
    %get3A_40 = vector.load %arg20[%get3A_38, %get3A_39] : memref<1x256xf32, #tpu.memory_space<vmem>>, vector<1x256xf32>
    %get3A_41 = arith.constant 0 : index
    %get3A_42 = arith.constant 0 : index
    %get3A_43 = vector.load %arg21[%get3A_41, %get3A_42] : memref<1x256xf32, #tpu.memory_space<vmem>>, vector<1x256xf32>
    %get3A_44 = arith.constant 0 : index
    %get3A_45 = arith.constant 0 : index
    %get3A_46 = vector.load %arg22[%get3A_44, %get3A_45] : memref<1x256xf32, #tpu.memory_space<vmem>>, vector<1x256xf32>
    %get3A_47 = arith.constant 0 : index
    %get3A_48 = arith.constant 0 : index
    %get3A_49 = vector.load %arg23[%get3A_47, %get3A_48] : memref<256x256xf32, #tpu.memory_space<vmem>>, vector<256x256xf32>
    %get3A_50 = arith.constant 0 : index
    %get3A_51 = arith.constant 0 : index
    %get3A_52 = vector.load %arg24[%get3A_50, %get3A_51] : memref<1x256xf32, #tpu.memory_space<vmem>>, vector<1x256xf32>
    %get3A_53 = arith.constant 0 : index
    %get3A_54 = arith.constant 0 : index
    %get3A_55 = vector.load %arg25[%get3A_53, %get3A_54] : memref<1x256xf32, #tpu.memory_space<vmem>>, vector<1x256xf32>
    %get3A_56 = arith.constant 0 : index
    %get3A_57 = arith.constant 0 : index
    %get3A_58 = vector.load %arg26[%get3A_56, %get3A_57] : memref<1x256xf32, #tpu.memory_space<vmem>>, vector<1x256xf32>
    %get3A_59 = arith.constant 0 : index
    %get3A_60 = arith.constant 0 : index
    %get3A_61 = vector.load %arg27[%get3A_59, %get3A_60] : memref<256x512xf32, #tpu.memory_space<vmem>>, vector<256x512xf32>
    %get3A_62 = arith.constant 0 : index
    %get3A_63 = arith.constant 0 : index
    %get3A_64 = vector.load %arg28[%get3A_62, %get3A_63] : memref<1x512xf32, #tpu.memory_space<vmem>>, vector<1x512xf32>
    %get3A_65 = arith.constant 0 : index
    %get3A_66 = arith.constant 0 : index
    %get3A_67 = vector.load %arg29[%get3A_65, %get3A_66] : memref<1x512xf32, #tpu.memory_space<vmem>>, vector<1x512xf32>
    %get3A_68 = arith.constant 0 : index
    %get3A_69 = arith.constant 0 : index
    %get3A_70 = vector.load %arg30[%get3A_68, %get3A_69] : memref<1x512xf32, #tpu.memory_space<vmem>>, vector<1x512xf32>
    %get3A_71 = arith.constant 0 : index
    %get3A_72 = arith.constant 0 : index
    %get3A_73 = vector.load %arg31[%get3A_71, %get3A_72] : memref<512x1024xf32, #tpu.memory_space<vmem>>, vector<512x1024xf32>
    %get3A_74 = arith.constant 0 : index
    %get3A_75 = arith.constant 0 : index
    %get3A_76 = vector.load %arg32[%get3A_74, %get3A_75] : memref<1x1024xf32, #tpu.memory_space<vmem>>, vector<1x1024xf32>
    %get3A_77 = arith.constant 0 : index
    %get3A_78 = arith.constant 0 : index
    %get3A_79 = vector.load %arg33[%get3A_77, %get3A_78] : memref<1x1024xf32, #tpu.memory_space<vmem>>, vector<1x1024xf32>
    %get3A_80 = arith.constant 0 : index
    %get3A_81 = arith.constant 0 : index
    %get3A_82 = vector.load %arg34[%get3A_80, %get3A_81] : memref<1x1024xf32, #tpu.memory_space<vmem>>, vector<1x1024xf32>
    %get3A_83 = arith.constant 0 : index
    %get3A_84 = arith.constant 0 : index
    %get3A_85 = vector.load %arg35[%get3A_83, %get3A_84] : memref<1024x512xf32, #tpu.memory_space<vmem>>, vector<1024x512xf32>
    %get3A_86 = arith.constant 0 : index
    %get3A_87 = arith.constant 0 : index
    %get3A_88 = vector.load %arg36[%get3A_86, %get3A_87] : memref<1x512xf32, #tpu.memory_space<vmem>>, vector<1x512xf32>
    %get3A_89 = arith.constant 0 : index
    %get3A_90 = arith.constant 0 : index
    %get3A_91 = vector.load %arg37[%get3A_89, %get3A_90] : memref<1x512xf32, #tpu.memory_space<vmem>>, vector<1x512xf32>
    %get3A_92 = arith.constant 0 : index
    %get3A_93 = arith.constant 0 : index
    %get3A_94 = vector.load %arg38[%get3A_92, %get3A_93] : memref<1x512xf32, #tpu.memory_space<vmem>>, vector<1x512xf32>
    %get3A_95 = arith.constant 0 : index
    %get3A_96 = arith.constant 0 : index
    %get3A_97 = vector.load %arg0[%get3A_95, %get3A_96] : memref<32x32xf32, #tpu.memory_space<vmem>>, vector<32x32xf32>
    %get3A_98 = arith.constant 0 : index
    %get3A_99 = arith.constant 0 : index
    %get3A_100 = vector.load %arg1[%get3A_98, %get3A_99] : memref<32x32xf32, #tpu.memory_space<vmem>>, vector<32x32xf32>
    %get3A_101 = arith.constant 0 : index
    %get3A_102 = arith.constant 0 : index
    %get3A_103 = vector.load %arg2[%get3A_101, %get3A_102] : memref<32x32xf32, #tpu.memory_space<vmem>>, vector<32x32xf32>
    %iota3A = tpu.iota {dimensions = array<i32: 1>} : vector<32x32xi32>
    %broadcast_in_dim3A = arith.constant 1.000000e+10 : f32
    %broadcast_in_dim3A_104 = vector.broadcast %broadcast_in_dim3A : f32 to vector<32x32xf32>
    %broadcast_in_dim3A_105 = arith.constant 0 : i32
    %broadcast_in_dim3A_106 = vector.broadcast %broadcast_in_dim3A_105 : i32 to vector<32x1xi32>
    %broadcast_in_dim3A_107 = arith.constant 0.000000e+00 : f32
    %broadcast_in_dim3A_108 = vector.broadcast %broadcast_in_dim3A_107 : f32 to vector<32x32xf32>
    %scan3A = arith.constant 0 : i32
    %scan3A_109 = arith.constant 32 : i32
    %scan3A_110 = arith.addi %scan3A, %scan3A_109 : i32
    %scan3A_111 = arith.constant 1 : i32
    %scan3A_112:5 = scf.for %scan3A_653 = %scan3A to %scan3A_110 step %scan3A_111 iter_args(%scan3A_654 = %broadcast_in_dim3A_104, %scan3A_655 = %broadcast_in_dim3A_106, %scan3A_656 = %broadcast_in_dim3A_108, %scan3A_657 = %broadcast_in_dim3A_108, %scan3A_658 = %broadcast_in_dim3A_108) -> (vector<32x32xf32>, vector<32x1xi32>, vector<32x32xf32>, vector<32x32xf32>, vector<32x32xf32>)  : i32 {
      %eq3A_659 = vector.broadcast %scan3A_655 : vector<32x1xi32> to vector<32x32xi32>
      %eq3A_660 = arith.cmpi eq, %iota3A, %eq3A_659 : vector<32x32xi32>
      %jit3A_661 = arith.constant 0.000000e+00 : f32
      %broadcast_in_dim3A_662 = vector.broadcast %jit3A_661 : f32 to vector<32x32xf32>
      %select_n3A_663 = arith.select %eq3A_660, %get3A_97, %broadcast_in_dim3A_662 : vector<32x32xi1>, vector<32x32xf32>
      %reduce_sum3A_664 = arith.constant dense<0.000000e+00> : vector<32xf32>
      %reduce_sum3A_665 = vector.multi_reduction <add>, %select_n3A_663, %reduce_sum3A_664 [1] : vector<32x32xf32> to vector<32xf32>
      %broadcast_in_dim3A_666 = vector.shape_cast %reduce_sum3A_665 : vector<32xf32> to vector<32x1xf32>
      %jit3A_667 = arith.constant 0.000000e+00 : f32
      %broadcast_in_dim3A_668 = vector.broadcast %jit3A_667 : f32 to vector<32x32xf32>
      %select_n3A_669 = arith.select %eq3A_660, %get3A_100, %broadcast_in_dim3A_668 : vector<32x32xi1>, vector<32x32xf32>
      %reduce_sum3A_670 = arith.constant dense<0.000000e+00> : vector<32xf32>
      %reduce_sum3A_671 = vector.multi_reduction <add>, %select_n3A_669, %reduce_sum3A_670 [1] : vector<32x32xf32> to vector<32xf32>
      %broadcast_in_dim3A_672 = vector.shape_cast %reduce_sum3A_671 : vector<32xf32> to vector<32x1xf32>
      %jit3A_673 = arith.constant 0.000000e+00 : f32
      %broadcast_in_dim3A_674 = vector.broadcast %jit3A_673 : f32 to vector<32x32xf32>
      %select_n3A_675 = arith.select %eq3A_660, %get3A_103, %broadcast_in_dim3A_674 : vector<32x32xi1>, vector<32x32xf32>
      %reduce_sum3A_676 = arith.constant dense<0.000000e+00> : vector<32xf32>
      %reduce_sum3A_677 = vector.multi_reduction <add>, %select_n3A_675, %reduce_sum3A_676 [1] : vector<32x32xf32> to vector<32xf32>
      %broadcast_in_dim3A_678 = vector.shape_cast %reduce_sum3A_677 : vector<32xf32> to vector<32x1xf32>
      %eq3A_679 = vector.broadcast %scan3A_653 : i32 to vector<32x32xi32>
      %eq3A_680 = arith.cmpi eq, %iota3A, %eq3A_679 : vector<32x32xi32>
      %broadcast_in_dim3A_681 = vector.shape_cast %broadcast_in_dim3A_666 : vector<32x1xf32> to vector<32x1xf32>
      %broadcast_in_dim3A_682 = vector.broadcast %broadcast_in_dim3A_681 : vector<32x1xf32> to vector<32x32xf32>
      %select_n3A_683 = arith.select %eq3A_680, %broadcast_in_dim3A_682, %scan3A_656 : vector<32x32xi1>, vector<32x32xf32>
      %eq3A_684 = vector.broadcast %scan3A_653 : i32 to vector<32x32xi32>
      %eq3A_685 = arith.cmpi eq, %iota3A, %eq3A_684 : vector<32x32xi32>
      %broadcast_in_dim3A_686 = vector.shape_cast %broadcast_in_dim3A_672 : vector<32x1xf32> to vector<32x1xf32>
      %broadcast_in_dim3A_687 = vector.broadcast %broadcast_in_dim3A_686 : vector<32x1xf32> to vector<32x32xf32>
      %select_n3A_688 = arith.select %eq3A_685, %broadcast_in_dim3A_687, %scan3A_657 : vector<32x32xi1>, vector<32x32xf32>
      %eq3A_689 = vector.broadcast %scan3A_653 : i32 to vector<32x32xi32>
      %eq3A_690 = arith.cmpi eq, %iota3A, %eq3A_689 : vector<32x32xi32>
      %broadcast_in_dim3A_691 = vector.shape_cast %broadcast_in_dim3A_678 : vector<32x1xf32> to vector<32x1xf32>
      %broadcast_in_dim3A_692 = vector.broadcast %broadcast_in_dim3A_691 : vector<32x1xf32> to vector<32x32xf32>
      %select_n3A_693 = arith.select %eq3A_690, %broadcast_in_dim3A_692, %scan3A_658 : vector<32x32xi1>, vector<32x32xf32>
      %sub3A_694 = vector.broadcast %broadcast_in_dim3A_666 : vector<32x1xf32> to vector<32x32xf32>
      %sub3A_695 = arith.subf %get3A_97, %sub3A_694 : vector<32x32xf32>
      %sub3A_696 = vector.broadcast %broadcast_in_dim3A_672 : vector<32x1xf32> to vector<32x32xf32>
      %sub3A_697 = arith.subf %get3A_100, %sub3A_696 : vector<32x32xf32>
      %sub3A_698 = vector.broadcast %broadcast_in_dim3A_678 : vector<32x1xf32> to vector<32x32xf32>
      %sub3A_699 = arith.subf %get3A_103, %sub3A_698 : vector<32x32xf32>
      %mul3A_700 = arith.mulf %sub3A_695, %sub3A_695 : vector<32x32xf32>
      %mul3A_701 = arith.mulf %sub3A_697, %sub3A_697 : vector<32x32xf32>
      %add3A_702 = arith.addf %mul3A_700, %mul3A_701 : vector<32x32xf32>
      %mul3A_703 = arith.mulf %sub3A_699, %sub3A_699 : vector<32x32xf32>
      %add3A_704 = arith.addf %add3A_702, %mul3A_703 : vector<32x32xf32>
      %min3A = arith.minimumf %scan3A_654, %add3A_704 : vector<32x32xf32>
      %reduce_max3A_705 = arith.constant dense<0xFF800000> : vector<32xf32>
      %reduce_max3A_706 = vector.multi_reduction <maximumf>, %min3A, %reduce_max3A_705 [1] : vector<32x32xf32> to vector<32xf32>
      %broadcast_in_dim3A_707 = vector.shape_cast %reduce_max3A_706 : vector<32xf32> to vector<32x1xf32>
      %eq3A_708 = vector.broadcast %broadcast_in_dim3A_707 : vector<32x1xf32> to vector<32x32xf32>
      %eq3A_709 = arith.cmpf oeq, %min3A, %eq3A_708 : vector<32x32xf32>
      %jit3A_710 = arith.constant 32 : i32
      %broadcast_in_dim3A_711 = vector.broadcast %jit3A_710 : i32 to vector<32x32xi32>
      %select_n3A_712 = arith.select %eq3A_709, %iota3A, %broadcast_in_dim3A_711 : vector<32x32xi1>, vector<32x32xi32>
      %reduce_min3A_713 = arith.constant dense<2147483647> : vector<32xi32>
      %reduce_min3A_714 = vector.multi_reduction <minsi>, %select_n3A_712, %reduce_min3A_713 [1] : vector<32x32xi32> to vector<32xi32>
      %broadcast_in_dim3A_715 = vector.shape_cast %reduce_min3A_714 : vector<32xi32> to vector<32x1xi32>
      scf.yield %min3A, %broadcast_in_dim3A_715, %select_n3A_683, %select_n3A_688, %select_n3A_693 : vector<32x32xf32>, vector<32x1xi32>, vector<32x32xf32>, vector<32x32xf32>, vector<32x32xf32>
    }
    %scan3A_113 = arith.constant 32 : i32
    %reshape3A = vector.shape_cast %scan3A_112#2 : vector<32x32xf32> to vector<32x1x32xf32>
    %get3A_114 = arith.constant 0 : index
    %get3A_115 = arith.constant 0 : index
    %get3A_116 = arith.constant 0 : index
    %get3A_117 = vector.load %arg3[%get3A_114, %get3A_115, %get3A_116] : memref<32x32x1xf32, #tpu.memory_space<vmem>>, vector<32x32x1xf32>
    %sub3A = vector.broadcast %reshape3A : vector<32x1x32xf32> to vector<32x32x32xf32>
    %sub3A_118 = vector.broadcast %get3A_117 : vector<32x32x1xf32> to vector<32x32x32xf32>
    %sub3A_119 = arith.subf %sub3A, %sub3A_118 : vector<32x32x32xf32>
    %reshape3A_120 = vector.shape_cast %scan3A_112#3 : vector<32x32xf32> to vector<32x1x32xf32>
    %get3A_121 = arith.constant 0 : index
    %get3A_122 = arith.constant 0 : index
    %get3A_123 = arith.constant 0 : index
    %get3A_124 = vector.load %arg4[%get3A_121, %get3A_122, %get3A_123] : memref<32x32x1xf32, #tpu.memory_space<vmem>>, vector<32x32x1xf32>
    %sub3A_125 = vector.broadcast %reshape3A_120 : vector<32x1x32xf32> to vector<32x32x32xf32>
    %sub3A_126 = vector.broadcast %get3A_124 : vector<32x32x1xf32> to vector<32x32x32xf32>
    %sub3A_127 = arith.subf %sub3A_125, %sub3A_126 : vector<32x32x32xf32>
    %reshape3A_128 = vector.shape_cast %scan3A_112#4 : vector<32x32xf32> to vector<32x1x32xf32>
    %get3A_129 = arith.constant 0 : index
    %get3A_130 = arith.constant 0 : index
    %get3A_131 = arith.constant 0 : index
    %get3A_132 = vector.load %arg5[%get3A_129, %get3A_130, %get3A_131] : memref<32x32x1xf32, #tpu.memory_space<vmem>>, vector<32x32x1xf32>
    %sub3A_133 = vector.broadcast %reshape3A_128 : vector<32x1x32xf32> to vector<32x32x32xf32>
    %sub3A_134 = vector.broadcast %get3A_132 : vector<32x32x1xf32> to vector<32x32x32xf32>
    %sub3A_135 = arith.subf %sub3A_133, %sub3A_134 : vector<32x32x32xf32>
    %mul3A = arith.mulf %sub3A_119, %sub3A_119 : vector<32x32x32xf32>
    %mul3A_136 = arith.mulf %sub3A_127, %sub3A_127 : vector<32x32x32xf32>
    %add3A = arith.addf %mul3A, %mul3A_136 : vector<32x32x32xf32>
    %mul3A_137 = arith.mulf %sub3A_135, %sub3A_135 : vector<32x32x32xf32>
    %add3A_138 = arith.addf %add3A, %mul3A_137 : vector<32x32x32xf32>
    %le3A = arith.constant 1.600000e-03 : f32
    %le3A_139 = vector.broadcast %le3A : f32 to vector<32x32x32xf32>
    %le3A_140 = arith.cmpf ole, %add3A_138, %le3A_139 : vector<32x32x32xf32>
    %iota3A_141 = tpu.iota {dimensions = array<i32: 1>} : vector<32x32x32xi32>
    %jit3A = arith.constant 1.000000e+00 : f32
    %jit3A_142 = arith.constant 0.000000e+00 : f32
    %broadcast_in_dim3A_143 = vector.broadcast %jit3A : f32 to vector<32x32x32xf32>
    %broadcast_in_dim3A_144 = vector.broadcast %jit3A_142 : f32 to vector<32x32x32xf32>
    %select_n3A = arith.select %le3A_140, %broadcast_in_dim3A_143, %broadcast_in_dim3A_144 : vector<32x32x32xi1>, vector<32x32x32xf32>
    %reduce_sum3A = arith.constant dense<0.000000e+00> : vector<32x32xf32>
    %reduce_sum3A_145 = vector.multi_reduction <add>, %select_n3A, %reduce_sum3A [1] : vector<32x32x32xf32> to vector<32x32xf32>
    %broadcast_in_dim3A_146 = vector.shape_cast %reduce_sum3A_145 : vector<32x32xf32> to vector<32x1x32xf32>
    %reduce_min3A = arith.constant dense<0x7F800000> : vector<32x32xf32>
    %reduce_min3A_147 = vector.multi_reduction <minimumf>, %add3A_138, %reduce_min3A [1] : vector<32x32x32xf32> to vector<32x32xf32>
    %broadcast_in_dim3A_148 = vector.shape_cast %reduce_min3A_147 : vector<32x32xf32> to vector<32x1x32xf32>
    %eq3A = vector.broadcast %broadcast_in_dim3A_148 : vector<32x1x32xf32> to vector<32x32x32xf32>
    %eq3A_149 = arith.cmpf oeq, %add3A_138, %eq3A : vector<32x32x32xf32>
    %jit3A_150 = arith.constant 32 : i32
    %broadcast_in_dim3A_151 = vector.broadcast %jit3A_150 : i32 to vector<32x32x32xi32>
    %select_n3A_152 = arith.select %eq3A_149, %iota3A_141, %broadcast_in_dim3A_151 : vector<32x32x32xi1>, vector<32x32x32xi32>
    %reduce_min3A_153 = arith.constant dense<2147483647> : vector<32x32xi32>
    %reduce_min3A_154 = vector.multi_reduction <minsi>, %select_n3A_152, %reduce_min3A_153 [1] : vector<32x32x32xi32> to vector<32x32xi32>
    %broadcast_in_dim3A_155 = vector.shape_cast %reduce_min3A_154 : vector<32x32xi32> to vector<32x1x32xi32>
    %jit3A_156 = arith.constant 1.000000e+00 : f32
    %jit3A_157 = arith.constant 0.000000e+00 : f32
    %broadcast_in_dim3A_158 = vector.broadcast %jit3A_156 : f32 to vector<32x32x32xf32>
    %broadcast_in_dim3A_159 = vector.broadcast %jit3A_157 : f32 to vector<32x32x32xf32>
    %select_n3A_160 = arith.select %le3A_140, %broadcast_in_dim3A_158, %broadcast_in_dim3A_159 : vector<32x32x32xi1>, vector<32x32x32xf32>
    %eq3A_161 = vector.broadcast %broadcast_in_dim3A_155 : vector<32x1x32xi32> to vector<32x32x32xi32>
    %eq3A_162 = arith.cmpi eq, %iota3A_141, %eq3A_161 : vector<32x32x32xi32>
    %jit3A_163 = arith.constant 1.000000e+00 : f32
    %jit3A_164 = arith.constant 0.000000e+00 : f32
    %broadcast_in_dim3A_165 = vector.broadcast %jit3A_163 : f32 to vector<32x32x32xf32>
    %broadcast_in_dim3A_166 = vector.broadcast %jit3A_164 : f32 to vector<32x32x32xf32>
    %select_n3A_167 = arith.select %eq3A_162, %broadcast_in_dim3A_165, %broadcast_in_dim3A_166 : vector<32x32x32xi1>, vector<32x32x32xf32>
    %gt3A = arith.constant 0.000000e+00 : f32
    %gt3A_168 = vector.broadcast %gt3A : f32 to vector<32x1x32xf32>
    %gt3A_169 = arith.cmpf ogt, %broadcast_in_dim3A_146, %gt3A_168 : vector<32x1x32xf32>
    %broadcast_in_dim3A_170 = vector.shape_cast %gt3A_169 : vector<32x1x32xi1> to vector<32x1x32xi1>
    %broadcast_in_dim3A_171 = vector.broadcast %broadcast_in_dim3A_170 : vector<32x1x32xi1> to vector<32x32x32xi1>
    %select_n3A_172 = arith.select %broadcast_in_dim3A_171, %select_n3A_160, %select_n3A_167 : vector<32x32x32xi1>, vector<32x32x32xf32>
    %get3A_173 = arith.constant 0 : index
    %get3A_174 = arith.constant 0 : index
    %get3A_175 = arith.constant 0 : index
    %get3A_176 = vector.load %arg6[%get3A_173, %get3A_174, %get3A_175] : memref<32x32x128xf32, #tpu.memory_space<vmem>>, vector<32x32x128xf32>
    %reshape3A_177 = vector.shape_cast %get3A_176 : vector<32x32x128xf32> to vector<1024x128xf32>
    %dot_general3A = arith.constant dense<0.000000e+00> : vector<1024x128xf32>
    %dot_general3A_178 = tpu.matmul %reshape3A_177, %get3A_1, %dot_general3A {dimension_numbers = #tpu.dot_dimension_numbers<[1], [0], [0], [1], [0, 0, 1, 1], [], []>, transpose_lhs_hint = false} : vector<1024x128xf32>, vector<128x128xf32>, vector<1024x128xf32> -> vector<1024x128xf32>
    %add3A_179 = vector.broadcast %get3A_4 : vector<1x128xf32> to vector<1024x128xf32>
    %add3A_180 = arith.addf %dot_general3A_178, %add3A_179 : vector<1024x128xf32>
    %mul3A_181 = vector.broadcast %get3A_7 : vector<1x128xf32> to vector<1024x128xf32>
    %mul3A_182 = arith.mulf %mul3A_181, %add3A_180 : vector<1024x128xf32>
    %add3A_183 = vector.broadcast %get3A_10 : vector<1x128xf32> to vector<1024x128xf32>
    %add3A_184 = arith.addf %mul3A_182, %add3A_183 : vector<1024x128xf32>
    %max3A = arith.constant 0.000000e+00 : f32
    %max3A_185 = vector.broadcast %max3A : f32 to vector<1024x128xf32>
    %max3A_186 = arith.maximumf %add3A_184, %max3A_185 : vector<1024x128xf32>
    %dot_general3A_187 = arith.constant dense<0.000000e+00> : vector<1024x128xf32>
    %dot_general3A_188 = tpu.matmul %max3A_186, %get3A_13, %dot_general3A_187 {dimension_numbers = #tpu.dot_dimension_numbers<[1], [0], [0], [1], [0, 0, 1, 1], [], []>, transpose_lhs_hint = false} : vector<1024x128xf32>, vector<128x128xf32>, vector<1024x128xf32> -> vector<1024x128xf32>
    %add3A_189 = vector.broadcast %get3A_16 : vector<1x128xf32> to vector<1024x128xf32>
    %add3A_190 = arith.addf %dot_general3A_188, %add3A_189 : vector<1024x128xf32>
    %mul3A_191 = vector.broadcast %get3A_19 : vector<1x128xf32> to vector<1024x128xf32>
    %mul3A_192 = arith.mulf %mul3A_191, %add3A_190 : vector<1024x128xf32>
    %add3A_193 = vector.broadcast %get3A_22 : vector<1x128xf32> to vector<1024x128xf32>
    %add3A_194 = arith.addf %mul3A_192, %add3A_193 : vector<1024x128xf32>
    %max3A_195 = arith.constant 0.000000e+00 : f32
    %max3A_196 = vector.broadcast %max3A_195 : f32 to vector<1024x128xf32>
    %max3A_197 = arith.maximumf %add3A_194, %max3A_196 : vector<1024x128xf32>
    %dot_general3A_198 = arith.constant dense<0.000000e+00> : vector<1024x256xf32>
    %dot_general3A_199 = tpu.matmul %max3A_197, %get3A_25, %dot_general3A_198 {dimension_numbers = #tpu.dot_dimension_numbers<[1], [0], [0], [1], [0, 0, 1, 1], [], []>, transpose_lhs_hint = false} : vector<1024x128xf32>, vector<128x256xf32>, vector<1024x256xf32> -> vector<1024x256xf32>
    %add3A_200 = vector.broadcast %get3A_28 : vector<1x256xf32> to vector<1024x256xf32>
    %add3A_201 = arith.addf %dot_general3A_199, %add3A_200 : vector<1024x256xf32>
    %mul3A_202 = vector.broadcast %get3A_31 : vector<1x256xf32> to vector<1024x256xf32>
    %mul3A_203 = arith.mulf %mul3A_202, %add3A_201 : vector<1024x256xf32>
    %add3A_204 = vector.broadcast %get3A_34 : vector<1x256xf32> to vector<1024x256xf32>
    %add3A_205 = arith.addf %mul3A_203, %add3A_204 : vector<1024x256xf32>
    %max3A_206 = arith.constant 0.000000e+00 : f32
    %max3A_207 = vector.broadcast %max3A_206 : f32 to vector<1024x256xf32>
    %max3A_208 = arith.maximumf %add3A_205, %max3A_207 : vector<1024x256xf32>
    %reshape3A_209 = vector.shape_cast %max3A_208 : vector<1024x256xf32> to vector<32x32x256xf32>
    %slice3A = vector.extract_strided_slice %select_n3A_172 {offsets = [0, 0, 0], sizes = [32, 32, 1], strides = [1, 1, 1]} : vector<32x32x32xf32> to vector<32x32x1xf32>
    %gt3A_210 = arith.constant 0.000000e+00 : f32
    %gt3A_211 = vector.broadcast %gt3A_210 : f32 to vector<32x32x1xf32>
    %gt3A_212 = arith.cmpf ogt, %slice3A, %gt3A_211 : vector<32x32x1xf32>
    %jit3A_213 = arith.constant 0.000000e+00 : f32
    %broadcast_in_dim3A_214 = vector.shape_cast %gt3A_212 : vector<32x32x1xi1> to vector<32x32x1xi1>
    %broadcast_in_dim3A_215 = vector.broadcast %broadcast_in_dim3A_214 : vector<32x32x1xi1> to vector<32x32x256xi1>
    %broadcast_in_dim3A_216 = vector.broadcast %jit3A_213 : f32 to vector<32x32x256xf32>
    %select_n3A_217 = arith.select %broadcast_in_dim3A_215, %reshape3A_209, %broadcast_in_dim3A_216 : vector<32x32x256xi1>, vector<32x32x256xf32>
    %reduce_max3A = arith.constant dense<0xFF800000> : vector<32x256xf32>
    %reduce_max3A_218 = vector.multi_reduction <maximumf>, %select_n3A_217, %reduce_max3A [1] : vector<32x32x256xf32> to vector<32x256xf32>
    %broadcast_in_dim3A_219 = vector.shape_cast %reduce_max3A_218 : vector<32x256xf32> to vector<32x1x256xf32>
    %slice3A_220 = vector.extract_strided_slice %select_n3A_172 {offsets = [0, 0, 1], sizes = [32, 32, 1], strides = [1, 1, 1]} : vector<32x32x32xf32> to vector<32x32x1xf32>
    %gt3A_221 = arith.constant 0.000000e+00 : f32
    %gt3A_222 = vector.broadcast %gt3A_221 : f32 to vector<32x32x1xf32>
    %gt3A_223 = arith.cmpf ogt, %slice3A_220, %gt3A_222 : vector<32x32x1xf32>
    %jit3A_224 = arith.constant 0.000000e+00 : f32
    %broadcast_in_dim3A_225 = vector.shape_cast %gt3A_223 : vector<32x32x1xi1> to vector<32x32x1xi1>
    %broadcast_in_dim3A_226 = vector.broadcast %broadcast_in_dim3A_225 : vector<32x32x1xi1> to vector<32x32x256xi1>
    %broadcast_in_dim3A_227 = vector.broadcast %jit3A_224 : f32 to vector<32x32x256xf32>
    %select_n3A_228 = arith.select %broadcast_in_dim3A_226, %reshape3A_209, %broadcast_in_dim3A_227 : vector<32x32x256xi1>, vector<32x32x256xf32>
    %reduce_max3A_229 = arith.constant dense<0xFF800000> : vector<32x256xf32>
    %reduce_max3A_230 = vector.multi_reduction <maximumf>, %select_n3A_228, %reduce_max3A_229 [1] : vector<32x32x256xf32> to vector<32x256xf32>
    %broadcast_in_dim3A_231 = vector.shape_cast %reduce_max3A_230 : vector<32x256xf32> to vector<32x1x256xf32>
    %slice3A_232 = vector.extract_strided_slice %select_n3A_172 {offsets = [0, 0, 2], sizes = [32, 32, 1], strides = [1, 1, 1]} : vector<32x32x32xf32> to vector<32x32x1xf32>
    %gt3A_233 = arith.constant 0.000000e+00 : f32
    %gt3A_234 = vector.broadcast %gt3A_233 : f32 to vector<32x32x1xf32>
    %gt3A_235 = arith.cmpf ogt, %slice3A_232, %gt3A_234 : vector<32x32x1xf32>
    %jit3A_236 = arith.constant 0.000000e+00 : f32
    %broadcast_in_dim3A_237 = vector.shape_cast %gt3A_235 : vector<32x32x1xi1> to vector<32x32x1xi1>
    %broadcast_in_dim3A_238 = vector.broadcast %broadcast_in_dim3A_237 : vector<32x32x1xi1> to vector<32x32x256xi1>
    %broadcast_in_dim3A_239 = vector.broadcast %jit3A_236 : f32 to vector<32x32x256xf32>
    %select_n3A_240 = arith.select %broadcast_in_dim3A_238, %reshape3A_209, %broadcast_in_dim3A_239 : vector<32x32x256xi1>, vector<32x32x256xf32>
    %reduce_max3A_241 = arith.constant dense<0xFF800000> : vector<32x256xf32>
    %reduce_max3A_242 = vector.multi_reduction <maximumf>, %select_n3A_240, %reduce_max3A_241 [1] : vector<32x32x256xf32> to vector<32x256xf32>
    %broadcast_in_dim3A_243 = vector.shape_cast %reduce_max3A_242 : vector<32x256xf32> to vector<32x1x256xf32>
    %slice3A_244 = vector.extract_strided_slice %select_n3A_172 {offsets = [0, 0, 3], sizes = [32, 32, 1], strides = [1, 1, 1]} : vector<32x32x32xf32> to vector<32x32x1xf32>
    %gt3A_245 = arith.constant 0.000000e+00 : f32
    %gt3A_246 = vector.broadcast %gt3A_245 : f32 to vector<32x32x1xf32>
    %gt3A_247 = arith.cmpf ogt, %slice3A_244, %gt3A_246 : vector<32x32x1xf32>
    %jit3A_248 = arith.constant 0.000000e+00 : f32
    %broadcast_in_dim3A_249 = vector.shape_cast %gt3A_247 : vector<32x32x1xi1> to vector<32x32x1xi1>
    %broadcast_in_dim3A_250 = vector.broadcast %broadcast_in_dim3A_249 : vector<32x32x1xi1> to vector<32x32x256xi1>
    %broadcast_in_dim3A_251 = vector.broadcast %jit3A_248 : f32 to vector<32x32x256xf32>
    %select_n3A_252 = arith.select %broadcast_in_dim3A_250, %reshape3A_209, %broadcast_in_dim3A_251 : vector<32x32x256xi1>, vector<32x32x256xf32>
    %reduce_max3A_253 = arith.constant dense<0xFF800000> : vector<32x256xf32>
    %reduce_max3A_254 = vector.multi_reduction <maximumf>, %select_n3A_252, %reduce_max3A_253 [1] : vector<32x32x256xf32> to vector<32x256xf32>
    %broadcast_in_dim3A_255 = vector.shape_cast %reduce_max3A_254 : vector<32x256xf32> to vector<32x1x256xf32>
    %slice3A_256 = vector.extract_strided_slice %select_n3A_172 {offsets = [0, 0, 4], sizes = [32, 32, 1], strides = [1, 1, 1]} : vector<32x32x32xf32> to vector<32x32x1xf32>
    %gt3A_257 = arith.constant 0.000000e+00 : f32
    %gt3A_258 = vector.broadcast %gt3A_257 : f32 to vector<32x32x1xf32>
    %gt3A_259 = arith.cmpf ogt, %slice3A_256, %gt3A_258 : vector<32x32x1xf32>
    %jit3A_260 = arith.constant 0.000000e+00 : f32
    %broadcast_in_dim3A_261 = vector.shape_cast %gt3A_259 : vector<32x32x1xi1> to vector<32x32x1xi1>
    %broadcast_in_dim3A_262 = vector.broadcast %broadcast_in_dim3A_261 : vector<32x32x1xi1> to vector<32x32x256xi1>
    %broadcast_in_dim3A_263 = vector.broadcast %jit3A_260 : f32 to vector<32x32x256xf32>
    %select_n3A_264 = arith.select %broadcast_in_dim3A_262, %reshape3A_209, %broadcast_in_dim3A_263 : vector<32x32x256xi1>, vector<32x32x256xf32>
    %reduce_max3A_265 = arith.constant dense<0xFF800000> : vector<32x256xf32>
    %reduce_max3A_266 = vector.multi_reduction <maximumf>, %select_n3A_264, %reduce_max3A_265 [1] : vector<32x32x256xf32> to vector<32x256xf32>
    %broadcast_in_dim3A_267 = vector.shape_cast %reduce_max3A_266 : vector<32x256xf32> to vector<32x1x256xf32>
    %slice3A_268 = vector.extract_strided_slice %select_n3A_172 {offsets = [0, 0, 5], sizes = [32, 32, 1], strides = [1, 1, 1]} : vector<32x32x32xf32> to vector<32x32x1xf32>
    %gt3A_269 = arith.constant 0.000000e+00 : f32
    %gt3A_270 = vector.broadcast %gt3A_269 : f32 to vector<32x32x1xf32>
    %gt3A_271 = arith.cmpf ogt, %slice3A_268, %gt3A_270 : vector<32x32x1xf32>
    %jit3A_272 = arith.constant 0.000000e+00 : f32
    %broadcast_in_dim3A_273 = vector.shape_cast %gt3A_271 : vector<32x32x1xi1> to vector<32x32x1xi1>
    %broadcast_in_dim3A_274 = vector.broadcast %broadcast_in_dim3A_273 : vector<32x32x1xi1> to vector<32x32x256xi1>
    %broadcast_in_dim3A_275 = vector.broadcast %jit3A_272 : f32 to vector<32x32x256xf32>
    %select_n3A_276 = arith.select %broadcast_in_dim3A_274, %reshape3A_209, %broadcast_in_dim3A_275 : vector<32x32x256xi1>, vector<32x32x256xf32>
    %reduce_max3A_277 = arith.constant dense<0xFF800000> : vector<32x256xf32>
    %reduce_max3A_278 = vector.multi_reduction <maximumf>, %select_n3A_276, %reduce_max3A_277 [1] : vector<32x32x256xf32> to vector<32x256xf32>
    %broadcast_in_dim3A_279 = vector.shape_cast %reduce_max3A_278 : vector<32x256xf32> to vector<32x1x256xf32>
    %slice3A_280 = vector.extract_strided_slice %select_n3A_172 {offsets = [0, 0, 6], sizes = [32, 32, 1], strides = [1, 1, 1]} : vector<32x32x32xf32> to vector<32x32x1xf32>
    %gt3A_281 = arith.constant 0.000000e+00 : f32
    %gt3A_282 = vector.broadcast %gt3A_281 : f32 to vector<32x32x1xf32>
    %gt3A_283 = arith.cmpf ogt, %slice3A_280, %gt3A_282 : vector<32x32x1xf32>
    %jit3A_284 = arith.constant 0.000000e+00 : f32
    %broadcast_in_dim3A_285 = vector.shape_cast %gt3A_283 : vector<32x32x1xi1> to vector<32x32x1xi1>
    %broadcast_in_dim3A_286 = vector.broadcast %broadcast_in_dim3A_285 : vector<32x32x1xi1> to vector<32x32x256xi1>
    %broadcast_in_dim3A_287 = vector.broadcast %jit3A_284 : f32 to vector<32x32x256xf32>
    %select_n3A_288 = arith.select %broadcast_in_dim3A_286, %reshape3A_209, %broadcast_in_dim3A_287 : vector<32x32x256xi1>, vector<32x32x256xf32>
    %reduce_max3A_289 = arith.constant dense<0xFF800000> : vector<32x256xf32>
    %reduce_max3A_290 = vector.multi_reduction <maximumf>, %select_n3A_288, %reduce_max3A_289 [1] : vector<32x32x256xf32> to vector<32x256xf32>
    %broadcast_in_dim3A_291 = vector.shape_cast %reduce_max3A_290 : vector<32x256xf32> to vector<32x1x256xf32>
    %slice3A_292 = vector.extract_strided_slice %select_n3A_172 {offsets = [0, 0, 7], sizes = [32, 32, 1], strides = [1, 1, 1]} : vector<32x32x32xf32> to vector<32x32x1xf32>
    %gt3A_293 = arith.constant 0.000000e+00 : f32
    %gt3A_294 = vector.broadcast %gt3A_293 : f32 to vector<32x32x1xf32>
    %gt3A_295 = arith.cmpf ogt, %slice3A_292, %gt3A_294 : vector<32x32x1xf32>
    %jit3A_296 = arith.constant 0.000000e+00 : f32
    %broadcast_in_dim3A_297 = vector.shape_cast %gt3A_295 : vector<32x32x1xi1> to vector<32x32x1xi1>
    %broadcast_in_dim3A_298 = vector.broadcast %broadcast_in_dim3A_297 : vector<32x32x1xi1> to vector<32x32x256xi1>
    %broadcast_in_dim3A_299 = vector.broadcast %jit3A_296 : f32 to vector<32x32x256xf32>
    %select_n3A_300 = arith.select %broadcast_in_dim3A_298, %reshape3A_209, %broadcast_in_dim3A_299 : vector<32x32x256xi1>, vector<32x32x256xf32>
    %reduce_max3A_301 = arith.constant dense<0xFF800000> : vector<32x256xf32>
    %reduce_max3A_302 = vector.multi_reduction <maximumf>, %select_n3A_300, %reduce_max3A_301 [1] : vector<32x32x256xf32> to vector<32x256xf32>
    %broadcast_in_dim3A_303 = vector.shape_cast %reduce_max3A_302 : vector<32x256xf32> to vector<32x1x256xf32>
    %slice3A_304 = vector.extract_strided_slice %select_n3A_172 {offsets = [0, 0, 8], sizes = [32, 32, 1], strides = [1, 1, 1]} : vector<32x32x32xf32> to vector<32x32x1xf32>
    %gt3A_305 = arith.constant 0.000000e+00 : f32
    %gt3A_306 = vector.broadcast %gt3A_305 : f32 to vector<32x32x1xf32>
    %gt3A_307 = arith.cmpf ogt, %slice3A_304, %gt3A_306 : vector<32x32x1xf32>
    %jit3A_308 = arith.constant 0.000000e+00 : f32
    %broadcast_in_dim3A_309 = vector.shape_cast %gt3A_307 : vector<32x32x1xi1> to vector<32x32x1xi1>
    %broadcast_in_dim3A_310 = vector.broadcast %broadcast_in_dim3A_309 : vector<32x32x1xi1> to vector<32x32x256xi1>
    %broadcast_in_dim3A_311 = vector.broadcast %jit3A_308 : f32 to vector<32x32x256xf32>
    %select_n3A_312 = arith.select %broadcast_in_dim3A_310, %reshape3A_209, %broadcast_in_dim3A_311 : vector<32x32x256xi1>, vector<32x32x256xf32>
    %reduce_max3A_313 = arith.constant dense<0xFF800000> : vector<32x256xf32>
    %reduce_max3A_314 = vector.multi_reduction <maximumf>, %select_n3A_312, %reduce_max3A_313 [1] : vector<32x32x256xf32> to vector<32x256xf32>
    %broadcast_in_dim3A_315 = vector.shape_cast %reduce_max3A_314 : vector<32x256xf32> to vector<32x1x256xf32>
    %slice3A_316 = vector.extract_strided_slice %select_n3A_172 {offsets = [0, 0, 9], sizes = [32, 32, 1], strides = [1, 1, 1]} : vector<32x32x32xf32> to vector<32x32x1xf32>
    %gt3A_317 = arith.constant 0.000000e+00 : f32
    %gt3A_318 = vector.broadcast %gt3A_317 : f32 to vector<32x32x1xf32>
    %gt3A_319 = arith.cmpf ogt, %slice3A_316, %gt3A_318 : vector<32x32x1xf32>
    %jit3A_320 = arith.constant 0.000000e+00 : f32
    %broadcast_in_dim3A_321 = vector.shape_cast %gt3A_319 : vector<32x32x1xi1> to vector<32x32x1xi1>
    %broadcast_in_dim3A_322 = vector.broadcast %broadcast_in_dim3A_321 : vector<32x32x1xi1> to vector<32x32x256xi1>
    %broadcast_in_dim3A_323 = vector.broadcast %jit3A_320 : f32 to vector<32x32x256xf32>
    %select_n3A_324 = arith.select %broadcast_in_dim3A_322, %reshape3A_209, %broadcast_in_dim3A_323 : vector<32x32x256xi1>, vector<32x32x256xf32>
    %reduce_max3A_325 = arith.constant dense<0xFF800000> : vector<32x256xf32>
    %reduce_max3A_326 = vector.multi_reduction <maximumf>, %select_n3A_324, %reduce_max3A_325 [1] : vector<32x32x256xf32> to vector<32x256xf32>
    %broadcast_in_dim3A_327 = vector.shape_cast %reduce_max3A_326 : vector<32x256xf32> to vector<32x1x256xf32>
    %slice3A_328 = vector.extract_strided_slice %select_n3A_172 {offsets = [0, 0, 10], sizes = [32, 32, 1], strides = [1, 1, 1]} : vector<32x32x32xf32> to vector<32x32x1xf32>
    %gt3A_329 = arith.constant 0.000000e+00 : f32
    %gt3A_330 = vector.broadcast %gt3A_329 : f32 to vector<32x32x1xf32>
    %gt3A_331 = arith.cmpf ogt, %slice3A_328, %gt3A_330 : vector<32x32x1xf32>
    %jit3A_332 = arith.constant 0.000000e+00 : f32
    %broadcast_in_dim3A_333 = vector.shape_cast %gt3A_331 : vector<32x32x1xi1> to vector<32x32x1xi1>
    %broadcast_in_dim3A_334 = vector.broadcast %broadcast_in_dim3A_333 : vector<32x32x1xi1> to vector<32x32x256xi1>
    %broadcast_in_dim3A_335 = vector.broadcast %jit3A_332 : f32 to vector<32x32x256xf32>
    %select_n3A_336 = arith.select %broadcast_in_dim3A_334, %reshape3A_209, %broadcast_in_dim3A_335 : vector<32x32x256xi1>, vector<32x32x256xf32>
    %reduce_max3A_337 = arith.constant dense<0xFF800000> : vector<32x256xf32>
    %reduce_max3A_338 = vector.multi_reduction <maximumf>, %select_n3A_336, %reduce_max3A_337 [1] : vector<32x32x256xf32> to vector<32x256xf32>
    %broadcast_in_dim3A_339 = vector.shape_cast %reduce_max3A_338 : vector<32x256xf32> to vector<32x1x256xf32>
    %slice3A_340 = vector.extract_strided_slice %select_n3A_172 {offsets = [0, 0, 11], sizes = [32, 32, 1], strides = [1, 1, 1]} : vector<32x32x32xf32> to vector<32x32x1xf32>
    %gt3A_341 = arith.constant 0.000000e+00 : f32
    %gt3A_342 = vector.broadcast %gt3A_341 : f32 to vector<32x32x1xf32>
    %gt3A_343 = arith.cmpf ogt, %slice3A_340, %gt3A_342 : vector<32x32x1xf32>
    %jit3A_344 = arith.constant 0.000000e+00 : f32
    %broadcast_in_dim3A_345 = vector.shape_cast %gt3A_343 : vector<32x32x1xi1> to vector<32x32x1xi1>
    %broadcast_in_dim3A_346 = vector.broadcast %broadcast_in_dim3A_345 : vector<32x32x1xi1> to vector<32x32x256xi1>
    %broadcast_in_dim3A_347 = vector.broadcast %jit3A_344 : f32 to vector<32x32x256xf32>
    %select_n3A_348 = arith.select %broadcast_in_dim3A_346, %reshape3A_209, %broadcast_in_dim3A_347 : vector<32x32x256xi1>, vector<32x32x256xf32>
    %reduce_max3A_349 = arith.constant dense<0xFF800000> : vector<32x256xf32>
    %reduce_max3A_350 = vector.multi_reduction <maximumf>, %select_n3A_348, %reduce_max3A_349 [1] : vector<32x32x256xf32> to vector<32x256xf32>
    %broadcast_in_dim3A_351 = vector.shape_cast %reduce_max3A_350 : vector<32x256xf32> to vector<32x1x256xf32>
    %slice3A_352 = vector.extract_strided_slice %select_n3A_172 {offsets = [0, 0, 12], sizes = [32, 32, 1], strides = [1, 1, 1]} : vector<32x32x32xf32> to vector<32x32x1xf32>
    %gt3A_353 = arith.constant 0.000000e+00 : f32
    %gt3A_354 = vector.broadcast %gt3A_353 : f32 to vector<32x32x1xf32>
    %gt3A_355 = arith.cmpf ogt, %slice3A_352, %gt3A_354 : vector<32x32x1xf32>
    %jit3A_356 = arith.constant 0.000000e+00 : f32
    %broadcast_in_dim3A_357 = vector.shape_cast %gt3A_355 : vector<32x32x1xi1> to vector<32x32x1xi1>
    %broadcast_in_dim3A_358 = vector.broadcast %broadcast_in_dim3A_357 : vector<32x32x1xi1> to vector<32x32x256xi1>
    %broadcast_in_dim3A_359 = vector.broadcast %jit3A_356 : f32 to vector<32x32x256xf32>
    %select_n3A_360 = arith.select %broadcast_in_dim3A_358, %reshape3A_209, %broadcast_in_dim3A_359 : vector<32x32x256xi1>, vector<32x32x256xf32>
    %reduce_max3A_361 = arith.constant dense<0xFF800000> : vector<32x256xf32>
    %reduce_max3A_362 = vector.multi_reduction <maximumf>, %select_n3A_360, %reduce_max3A_361 [1] : vector<32x32x256xf32> to vector<32x256xf32>
    %broadcast_in_dim3A_363 = vector.shape_cast %reduce_max3A_362 : vector<32x256xf32> to vector<32x1x256xf32>
    %slice3A_364 = vector.extract_strided_slice %select_n3A_172 {offsets = [0, 0, 13], sizes = [32, 32, 1], strides = [1, 1, 1]} : vector<32x32x32xf32> to vector<32x32x1xf32>
    %gt3A_365 = arith.constant 0.000000e+00 : f32
    %gt3A_366 = vector.broadcast %gt3A_365 : f32 to vector<32x32x1xf32>
    %gt3A_367 = arith.cmpf ogt, %slice3A_364, %gt3A_366 : vector<32x32x1xf32>
    %jit3A_368 = arith.constant 0.000000e+00 : f32
    %broadcast_in_dim3A_369 = vector.shape_cast %gt3A_367 : vector<32x32x1xi1> to vector<32x32x1xi1>
    %broadcast_in_dim3A_370 = vector.broadcast %broadcast_in_dim3A_369 : vector<32x32x1xi1> to vector<32x32x256xi1>
    %broadcast_in_dim3A_371 = vector.broadcast %jit3A_368 : f32 to vector<32x32x256xf32>
    %select_n3A_372 = arith.select %broadcast_in_dim3A_370, %reshape3A_209, %broadcast_in_dim3A_371 : vector<32x32x256xi1>, vector<32x32x256xf32>
    %reduce_max3A_373 = arith.constant dense<0xFF800000> : vector<32x256xf32>
    %reduce_max3A_374 = vector.multi_reduction <maximumf>, %select_n3A_372, %reduce_max3A_373 [1] : vector<32x32x256xf32> to vector<32x256xf32>
    %broadcast_in_dim3A_375 = vector.shape_cast %reduce_max3A_374 : vector<32x256xf32> to vector<32x1x256xf32>
    %slice3A_376 = vector.extract_strided_slice %select_n3A_172 {offsets = [0, 0, 14], sizes = [32, 32, 1], strides = [1, 1, 1]} : vector<32x32x32xf32> to vector<32x32x1xf32>
    %gt3A_377 = arith.constant 0.000000e+00 : f32
    %gt3A_378 = vector.broadcast %gt3A_377 : f32 to vector<32x32x1xf32>
    %gt3A_379 = arith.cmpf ogt, %slice3A_376, %gt3A_378 : vector<32x32x1xf32>
    %jit3A_380 = arith.constant 0.000000e+00 : f32
    %broadcast_in_dim3A_381 = vector.shape_cast %gt3A_379 : vector<32x32x1xi1> to vector<32x32x1xi1>
    %broadcast_in_dim3A_382 = vector.broadcast %broadcast_in_dim3A_381 : vector<32x32x1xi1> to vector<32x32x256xi1>
    %broadcast_in_dim3A_383 = vector.broadcast %jit3A_380 : f32 to vector<32x32x256xf32>
    %select_n3A_384 = arith.select %broadcast_in_dim3A_382, %reshape3A_209, %broadcast_in_dim3A_383 : vector<32x32x256xi1>, vector<32x32x256xf32>
    %reduce_max3A_385 = arith.constant dense<0xFF800000> : vector<32x256xf32>
    %reduce_max3A_386 = vector.multi_reduction <maximumf>, %select_n3A_384, %reduce_max3A_385 [1] : vector<32x32x256xf32> to vector<32x256xf32>
    %broadcast_in_dim3A_387 = vector.shape_cast %reduce_max3A_386 : vector<32x256xf32> to vector<32x1x256xf32>
    %slice3A_388 = vector.extract_strided_slice %select_n3A_172 {offsets = [0, 0, 15], sizes = [32, 32, 1], strides = [1, 1, 1]} : vector<32x32x32xf32> to vector<32x32x1xf32>
    %gt3A_389 = arith.constant 0.000000e+00 : f32
    %gt3A_390 = vector.broadcast %gt3A_389 : f32 to vector<32x32x1xf32>
    %gt3A_391 = arith.cmpf ogt, %slice3A_388, %gt3A_390 : vector<32x32x1xf32>
    %jit3A_392 = arith.constant 0.000000e+00 : f32
    %broadcast_in_dim3A_393 = vector.shape_cast %gt3A_391 : vector<32x32x1xi1> to vector<32x32x1xi1>
    %broadcast_in_dim3A_394 = vector.broadcast %broadcast_in_dim3A_393 : vector<32x32x1xi1> to vector<32x32x256xi1>
    %broadcast_in_dim3A_395 = vector.broadcast %jit3A_392 : f32 to vector<32x32x256xf32>
    %select_n3A_396 = arith.select %broadcast_in_dim3A_394, %reshape3A_209, %broadcast_in_dim3A_395 : vector<32x32x256xi1>, vector<32x32x256xf32>
    %reduce_max3A_397 = arith.constant dense<0xFF800000> : vector<32x256xf32>
    %reduce_max3A_398 = vector.multi_reduction <maximumf>, %select_n3A_396, %reduce_max3A_397 [1] : vector<32x32x256xf32> to vector<32x256xf32>
    %broadcast_in_dim3A_399 = vector.shape_cast %reduce_max3A_398 : vector<32x256xf32> to vector<32x1x256xf32>
    %slice3A_400 = vector.extract_strided_slice %select_n3A_172 {offsets = [0, 0, 16], sizes = [32, 32, 1], strides = [1, 1, 1]} : vector<32x32x32xf32> to vector<32x32x1xf32>
    %gt3A_401 = arith.constant 0.000000e+00 : f32
    %gt3A_402 = vector.broadcast %gt3A_401 : f32 to vector<32x32x1xf32>
    %gt3A_403 = arith.cmpf ogt, %slice3A_400, %gt3A_402 : vector<32x32x1xf32>
    %jit3A_404 = arith.constant 0.000000e+00 : f32
    %broadcast_in_dim3A_405 = vector.shape_cast %gt3A_403 : vector<32x32x1xi1> to vector<32x32x1xi1>
    %broadcast_in_dim3A_406 = vector.broadcast %broadcast_in_dim3A_405 : vector<32x32x1xi1> to vector<32x32x256xi1>
    %broadcast_in_dim3A_407 = vector.broadcast %jit3A_404 : f32 to vector<32x32x256xf32>
    %select_n3A_408 = arith.select %broadcast_in_dim3A_406, %reshape3A_209, %broadcast_in_dim3A_407 : vector<32x32x256xi1>, vector<32x32x256xf32>
    %reduce_max3A_409 = arith.constant dense<0xFF800000> : vector<32x256xf32>
    %reduce_max3A_410 = vector.multi_reduction <maximumf>, %select_n3A_408, %reduce_max3A_409 [1] : vector<32x32x256xf32> to vector<32x256xf32>
    %broadcast_in_dim3A_411 = vector.shape_cast %reduce_max3A_410 : vector<32x256xf32> to vector<32x1x256xf32>
    %slice3A_412 = vector.extract_strided_slice %select_n3A_172 {offsets = [0, 0, 17], sizes = [32, 32, 1], strides = [1, 1, 1]} : vector<32x32x32xf32> to vector<32x32x1xf32>
    %gt3A_413 = arith.constant 0.000000e+00 : f32
    %gt3A_414 = vector.broadcast %gt3A_413 : f32 to vector<32x32x1xf32>
    %gt3A_415 = arith.cmpf ogt, %slice3A_412, %gt3A_414 : vector<32x32x1xf32>
    %jit3A_416 = arith.constant 0.000000e+00 : f32
    %broadcast_in_dim3A_417 = vector.shape_cast %gt3A_415 : vector<32x32x1xi1> to vector<32x32x1xi1>
    %broadcast_in_dim3A_418 = vector.broadcast %broadcast_in_dim3A_417 : vector<32x32x1xi1> to vector<32x32x256xi1>
    %broadcast_in_dim3A_419 = vector.broadcast %jit3A_416 : f32 to vector<32x32x256xf32>
    %select_n3A_420 = arith.select %broadcast_in_dim3A_418, %reshape3A_209, %broadcast_in_dim3A_419 : vector<32x32x256xi1>, vector<32x32x256xf32>
    %reduce_max3A_421 = arith.constant dense<0xFF800000> : vector<32x256xf32>
    %reduce_max3A_422 = vector.multi_reduction <maximumf>, %select_n3A_420, %reduce_max3A_421 [1] : vector<32x32x256xf32> to vector<32x256xf32>
    %broadcast_in_dim3A_423 = vector.shape_cast %reduce_max3A_422 : vector<32x256xf32> to vector<32x1x256xf32>
    %slice3A_424 = vector.extract_strided_slice %select_n3A_172 {offsets = [0, 0, 18], sizes = [32, 32, 1], strides = [1, 1, 1]} : vector<32x32x32xf32> to vector<32x32x1xf32>
    %gt3A_425 = arith.constant 0.000000e+00 : f32
    %gt3A_426 = vector.broadcast %gt3A_425 : f32 to vector<32x32x1xf32>
    %gt3A_427 = arith.cmpf ogt, %slice3A_424, %gt3A_426 : vector<32x32x1xf32>
    %jit3A_428 = arith.constant 0.000000e+00 : f32
    %broadcast_in_dim3A_429 = vector.shape_cast %gt3A_427 : vector<32x32x1xi1> to vector<32x32x1xi1>
    %broadcast_in_dim3A_430 = vector.broadcast %broadcast_in_dim3A_429 : vector<32x32x1xi1> to vector<32x32x256xi1>
    %broadcast_in_dim3A_431 = vector.broadcast %jit3A_428 : f32 to vector<32x32x256xf32>
    %select_n3A_432 = arith.select %broadcast_in_dim3A_430, %reshape3A_209, %broadcast_in_dim3A_431 : vector<32x32x256xi1>, vector<32x32x256xf32>
    %reduce_max3A_433 = arith.constant dense<0xFF800000> : vector<32x256xf32>
    %reduce_max3A_434 = vector.multi_reduction <maximumf>, %select_n3A_432, %reduce_max3A_433 [1] : vector<32x32x256xf32> to vector<32x256xf32>
    %broadcast_in_dim3A_435 = vector.shape_cast %reduce_max3A_434 : vector<32x256xf32> to vector<32x1x256xf32>
    %slice3A_436 = vector.extract_strided_slice %select_n3A_172 {offsets = [0, 0, 19], sizes = [32, 32, 1], strides = [1, 1, 1]} : vector<32x32x32xf32> to vector<32x32x1xf32>
    %gt3A_437 = arith.constant 0.000000e+00 : f32
    %gt3A_438 = vector.broadcast %gt3A_437 : f32 to vector<32x32x1xf32>
    %gt3A_439 = arith.cmpf ogt, %slice3A_436, %gt3A_438 : vector<32x32x1xf32>
    %jit3A_440 = arith.constant 0.000000e+00 : f32
    %broadcast_in_dim3A_441 = vector.shape_cast %gt3A_439 : vector<32x32x1xi1> to vector<32x32x1xi1>
    %broadcast_in_dim3A_442 = vector.broadcast %broadcast_in_dim3A_441 : vector<32x32x1xi1> to vector<32x32x256xi1>
    %broadcast_in_dim3A_443 = vector.broadcast %jit3A_440 : f32 to vector<32x32x256xf32>
    %select_n3A_444 = arith.select %broadcast_in_dim3A_442, %reshape3A_209, %broadcast_in_dim3A_443 : vector<32x32x256xi1>, vector<32x32x256xf32>
    %reduce_max3A_445 = arith.constant dense<0xFF800000> : vector<32x256xf32>
    %reduce_max3A_446 = vector.multi_reduction <maximumf>, %select_n3A_444, %reduce_max3A_445 [1] : vector<32x32x256xf32> to vector<32x256xf32>
    %broadcast_in_dim3A_447 = vector.shape_cast %reduce_max3A_446 : vector<32x256xf32> to vector<32x1x256xf32>
    %slice3A_448 = vector.extract_strided_slice %select_n3A_172 {offsets = [0, 0, 20], sizes = [32, 32, 1], strides = [1, 1, 1]} : vector<32x32x32xf32> to vector<32x32x1xf32>
    %gt3A_449 = arith.constant 0.000000e+00 : f32
    %gt3A_450 = vector.broadcast %gt3A_449 : f32 to vector<32x32x1xf32>
    %gt3A_451 = arith.cmpf ogt, %slice3A_448, %gt3A_450 : vector<32x32x1xf32>
    %jit3A_452 = arith.constant 0.000000e+00 : f32
    %broadcast_in_dim3A_453 = vector.shape_cast %gt3A_451 : vector<32x32x1xi1> to vector<32x32x1xi1>
    %broadcast_in_dim3A_454 = vector.broadcast %broadcast_in_dim3A_453 : vector<32x32x1xi1> to vector<32x32x256xi1>
    %broadcast_in_dim3A_455 = vector.broadcast %jit3A_452 : f32 to vector<32x32x256xf32>
    %select_n3A_456 = arith.select %broadcast_in_dim3A_454, %reshape3A_209, %broadcast_in_dim3A_455 : vector<32x32x256xi1>, vector<32x32x256xf32>
    %reduce_max3A_457 = arith.constant dense<0xFF800000> : vector<32x256xf32>
    %reduce_max3A_458 = vector.multi_reduction <maximumf>, %select_n3A_456, %reduce_max3A_457 [1] : vector<32x32x256xf32> to vector<32x256xf32>
    %broadcast_in_dim3A_459 = vector.shape_cast %reduce_max3A_458 : vector<32x256xf32> to vector<32x1x256xf32>
    %slice3A_460 = vector.extract_strided_slice %select_n3A_172 {offsets = [0, 0, 21], sizes = [32, 32, 1], strides = [1, 1, 1]} : vector<32x32x32xf32> to vector<32x32x1xf32>
    %gt3A_461 = arith.constant 0.000000e+00 : f32
    %gt3A_462 = vector.broadcast %gt3A_461 : f32 to vector<32x32x1xf32>
    %gt3A_463 = arith.cmpf ogt, %slice3A_460, %gt3A_462 : vector<32x32x1xf32>
    %jit3A_464 = arith.constant 0.000000e+00 : f32
    %broadcast_in_dim3A_465 = vector.shape_cast %gt3A_463 : vector<32x32x1xi1> to vector<32x32x1xi1>
    %broadcast_in_dim3A_466 = vector.broadcast %broadcast_in_dim3A_465 : vector<32x32x1xi1> to vector<32x32x256xi1>
    %broadcast_in_dim3A_467 = vector.broadcast %jit3A_464 : f32 to vector<32x32x256xf32>
    %select_n3A_468 = arith.select %broadcast_in_dim3A_466, %reshape3A_209, %broadcast_in_dim3A_467 : vector<32x32x256xi1>, vector<32x32x256xf32>
    %reduce_max3A_469 = arith.constant dense<0xFF800000> : vector<32x256xf32>
    %reduce_max3A_470 = vector.multi_reduction <maximumf>, %select_n3A_468, %reduce_max3A_469 [1] : vector<32x32x256xf32> to vector<32x256xf32>
    %broadcast_in_dim3A_471 = vector.shape_cast %reduce_max3A_470 : vector<32x256xf32> to vector<32x1x256xf32>
    %slice3A_472 = vector.extract_strided_slice %select_n3A_172 {offsets = [0, 0, 22], sizes = [32, 32, 1], strides = [1, 1, 1]} : vector<32x32x32xf32> to vector<32x32x1xf32>
    %gt3A_473 = arith.constant 0.000000e+00 : f32
    %gt3A_474 = vector.broadcast %gt3A_473 : f32 to vector<32x32x1xf32>
    %gt3A_475 = arith.cmpf ogt, %slice3A_472, %gt3A_474 : vector<32x32x1xf32>
    %jit3A_476 = arith.constant 0.000000e+00 : f32
    %broadcast_in_dim3A_477 = vector.shape_cast %gt3A_475 : vector<32x32x1xi1> to vector<32x32x1xi1>
    %broadcast_in_dim3A_478 = vector.broadcast %broadcast_in_dim3A_477 : vector<32x32x1xi1> to vector<32x32x256xi1>
    %broadcast_in_dim3A_479 = vector.broadcast %jit3A_476 : f32 to vector<32x32x256xf32>
    %select_n3A_480 = arith.select %broadcast_in_dim3A_478, %reshape3A_209, %broadcast_in_dim3A_479 : vector<32x32x256xi1>, vector<32x32x256xf32>
    %reduce_max3A_481 = arith.constant dense<0xFF800000> : vector<32x256xf32>
    %reduce_max3A_482 = vector.multi_reduction <maximumf>, %select_n3A_480, %reduce_max3A_481 [1] : vector<32x32x256xf32> to vector<32x256xf32>
    %broadcast_in_dim3A_483 = vector.shape_cast %reduce_max3A_482 : vector<32x256xf32> to vector<32x1x256xf32>
    %slice3A_484 = vector.extract_strided_slice %select_n3A_172 {offsets = [0, 0, 23], sizes = [32, 32, 1], strides = [1, 1, 1]} : vector<32x32x32xf32> to vector<32x32x1xf32>
    %gt3A_485 = arith.constant 0.000000e+00 : f32
    %gt3A_486 = vector.broadcast %gt3A_485 : f32 to vector<32x32x1xf32>
    %gt3A_487 = arith.cmpf ogt, %slice3A_484, %gt3A_486 : vector<32x32x1xf32>
    %jit3A_488 = arith.constant 0.000000e+00 : f32
    %broadcast_in_dim3A_489 = vector.shape_cast %gt3A_487 : vector<32x32x1xi1> to vector<32x32x1xi1>
    %broadcast_in_dim3A_490 = vector.broadcast %broadcast_in_dim3A_489 : vector<32x32x1xi1> to vector<32x32x256xi1>
    %broadcast_in_dim3A_491 = vector.broadcast %jit3A_488 : f32 to vector<32x32x256xf32>
    %select_n3A_492 = arith.select %broadcast_in_dim3A_490, %reshape3A_209, %broadcast_in_dim3A_491 : vector<32x32x256xi1>, vector<32x32x256xf32>
    %reduce_max3A_493 = arith.constant dense<0xFF800000> : vector<32x256xf32>
    %reduce_max3A_494 = vector.multi_reduction <maximumf>, %select_n3A_492, %reduce_max3A_493 [1] : vector<32x32x256xf32> to vector<32x256xf32>
    %broadcast_in_dim3A_495 = vector.shape_cast %reduce_max3A_494 : vector<32x256xf32> to vector<32x1x256xf32>
    %slice3A_496 = vector.extract_strided_slice %select_n3A_172 {offsets = [0, 0, 24], sizes = [32, 32, 1], strides = [1, 1, 1]} : vector<32x32x32xf32> to vector<32x32x1xf32>
    %gt3A_497 = arith.constant 0.000000e+00 : f32
    %gt3A_498 = vector.broadcast %gt3A_497 : f32 to vector<32x32x1xf32>
    %gt3A_499 = arith.cmpf ogt, %slice3A_496, %gt3A_498 : vector<32x32x1xf32>
    %jit3A_500 = arith.constant 0.000000e+00 : f32
    %broadcast_in_dim3A_501 = vector.shape_cast %gt3A_499 : vector<32x32x1xi1> to vector<32x32x1xi1>
    %broadcast_in_dim3A_502 = vector.broadcast %broadcast_in_dim3A_501 : vector<32x32x1xi1> to vector<32x32x256xi1>
    %broadcast_in_dim3A_503 = vector.broadcast %jit3A_500 : f32 to vector<32x32x256xf32>
    %select_n3A_504 = arith.select %broadcast_in_dim3A_502, %reshape3A_209, %broadcast_in_dim3A_503 : vector<32x32x256xi1>, vector<32x32x256xf32>
    %reduce_max3A_505 = arith.constant dense<0xFF800000> : vector<32x256xf32>
    %reduce_max3A_506 = vector.multi_reduction <maximumf>, %select_n3A_504, %reduce_max3A_505 [1] : vector<32x32x256xf32> to vector<32x256xf32>
    %broadcast_in_dim3A_507 = vector.shape_cast %reduce_max3A_506 : vector<32x256xf32> to vector<32x1x256xf32>
    %slice3A_508 = vector.extract_strided_slice %select_n3A_172 {offsets = [0, 0, 25], sizes = [32, 32, 1], strides = [1, 1, 1]} : vector<32x32x32xf32> to vector<32x32x1xf32>
    %gt3A_509 = arith.constant 0.000000e+00 : f32
    %gt3A_510 = vector.broadcast %gt3A_509 : f32 to vector<32x32x1xf32>
    %gt3A_511 = arith.cmpf ogt, %slice3A_508, %gt3A_510 : vector<32x32x1xf32>
    %jit3A_512 = arith.constant 0.000000e+00 : f32
    %broadcast_in_dim3A_513 = vector.shape_cast %gt3A_511 : vector<32x32x1xi1> to vector<32x32x1xi1>
    %broadcast_in_dim3A_514 = vector.broadcast %broadcast_in_dim3A_513 : vector<32x32x1xi1> to vector<32x32x256xi1>
    %broadcast_in_dim3A_515 = vector.broadcast %jit3A_512 : f32 to vector<32x32x256xf32>
    %select_n3A_516 = arith.select %broadcast_in_dim3A_514, %reshape3A_209, %broadcast_in_dim3A_515 : vector<32x32x256xi1>, vector<32x32x256xf32>
    %reduce_max3A_517 = arith.constant dense<0xFF800000> : vector<32x256xf32>
    %reduce_max3A_518 = vector.multi_reduction <maximumf>, %select_n3A_516, %reduce_max3A_517 [1] : vector<32x32x256xf32> to vector<32x256xf32>
    %broadcast_in_dim3A_519 = vector.shape_cast %reduce_max3A_518 : vector<32x256xf32> to vector<32x1x256xf32>
    %slice3A_520 = vector.extract_strided_slice %select_n3A_172 {offsets = [0, 0, 26], sizes = [32, 32, 1], strides = [1, 1, 1]} : vector<32x32x32xf32> to vector<32x32x1xf32>
    %gt3A_521 = arith.constant 0.000000e+00 : f32
    %gt3A_522 = vector.broadcast %gt3A_521 : f32 to vector<32x32x1xf32>
    %gt3A_523 = arith.cmpf ogt, %slice3A_520, %gt3A_522 : vector<32x32x1xf32>
    %jit3A_524 = arith.constant 0.000000e+00 : f32
    %broadcast_in_dim3A_525 = vector.shape_cast %gt3A_523 : vector<32x32x1xi1> to vector<32x32x1xi1>
    %broadcast_in_dim3A_526 = vector.broadcast %broadcast_in_dim3A_525 : vector<32x32x1xi1> to vector<32x32x256xi1>
    %broadcast_in_dim3A_527 = vector.broadcast %jit3A_524 : f32 to vector<32x32x256xf32>
    %select_n3A_528 = arith.select %broadcast_in_dim3A_526, %reshape3A_209, %broadcast_in_dim3A_527 : vector<32x32x256xi1>, vector<32x32x256xf32>
    %reduce_max3A_529 = arith.constant dense<0xFF800000> : vector<32x256xf32>
    %reduce_max3A_530 = vector.multi_reduction <maximumf>, %select_n3A_528, %reduce_max3A_529 [1] : vector<32x32x256xf32> to vector<32x256xf32>
    %broadcast_in_dim3A_531 = vector.shape_cast %reduce_max3A_530 : vector<32x256xf32> to vector<32x1x256xf32>
    %slice3A_532 = vector.extract_strided_slice %select_n3A_172 {offsets = [0, 0, 27], sizes = [32, 32, 1], strides = [1, 1, 1]} : vector<32x32x32xf32> to vector<32x32x1xf32>
    %gt3A_533 = arith.constant 0.000000e+00 : f32
    %gt3A_534 = vector.broadcast %gt3A_533 : f32 to vector<32x32x1xf32>
    %gt3A_535 = arith.cmpf ogt, %slice3A_532, %gt3A_534 : vector<32x32x1xf32>
    %jit3A_536 = arith.constant 0.000000e+00 : f32
    %broadcast_in_dim3A_537 = vector.shape_cast %gt3A_535 : vector<32x32x1xi1> to vector<32x32x1xi1>
    %broadcast_in_dim3A_538 = vector.broadcast %broadcast_in_dim3A_537 : vector<32x32x1xi1> to vector<32x32x256xi1>
    %broadcast_in_dim3A_539 = vector.broadcast %jit3A_536 : f32 to vector<32x32x256xf32>
    %select_n3A_540 = arith.select %broadcast_in_dim3A_538, %reshape3A_209, %broadcast_in_dim3A_539 : vector<32x32x256xi1>, vector<32x32x256xf32>
    %reduce_max3A_541 = arith.constant dense<0xFF800000> : vector<32x256xf32>
    %reduce_max3A_542 = vector.multi_reduction <maximumf>, %select_n3A_540, %reduce_max3A_541 [1] : vector<32x32x256xf32> to vector<32x256xf32>
    %broadcast_in_dim3A_543 = vector.shape_cast %reduce_max3A_542 : vector<32x256xf32> to vector<32x1x256xf32>
    %slice3A_544 = vector.extract_strided_slice %select_n3A_172 {offsets = [0, 0, 28], sizes = [32, 32, 1], strides = [1, 1, 1]} : vector<32x32x32xf32> to vector<32x32x1xf32>
    %gt3A_545 = arith.constant 0.000000e+00 : f32
    %gt3A_546 = vector.broadcast %gt3A_545 : f32 to vector<32x32x1xf32>
    %gt3A_547 = arith.cmpf ogt, %slice3A_544, %gt3A_546 : vector<32x32x1xf32>
    %jit3A_548 = arith.constant 0.000000e+00 : f32
    %broadcast_in_dim3A_549 = vector.shape_cast %gt3A_547 : vector<32x32x1xi1> to vector<32x32x1xi1>
    %broadcast_in_dim3A_550 = vector.broadcast %broadcast_in_dim3A_549 : vector<32x32x1xi1> to vector<32x32x256xi1>
    %broadcast_in_dim3A_551 = vector.broadcast %jit3A_548 : f32 to vector<32x32x256xf32>
    %select_n3A_552 = arith.select %broadcast_in_dim3A_550, %reshape3A_209, %broadcast_in_dim3A_551 : vector<32x32x256xi1>, vector<32x32x256xf32>
    %reduce_max3A_553 = arith.constant dense<0xFF800000> : vector<32x256xf32>
    %reduce_max3A_554 = vector.multi_reduction <maximumf>, %select_n3A_552, %reduce_max3A_553 [1] : vector<32x32x256xf32> to vector<32x256xf32>
    %broadcast_in_dim3A_555 = vector.shape_cast %reduce_max3A_554 : vector<32x256xf32> to vector<32x1x256xf32>
    %slice3A_556 = vector.extract_strided_slice %select_n3A_172 {offsets = [0, 0, 29], sizes = [32, 32, 1], strides = [1, 1, 1]} : vector<32x32x32xf32> to vector<32x32x1xf32>
    %gt3A_557 = arith.constant 0.000000e+00 : f32
    %gt3A_558 = vector.broadcast %gt3A_557 : f32 to vector<32x32x1xf32>
    %gt3A_559 = arith.cmpf ogt, %slice3A_556, %gt3A_558 : vector<32x32x1xf32>
    %jit3A_560 = arith.constant 0.000000e+00 : f32
    %broadcast_in_dim3A_561 = vector.shape_cast %gt3A_559 : vector<32x32x1xi1> to vector<32x32x1xi1>
    %broadcast_in_dim3A_562 = vector.broadcast %broadcast_in_dim3A_561 : vector<32x32x1xi1> to vector<32x32x256xi1>
    %broadcast_in_dim3A_563 = vector.broadcast %jit3A_560 : f32 to vector<32x32x256xf32>
    %select_n3A_564 = arith.select %broadcast_in_dim3A_562, %reshape3A_209, %broadcast_in_dim3A_563 : vector<32x32x256xi1>, vector<32x32x256xf32>
    %reduce_max3A_565 = arith.constant dense<0xFF800000> : vector<32x256xf32>
    %reduce_max3A_566 = vector.multi_reduction <maximumf>, %select_n3A_564, %reduce_max3A_565 [1] : vector<32x32x256xf32> to vector<32x256xf32>
    %broadcast_in_dim3A_567 = vector.shape_cast %reduce_max3A_566 : vector<32x256xf32> to vector<32x1x256xf32>
    %slice3A_568 = vector.extract_strided_slice %select_n3A_172 {offsets = [0, 0, 30], sizes = [32, 32, 1], strides = [1, 1, 1]} : vector<32x32x32xf32> to vector<32x32x1xf32>
    %gt3A_569 = arith.constant 0.000000e+00 : f32
    %gt3A_570 = vector.broadcast %gt3A_569 : f32 to vector<32x32x1xf32>
    %gt3A_571 = arith.cmpf ogt, %slice3A_568, %gt3A_570 : vector<32x32x1xf32>
    %jit3A_572 = arith.constant 0.000000e+00 : f32
    %broadcast_in_dim3A_573 = vector.shape_cast %gt3A_571 : vector<32x32x1xi1> to vector<32x32x1xi1>
    %broadcast_in_dim3A_574 = vector.broadcast %broadcast_in_dim3A_573 : vector<32x32x1xi1> to vector<32x32x256xi1>
    %broadcast_in_dim3A_575 = vector.broadcast %jit3A_572 : f32 to vector<32x32x256xf32>
    %select_n3A_576 = arith.select %broadcast_in_dim3A_574, %reshape3A_209, %broadcast_in_dim3A_575 : vector<32x32x256xi1>, vector<32x32x256xf32>
    %reduce_max3A_577 = arith.constant dense<0xFF800000> : vector<32x256xf32>
    %reduce_max3A_578 = vector.multi_reduction <maximumf>, %select_n3A_576, %reduce_max3A_577 [1] : vector<32x32x256xf32> to vector<32x256xf32>
    %broadcast_in_dim3A_579 = vector.shape_cast %reduce_max3A_578 : vector<32x256xf32> to vector<32x1x256xf32>
    %slice3A_580 = vector.extract_strided_slice %select_n3A_172 {offsets = [0, 0, 31], sizes = [32, 32, 1], strides = [1, 1, 1]} : vector<32x32x32xf32> to vector<32x32x1xf32>
    %gt3A_581 = arith.constant 0.000000e+00 : f32
    %gt3A_582 = vector.broadcast %gt3A_581 : f32 to vector<32x32x1xf32>
    %gt3A_583 = arith.cmpf ogt, %slice3A_580, %gt3A_582 : vector<32x32x1xf32>
    %jit3A_584 = arith.constant 0.000000e+00 : f32
    %broadcast_in_dim3A_585 = vector.shape_cast %gt3A_583 : vector<32x32x1xi1> to vector<32x32x1xi1>
    %broadcast_in_dim3A_586 = vector.broadcast %broadcast_in_dim3A_585 : vector<32x32x1xi1> to vector<32x32x256xi1>
    %broadcast_in_dim3A_587 = vector.broadcast %jit3A_584 : f32 to vector<32x32x256xf32>
    %select_n3A_588 = arith.select %broadcast_in_dim3A_586, %reshape3A_209, %broadcast_in_dim3A_587 : vector<32x32x256xi1>, vector<32x32x256xf32>
    %reduce_max3A_589 = arith.constant dense<0xFF800000> : vector<32x256xf32>
    %reduce_max3A_590 = vector.multi_reduction <maximumf>, %select_n3A_588, %reduce_max3A_589 [1] : vector<32x32x256xf32> to vector<32x256xf32>
    %broadcast_in_dim3A_591 = vector.shape_cast %reduce_max3A_590 : vector<32x256xf32> to vector<32x1x256xf32>
    %concatenate3A = tpu.concatenate %broadcast_in_dim3A_219, %broadcast_in_dim3A_231, %broadcast_in_dim3A_243, %broadcast_in_dim3A_255, %broadcast_in_dim3A_267, %broadcast_in_dim3A_279, %broadcast_in_dim3A_291, %broadcast_in_dim3A_303, %broadcast_in_dim3A_315, %broadcast_in_dim3A_327, %broadcast_in_dim3A_339, %broadcast_in_dim3A_351, %broadcast_in_dim3A_363, %broadcast_in_dim3A_375, %broadcast_in_dim3A_387, %broadcast_in_dim3A_399, %broadcast_in_dim3A_411, %broadcast_in_dim3A_423, %broadcast_in_dim3A_435, %broadcast_in_dim3A_447, %broadcast_in_dim3A_459, %broadcast_in_dim3A_471, %broadcast_in_dim3A_483, %broadcast_in_dim3A_495, %broadcast_in_dim3A_507, %broadcast_in_dim3A_519, %broadcast_in_dim3A_531, %broadcast_in_dim3A_543, %broadcast_in_dim3A_555, %broadcast_in_dim3A_567, %broadcast_in_dim3A_579, %broadcast_in_dim3A_591 in 1 : vector<32x1x256xf32>, vector<32x1x256xf32>, vector<32x1x256xf32>, vector<32x1x256xf32>, vector<32x1x256xf32>, vector<32x1x256xf32>, vector<32x1x256xf32>, vector<32x1x256xf32>, vector<32x1x256xf32>, vector<32x1x256xf32>, vector<32x1x256xf32>, vector<32x1x256xf32>, vector<32x1x256xf32>, vector<32x1x256xf32>, vector<32x1x256xf32>, vector<32x1x256xf32>, vector<32x1x256xf32>, vector<32x1x256xf32>, vector<32x1x256xf32>, vector<32x1x256xf32>, vector<32x1x256xf32>, vector<32x1x256xf32>, vector<32x1x256xf32>, vector<32x1x256xf32>, vector<32x1x256xf32>, vector<32x1x256xf32>, vector<32x1x256xf32>, vector<32x1x256xf32>, vector<32x1x256xf32>, vector<32x1x256xf32>, vector<32x1x256xf32>, vector<32x1x256xf32> -> vector<32x32x256xf32>
    %reshape3A_592 = vector.shape_cast %concatenate3A : vector<32x32x256xf32> to vector<1024x256xf32>
    %dot_general3A_593 = arith.constant dense<0.000000e+00> : vector<1024x256xf32>
    %dot_general3A_594 = tpu.matmul %reshape3A_592, %get3A_37, %dot_general3A_593 {dimension_numbers = #tpu.dot_dimension_numbers<[1], [0], [0], [1], [0, 0, 1, 1], [], []>, transpose_lhs_hint = false} : vector<1024x256xf32>, vector<256x256xf32>, vector<1024x256xf32> -> vector<1024x256xf32>
    %add3A_595 = vector.broadcast %get3A_40 : vector<1x256xf32> to vector<1024x256xf32>
    %add3A_596 = arith.addf %dot_general3A_594, %add3A_595 : vector<1024x256xf32>
    %mul3A_597 = vector.broadcast %get3A_43 : vector<1x256xf32> to vector<1024x256xf32>
    %mul3A_598 = arith.mulf %mul3A_597, %add3A_596 : vector<1024x256xf32>
    %add3A_599 = vector.broadcast %get3A_46 : vector<1x256xf32> to vector<1024x256xf32>
    %add3A_600 = arith.addf %mul3A_598, %add3A_599 : vector<1024x256xf32>
    %max3A_601 = arith.constant 0.000000e+00 : f32
    %max3A_602 = vector.broadcast %max3A_601 : f32 to vector<1024x256xf32>
    %max3A_603 = arith.maximumf %add3A_600, %max3A_602 : vector<1024x256xf32>
    %dot_general3A_604 = arith.constant dense<0.000000e+00> : vector<1024x256xf32>
    %dot_general3A_605 = tpu.matmul %max3A_603, %get3A_49, %dot_general3A_604 {dimension_numbers = #tpu.dot_dimension_numbers<[1], [0], [0], [1], [0, 0, 1, 1], [], []>, transpose_lhs_hint = false} : vector<1024x256xf32>, vector<256x256xf32>, vector<1024x256xf32> -> vector<1024x256xf32>
    %add3A_606 = vector.broadcast %get3A_52 : vector<1x256xf32> to vector<1024x256xf32>
    %add3A_607 = arith.addf %dot_general3A_605, %add3A_606 : vector<1024x256xf32>
    %mul3A_608 = vector.broadcast %get3A_55 : vector<1x256xf32> to vector<1024x256xf32>
    %mul3A_609 = arith.mulf %mul3A_608, %add3A_607 : vector<1024x256xf32>
    %add3A_610 = vector.broadcast %get3A_58 : vector<1x256xf32> to vector<1024x256xf32>
    %add3A_611 = arith.addf %mul3A_609, %add3A_610 : vector<1024x256xf32>
    %max3A_612 = arith.constant 0.000000e+00 : f32
    %max3A_613 = vector.broadcast %max3A_612 : f32 to vector<1024x256xf32>
    %max3A_614 = arith.maximumf %add3A_611, %max3A_613 : vector<1024x256xf32>
    %dot_general3A_615 = arith.constant dense<0.000000e+00> : vector<1024x512xf32>
    %dot_general3A_616 = tpu.matmul %max3A_614, %get3A_61, %dot_general3A_615 {dimension_numbers = #tpu.dot_dimension_numbers<[1], [0], [0], [1], [0, 0, 1, 1], [], []>, transpose_lhs_hint = false} : vector<1024x256xf32>, vector<256x512xf32>, vector<1024x512xf32> -> vector<1024x512xf32>
    %add3A_617 = vector.broadcast %get3A_64 : vector<1x512xf32> to vector<1024x512xf32>
    %add3A_618 = arith.addf %dot_general3A_616, %add3A_617 : vector<1024x512xf32>
    %mul3A_619 = vector.broadcast %get3A_67 : vector<1x512xf32> to vector<1024x512xf32>
    %mul3A_620 = arith.mulf %mul3A_619, %add3A_618 : vector<1024x512xf32>
    %add3A_621 = vector.broadcast %get3A_70 : vector<1x512xf32> to vector<1024x512xf32>
    %add3A_622 = arith.addf %mul3A_620, %add3A_621 : vector<1024x512xf32>
    %max3A_623 = arith.constant 0.000000e+00 : f32
    %max3A_624 = vector.broadcast %max3A_623 : f32 to vector<1024x512xf32>
    %max3A_625 = arith.maximumf %add3A_622, %max3A_624 : vector<1024x512xf32>
    %reshape3A_626 = vector.shape_cast %max3A_625 : vector<1024x512xf32> to vector<32x32x512xf32>
    %reduce_max3A_627 = arith.constant dense<0xFF800000> : vector<32x512xf32>
    %reduce_max3A_628 = vector.multi_reduction <maximumf>, %reshape3A_626, %reduce_max3A_627 [1] : vector<32x32x512xf32> to vector<32x512xf32>
    %dot_general3A_629 = arith.constant dense<0.000000e+00> : vector<32x1024xf32>
    %dot_general3A_630 = tpu.matmul %reduce_max3A_628, %get3A_73, %dot_general3A_629 {dimension_numbers = #tpu.dot_dimension_numbers<[1], [0], [0], [1], [0, 0, 1, 1], [], []>, transpose_lhs_hint = false} : vector<32x512xf32>, vector<512x1024xf32>, vector<32x1024xf32> -> vector<32x1024xf32>
    %add3A_631 = vector.broadcast %get3A_76 : vector<1x1024xf32> to vector<32x1024xf32>
    %add3A_632 = arith.addf %dot_general3A_630, %add3A_631 : vector<32x1024xf32>
    %mul3A_633 = vector.broadcast %get3A_79 : vector<1x1024xf32> to vector<32x1024xf32>
    %mul3A_634 = arith.mulf %mul3A_633, %add3A_632 : vector<32x1024xf32>
    %add3A_635 = vector.broadcast %get3A_82 : vector<1x1024xf32> to vector<32x1024xf32>
    %add3A_636 = arith.addf %mul3A_634, %add3A_635 : vector<32x1024xf32>
    %max3A_637 = arith.constant 0.000000e+00 : f32
    %max3A_638 = vector.broadcast %max3A_637 : f32 to vector<32x1024xf32>
    %max3A_639 = arith.maximumf %add3A_636, %max3A_638 : vector<32x1024xf32>
    %dot_general3A_640 = arith.constant dense<0.000000e+00> : vector<32x512xf32>
    %dot_general3A_641 = tpu.matmul %max3A_639, %get3A_85, %dot_general3A_640 {dimension_numbers = #tpu.dot_dimension_numbers<[1], [0], [0], [1], [0, 0, 1, 1], [], []>, transpose_lhs_hint = false} : vector<32x1024xf32>, vector<1024x512xf32>, vector<32x512xf32> -> vector<32x512xf32>
    %add3A_642 = vector.broadcast %get3A_88 : vector<1x512xf32> to vector<32x512xf32>
    %add3A_643 = arith.addf %dot_general3A_641, %add3A_642 : vector<32x512xf32>
    %mul3A_644 = vector.broadcast %get3A_91 : vector<1x512xf32> to vector<32x512xf32>
    %mul3A_645 = arith.mulf %mul3A_644, %add3A_643 : vector<32x512xf32>
    %add3A_646 = vector.broadcast %get3A_94 : vector<1x512xf32> to vector<32x512xf32>
    %add3A_647 = arith.addf %mul3A_645, %add3A_646 : vector<32x512xf32>
    %max3A_648 = arith.constant 0.000000e+00 : f32
    %max3A_649 = vector.broadcast %max3A_648 : f32 to vector<32x512xf32>
    %max3A_650 = arith.maximumf %add3A_647, %max3A_649 : vector<32x512xf32>
    %swap3A = arith.constant 0 : index
    %swap3A_651 = arith.constant 0 : index
    %swap3A_652 = vector.load %arg39[%swap3A, %swap3A_651] : memref<32x512xf32, #tpu.memory_space<vmem>>, vector<32x512xf32>
    tpu.vector_store %arg39[%swap3A, %swap3A_651], %max3A_650 {strides = array<i32>} : memref<32x512xf32, #tpu.memory_space<vmem>>, vector<32x512xf32>,
    return
  }
}

</mosaic_0001>

<sc_bundles>
// kernel: kernel.7.cloned.1.call-start
scs
__scs_entry_jumppad:
0x0: {  	(pc) =	sbr.rel $0x88, $3  }
0x1: {  	(tag) =	ssettag $0x0;
	lr =	simm.s32 $0x1  }
0x2: {  	[smem:$0x3F74] =	sst lr;
	_ =	strace $0xD0000000  }
0x3: {  	_ = 	snop  }
0x4: {  	_ = 	snop  }
0x5: {  	_ = 	snop  }
0x6: {  	_ = 	snop  }
0x7: {  	_ = 	snop  }
__scs_overlays_trampoline_lowered:
0x8: {  	[smem:$0x3F83] =	sst s0  }
0x9: {  	[smem:$0x3F84] =	sst s1  }
0xa: {  	[smem:$0x3F85] =	sst s2  }
0xb: {  	[smem:$0x3F86] =	sst s3  }
0xc: {  	[smem:$0x3F87] =	sst s4  }
0xd: {  	[smem:$0x3F88] =	sst s5  }
0xe: {  	[smem:$0x3F89] =	sst s6  }
0xf: {  	[smem:$0x3F8A] =	sst s7  }
0x10: {  	[smem:$0x3F8B] =	sst s8  }
0x11: {  	[smem:$0x3F8C] =	sst s9;
	s0 =	simm.s32 @!p0 $0x0  }
0x12: {  	s1 =	sld [smem:$0x3F72];
	s0 =	simm.s32 @p0 $0x1  }
0x13: {  	[smem:$0x3F8D] =	sst s0;
	s0 =	simm.s32 @!p1 $0x0  }
0x14: {  	s2 =	sld [smem:$0x3F71];
	s0 =	simm.s32 @p1 $0x1  }
0x15: {  	[smem:$0x3F8E] =	sst s0;
	s0 =	simm.s32 @!p2 $0x0  }
0x16: {  	s3 =	sld [smem:$0x3FDB];
	s0 =	simm.s32 @p2 $0x1  }
0x17: {  	s4 =	simm.s32 $0x1BF5;
	[smem:$0x3F90] =	sst s0  }
0x18: {  	s0 =	sld [smem:$0x3F73];
	_ =	swait.ge [sflag:s4], $0x0  }
0x19: {  	s7 =	sld [smem:$0x3F74]  }
0x1a: {  	s8 =	sadd.s32 $0xFFFFE003, lr  }
0x1b: {  	s9 =	sadd.s32 $0xFFFFFEF7, lr;
	s5 =	simm.s32 $0xFFFFFFFF;
	p2 =	slt.u32 s8, $0xFFFFF086  }
0x1c: {  	p1 =	slt.u32 s9, $0xF7A;
	s5 =	simm.s32 @!p2 $0x0  }
0x1d: {  	s5 =	simm.s32 @p1 $0x1;
	p0 =	seq.s32 s7, s2  }
0x1e: {  	s7 =	smul.u32 @!p0 $0xF7A, s2;
	p2 =	seq.s32 @!p0 s5, $0x0  }
0x1f: {  	s9 =	smul.u32 $0xF7A, s1;
	s8 =	simm.s32 @!p0 $0x1BF5;
	p2 =	por !p2, p0  }
0x20: {  	[sflag:s8] =	ssyncset.s32 @!p0 $0xFFFFF086;
	s6 =	sadd.s32 @!p0 s3, s7;
	s7 =	simm.s32 @!p0 $0x108  }
0x21: {  	s3 =	sadd.s32 s3, s9;
	s6 =	sadd.s32 @!p0 $0x88, s6;
	s7 =	simm.s32 @p2 $0x1082  }
0x22: {  	[simem:s7], [sflag:s8] =	dma.local @!p0 [hbm:s6], $0xF7A  }
0x23: {  	s9 =	sor.u32 $0xD0000000, s2;
	s6 =	simm.s32 $0x108;
	_ =	swait.ge @!p0 [sflag:s8], $0x0  }
0x24: {  	s3 =	sadd.s32 $0x88, s3;
	s6 =	simm.s32 @!p1 $0x1082;
	[sflag:s4] =	ssyncset.s32 $0xFFFFF086  }
0x25: {  	[simem:s6], [sflag:s4] =	dma.local [hbm:s3], $0xF7A  }
0x26: {  	[smem:$0x3F74] =	sst s1;
	(tag) =	ssettag s2;
	_ =	strace s9  }
0x27: {  	s1 =	sld [smem:$0x3F84]  }
0x28: {  	s2 =	sld [smem:$0x3F85]  }
0x29: {  	s4 =	sld [smem:$0x3F87]  }
0x2a: {  	p0 =	seq.s32 s5, $0x0;
	s5 =	sld [smem:$0x3F88]  }
0x2b: {  	s6 =	sld [smem:$0x3F89]  }
0x2c: {  	s7 =	sld [smem:$0x3F8A]  }
0x2d: {  	s3 =	simm.s32 $0x108;
	s8 =	sld [smem:$0x3F8B]  }
0x2e: {  	s3 =	simm.s32 @!p0 $0x1082;
	s9 =	sld [smem:$0x3F8C]  }
0x2f: {  	lr =	sadd.s32 s0, s3;
	s0 =	sld [smem:$0x3F83]  }
0x30: {  	s3 =	sld [smem:$0x3F86]  }
0x31: {  	[smem:$0x3F8F] =	sst s10  }
0x32: {  	s10 =	sld [smem:$0x3F8D];
	_ =	sdelay $0x3  }
0x33: {  	p0 =	seq.s32 s10, $0x1;
	s10 =	sld [smem:$0x3F8F];
	_ =	sdelay $0x3  }
0x34: {  	[smem:$0x3F8F] =	sst s10  }
0x35: {  	s10 =	sld [smem:$0x3F8E];
	_ =	sdelay $0x3  }
0x36: {  	p1 =	seq.s32 s10, $0x1;
	s10 =	sld [smem:$0x3F8F];
	_ =	sdelay $0x3  }
0x37: {  	[smem:$0x3F8F] =	sst s10  }
0x38: {  	s10 =	sld [smem:$0x3F90]  }
0x39: {  	_ = 	snop;
	(pc) =	sbr.ind lr, $3  }
0x3a: {  	_ = 	snop  }
0x3b: {  	_ = 	snop  }
0x3c: {  	p2 =	seq.s32 s10, $0x1;
	s10 =	sld [smem:$0x3F8F]  }
0x3d: {  	_ =	shalt  }
0x3e: {  	_ =	shalt  }
0x3f: {  	_ =	shalt  }
0x40: {  	_ =	shalt  }
0x41: {  	_ =	shalt  }
0x42: {  	_ =	shalt  }
0x43: {  	_ =	shalt  }
0x44: {  	_ =	shalt  }
0x45: {  	_ =	shalt  }
0x46: {  	_ =	shalt  }
0x47: {  	_ =	shalt  }
0x48: {  	_ =	shalt  }
0x49: {  	_ =	shalt  }
0x4a: {  	_ =	shalt  }
0x4b: {  	_ =	shalt  }
0x4c: {  	_ =	shalt  }
0x4d: {  	_ =	shalt  }
0x4e: {  	_ =	shalt  }
0x4f: {  	_ =	shalt  }
0x50: {  	_ =	shalt  }
0x51: {  	_ =	shalt  }
0x52: {  	_ =	shalt  }
0x53: {  	_ =	shalt  }
0x54: {  	_ =	shalt  }
0x55: {  	_ =	shalt  }
0x56: {  	_ =	shalt  }
0x57: {  	_ =	shalt  }
0x58: {  	_ =	shalt  }
0x59: {  	_ =	shalt  }
0x5a: {  	_ =	shalt  }
0x5b: {  	_ =	shalt  }
0x5c: {  	_ =	shalt  }
0x5d: {  	_ =	shalt  }
0x5e: {  	_ =	shalt  }
0x5f: {  	_ =	shalt  }
0x60: {  	_ =	shalt  }
0x61: {  	_ =	shalt  }
0x62: {  	_ =	shalt  }
0x63: {  	_ =	shalt  }
0x64: {  	_ =	shalt  }
0x65: {  	_ =	shalt  }
0x66: {  	_ =	shalt  }
0x67: {  	_ =	shalt  }
0x68: {  	_ =	shalt  }
0x69: {  	_ =	shalt  }
0x6a: {  	_ =	shalt  }
0x6b: {  	_ =	shalt  }
0x6c: {  	_ =	shalt  }
0x6d: {  	_ =	shalt  }
0x6e: {  	_ =	shalt  }
0x6f: {  	_ =	shalt  }
0x70: {  	_ =	shalt  }
0x71: {  	_ =	shalt  }
0x72: {  	_ =	shalt  }
0x73: {  	_ =	shalt  }
0x74: {  	_ =	shalt  }
0x75: {  	_ =	shalt  }
0x76: {  	_ =	shalt  }
0x77: {  	_ =	shalt  }
0x78: {  	_ =	shalt  }
0x79: {  	_ =	shalt  }
0x7a: {  	_ =	shalt  }
0x7b: {  	_ =	shalt  }
0x7c: {  	_ =	shalt  }
0x7d: {  	_ =	shalt  }
0x7e: {  	_ =	shalt  }
0x7f: {  	_ =	shalt  }
0x80: {  	_ =	shalt  }
0x81: {  	_ =	shalt  }
0x82: {  	_ =	shalt  }
0x83: {  	_ =	shalt  }
0x84: {  	_ =	shalt  }
0x85: {  	_ =	shalt  }
0x86: {  	_ =	shalt  }
0x87: {  	_ =	shalt  }
.Lfunc_end0:
.L_simem_size_0:
called_computation.1_lowered:
.L_overlay_start_0:
0x88: {  	s2 =	sld [smem:$0x3FD9]  }
0x89: {  	s3 =	sld [smem:$0x3FFE];
	_ =	sdelay $0x1  }
0x8a: {  	s1 =	srdreg.scid  }
0x8b: {  	s0 =	sand.u32 $0x1, s1  }
0x8c: {  	s16 =	sshll.u32 s0, $0xA;
	s2 =	sadd.s32 s3, s2  }
0x8d: {  	s2 =	sadd.s32 s2, s16  }
0x8e: {  	[smem:$0x3F9B] =	sst s2  }
0x8f: {  	_ = 	snop  }
0x90: {  	(tm) =	ssettm $0x1  }
0x91: {  	s17 =	sld [smem:$0x3FFB];
	_ =	sdelay $0x3  }
0x92: {  	_ =	strace s17  }
0x93: {  	s2 =	sld [smem:$0x3FFC];
	_ =	sdelay $0x3  }
0x94: {  	_ =	strace s2  }
0x95: {  	s2 =	sld [smem:$0x3FFD];
	_ =	sdelay $0x3  }
0x96: {  	_ =	strace s2  }
0x97: {  	_ =	strace $0x8FFFFFFF  }
0x98: {  	s18 =	sld [smem:$0x3FDB];
	_ =	sdelay $0x1  }
0x99: {  	s19 =	simm.s32 $_scs_section_size  }
0x9a: {  	s4 =	simm.s32 $_size__tile_overlayer_lowered;
	s5 =	simm.s32 $_tile_overlayer_lowered  }
0x9b: {  	s22 =	simm.s32 $0x1BFF;
	s21 =	sshll.u32 s5, $0x1;
	s2 =	sadd.s32 s19, s18  }
0x9c: {  	s6 =	simm.s32 $0x0;
	s20 =	sshll.u32 s4, $0x1;
	s4 =	sadd.s32 s21, s2  }
0x9d: {  	[timem:s6], [sflag:s22] =	dma.local [hbm:s4], s20  }
0x9e: {  	_ =	swait.ge [sflag:s22], s20  }
0x9f: {  	s3 =	ssub.s32 $0x0, s20;
	[sflag:s22] =	ssyncset.done $0x0  }
0xa0: {  	[sflag:s22] =	ssyncadd.s32 s3;
	_ =	sdelay $0x1  }
0xa1: {  	s23 =	simm.s32 $0x1B8B  }
0xa2: {  	_ =	swait.ge [sflag:s23], $0x1  }
0xa3: {  	[sflag:s23] =	ssyncset.done $0x0  }
0xa4: {  	s25 =	simm.s32 $0x1B8E;
	s24 =	sld [smem:$0x3FFE];
	[sflag:s23] =	ssyncadd.s32 $0xFFFFFFFF  }
0xa5: {  	s26 =	simm.s32 $execute0_lowered;
	[smem:$0x3FD2] =	sst s25  }
0xa6: {  	s4 =	sshll.u32 s26, $0x1;
	_ =	strace $0x80000049;
	[dreg:$0x1] =	wrdreg $0xFFFFFFFF  }
0xa7: {  	s28 =	simm.s32 $_size_execute0_lowered;
	s2 =	sadd.s32 s2, s4;
	[dreg:$0x0] =	wrdreg $0x0  }
0xa8: {  	s4 =	sshll.u32 s28, $0x1;
	[dreg:$0x2] =	wrdreg s2  }
0xa9: {  	[dreg:$0x3] =	wrdreg s4  }
0xaa: {  	[dreg:$0x4] =	wrdreg $0xC0  }
0xab: {  	_ =	task [dreg:s6], $0x5FFFF  }
0xac: {  	[dreg:$0x1] =	wrdreg $0xFFFFFFFF  }
0xad: {  	[dreg:$0x0] =	wrdreg $0x60  }
0xae: {  	[dreg:$0x2] =	wrdreg s24  }
0xaf: {  	[dreg:$0x3] =	wrdreg $0x9  }
0xb0: {  	_ =	task.clear_ibuf [dreg:s6], $0x4FFFF;
	_ =	strace $0x90000049  }
0xb1: {  	s29 =	simm.s32 $0x9;
	_ =	strace $0x8000004B  }
0xb2: {  	_ =	swait.ge [sflag:s29], $0x1  }
0xb3: {  	[sflag:s29] =	ssyncadd.s32 $0xFFFFFFFF  }
0xb4: {  	_ =	strace $0x9000004B  }
0xb5: {  	_ =	sfence  }
0xb6: {  	s30 =	sld [smem:$0x0];
	_ =	sdelay $0x2  }
0xb7: {  	s31 =	sshll.u32 s1, $0xD;
	s1 =	sshrl.u32 s1, $0x2  }
0xb8: {  	s3 =	sand.u32 $0x4000, s31;
	s1 =	sadd.s32 s1, s30  }
0xb9: {  	s0 =	sor.u32 s3, s0;
	s1 =	sshll.u32 s1, $0x11  }
0xba: {  	s0 =	sor.u32 s1, s0  }
0xbb: {  	s0 =	sadd.s32 $0x8F2B, s0  }
0xbc: {  	[sflag:s0] =	ssyncadd.remote.s32 $0x1  }
0xbd: {  	_ =	sfence.sel $0xFFFF  }
0xbe: {  	[dreg:$0x0] =	wrdreg $0xFFFFFFFF;
	(pc) =	sbr.abs _section_cstart, $3  }
0xbf: {  	[dreg:$0x1] =	wrdreg $0xFFFFFFFF  }
0xc0: {  	_ =	task.clear_ibuf [dreg:s6], $0x2FFFF;
	_ =	strace $0x9FFFFFFF  }
0xc1: {  	(tm) =	ssettm $0x7FFFFFFF  }
tec
execute0_lowered:
.L_overlay_start_1:
0x0: {  	(tag) =	ssettag $0x1  }
0x1: {  	s0 =	rddreg [dreg:$0x0];
	s11 =	simm.s32 $0x0;
	s1 =	srdreg.scid  }
0x2: {  	s2 =	stileid.u32;
	[smem:$0x7FF] =	sst s11;
	s1 =	sand.u32 $0x1, s1  }
0x3: {  	s3 =	sshll.u32 s2, $0x1;
	s25 =	sadd.s32 $0x212C00, s0;
	_ =	strace $0x8000004A  }
0x4: {  	s7 =	sor.u32 s1, s3;
	[dreg:$0x2] =	wrdreg s25;
	s1 =	ssub.s32 $0x2, s1  }
0x5: {  	s3 =	sshll.u32 s7, $0xF;
	s4 =	sshll.u32 s7, $0x8;
	s5 =	sshll.u32 s7, $0x2  }
0x6: {  	s8 =	sshll.u32 s7, $0xB;
	s26 =	sshrl.u32 s1, $0x1;
	s4 =	sadd.s32 s4, s0  }
0x7: {  	s6 =	sadd.s32 s3, s0;
	s5 =	sadd.s32 s5, s0;
	s28 =	sadd.s32 $0x612C00, s4  }
.Ltmp0:
0x8: {  	s29 =	sadd.s32 $0x614C00, s5;
	[dreg:$0x3] =	wrdreg s28;
	(pc) =	sbr.rel .LBB2_1-.Ltmp0, $4  }
0x9: {  	s0 =	sadd.s32 s8, s0;
	s30 =	sadd.s32 $0x112C00, s6;
	[dreg:$0x4] =	wrdreg s29  }
0xa: {  	v1 =	vlaneseq.u32;
	s1 =	ssub.s32 s1, s26;
	s0 =	sadd.s32 $0x12C00, s0;
	[dreg:$0x5] =	wrdreg s30  }
0xb: {  	v2 =	vor.u32 $0x10, v1;
	s10 =	sshll.u32 s7, $0x10;
	s31 =	smax.u32 s1, $0x1;
	[dreg:$0x6] =	wrdreg s0  }
0xc: {  	s9 =	simm.s32 $0x2;
	v3 =	vor.u32 $0x20, v1;
	v4 =	vor.u32 $0x30, v1;
	v0 =	vmov s10;
	s1 =	simm.s32 $0x0;
	[dreg:$0x7] =	wrdreg s31  }
.LBB2_8:
0xd: {  	s0 =	rddreg [dreg:$0x2]  }
0xe: {  	s1 =	simm.s32 $0x800;
	s2 =	simm.s32 $0x2A00;
	s3 =	simm.s32 $0x6A00  }
0xf: {  	[tilespmem:s3], [sflag:$0x1] =	stream.indirect.gather [hbm4b:s0+s1], $0x1, s2, s1, $0xb8;
	[tilespmem:$0xAA00] =	vst v63  }
0x10: {  	s14 =	simm.s32 $0x3200;
	s4 =	simm.s32 $0x7200  }
0x11: {  	[tilespmem:s4], [sflag:$0x1] =	stream.indirect.gather [hbm4b:s0+s1], $0x1, s14, s1, $0xb8;
	[tilespmem:$0xAA00] =	vst v63  }
0x12: {  	s15 =	simm.s32 $0x3A00;
	s16 =	simm.s32 $0x7A00  }
0x13: {  	[tilespmem:s16], [sflag:$0x1] =	stream.indirect.gather [hbm4b:s0+s1], $0x1, s15, s1, $0xb8;
	[tilespmem:$0xAA00] =	vst v63  }
0x14: {  	s17 =	simm.s32 $0x4200;
	s18 =	simm.s32 $0x8200  }
0x15: {  	[tilespmem:s18], [sflag:$0x1] =	stream.indirect.gather [hbm4b:s0+s1], $0x1, s17, s1, $0xb8;
	[tilespmem:$0xAA00] =	vst v63  }
0x16: {  	s19 =	simm.s32 $0x4A00;
	s20 =	simm.s32 $0x8A00  }
0x17: {  	[tilespmem:s20], [sflag:$0x1] =	stream.indirect.gather [hbm4b:s0+s1], $0x1, s19, s1, $0xb8;
	[tilespmem:$0xAA00] =	vst v63  }
0x18: {  	s21 =	simm.s32 $0x5200;
	s22 =	simm.s32 $0x9200  }
0x19: {  	[tilespmem:s22], [sflag:$0x1] =	stream.indirect.gather [hbm4b:s0+s1], $0x1, s21, s1, $0xb8;
	[tilespmem:$0xAA00] =	vst v63  }
0x1a: {  	s23 =	simm.s32 $0x5A00;
	s24 =	simm.s32 $0x9A00  }
0x1b: {  	[tilespmem:s24], [sflag:$0x1] =	stream.indirect.gather [hbm4b:s0+s1], $0x1, s23, s1, $0xb8;
	[tilespmem:$0xAA00] =	vst v63  }
0x1c: {  	s25 =	simm.s32 $0x6200;
	s26 =	simm.s32 $0xA200;
	s28 =	simm.s32 $0x1  }
0x1d: {  	[tilespmem:s26], [sflag:$0x1] =	stream.indirect.gather [hbm4b:s0+s1], $0x1, s25, s1, $0xb8;
	[tilespmem:$0xAA00] =	vst v63  }
0x1e: {  	_ =	swait.ge [sflag:s28], $0x800  }
0x1f: {  	[sflag:s28] =	ssyncset.done $0x0  }
0x20: {  	[sflag:s28] =	ssyncadd.s32 $0xFFFFF800  }
0x21: {  	_ =	swait.ge [sflag:s28], $0x800  }
0x22: {  	[sflag:s28] =	ssyncset.done $0x0  }
0x23: {  	[sflag:s28] =	ssyncadd.s32 $0xFFFFF800  }
0x24: {  	_ =	swait.ge [sflag:s28], $0x800  }
0x25: {  	[sflag:s28] =	ssyncset.done $0x0  }
0x26: {  	[sflag:s28] =	ssyncadd.s32 $0xFFFFF800  }
0x27: {  	_ =	swait.ge [sflag:s28], $0x800  }
0x28: {  	[sflag:s28] =	ssyncset.done $0x0  }
0x29: {  	[sflag:s28] =	ssyncadd.s32 $0xFFFFF800  }
0x2a: {  	_ =	swait.ge [sflag:s28], $0x800  }
0x2b: {  	[sflag:s28] =	ssyncset.done $0x0  }
0x2c: {  	[sflag:s28] =	ssyncadd.s32 $0xFFFFF800  }
0x2d: {  	_ =	swait.ge [sflag:s28], $0x800  }
0x2e: {  	[sflag:s28] =	ssyncset.done $0x0  }
0x2f: {  	[sflag:s28] =	ssyncadd.s32 $0xFFFFF800  }
0x30: {  	_ =	swait.ge [sflag:s28], $0x800  }
0x31: {  	[sflag:s28] =	ssyncset.done $0x0  }
0x32: {  	[sflag:s28] =	ssyncadd.s32 $0xFFFFF800  }
0x33: {  	_ =	swait.ge [sflag:s28], $0x800  }
0x34: {  	[sflag:s28] =	ssyncset.done $0x0  }
0x35: {  	s11 =	simm.s32 $0x0;
	s29 =	rddreg [dreg:$0x6];
	[sflag:s28] =	ssyncadd.s32 $0xFFFFF800  }
0x36: {  	[hbm4b:s29+s11] =	stream.linear.scatter [tilespmem:s3], [sflag:$0x2], $0x4000, $0x38;
	[tilespmem:$0xAA00] =	vst v63  }
0x37: {  	_ =	swait.ge [sflag:s9], $0x4000  }
0x38: {  	s30 =	rddreg [dreg:$0x8]  }
0x39: {  	s31 =	rddreg [dreg:$0x7];
	s1 =	sadd.s32 $0x1, s30  }
0x3a: {  	p0 =	sne.s32 s1, s31  }
.Ltmp1:
0x3b: {  	_ = 	snop;
	(pc) =	sbr.rel @!p0 .LBB2_9-.Ltmp1, $3  }
0x3c: {  	_ =	sdelay $0x1  }
0x3d: {  	[sflag:s9] =	ssyncset.done $0x0  }
0x3e: {  	[sflag:s9] =	ssyncadd.s32 $0xFFFFC000  }
.LBB2_1:
0x3f: {  	[dreg:$0x8] =	wrdreg s1  }
0x40: {  	s15 =	simm.s32 $0x2000;
	s0 =	rddreg [dreg:$0x3]  }
0x41: {  	[tilespmem:s15], [sflag:$0x2] =	stream.linear.gather [hbm4b:s0+s11], $0x800, $0x38;
	[tilespmem:$0xAA00] =	vst v63  }
0x42: {  	_ =	swait.ge [sflag:s9], $0x800  }
0x43: {  	s31 =	simm.s32 $0x2880;
	[sflag:s9] =	ssyncset.done $0x0  }
.Ltmp2:
0x44: {  	s30 =	rddreg [dreg:$0x4];
	[sflag:s9] =	ssyncadd.s32 $0xFFFFF800;
	(pc) =	sbr.rel .LBB2_2-.Ltmp2, $4  }
0x45: {  	[tilespmem:s31], [sflag:$0x2] =	stream.linear.gather [hbm4b:s30+s11], $0x20, $0x38;
	[tilespmem:$0xAA00] =	vst v63  }
0x46: {  	_ =	swait.ge [sflag:s9], $0x20  }
0x47: {  	[sflag:s9] =	ssyncset.done $0x0  }
0x48: {  	s0 =	simm.s32 $0x0;
	[sflag:s9] =	ssyncadd.s32 $0xFFFFFFE0  }
.LBB2_7:
0x49: {  	v5 =	vld [tilespmem:$0x2900]  }
0x4a: {  	v6 =	vld [tilespmem:s0+$0x2880];
	_ =	sdelay $0x3  }
0x4b: {  	(v2sf) =	vpush v5, $0x0  }
0x4c: {  	(v2sf) =	vpush v6, $0x0;
	_ =	sdelay $0xd  }
0x4d: {  	s2 =	spop (v2sf)  }
0x4e: {  	p0 =	sgt.s32 s1, $0x0;
	v6 =	vmov s1;
	s10 =	spop (v2sf)  }
0x4f: {  	vm0 =	vgt.s32 v6, v1;
	s10 =	smov.u32 @p0 s2  }
0x50: {  	v5 =	vnsel vm0, s10, v5  }
0x51: {  	v5 =	vshll.u32 v5, $0x3  }
0x52: {  	s30 =	sshll.u32 s0, $0x6;
	v5 =	vadd.s32 v0, v5  }
0x53: {  	s31 =	sand.u32 $0x7C0, s30;
	[tilespmem:s30+$0x2A00] =	vst v5;
	v7 =	vor.u32 $0x1, v5  }
0x54: {  	[tilespmem:s31+$0x3200] =	vst v7;
	v7 =	vor.u32 $0x2, v5  }
0x55: {  	[tilespmem:s31+$0x3A00] =	vst v7;
	v7 =	vor.u32 $0x3, v5  }
0x56: {  	[tilespmem:s31+$0x4200] =	vst v7;
	v7 =	vor.u32 $0x4, v5  }
0x57: {  	[tilespmem:s31+$0x4A00] =	vst v7;
	v7 =	vor.u32 $0x5, v5  }
0x58: {  	[tilespmem:s31+$0x5200] =	vst v7;
	v7 =	vor.u32 $0x6, v5  }
0x59: {  	v5 =	vor.u32 $0x7, v5;
	[tilespmem:s31+$0x5A00] =	vst v7  }
0x5a: {  	[tilespmem:s31+$0x6200] =	vst v5  }
0x5b: {  	v5 =	vld [tilespmem:$0x2910];
	_ =	sdelay $0x3  }
0x5c: {  	vm13 =	vgt.s32 v6, v2  }
0x5d: {  	v5 =	vnsel vm13, s10, v5  }
0x5e: {  	v5 =	vshll.u32 v5, $0x3  }
0x5f: {  	v5 =	vadd.s32 v0, v5  }
0x60: {  	[tilespmem:s30+$0x2A10] =	vst v5;
	v7 =	vor.u32 $0x1, v5  }
0x61: {  	[tilespmem:s30+$0x3210] =	vst v7;
	v7 =	vor.u32 $0x2, v5  }
0x62: {  	[tilespmem:s30+$0x3A10] =	vst v7;
	v7 =	vor.u32 $0x3, v5  }
0x63: {  	[tilespmem:s30+$0x4210] =	vst v7;
	v7 =	vor.u32 $0x4, v5  }
0x64: {  	[tilespmem:s30+$0x4A10] =	vst v7;
	v7 =	vor.u32 $0x5, v5  }
0x65: {  	[tilespmem:s30+$0x5210] =	vst v7;
	v7 =	vor.u32 $0x6, v5  }
0x66: {  	v5 =	vor.u32 $0x7, v5;
	[tilespmem:s30+$0x5A10] =	vst v7  }
0x67: {  	[tilespmem:s30+$0x6210] =	vst v5  }
0x68: {  	v5 =	vld [tilespmem:$0x2920];
	_ =	sdelay $0x3  }
0x69: {  	vm14 =	vgt.s32 v6, v3  }
0x6a: {  	v5 =	vnsel vm14, s10, v5  }
0x6b: {  	v5 =	vshll.u32 v5, $0x3  }
0x6c: {  	v5 =	vadd.s32 v0, v5  }
0x6d: {  	[tilespmem:s30+$0x2A20] =	vst v5;
	v7 =	vor.u32 $0x1, v5  }
0x6e: {  	[tilespmem:s30+$0x3220] =	vst v7;
	v7 =	vor.u32 $0x2, v5  }
0x6f: {  	[tilespmem:s30+$0x3A20] =	vst v7;
	v7 =	vor.u32 $0x3, v5  }
0x70: {  	[tilespmem:s30+$0x4220] =	vst v7;
	v7 =	vor.u32 $0x4, v5  }
0x71: {  	[tilespmem:s30+$0x4A20] =	vst v7;
	v7 =	vor.u32 $0x5, v5  }
0x72: {  	[tilespmem:s30+$0x5220] =	vst v7;
	v7 =	vor.u32 $0x6, v5  }
0x73: {  	v5 =	vor.u32 $0x7, v5;
	[tilespmem:s30+$0x5A20] =	vst v7  }
0x74: {  	[tilespmem:s30+$0x6220] =	vst v5  }
0x75: {  	v5 =	vld [tilespmem:$0x2930];
	_ =	sdelay $0x3  }
0x76: {  	vm15 =	vgt.s32 v6, v4  }
0x77: {  	v5 =	vnsel vm15, s10, v5  }
0x78: {  	v5 =	vshll.u32 v5, $0x3  }
0x79: {  	v5 =	vadd.s32 v0, v5  }
0x7a: {  	[tilespmem:s30+$0x2A30] =	vst v5;
	v6 =	vor.u32 $0x1, v5  }
0x7b: {  	s0 =	sadd.s32 $0x1, s0;
	[tilespmem:s30+$0x3230] =	vst v6;
	v6 =	vor.u32 $0x2, v5  }
0x7c: {  	p0 =	sne.s32 s0, $0x20;
	[tilespmem:s30+$0x3A30] =	vst v6;
	v6 =	vor.u32 $0x3, v5  }
.Ltmp3:
0x7d: {  	[tilespmem:s30+$0x4230] =	vst v6;
	v6 =	vor.u32 $0x4, v5;
	(pc) =	sbr.rel @!p0 .LBB2_8-.Ltmp3, $4  }
0x7e: {  	[tilespmem:s30+$0x4A30] =	vst v6;
	v6 =	vor.u32 $0x5, v5  }
0x7f: {  	[tilespmem:s30+$0x5230] =	vst v6;
	v6 =	vor.u32 $0x6, v5  }
0x80: {  	v5 =	vor.u32 $0x7, v5;
	[tilespmem:s30+$0x5A30] =	vst v6  }
0x81: {  	s15 =	sadd.s32 $0x40, s15;
	[tilespmem:s30+$0x6230] =	vst v5  }
.LBB2_2:
0x82: {  	s1 =	sshll.u32 s0, $0xA;
	s2 =	rddreg [dreg:$0x5]  }
.Ltmp4:
0x83: {  	s10 =	sadd.s32 s1, s2;
	s1 =	simm.s32 $0x0;
	(pc) =	sbr.rel .LBB2_3-.Ltmp4, $4  }
0x84: {  	[tilespmem:s1], [sflag:$0x2] =	stream.linear.gather [hbm4b:s10+s1], $0x2000, $0x38;
	[tilespmem:$0xAA00] =	vst v63  }
0x85: {  	_ =	swait.ge [sflag:s9], $0x2000  }
0x86: {  	s13 =	simm.s32 $0x40;
	[sflag:s9] =	ssyncset.done $0x0  }
0x87: {  	s31 =	smov.u32 s15;
	s10 =	simm.s32 $0x7F;
	[sflag:s9] =	ssyncadd.s32 $0xFFFFE000  }
.LBB2_5:
0x88: {  	v5 =	vld [tilespmem:s13+$0xFFFFFFC0];
	_ =	sdelay $0x4  }
0x89: {  	(v2sf) =	vpush v5, $0x0;
	_ =	sdelay $0x1  }
0x8a: {  	(v2sf) =	vpush v5, $0x1  }
0x8b: {  	(v2sf) =	vpush v5, $0x2  }
0x8c: {  	(v2sf) =	vpush v5, $0x3  }
0x8d: {  	(v2sf) =	vpush v5, $0x4;
	_ =	sdelay $0x1  }
0x8e: {  	(v2sf) =	vpush v5, $0x5;
	_ =	sdelay $0x1  }
0x8f: {  	(v2sf) =	vpush v5, $0x6;
	_ =	sdelay $0x4  }
0x90: {  	s19 =	sadd.s32 $0xFFFFFF81, s10;
	s20 =	simm.s32 $0x1  }
0x91: {  	s21 =	simm.s32 $0x1;
	s24 =	simm.s32 $0x1;
	s17 =	spop (v2sf)  }
0x92: {  	s25 =	simm.s32 $0x1;
	s29 =	simm.s32 $0x1;
	p0 =	sgt.f32 s17, $5.000000000e-01  }
0x93: {  	s14 =	simm.s32 $0x1;
	(v2sf) =	vpush v5, $0x7;
	s17 =	simm.s32 $0x1;
	s18 =	spop (v2sf)  }
0x94: {  	(v2sf) =	vpush v5, $0x8;
	p1 =	sgt.f32 s18, $5.000000000e-01;
	s7 =	spop (v2sf);
	s17 =	simm.s32 @!p0 $0x0  }
0x95: {  	p2 =	sgt.f32 s7, $5.000000000e-01;
	s22 =	spop (v2sf);
	s17 =	sadd.s32 s17, s1  }
0x96: {  	(v2sf) =	vpush v5, $0x9;
	s18 =	sadd.s32 @p1 $0xFFFFFF82, s10;
	s20 =	simm.s32 @!p1 $0x0;
	s8 =	spop (v2sf)  }
0x97: {  	(v2sf) =	vpush v5, $0xA;
	s2 =	simm.s32 @!p2 $0x0;
	s20 =	sadd.s32 s20, s17;
	s21 =	simm.s32 @!p2 $0x0  }
0x98: {  	(v2sf) =	vpush v5, $0xB;
	s23 =	sadd.s32 @p2 $0xFFFFFF83, s10;
	p4 =	sgt.f32 s8, $5.000000000e-01;
	s26 =	spop (v2sf)  }
0x99: {  	(v2sf) =	vpush v5, $0xC;
	s2 =	simm.s32 @p2 $0x1;
	p2 =	sgt.f32 s22, $5.000000000e-01;
	p5 =	sgt.f32 s26, $5.000000000e-01  }
0x9a: {  	s21 =	sadd.s32 s21, s20;
	s11 =	spop (v2sf);
	(v2sf) =	vpush v5, $0xD;
	[smem:$0x7E7] =	sst s2  }
0x9b: {  	s25 =	simm.s32 @!p4 $0x0;
	s28 =	sadd.s32 @p4 $0xFFFFFF85, s10;
	(v2sf) =	vpush v5, $0xE;
	s2 =	simm.s32 @!p2 $0x0  }
0x9c: {  	s22 =	sadd.s32 @p2 $0xFFFFFF84, s10;
	s24 =	simm.s32 @!p2 $0x0;
	(v2sf) =	vpush v5, $0xF;
	v5 =	vmov @p0 s19;
	s2 =	simm.s32 @p2 $0x1  }
0x9d: {  	s26 =	sadd.s32 @p5 $0xFFFFFF86, s10;
	p2 =	sgt.f32 s11, $5.000000000e-01;
	[tilespmem:s1+$0x2900] =	vst @p0 v5;
	v5 =	vmov @p1 s18;
	[smem:$0x7E8] =	sst s2  }
0x9e: {  	s29 =	simm.s32 @!p5 $0x0;
	s24 =	sadd.s32 s24, s21;
	[tilespmem:s17+$0x2900] =	vst @p1 v5;
	s17 =	sld [smem:$0x7E7]  }
0x9f: {  	s25 =	sadd.s32 s25, s24;
	s2 =	simm.s32 @!p2 $0x0;
	s3 =	sld [smem:$0x7E8]  }
0xa0: {  	s19 =	simm.s32 $0x1;
	s29 =	sadd.s32 s29, s25;
	s2 =	simm.s32 @p2 $0x1  }
0xa1: {  	s14 =	simm.s32 @!p2 $0x0;
	[smem:$0x7E9] =	sst s2;
	p1 =	seq.s32 s17, $0x1  }
0xa2: {  	v5 =	vmov @p1 s23;
	p0 =	seq.s32 s3, $0x1;
	s8 =	sld [smem:$0x7E9];
	s4 =	spop (v2sf)  }
0xa3: {  	s5 =	sadd.s32 @p2 $0xFFFFFF87, s10;
	[tilespmem:s20+$0x2900] =	vst @p1 v5;
	v5 =	vmov @p0 s22;
	s7 =	spop (v2sf);
	p3 =	sgt.f32 s4, $5.000000000e-01  }
0xa4: {  	s4 =	sadd.s32 s14, s29;
	s14 =	simm.s32 $0x1;
	[tilespmem:s21+$0x2900] =	vst @p0 v5;
	s21 =	simm.s32 $0x1  }
0xa5: {  	p6 =	sgt.f32 s7, $5.000000000e-01;
	s12 =	spop (v2sf);
	p0 =	seq.s32 s8, $0x1  }
0xa6: {  	v5 =	vmov @p4 s28;
	s7 =	sadd.s32 @p3 $0xFFFFFF88, s10;
	s14 =	simm.s32 @!p3 $0x0;
	s30 =	spop (v2sf)  }
0xa7: {  	[tilespmem:s24+$0x2900] =	vst @p4 v5;
	v5 =	vmov @p5 s26;
	p2 =	sgt.f32 s12, $5.000000000e-01;
	s14 =	sadd.s32 s14, s4;
	s19 =	simm.s32 @!p6 $0x0  }
0xa8: {  	[tilespmem:s25+$0x2900] =	vst @p5 v5;
	v5 =	vmov @p0 s5;
	s17 =	sadd.s32 @p6 $0xFFFFFF89, s10;
	p1 =	sgt.f32 s30, $5.000000000e-01;
	s6 =	spop (v2sf)  }
0xa9: {  	[tilespmem:s29+$0x2900] =	vst @p0 v5;
	v5 =	vmov @p3 s7;
	s18 =	sadd.s32 s19, s14;
	s19 =	simm.s32 $0x1;
	s20 =	sadd.s32 @p2 $0xFFFFFF8A, s10  }
0xaa: {  	p4 =	sgt.f32 s6, $5.000000000e-01;
	s11 =	spop (v2sf);
	[tilespmem:s4+$0x2900] =	vst @p3 v5;
	v5 =	vmov @p6 s17;
	s17 =	simm.s32 $0x1  }
0xab: {  	s19 =	simm.s32 @!p2 $0x0;
	s21 =	simm.s32 @!p1 $0x0;
	s5 =	sadd.s32 @p1 $0xFFFFFF8B, s10  }
0xac: {  	p5 =	sgt.f32 s11, $5.000000000e-01;
	s12 =	spop (v2sf);
	s19 =	sadd.s32 s19, s18  }
0xad: {  	[tilespmem:s14+$0x2900] =	vst @p6 v5;
	v5 =	vmov @p2 s20;
	s4 =	sadd.s32 @p4 $0xFFFFFF8C, s10;
	s7 =	sadd.s32 s21, s19;
	s21 =	simm.s32 $0x1  }
0xae: {  	[tilespmem:s18+$0x2900] =	vst @p2 v5;
	v5 =	vmov @p1 s5;
	p2 =	sgt.f32 s12, $5.000000000e-01;
	s17 =	simm.s32 @!p5 $0x0;
	s21 =	simm.s32 @!p4 $0x0  }
0xaf: {  	s5 =	sadd.s32 @p5 $0xFFFFFF8D, s10;
	[tilespmem:s19+$0x2900] =	vst @p1 v5;
	v5 =	vmov @p4 s4;
	s14 =	sadd.s32 s21, s7;
	s21 =	spop (v2sf)  }
0xb0: {  	[tilespmem:s7+$0x2900] =	vst @p4 v5;
	v5 =	vmov @p5 s5;
	s5 =	sadd.s32 @p2 $0xFFFFFF8E, s10;
	p1 =	sgt.f32 s21, $5.000000000e-01;
	s22 =	spop (v2sf)  }
0xb1: {  	s7 =	simm.s32 $0x1;
	s4 =	sadd.s32 s17, s14;
	p0 =	sgt.f32 s22, $5.000000000e-01  }
0xb2: {  	[tilespmem:s14+$0x2900] =	vst @p5 v5;
	v5 =	vmov @p2 s5;
	s7 =	simm.s32 @!p2 $0x0;
	s14 =	simm.s32 $0x1;
	s5 =	sadd.s32 @p1 $0xFFFFFF8F, s10  }
0xb3: {  	[tilespmem:s4+$0x2900] =	vst @p2 v5;
	s4 =	sadd.s32 s7, s4;
	s14 =	simm.s32 @!p1 $0x0;
	v5 =	vmov @p1 s5;
	s5 =	sadd.s32 @p0 $0xFFFFFF90, s10  }
0xb4: {  	[tilespmem:s4+$0x2900] =	vst @p1 v5;
	s4 =	sadd.s32 s14, s4;
	v5 =	vmov @p0 s5  }
0xb5: {  	[tilespmem:s4+$0x2900] =	vst @p0 v5  }
0xb6: {  	v5 =	vld [tilespmem:s13+$0xFFFFFFD0];
	_ =	sdelay $0x4  }
0xb7: {  	(v2sf) =	vpush v5, $0x0;
	_ =	sdelay $0x1  }
0xb8: {  	(v2sf) =	vpush v5, $0x1  }
0xb9: {  	(v2sf) =	vpush v5, $0x2  }
0xba: {  	(v2sf) =	vpush v5, $0x3;
	_ =	sdelay $0x1  }
0xbb: {  	(v2sf) =	vpush v5, $0x4;
	_ =	sdelay $0x1  }
0xbc: {  	(v2sf) =	vpush v5, $0x5;
	_ =	sdelay $0x1  }
0xbd: {  	(v2sf) =	vpush v5, $0x6;
	_ =	sdelay $0x3  }
0xbe: {  	s18 =	simm.s32 $0x1;
	s17 =	simm.s32 $0x1  }
0xbf: {  	s21 =	simm.s32 $0x1;
	s7 =	simm.s32 $0x1;
	s23 =	spop (v2sf)  }
0xc0: {  	s22 =	simm.s32 $0x1;
	s7 =	simm.s32 @!p0 $0x0;
	p1 =	sgt.f32 s23, $5.000000000e-01  }
0xc1: {  	s5 =	simm.s32 $0x1;
	s4 =	sadd.s32 s7, s4;
	s24 =	spop (v2sf)  }
0xc2: {  	(v2sf) =	vpush v5, $0x7;
	p0 =	sgt.f32 s24, $5.000000000e-01;
	s25 =	spop (v2sf);
	s5 =	simm.s32 @!p1 $0x0  }
0xc3: {  	s14 =	sadd.s32 @p1 $0xFFFFFF91, s10;
	p2 =	sgt.f32 s25, $5.000000000e-01;
	s26 =	spop (v2sf)  }
0xc4: {  	(v2sf) =	vpush v5, $0x8;
	s25 =	simm.s32 $0x1;
	s5 =	sadd.s32 s5, s4;
	s7 =	sadd.s32 @p0 $0xFFFFFF92, s10  }
0xc5: {  	(v2sf) =	vpush v5, $0x9;
	s17 =	simm.s32 @!p0 $0x0;
	s28 =	spop (v2sf);
	s2 =	simm.s32 @!p2 $0x0  }
0xc6: {  	(v2sf) =	vpush v5, $0xA;
	s17 =	sadd.s32 s17, s5;
	s18 =	simm.s32 @!p2 $0x0;
	s20 =	sadd.s32 @p2 $0xFFFFFF93, s10  }
0xc7: {  	(v2sf) =	vpush v5, $0xB;
	p4 =	sgt.f32 s28, $5.000000000e-01;
	s29 =	spop (v2sf);
	s28 =	simm.s32 $0x1  }
0xc8: {  	(v2sf) =	vpush v5, $0xC;
	s2 =	simm.s32 @p2 $0x1;
	p2 =	sgt.f32 s26, $5.000000000e-01;
	s18 =	sadd.s32 s18, s17  }
0xc9: {  	(v2sf) =	vpush v5, $0xD;
	p5 =	sgt.f32 s29, $5.000000000e-01;
	s30 =	spop (v2sf);
	s26 =	simm.s32 $0x1  }
0xca: {  	(v2sf) =	vpush v5, $0xE;
	[smem:$0x7EA] =	sst s2;
	s22 =	simm.s32 @!p4 $0x0;
	s24 =	sadd.s32 @p4 $0xFFFFFF95, s10  }
0xcb: {  	(v2sf) =	vpush v5, $0xF;
	v5 =	vmov @p1 s14;
	s14 =	simm.s32 $0x1;
	s2 =	simm.s32 @!p2 $0x0;
	s19 =	sadd.s32 @p2 $0xFFFFFF94, s10  }
0xcc: {  	s21 =	simm.s32 @!p2 $0x0;
	s23 =	sadd.s32 @p5 $0xFFFFFF96, s10;
	[tilespmem:s4+$0x2900] =	vst @p1 v5;
	v5 =	vmov @p0 s7;
	s2 =	simm.s32 @p2 $0x1  }
0xcd: {  	s21 =	sadd.s32 s21, s18;
	p2 =	sgt.f32 s30, $5.000000000e-01;
	[tilespmem:s5+$0x2900] =	vst @p0 v5;
	s5 =	sld [smem:$0x7EA]  }
0xce: {  	s25 =	simm.s32 @!p5 $0x0;
	[smem:$0x7EB] =	sst s2;
	s22 =	sadd.s32 s22, s21  }
0xcf: {  	s2 =	simm.s32 @!p2 $0x0;
	s25 =	sadd.s32 s25, s22;
	s11 =	sld [smem:$0x7EB]  }
0xd0: {  	s26 =	simm.s32 @!p2 $0x0;
	s29 =	sadd.s32 @p2 $0xFFFFFF97, s10;
	s2 =	simm.s32 @p2 $0x1  }
0xd1: {  	p1 =	seq.s32 s5, $0x1;
	[smem:$0x7EC] =	sst s2;
	s2 =	spop (v2sf)  }
0xd2: {  	s26 =	sadd.s32 s26, s25;
	v5 =	vmov @p1 s20;
	p3 =	sgt.f32 s2, $5.000000000e-01;
	p0 =	seq.s32 s11, $0x1  }
0xd3: {  	[tilespmem:s17+$0x2900] =	vst @p1 v5;
	s20 =	sld [smem:$0x7EC];
	s8 =	spop (v2sf);
	v5 =	vmov @p0 s19;
	s19 =	simm.s32 $0x1  }
0xd4: {  	p6 =	sgt.f32 s8, $5.000000000e-01;
	s8 =	sadd.s32 @p3 $0xFFFFFF98, s10;
	s28 =	simm.s32 @!p3 $0x0  }
0xd5: {  	s3 =	spop (v2sf);
	[tilespmem:s18+$0x2900] =	vst @p0 v5;
	s18 =	simm.s32 $0x1;
	s4 =	sadd.s32 s28, s26  }
0xd6: {  	s6 =	spop (v2sf);
	p2 =	sgt.f32 s3, $5.000000000e-01;
	p0 =	seq.s32 s20, $0x1  }
0xd7: {  	v5 =	vmov @p4 s24;
	s14 =	simm.s32 @!p6 $0x0;
	s5 =	sadd.s32 @p6 $0xFFFFFF99, s10;
	p1 =	sgt.f32 s6, $5.000000000e-01  }
0xd8: {  	[tilespmem:s21+$0x2900] =	vst @p4 v5;
	v5 =	vmov @p5 s23;
	s12 =	spop (v2sf);
	s7 =	sadd.s32 s14, s4;
	s14 =	simm.s32 $0x1  }
0xd9: {  	[tilespmem:s22+$0x2900] =	vst @p5 v5;
	v5 =	vmov @p0 s29;
	s17 =	sadd.s32 @p2 $0xFFFFFF9A, s10;
	p4 =	sgt.f32 s12, $5.000000000e-01;
	s21 =	spop (v2sf)  }
0xda: {  	[tilespmem:s25+$0x2900] =	vst @p0 v5;
	v5 =	vmov @p3 s8;
	s14 =	simm.s32 @!p2 $0x0;
	s18 =	simm.s32 @!p1 $0x0;
	s20 =	sadd.s32 @p1 $0xFFFFFF9B, s10  }
0xdb: {  	p5 =	sgt.f32 s21, $5.000000000e-01;
	[tilespmem:s26+$0x2900] =	vst @p3 v5;
	v5 =	vmov @p6 s5;
	s22 =	spop (v2sf);
	s14 =	sadd.s32 s14, s7  }
0xdc: {  	s5 =	sadd.s32 @p4 $0xFFFFFF9C, s10;
	[tilespmem:s4+$0x2900] =	vst @p6 v5;
	v5 =	vmov @p2 s17;
	s23 =	spop (v2sf);
	s8 =	sadd.s32 s18, s14  }
0xdd: {  	s18 =	simm.s32 $0x1;
	s19 =	simm.s32 @!p5 $0x0;
	[tilespmem:s7+$0x2900] =	vst @p2 v5;
	s7 =	sadd.s32 @p5 $0xFFFFFF9D, s10  }
0xde: {  	v5 =	vmov @p1 s20;
	p2 =	sgt.f32 s22, $5.000000000e-01;
	s24 =	spop (v2sf);
	s18 =	simm.s32 @!p4 $0x0  }
0xdf: {  	[tilespmem:s14+$0x2900] =	vst @p1 v5;
	v5 =	vmov @p4 s5;
	p1 =	sgt.f32 s23, $5.000000000e-01;
	p0 =	sgt.f32 s24, $5.000000000e-01;
	s4 =	sadd.s32 s18, s8  }
0xe0: {  	[tilespmem:s8+$0x2900] =	vst @p4 v5;
	v5 =	vmov @p5 s7;
	s7 =	sadd.s32 @p2 $0xFFFFFF9E, s10;
	s8 =	simm.s32 $0x1;
	s5 =	sadd.s32 s19, s4  }
0xe1: {  	[tilespmem:s4+$0x2900] =	vst @p5 v5;
	v5 =	vmov @p2 s7;
	s8 =	simm.s32 @!p2 $0x0;
	s4 =	sadd.s32 @p1 $0xFFFFFF9F, s10;
	s7 =	simm.s32 $0x1  }
0xe2: {  	[tilespmem:s5+$0x2900] =	vst @p2 v5;
	s5 =	sadd.s32 s8, s5;
	v5 =	vmov @p1 s4;
	s7 =	simm.s32 @!p1 $0x0;
	s4 =	sadd.s32 @p0 $0xFFFFFFA0, s10  }
0xe3: {  	[tilespmem:s5+$0x2900] =	vst @p1 v5;
	s5 =	sadd.s32 s7, s5;
	v5 =	vmov @p0 s4  }
0xe4: {  	[tilespmem:s5+$0x2900] =	vst @p0 v5  }
0xe5: {  	v5 =	vld [tilespmem:s13+$0xFFFFFFE0];
	_ =	sdelay $0x4  }
0xe6: {  	(v2sf) =	vpush v5, $0x0  }
0xe7: {  	(v2sf) =	vpush v5, $0x1;
	_ =	sdelay $0x1  }
0xe8: {  	(v2sf) =	vpush v5, $0x2  }
0xe9: {  	(v2sf) =	vpush v5, $0x3  }
0xea: {  	(v2sf) =	vpush v5, $0x4;
	_ =	sdelay $0x5  }
0xeb: {  	(v2sf) =	vpush v5, $0x5  }
0xec: {  	(v2sf) =	vpush v5, $0x6  }
0xed: {  	s21 =	simm.s32 $0x1;
	s17 =	simm.s32 $0x1  }
0xee: {  	s20 =	simm.s32 $0x1;
	s14 =	simm.s32 $0x1;
	s24 =	simm.s32 $0x1;
	(v2sf) =	vpush v5, $0x7  }
0xef: {  	s7 =	simm.s32 $0x1;
	s4 =	simm.s32 $0x1;
	s25 =	spop (v2sf)  }
0xf0: {  	s7 =	simm.s32 @!p0 $0x0;
	p1 =	sgt.f32 s25, $5.000000000e-01;
	s26 =	spop (v2sf)  }
0xf1: {  	s5 =	sadd.s32 s7, s5;
	s25 =	simm.s32 $0x1;
	p0 =	sgt.f32 s26, $5.000000000e-01  }
0xf2: {  	(v2sf) =	vpush v5, $0x8;
	s28 =	spop (v2sf);
	s26 =	simm.s32 $0x1;
	s4 =	simm.s32 @!p1 $0x0  }
0xf3: {  	(v2sf) =	vpush v5, $0x9;
	s8 =	sadd.s32 @p1 $0xFFFFFFA1, s10;
	p2 =	sgt.f32 s28, $5.000000000e-01;
	s29 =	spop (v2sf)  }
0xf4: {  	(v2sf) =	vpush v5, $0xA;
	s4 =	sadd.s32 s4, s5;
	s14 =	simm.s32 @!p0 $0x0;
	s30 =	spop (v2sf)  }
0xf5: {  	s2 =	simm.s32 @!p2 $0x0;
	s14 =	sadd.s32 s14, s4;
	s17 =	simm.s32 @!p2 $0x0  }
0xf6: {  	(v2sf) =	vpush v5, $0xB;
	s19 =	sadd.s32 @p2 $0xFFFFFFA3, s10;
	s2 =	simm.s32 @p2 $0x1;
	p2 =	sgt.f32 s29, $5.000000000e-01  }
0xf7: {  	s7 =	sadd.s32 @p0 $0xFFFFFFA2, s10;
	(v2sf) =	vpush v5, $0xC;
	p4 =	sgt.f32 s30, $5.000000000e-01;
	s17 =	sadd.s32 s17, s14  }
0xf8: {  	s29 =	simm.s32 $0x1;
	[smem:$0x7ED] =	sst s2;
	s2 =	simm.s32 @!p2 $0x0  }
0xf9: {  	s21 =	simm.s32 @!p4 $0x0;
	s23 =	sadd.s32 @p4 $0xFFFFFFA5, s10;
	s2 =	simm.s32 @p2 $0x1  }
0xfa: {  	s20 =	simm.s32 @!p2 $0x0;
	[smem:$0x7EE] =	sst s2;
	s2 =	spop (v2sf)  }
0xfb: {  	s20 =	sadd.s32 s20, s17;
	p5 =	sgt.f32 s2, $5.000000000e-01;
	s3 =	spop (v2sf)  }
0xfc: {  	s18 =	sadd.s32 @p2 $0xFFFFFFA4, s10;
	s21 =	sadd.s32 s21, s20;
	p2 =	sgt.f32 s3, $5.000000000e-01  }
0xfd: {  	(v2sf) =	vpush v5, $0xD;
	s6 =	spop (v2sf);
	s3 =	sld [smem:$0x7EE];
	s22 =	sadd.s32 @p5 $0xFFFFFFA6, s10  }
0xfe: {  	(v2sf) =	vpush v5, $0xE;
	s24 =	simm.s32 @!p5 $0x0;
	p3 =	sgt.f32 s6, $5.000000000e-01;
	s2 =	simm.s32 @!p2 $0x0  }
0xff: {  	(v2sf) =	vpush v5, $0xF;
	s24 =	sadd.s32 s24, s21;
	s25 =	simm.s32 @!p2 $0x0;
	s28 =	sadd.s32 @p2 $0xFFFFFFA7, s10  }
0x100: {  	v5 =	vmov @p1 s8;
	s2 =	simm.s32 @p2 $0x1;
	s25 =	sadd.s32 s25, s24;
	s26 =	simm.s32 @!p3 $0x0  }
0x101: {  	[tilespmem:s5+$0x2900] =	vst @p1 v5;
	s11 =	spop (v2sf);
	s5 =	sadd.s32 s26, s25;
	s26 =	sld [smem:$0x7ED]  }
0x102: {  	v5 =	vmov @p0 s7;
	s8 =	sadd.s32 @p3 $0xFFFFFFA8, s10;
	[smem:$0x7EF] =	sst s2;
	s12 =	spop (v2sf)  }
0x103: {  	[tilespmem:s4+$0x2900] =	vst @p0 v5;
	p0 =	seq.s32 s3, $0x1;
	p6 =	sgt.f32 s11, $5.000000000e-01;
	s30 =	spop (v2sf)  }
0x104: {  	p2 =	sgt.f32 s12, $5.000000000e-01;
	s11 =	sld [smem:$0x7EF];
	p1 =	seq.s32 s26, $0x1  }
0x105: {  	s29 =	simm.s32 @!p6 $0x0;
	s4 =	sadd.s32 @p6 $0xFFFFFFA9, s10;
	s6 =	spop (v2sf);
	v5 =	vmov @p1 s19  }
0x106: {  	s7 =	sadd.s32 s29, s5;
	s12 =	spop (v2sf);
	s19 =	simm.s32 $0x1;
	[tilespmem:s14+$0x2900] =	vst @p1 v5;
	v5 =	vmov @p0 s18  }
0x107: {  	s14 =	simm.s32 $0x1;
	p1 =	sgt.f32 s30, $5.000000000e-01;
	s18 =	simm.s32 $0x1;
	[tilespmem:s17+$0x2900] =	vst @p0 v5;
	v5 =	vmov @p4 s23  }
0x108: {  	s17 =	sadd.s32 @p2 $0xFFFFFFAA, s10;
	s14 =	simm.s32 @!p2 $0x0;
	p0 =	seq.s32 s11, $0x1;
	[tilespmem:s20+$0x2900] =	vst @p4 v5;
	v5 =	vmov @p5 s22  }
0x109: {  	s14 =	sadd.s32 s14, s7;
	s18 =	simm.s32 @!p1 $0x0;
	p4 =	sgt.f32 s6, $5.000000000e-01;
	[tilespmem:s21+$0x2900] =	vst @p5 v5;
	v5 =	vmov @p0 s28  }
0x10a: {  	p5 =	sgt.f32 s12, $5.000000000e-01;
	[tilespmem:s24+$0x2900] =	vst @p0 v5;
	v5 =	vmov @p3 s8;
	s8 =	sadd.s32 s18, s14;
	s18 =	simm.s32 $0x1  }
0x10b: {  	s20 =	sadd.s32 @p1 $0xFFFFFFAB, s10;
	[tilespmem:s25+$0x2900] =	vst @p3 v5;
	v5 =	vmov @p6 s4;
	s4 =	sadd.s32 @p4 $0xFFFFFFAC, s10;
	s18 =	simm.s32 @!p4 $0x0  }
0x10c: {  	s19 =	simm.s32 @!p5 $0x0;
	[tilespmem:s5+$0x2900] =	vst @p6 v5;
	v5 =	vmov @p2 s17;
	s5 =	sadd.s32 s18, s8;
	s18 =	spop (v2sf)  }
0x10d: {  	[tilespmem:s7+$0x2900] =	vst @p2 v5;
	v5 =	vmov @p1 s20;
	s7 =	sadd.s32 @p5 $0xFFFFFFAD, s10;
	p2 =	sgt.f32 s18, $5.000000000e-01;
	s20 =	spop (v2sf)  }
0x10e: {  	[tilespmem:s14+$0x2900] =	vst @p1 v5;
	v5 =	vmov @p4 s4;
	s4 =	sadd.s32 s19, s5;
	p1 =	sgt.f32 s20, $5.000000000e-01;
	s21 =	spop (v2sf)  }
0x10f: {  	[tilespmem:s8+$0x2900] =	vst @p4 v5;
	v5 =	vmov @p5 s7;
	s7 =	sadd.s32 @p2 $0xFFFFFFAE, s10;
	s8 =	simm.s32 $0x1;
	p0 =	sgt.f32 s21, $5.000000000e-01  }
0x110: {  	[tilespmem:s5+$0x2900] =	vst @p5 v5;
	v5 =	vmov @p2 s7;
	s8 =	simm.s32 @!p2 $0x0;
	s5 =	sadd.s32 @p1 $0xFFFFFFAF, s10;
	s7 =	simm.s32 $0x1  }
0x111: {  	[tilespmem:s4+$0x2900] =	vst @p2 v5;
	s4 =	sadd.s32 s8, s4;
	v5 =	vmov @p1 s5;
	s7 =	simm.s32 @!p1 $0x0;
	s5 =	sadd.s32 @p0 $0xFFFFFFB0, s10  }
0x112: {  	[tilespmem:s4+$0x2900] =	vst @p1 v5;
	s4 =	sadd.s32 s7, s4;
	v5 =	vmov @p0 s5  }
0x113: {  	[tilespmem:s4+$0x2900] =	vst @p0 v5  }
0x114: {  	v5 =	vld [tilespmem:s13+$0xFFFFFFF0];
	_ =	sdelay $0x4  }
0x115: {  	(v2sf) =	vpush v5, $0x0;
	_ =	sdelay $0x1  }
0x116: {  	(v2sf) =	vpush v5, $0x1  }
0x117: {  	(v2sf) =	vpush v5, $0x2  }
0x118: {  	(v2sf) =	vpush v5, $0x3;
	_ =	sdelay $0x1  }
0x119: {  	(v2sf) =	vpush v5, $0x4;
	_ =	sdelay $0x1  }
0x11a: {  	(v2sf) =	vpush v5, $0x5;
	_ =	sdelay $0x1  }
0x11b: {  	(v2sf) =	vpush v5, $0x6;
	_ =	sdelay $0x1  }
0x11c: {  	(v2sf) =	vpush v5, $0x7;
	_ =	sdelay $0x1  }
0x11d: {  	s17 =	simm.s32 $0x1;
	s14 =	simm.s32 $0x1  }
0x11e: {  	s20 =	simm.s32 $0x1;
	s7 =	simm.s32 $0x1;
	s22 =	spop (v2sf)  }
0x11f: {  	s21 =	simm.s32 $0x1;
	s7 =	simm.s32 @!p0 $0x0;
	p1 =	sgt.f32 s22, $5.000000000e-01  }
0x120: {  	s5 =	simm.s32 $0x1;
	s4 =	sadd.s32 s7, s4;
	s23 =	spop (v2sf)  }
0x121: {  	p0 =	sgt.f32 s23, $5.000000000e-01;
	s24 =	spop (v2sf);
	s5 =	simm.s32 @!p1 $0x0  }
0x122: {  	s8 =	sadd.s32 @p1 $0xFFFFFFB1, s10;
	p2 =	sgt.f32 s24, $5.000000000e-01;
	s25 =	spop (v2sf)  }
0x123: {  	(v2sf) =	vpush v5, $0x8;
	s24 =	simm.s32 $0x1;
	s5 =	sadd.s32 s5, s4;
	s7 =	sadd.s32 @p0 $0xFFFFFFB2, s10  }
0x124: {  	(v2sf) =	vpush v5, $0x9;
	s14 =	simm.s32 @!p0 $0x0;
	s26 =	spop (v2sf);
	s2 =	simm.s32 @!p2 $0x0  }
0x125: {  	(v2sf) =	vpush v5, $0xA;
	s14 =	sadd.s32 s14, s5;
	s17 =	simm.s32 @!p2 $0x0;
	s19 =	sadd.s32 @p2 $0xFFFFFFB3, s10  }
0x126: {  	p4 =	sgt.f32 s26, $5.000000000e-01;
	s28 =	spop (v2sf);
	s26 =	simm.s32 $0x1  }
0x127: {  	(v2sf) =	vpush v5, $0xB;
	s2 =	simm.s32 @p2 $0x1;
	p2 =	sgt.f32 s25, $5.000000000e-01;
	s17 =	sadd.s32 s17, s14  }
0x128: {  	(v2sf) =	vpush v5, $0xC;
	p5 =	sgt.f32 s28, $5.000000000e-01;
	s29 =	spop (v2sf);
	s25 =	simm.s32 $0x1  }
0x129: {  	(v2sf) =	vpush v5, $0xD;
	[smem:$0x7F0] =	sst s2;
	s21 =	simm.s32 @!p4 $0x0;
	s23 =	sadd.s32 @p4 $0xFFFFFFB5, s10  }
0x12a: {  	(v2sf) =	vpush v5, $0xE;
	s30 =	spop (v2sf);
	s2 =	simm.s32 @!p2 $0x0;
	s18 =	sadd.s32 @p2 $0xFFFFFFB4, s10  }
0x12b: {  	(v2sf) =	vpush v5, $0xF;
	v5 =	vmov @p1 s8;
	s20 =	simm.s32 @!p2 $0x0;
	s22 =	sadd.s32 @p5 $0xFFFFFFB6, s10;
	s24 =	simm.s32 @!p5 $0x0  }
0x12c: {  	p3 =	sgt.f32 s30, $5.000000000e-01;
	[tilespmem:s4+$0x2900] =	vst @p1 v5;
	v5 =	vmov @p0 s7;
	s2 =	simm.s32 @p2 $0x1;
	s20 =	sadd.s32 s20, s17  }
0x12d: {  	p2 =	sgt.f32 s29, $5.000000000e-01;
	s29 =	simm.s32 $0x1;
	[tilespmem:s5+$0x2900] =	vst @p0 v5;
	s5 =	sld [smem:$0x7F0]  }
0x12e: {  	[smem:$0x7F1] =	sst s2;
	s21 =	sadd.s32 s21, s20;
	s8 =	sadd.s32 @p3 $0xFFFFFFB8, s10  }
0x12f: {  	s26 =	simm.s32 @!p3 $0x0;
	s2 =	simm.s32 @!p2 $0x0;
	s11 =	sld [smem:$0x7F1]  }
0x130: {  	s24 =	sadd.s32 s24, s21;
	s25 =	simm.s32 @!p2 $0x0;
	s28 =	sadd.s32 @p2 $0xFFFFFFB7, s10  }
0x131: {  	s2 =	simm.s32 @p2 $0x1;
	s25 =	sadd.s32 s25, s24;
	p1 =	seq.s32 s5, $0x1  }
0x132: {  	[smem:$0x7F2] =	sst s2;
	v5 =	vmov @p1 s19;
	p0 =	seq.s32 s11, $0x1;
	s2 =	spop (v2sf)  }
0x133: {  	s4 =	sadd.s32 s26, s25;
	s19 =	simm.s32 $0x1;
	[tilespmem:s14+$0x2900] =	vst @p1 v5;
	v5 =	vmov @p0 s18;
	s3 =	spop (v2sf)  }
0x134: {  	s14 =	simm.s32 $0x1;
	p6 =	sgt.f32 s2, $5.000000000e-01;
	[tilespmem:s17+$0x2900] =	vst @p0 v5;
	v5 =	vmov @p4 s23;
	s6 =	spop (v2sf)  }
0x135: {  	s18 =	simm.s32 $0x1;
	p2 =	sgt.f32 s3, $5.000000000e-01;
	[tilespmem:s20+$0x2900] =	vst @p4 v5;
	s20 =	sld [smem:$0x7F2]  }
0x136: {  	s29 =	simm.s32 @!p6 $0x0;
	s5 =	sadd.s32 @p6 $0xFFFFFFB9, s10;
	p1 =	sgt.f32 s6, $5.000000000e-01  }
0x137: {  	s12 =	spop (v2sf);
	s7 =	sadd.s32 s29, s4;
	s17 =	sadd.s32 @p2 $0xFFFFFFBA, s10  }
0x138: {  	v5 =	vmov @p5 s22;
	s14 =	simm.s32 @!p2 $0x0;
	p4 =	sgt.f32 s12, $5.000000000e-01;
	p0 =	seq.s32 s20, $0x1  }
0x139: {  	[tilespmem:s21+$0x2900] =	vst @p5 v5;
	s21 =	spop (v2sf);
	s14 =	sadd.s32 s14, s7;
	s18 =	simm.s32 @!p1 $0x0;
	v5 =	vmov @p0 s28  }
0x13a: {  	s20 =	sadd.s32 @p1 $0xFFFFFFBB, s10;
	p5 =	sgt.f32 s21, $5.000000000e-01;
	s22 =	spop (v2sf);
	[tilespmem:s24+$0x2900] =	vst @p0 v5;
	v5 =	vmov @p3 s8  }
0x13b: {  	s23 =	spop (v2sf);
	s8 =	sadd.s32 s18, s14;
	s18 =	simm.s32 $0x1;
	[tilespmem:s25+$0x2900] =	vst @p3 v5;
	v5 =	vmov @p6 s5  }
0x13c: {  	s19 =	simm.s32 @!p5 $0x0;
	s24 =	spop (v2sf);
	s5 =	sadd.s32 @p4 $0xFFFFFFBC, s10;
	[tilespmem:s4+$0x2900] =	vst @p6 v5;
	v5 =	vmov @p2 s17  }
0x13d: {  	s18 =	simm.s32 @!p4 $0x0;
	p0 =	sgt.f32 s24, $5.000000000e-01;
	[tilespmem:s7+$0x2900] =	vst @p2 v5;
	v5 =	vmov @p1 s20;
	p2 =	sgt.f32 s22, $5.000000000e-01  }
0x13e: {  	s4 =	sadd.s32 s18, s8;
	s7 =	sadd.s32 @p5 $0xFFFFFFBD, s10;
	[tilespmem:s14+$0x2900] =	vst @p1 v5;
	v5 =	vmov @p4 s5;
	p1 =	sgt.f32 s23, $5.000000000e-01  }
0x13f: {  	s5 =	sadd.s32 s19, s4;
	[tilespmem:s8+$0x2900] =	vst @p4 v5;
	v5 =	vmov @p5 s7;
	s7 =	sadd.s32 @p2 $0xFFFFFFBE, s10;
	s8 =	simm.s32 $0x1  }
0x140: {  	[tilespmem:s4+$0x2900] =	vst @p5 v5;
	v5 =	vmov @p2 s7;
	s8 =	simm.s32 @!p2 $0x0;
	s4 =	sadd.s32 @p1 $0xFFFFFFBF, s10;
	s7 =	simm.s32 $0x1  }
0x141: {  	[tilespmem:s5+$0x2900] =	vst @p2 v5;
	s5 =	sadd.s32 s8, s5;
	v5 =	vmov @p1 s4;
	s7 =	simm.s32 @!p1 $0x0;
	s4 =	sadd.s32 @p0 $0xFFFFFFC0, s10  }
0x142: {  	[tilespmem:s5+$0x2900] =	vst @p1 v5;
	s5 =	sadd.s32 s7, s5;
	v5 =	vmov @p0 s4  }
0x143: {  	[tilespmem:s5+$0x2900] =	vst @p0 v5  }
0x144: {  	v5 =	vld [tilespmem:s13+$0x0];
	_ =	sdelay $0x4  }
0x145: {  	(v2sf) =	vpush v5, $0x0  }
0x146: {  	(v2sf) =	vpush v5, $0x1;
	_ =	sdelay $0x1  }
0x147: {  	(v2sf) =	vpush v5, $0x2  }
0x148: {  	(v2sf) =	vpush v5, $0x3  }
0x149: {  	(v2sf) =	vpush v5, $0x4;
	_ =	sdelay $0x5  }
0x14a: {  	(v2sf) =	vpush v5, $0x5  }
0x14b: {  	(v2sf) =	vpush v5, $0x6  }
0x14c: {  	s21 =	simm.s32 $0x1;
	s24 =	simm.s32 $0x1  }
0x14d: {  	s17 =	simm.s32 $0x1;
	s20 =	simm.s32 $0x1;
	s14 =	simm.s32 $0x1;
	(v2sf) =	vpush v5, $0x7  }
0x14e: {  	s7 =	simm.s32 $0x1;
	s4 =	simm.s32 $0x1;
	s25 =	spop (v2sf)  }
0x14f: {  	s7 =	simm.s32 @!p0 $0x0;
	p1 =	sgt.f32 s25, $5.000000000e-01;
	s26 =	spop (v2sf)  }
0x150: {  	s5 =	sadd.s32 s7, s5;
	s25 =	simm.s32 $0x1;
	p0 =	sgt.f32 s26, $5.000000000e-01  }
0x151: {  	(v2sf) =	vpush v5, $0x8;
	s28 =	spop (v2sf);
	s26 =	simm.s32 $0x1;
	s4 =	simm.s32 @!p1 $0x0  }
0x152: {  	(v2sf) =	vpush v5, $0x9;
	s8 =	sadd.s32 @p1 $0xFFFFFFC1, s10;
	p2 =	sgt.f32 s28, $5.000000000e-01;
	s29 =	spop (v2sf)  }
0x153: {  	(v2sf) =	vpush v5, $0xA;
	s4 =	sadd.s32 s4, s5;
	s14 =	simm.s32 @!p0 $0x0;
	s30 =	spop (v2sf)  }
0x154: {  	s2 =	simm.s32 @!p2 $0x0;
	s14 =	sadd.s32 s14, s4;
	s17 =	simm.s32 @!p2 $0x0  }
0x155: {  	(v2sf) =	vpush v5, $0xB;
	s19 =	sadd.s32 @p2 $0xFFFFFFC3, s10;
	s2 =	simm.s32 @p2 $0x1;
	p2 =	sgt.f32 s29, $5.000000000e-01  }
0x156: {  	s7 =	sadd.s32 @p0 $0xFFFFFFC2, s10;
	(v2sf) =	vpush v5, $0xC;
	p4 =	sgt.f32 s30, $5.000000000e-01;
	s17 =	sadd.s32 s17, s14  }
0x157: {  	s29 =	simm.s32 $0x1;
	[smem:$0x7F3] =	sst s2;
	s2 =	simm.s32 @!p2 $0x0  }
0x158: {  	s21 =	simm.s32 @!p4 $0x0;
	s23 =	sadd.s32 @p4 $0xFFFFFFC5, s10;
	s2 =	simm.s32 @p2 $0x1  }
0x159: {  	s20 =	simm.s32 @!p2 $0x0;
	[smem:$0x7F4] =	sst s2;
	s2 =	spop (v2sf)  }
0x15a: {  	s20 =	sadd.s32 s20, s17;
	p5 =	sgt.f32 s2, $5.000000000e-01;
	s3 =	spop (v2sf)  }
0x15b: {  	s18 =	sadd.s32 @p2 $0xFFFFFFC4, s10;
	s21 =	sadd.s32 s21, s20;
	p2 =	sgt.f32 s3, $5.000000000e-01  }
0x15c: {  	(v2sf) =	vpush v5, $0xD;
	s6 =	spop (v2sf);
	s3 =	sld [smem:$0x7F4];
	s22 =	sadd.s32 @p5 $0xFFFFFFC6, s10  }
0x15d: {  	(v2sf) =	vpush v5, $0xE;
	s24 =	simm.s32 @!p5 $0x0;
	p3 =	sgt.f32 s6, $5.000000000e-01;
	s2 =	simm.s32 @!p2 $0x0  }
0x15e: {  	(v2sf) =	vpush v5, $0xF;
	s24 =	sadd.s32 s24, s21;
	s25 =	simm.s32 @!p2 $0x0;
	s28 =	sadd.s32 @p2 $0xFFFFFFC7, s10  }
0x15f: {  	v5 =	vmov @p1 s8;
	s2 =	simm.s32 @p2 $0x1;
	s25 =	sadd.s32 s25, s24;
	s26 =	simm.s32 @!p3 $0x0  }
0x160: {  	[tilespmem:s5+$0x2900] =	vst @p1 v5;
	s11 =	spop (v2sf);
	s5 =	sadd.s32 s26, s25;
	s26 =	sld [smem:$0x7F3]  }
0x161: {  	v5 =	vmov @p0 s7;
	s8 =	sadd.s32 @p3 $0xFFFFFFC8, s10;
	[smem:$0x7F5] =	sst s2;
	s12 =	spop (v2sf)  }
0x162: {  	[tilespmem:s4+$0x2900] =	vst @p0 v5;
	p0 =	seq.s32 s3, $0x1;
	p6 =	sgt.f32 s11, $5.000000000e-01;
	s30 =	spop (v2sf)  }
0x163: {  	p2 =	sgt.f32 s12, $5.000000000e-01;
	s11 =	sld [smem:$0x7F5];
	p1 =	seq.s32 s26, $0x1  }
0x164: {  	s29 =	simm.s32 @!p6 $0x0;
	s4 =	sadd.s32 @p6 $0xFFFFFFC9, s10;
	s6 =	spop (v2sf);
	v5 =	vmov @p1 s19  }
0x165: {  	s7 =	sadd.s32 s29, s5;
	s12 =	spop (v2sf);
	s19 =	simm.s32 $0x1;
	[tilespmem:s14+$0x2900] =	vst @p1 v5;
	v5 =	vmov @p0 s18  }
0x166: {  	s14 =	simm.s32 $0x1;
	p1 =	sgt.f32 s30, $5.000000000e-01;
	s18 =	simm.s32 $0x1;
	[tilespmem:s17+$0x2900] =	vst @p0 v5;
	v5 =	vmov @p4 s23  }
0x167: {  	s17 =	sadd.s32 @p2 $0xFFFFFFCA, s10;
	s14 =	simm.s32 @!p2 $0x0;
	p0 =	seq.s32 s11, $0x1;
	[tilespmem:s20+$0x2900] =	vst @p4 v5;
	v5 =	vmov @p5 s22  }
0x168: {  	s14 =	sadd.s32 s14, s7;
	s18 =	simm.s32 @!p1 $0x0;
	p4 =	sgt.f32 s6, $5.000000000e-01;
	[tilespmem:s21+$0x2900] =	vst @p5 v5;
	v5 =	vmov @p0 s28  }
0x169: {  	p5 =	sgt.f32 s12, $5.000000000e-01;
	[tilespmem:s24+$0x2900] =	vst @p0 v5;
	v5 =	vmov @p3 s8;
	s8 =	sadd.s32 s18, s14;
	s18 =	simm.s32 $0x1  }
0x16a: {  	s20 =	sadd.s32 @p1 $0xFFFFFFCB, s10;
	[tilespmem:s25+$0x2900] =	vst @p3 v5;
	v5 =	vmov @p6 s4;
	s4 =	sadd.s32 @p4 $0xFFFFFFCC, s10;
	s18 =	simm.s32 @!p4 $0x0  }
0x16b: {  	s19 =	simm.s32 @!p5 $0x0;
	[tilespmem:s5+$0x2900] =	vst @p6 v5;
	v5 =	vmov @p2 s17;
	s5 =	sadd.s32 s18, s8;
	s18 =	spop (v2sf)  }
0x16c: {  	[tilespmem:s7+$0x2900] =	vst @p2 v5;
	v5 =	vmov @p1 s20;
	s7 =	sadd.s32 @p5 $0xFFFFFFCD, s10;
	p2 =	sgt.f32 s18, $5.000000000e-01;
	s20 =	spop (v2sf)  }
0x16d: {  	[tilespmem:s14+$0x2900] =	vst @p1 v5;
	v5 =	vmov @p4 s4;
	s4 =	sadd.s32 s19, s5;
	p1 =	sgt.f32 s20, $5.000000000e-01;
	s21 =	spop (v2sf)  }
0x16e: {  	[tilespmem:s8+$0x2900] =	vst @p4 v5;
	v5 =	vmov @p5 s7;
	s7 =	sadd.s32 @p2 $0xFFFFFFCE, s10;
	s8 =	simm.s32 $0x1;
	p0 =	sgt.f32 s21, $5.000000000e-01  }
0x16f: {  	[tilespmem:s5+$0x2900] =	vst @p5 v5;
	v5 =	vmov @p2 s7;
	s8 =	simm.s32 @!p2 $0x0;
	s5 =	sadd.s32 @p1 $0xFFFFFFCF, s10;
	s7 =	simm.s32 $0x1  }
0x170: {  	[tilespmem:s4+$0x2900] =	vst @p2 v5;
	s4 =	sadd.s32 s8, s4;
	v5 =	vmov @p1 s5;
	s7 =	simm.s32 @!p1 $0x0;
	s5 =	sadd.s32 @p0 $0xFFFFFFD0, s10  }
0x171: {  	[tilespmem:s4+$0x2900] =	vst @p1 v5;
	s4 =	sadd.s32 s7, s4;
	v5 =	vmov @p0 s5  }
0x172: {  	[tilespmem:s4+$0x2900] =	vst @p0 v5  }
0x173: {  	v5 =	vld [tilespmem:s13+$0x10];
	_ =	sdelay $0x4  }
0x174: {  	(v2sf) =	vpush v5, $0x0;
	_ =	sdelay $0x1  }
0x175: {  	(v2sf) =	vpush v5, $0x1  }
0x176: {  	(v2sf) =	vpush v5, $0x2  }
0x177: {  	(v2sf) =	vpush v5, $0x3;
	_ =	sdelay $0x1  }
0x178: {  	(v2sf) =	vpush v5, $0x4;
	_ =	sdelay $0x1  }
0x179: {  	(v2sf) =	vpush v5, $0x5;
	_ =	sdelay $0x1  }
0x17a: {  	(v2sf) =	vpush v5, $0x6;
	_ =	sdelay $0x1  }
0x17b: {  	(v2sf) =	vpush v5, $0x7;
	_ =	sdelay $0x1  }
0x17c: {  	s17 =	simm.s32 $0x1;
	s14 =	simm.s32 $0x1  }
0x17d: {  	s20 =	simm.s32 $0x1;
	s7 =	simm.s32 $0x1;
	s22 =	spop (v2sf)  }
0x17e: {  	s21 =	simm.s32 $0x1;
	s7 =	simm.s32 @!p0 $0x0;
	p1 =	sgt.f32 s22, $5.000000000e-01  }
0x17f: {  	s5 =	simm.s32 $0x1;
	s4 =	sadd.s32 s7, s4;
	s23 =	spop (v2sf)  }
0x180: {  	p0 =	sgt.f32 s23, $5.000000000e-01;
	s24 =	spop (v2sf);
	s5 =	simm.s32 @!p1 $0x0  }
0x181: {  	s8 =	sadd.s32 @p1 $0xFFFFFFD1, s10;
	p2 =	sgt.f32 s24, $5.000000000e-01;
	s25 =	spop (v2sf)  }
0x182: {  	(v2sf) =	vpush v5, $0x8;
	s24 =	simm.s32 $0x1;
	s5 =	sadd.s32 s5, s4;
	s7 =	sadd.s32 @p0 $0xFFFFFFD2, s10  }
0x183: {  	(v2sf) =	vpush v5, $0x9;
	s14 =	simm.s32 @!p0 $0x0;
	s26 =	spop (v2sf);
	s2 =	simm.s32 @!p2 $0x0  }
0x184: {  	(v2sf) =	vpush v5, $0xA;
	s14 =	sadd.s32 s14, s5;
	s17 =	simm.s32 @!p2 $0x0;
	s19 =	sadd.s32 @p2 $0xFFFFFFD3, s10  }
0x185: {  	p4 =	sgt.f32 s26, $5.000000000e-01;
	s28 =	spop (v2sf);
	s26 =	simm.s32 $0x1  }
0x186: {  	(v2sf) =	vpush v5, $0xB;
	s2 =	simm.s32 @p2 $0x1;
	p2 =	sgt.f32 s25, $5.000000000e-01;
	s17 =	sadd.s32 s17, s14  }
0x187: {  	(v2sf) =	vpush v5, $0xC;
	p5 =	sgt.f32 s28, $5.000000000e-01;
	s29 =	spop (v2sf);
	s25 =	simm.s32 $0x1  }
0x188: {  	(v2sf) =	vpush v5, $0xD;
	[smem:$0x7F6] =	sst s2;
	s21 =	simm.s32 @!p4 $0x0;
	s23 =	sadd.s32 @p4 $0xFFFFFFD5, s10  }
0x189: {  	(v2sf) =	vpush v5, $0xE;
	s30 =	spop (v2sf);
	s2 =	simm.s32 @!p2 $0x0;
	s18 =	sadd.s32 @p2 $0xFFFFFFD4, s10  }
0x18a: {  	(v2sf) =	vpush v5, $0xF;
	v5 =	vmov @p1 s8;
	s20 =	simm.s32 @!p2 $0x0;
	s22 =	sadd.s32 @p5 $0xFFFFFFD6, s10;
	s24 =	simm.s32 @!p5 $0x0  }
0x18b: {  	p3 =	sgt.f32 s30, $5.000000000e-01;
	[tilespmem:s4+$0x2900] =	vst @p1 v5;
	v5 =	vmov @p0 s7;
	s2 =	simm.s32 @p2 $0x1;
	s20 =	sadd.s32 s20, s17  }
0x18c: {  	p2 =	sgt.f32 s29, $5.000000000e-01;
	s29 =	simm.s32 $0x1;
	[tilespmem:s5+$0x2900] =	vst @p0 v5;
	s5 =	sld [smem:$0x7F6]  }
0x18d: {  	[smem:$0x7F7] =	sst s2;
	s21 =	sadd.s32 s21, s20;
	s8 =	sadd.s32 @p3 $0xFFFFFFD8, s10  }
0x18e: {  	s26 =	simm.s32 @!p3 $0x0;
	s2 =	simm.s32 @!p2 $0x0;
	s11 =	sld [smem:$0x7F7]  }
0x18f: {  	s24 =	sadd.s32 s24, s21;
	s25 =	simm.s32 @!p2 $0x0;
	s28 =	sadd.s32 @p2 $0xFFFFFFD7, s10  }
0x190: {  	s2 =	simm.s32 @p2 $0x1;
	s25 =	sadd.s32 s25, s24;
	p1 =	seq.s32 s5, $0x1  }
0x191: {  	[smem:$0x7F8] =	sst s2;
	v5 =	vmov @p1 s19;
	p0 =	seq.s32 s11, $0x1;
	s2 =	spop (v2sf)  }
0x192: {  	s4 =	sadd.s32 s26, s25;
	s19 =	simm.s32 $0x1;
	[tilespmem:s14+$0x2900] =	vst @p1 v5;
	v5 =	vmov @p0 s18;
	s3 =	spop (v2sf)  }
0x193: {  	s14 =	simm.s32 $0x1;
	p6 =	sgt.f32 s2, $5.000000000e-01;
	[tilespmem:s17+$0x2900] =	vst @p0 v5;
	v5 =	vmov @p4 s23;
	s6 =	spop (v2sf)  }
0x194: {  	s18 =	simm.s32 $0x1;
	p2 =	sgt.f32 s3, $5.000000000e-01;
	[tilespmem:s20+$0x2900] =	vst @p4 v5;
	s20 =	sld [smem:$0x7F8]  }
0x195: {  	s29 =	simm.s32 @!p6 $0x0;
	s5 =	sadd.s32 @p6 $0xFFFFFFD9, s10;
	p1 =	sgt.f32 s6, $5.000000000e-01  }
0x196: {  	s12 =	spop (v2sf);
	s7 =	sadd.s32 s29, s4;
	s17 =	sadd.s32 @p2 $0xFFFFFFDA, s10  }
0x197: {  	v5 =	vmov @p5 s22;
	s14 =	simm.s32 @!p2 $0x0;
	p4 =	sgt.f32 s12, $5.000000000e-01;
	p0 =	seq.s32 s20, $0x1  }
0x198: {  	[tilespmem:s21+$0x2900] =	vst @p5 v5;
	s21 =	spop (v2sf);
	s14 =	sadd.s32 s14, s7;
	s18 =	simm.s32 @!p1 $0x0;
	v5 =	vmov @p0 s28  }
0x199: {  	s20 =	sadd.s32 @p1 $0xFFFFFFDB, s10;
	p5 =	sgt.f32 s21, $5.000000000e-01;
	s22 =	spop (v2sf);
	[tilespmem:s24+$0x2900] =	vst @p0 v5;
	v5 =	vmov @p3 s8  }
0x19a: {  	s23 =	spop (v2sf);
	s8 =	sadd.s32 s18, s14;
	s18 =	simm.s32 $0x1;
	[tilespmem:s25+$0x2900] =	vst @p3 v5;
	v5 =	vmov @p6 s5  }
0x19b: {  	s19 =	simm.s32 @!p5 $0x0;
	s24 =	spop (v2sf);
	s5 =	sadd.s32 @p4 $0xFFFFFFDC, s10;
	[tilespmem:s4+$0x2900] =	vst @p6 v5;
	v5 =	vmov @p2 s17  }
0x19c: {  	s18 =	simm.s32 @!p4 $0x0;
	p0 =	sgt.f32 s24, $5.000000000e-01;
	[tilespmem:s7+$0x2900] =	vst @p2 v5;
	v5 =	vmov @p1 s20;
	p2 =	sgt.f32 s22, $5.000000000e-01  }
0x19d: {  	s4 =	sadd.s32 s18, s8;
	s7 =	sadd.s32 @p5 $0xFFFFFFDD, s10;
	[tilespmem:s14+$0x2900] =	vst @p1 v5;
	v5 =	vmov @p4 s5;
	p1 =	sgt.f32 s23, $5.000000000e-01  }
0x19e: {  	s5 =	sadd.s32 s19, s4;
	[tilespmem:s8+$0x2900] =	vst @p4 v5;
	v5 =	vmov @p5 s7;
	s7 =	sadd.s32 @p2 $0xFFFFFFDE, s10;
	s8 =	simm.s32 $0x1  }
0x19f: {  	[tilespmem:s4+$0x2900] =	vst @p5 v5;
	v5 =	vmov @p2 s7;
	s8 =	simm.s32 @!p2 $0x0;
	s4 =	sadd.s32 @p1 $0xFFFFFFDF, s10;
	s7 =	simm.s32 $0x1  }
0x1a0: {  	[tilespmem:s5+$0x2900] =	vst @p2 v5;
	s5 =	sadd.s32 s8, s5;
	v5 =	vmov @p1 s4;
	s7 =	simm.s32 @!p1 $0x0;
	s4 =	sadd.s32 @p0 $0xFFFFFFE0, s10  }
0x1a1: {  	[tilespmem:s5+$0x2900] =	vst @p1 v5;
	s5 =	sadd.s32 s7, s5;
	v5 =	vmov @p0 s4  }
0x1a2: {  	[tilespmem:s5+$0x2900] =	vst @p0 v5  }
0x1a3: {  	v5 =	vld [tilespmem:s13+$0x20];
	_ =	sdelay $0x4  }
0x1a4: {  	(v2sf) =	vpush v5, $0x0  }
0x1a5: {  	(v2sf) =	vpush v5, $0x1;
	_ =	sdelay $0x1  }
0x1a6: {  	(v2sf) =	vpush v5, $0x2  }
0x1a7: {  	(v2sf) =	vpush v5, $0x3  }
0x1a8: {  	(v2sf) =	vpush v5, $0x4;
	_ =	sdelay $0x5  }
0x1a9: {  	(v2sf) =	vpush v5, $0x5  }
0x1aa: {  	(v2sf) =	vpush v5, $0x6  }
0x1ab: {  	s21 =	simm.s32 $0x1;
	s24 =	simm.s32 $0x1  }
0x1ac: {  	s17 =	simm.s32 $0x1;
	s20 =	simm.s32 $0x1;
	s14 =	simm.s32 $0x1;
	(v2sf) =	vpush v5, $0x7  }
0x1ad: {  	s7 =	simm.s32 $0x1;
	s4 =	simm.s32 $0x1;
	s25 =	spop (v2sf)  }
0x1ae: {  	s7 =	simm.s32 @!p0 $0x0;
	p1 =	sgt.f32 s25, $5.000000000e-01;
	s26 =	spop (v2sf)  }
0x1af: {  	s5 =	sadd.s32 s7, s5;
	s25 =	simm.s32 $0x1;
	p0 =	sgt.f32 s26, $5.000000000e-01  }
0x1b0: {  	(v2sf) =	vpush v5, $0x8;
	s28 =	spop (v2sf);
	s26 =	simm.s32 $0x1;
	s4 =	simm.s32 @!p1 $0x0  }
0x1b1: {  	(v2sf) =	vpush v5, $0x9;
	s8 =	sadd.s32 @p1 $0xFFFFFFE1, s10;
	p2 =	sgt.f32 s28, $5.000000000e-01;
	s29 =	spop (v2sf)  }
0x1b2: {  	(v2sf) =	vpush v5, $0xA;
	s4 =	sadd.s32 s4, s5;
	s14 =	simm.s32 @!p0 $0x0;
	s30 =	spop (v2sf)  }
0x1b3: {  	s2 =	simm.s32 @!p2 $0x0;
	s14 =	sadd.s32 s14, s4;
	s17 =	simm.s32 @!p2 $0x0  }
0x1b4: {  	(v2sf) =	vpush v5, $0xB;
	s19 =	sadd.s32 @p2 $0xFFFFFFE3, s10;
	s2 =	simm.s32 @p2 $0x1;
	p2 =	sgt.f32 s29, $5.000000000e-01  }
0x1b5: {  	s7 =	sadd.s32 @p0 $0xFFFFFFE2, s10;
	(v2sf) =	vpush v5, $0xC;
	p4 =	sgt.f32 s30, $5.000000000e-01;
	s17 =	sadd.s32 s17, s14  }
0x1b6: {  	s29 =	simm.s32 $0x1;
	[smem:$0x7F9] =	sst s2;
	s2 =	simm.s32 @!p2 $0x0  }
0x1b7: {  	s21 =	simm.s32 @!p4 $0x0;
	s23 =	sadd.s32 @p4 $0xFFFFFFE5, s10;
	s2 =	simm.s32 @p2 $0x1  }
0x1b8: {  	s20 =	simm.s32 @!p2 $0x0;
	[smem:$0x7FA] =	sst s2;
	s2 =	spop (v2sf)  }
0x1b9: {  	s20 =	sadd.s32 s20, s17;
	p5 =	sgt.f32 s2, $5.000000000e-01;
	s3 =	spop (v2sf)  }
0x1ba: {  	s18 =	sadd.s32 @p2 $0xFFFFFFE4, s10;
	s21 =	sadd.s32 s21, s20;
	p2 =	sgt.f32 s3, $5.000000000e-01  }
0x1bb: {  	(v2sf) =	vpush v5, $0xD;
	s6 =	spop (v2sf);
	s3 =	sld [smem:$0x7FA];
	s22 =	sadd.s32 @p5 $0xFFFFFFE6, s10  }
0x1bc: {  	(v2sf) =	vpush v5, $0xE;
	s24 =	simm.s32 @!p5 $0x0;
	p3 =	sgt.f32 s6, $5.000000000e-01;
	s2 =	simm.s32 @!p2 $0x0  }
0x1bd: {  	(v2sf) =	vpush v5, $0xF;
	s24 =	sadd.s32 s24, s21;
	s25 =	simm.s32 @!p2 $0x0;
	s28 =	sadd.s32 @p2 $0xFFFFFFE7, s10  }
0x1be: {  	v5 =	vmov @p1 s8;
	s2 =	simm.s32 @p2 $0x1;
	s25 =	sadd.s32 s25, s24;
	s26 =	simm.s32 @!p3 $0x0  }
0x1bf: {  	[tilespmem:s5+$0x2900] =	vst @p1 v5;
	s11 =	spop (v2sf);
	s5 =	sadd.s32 s26, s25;
	s26 =	sld [smem:$0x7F9]  }
0x1c0: {  	v5 =	vmov @p0 s7;
	s8 =	sadd.s32 @p3 $0xFFFFFFE8, s10;
	[smem:$0x7FB] =	sst s2;
	s12 =	spop (v2sf)  }
0x1c1: {  	[tilespmem:s4+$0x2900] =	vst @p0 v5;
	p0 =	seq.s32 s3, $0x1;
	p6 =	sgt.f32 s11, $5.000000000e-01;
	s30 =	spop (v2sf)  }
0x1c2: {  	p2 =	sgt.f32 s12, $5.000000000e-01;
	s11 =	sld [smem:$0x7FB];
	p1 =	seq.s32 s26, $0x1  }
0x1c3: {  	s29 =	simm.s32 @!p6 $0x0;
	s4 =	sadd.s32 @p6 $0xFFFFFFE9, s10;
	s6 =	spop (v2sf);
	v5 =	vmov @p1 s19  }
0x1c4: {  	s7 =	sadd.s32 s29, s5;
	s12 =	spop (v2sf);
	s19 =	simm.s32 $0x1;
	[tilespmem:s14+$0x2900] =	vst @p1 v5;
	v5 =	vmov @p0 s18  }
0x1c5: {  	s14 =	simm.s32 $0x1;
	p1 =	sgt.f32 s30, $5.000000000e-01;
	s18 =	simm.s32 $0x1;
	[tilespmem:s17+$0x2900] =	vst @p0 v5;
	v5 =	vmov @p4 s23  }
0x1c6: {  	s17 =	sadd.s32 @p2 $0xFFFFFFEA, s10;
	s14 =	simm.s32 @!p2 $0x0;
	p0 =	seq.s32 s11, $0x1;
	[tilespmem:s20+$0x2900] =	vst @p4 v5;
	v5 =	vmov @p5 s22  }
0x1c7: {  	s14 =	sadd.s32 s14, s7;
	s18 =	simm.s32 @!p1 $0x0;
	p4 =	sgt.f32 s6, $5.000000000e-01;
	[tilespmem:s21+$0x2900] =	vst @p5 v5;
	v5 =	vmov @p0 s28  }
0x1c8: {  	p5 =	sgt.f32 s12, $5.000000000e-01;
	[tilespmem:s24+$0x2900] =	vst @p0 v5;
	v5 =	vmov @p3 s8;
	s8 =	sadd.s32 s18, s14;
	s18 =	simm.s32 $0x1  }
0x1c9: {  	s20 =	sadd.s32 @p1 $0xFFFFFFEB, s10;
	[tilespmem:s25+$0x2900] =	vst @p3 v5;
	v5 =	vmov @p6 s4;
	s4 =	sadd.s32 @p4 $0xFFFFFFEC, s10;
	s18 =	simm.s32 @!p4 $0x0  }
0x1ca: {  	s19 =	simm.s32 @!p5 $0x0;
	[tilespmem:s5+$0x2900] =	vst @p6 v5;
	v5 =	vmov @p2 s17;
	s5 =	sadd.s32 s18, s8;
	s18 =	spop (v2sf)  }
0x1cb: {  	[tilespmem:s7+$0x2900] =	vst @p2 v5;
	v5 =	vmov @p1 s20;
	s7 =	sadd.s32 @p5 $0xFFFFFFED, s10;
	p2 =	sgt.f32 s18, $5.000000000e-01;
	s20 =	spop (v2sf)  }
0x1cc: {  	[tilespmem:s14+$0x2900] =	vst @p1 v5;
	v5 =	vmov @p4 s4;
	s4 =	sadd.s32 s19, s5;
	p1 =	sgt.f32 s20, $5.000000000e-01;
	s21 =	spop (v2sf)  }
0x1cd: {  	[tilespmem:s8+$0x2900] =	vst @p4 v5;
	v5 =	vmov @p5 s7;
	s7 =	sadd.s32 @p2 $0xFFFFFFEE, s10;
	s8 =	simm.s32 $0x1;
	p0 =	sgt.f32 s21, $5.000000000e-01  }
0x1ce: {  	[tilespmem:s5+$0x2900] =	vst @p5 v5;
	v5 =	vmov @p2 s7;
	s8 =	simm.s32 @!p2 $0x0;
	s5 =	sadd.s32 @p1 $0xFFFFFFEF, s10;
	s7 =	simm.s32 $0x1  }
0x1cf: {  	[tilespmem:s4+$0x2900] =	vst @p2 v5;
	s4 =	sadd.s32 s8, s4;
	v5 =	vmov @p1 s5;
	s7 =	simm.s32 @!p1 $0x0;
	s5 =	sadd.s32 @p0 $0xFFFFFFF0, s10  }
0x1d0: {  	[tilespmem:s4+$0x2900] =	vst @p1 v5;
	s4 =	sadd.s32 s7, s4;
	v5 =	vmov @p0 s5  }
0x1d1: {  	[tilespmem:s4+$0x2900] =	vst @p0 v5  }
0x1d2: {  	v5 =	vld [tilespmem:s13+$0x30];
	_ =	sdelay $0x4  }
0x1d3: {  	(v2sf) =	vpush v5, $0x0;
	_ =	sdelay $0x1  }
0x1d4: {  	(v2sf) =	vpush v5, $0x1  }
0x1d5: {  	(v2sf) =	vpush v5, $0x2  }
0x1d6: {  	(v2sf) =	vpush v5, $0x3  }
0x1d7: {  	(v2sf) =	vpush v5, $0x4  }
0x1d8: {  	(v2sf) =	vpush v5, $0x5  }
0x1d9: {  	(v2sf) =	vpush v5, $0x6  }
0x1da: {  	(v2sf) =	vpush v5, $0x7  }
0x1db: {  	(v2sf) =	vpush v5, $0x8  }
0x1dc: {  	(v2sf) =	vpush v5, $0x9  }
0x1dd: {  	(v2sf) =	vpush v5, $0xA  }
0x1de: {  	(v2sf) =	vpush v5, $0xB  }
0x1df: {  	(v2sf) =	vpush v5, $0xC  }
0x1e0: {  	(v2sf) =	vpush v5, $0xD  }
0x1e1: {  	s19 =	simm.s32 $0x1;
	s22 =	spop (v2sf);
	(v2sf) =	vpush v5, $0xE  }
0x1e2: {  	s19 =	simm.s32 @!p0 $0x0  }
0x1e3: {  	s5 =	simm.s32 $0x1;
	s7 =	simm.s32 $0x1;
	s23 =	spop (v2sf)  }
0x1e4: {  	s4 =	sadd.s32 s19, s4;
	p6 =	sgt.f32 s22, $5.000000000e-01;
	s24 =	spop (v2sf)  }
0x1e5: {  	s19 =	simm.s32 $0x1;
	s22 =	simm.s32 $0x1;
	s30 =	spop (v2sf)  }
0x1e6: {  	p4 =	sgt.f32 s23, $5.000000000e-01;
	s29 =	sadd.s32 @p6 $0xFFFFFFF1, s10;
	s3 =	spop (v2sf)  }
0x1e7: {  	s5 =	simm.s32 @!p6 $0x0;
	p0 =	sgt.f32 s24, $5.000000000e-01;
	s6 =	spop (v2sf)  }
0x1e8: {  	s5 =	sadd.s32 s5, s4;
	s8 =	sadd.s32 @p4 $0xFFFFFFF2, s10;
	s11 =	spop (v2sf)  }
0x1e9: {  	s7 =	simm.s32 @!p4 $0x0;
	p2 =	sgt.f32 s30, $5.000000000e-01;
	s25 =	spop (v2sf)  }
0x1ea: {  	s30 =	simm.s32 $0x1;
	s2 =	simm.s32 @!p0 $0x0;
	s26 =	spop (v2sf)  }
0x1eb: {  	s7 =	sadd.s32 s7, s5;
	s19 =	simm.s32 @!p0 $0x0;
	s28 =	spop (v2sf)  }
0x1ec: {  	s14 =	sadd.s32 @p0 $0xFFFFFFF3, s10;
	p3 =	sgt.f32 s3, $5.000000000e-01;
	s21 =	spop (v2sf)  }
0x1ed: {  	s2 =	simm.s32 @p0 $0x1;
	s12 =	sadd.s32 @p2 $0xFFFFFFF4, s10;
	s20 =	spop (v2sf)  }
0x1ee: {  	s30 =	simm.s32 @!p2 $0x0;
	p0 =	sgt.f32 s6, $5.000000000e-01;
	s18 =	spop (v2sf)  }
0x1ef: {  	s6 =	simm.s32 $0x1;
	[smem:$0x7FC] =	sst s2;
	s17 =	spop (v2sf)  }
0x1f0: {  	s2 =	sadd.s32 s19, s7;
	s22 =	simm.s32 @!p3 $0x0;
	s19 =	spop (v2sf);
	(v2sf) =	vpush v5, $0xF  }
0x1f1: {  	p5 =	sgt.f32 s11, $5.000000000e-01;
	s24 =	sadd.s32 @p3 $0xFFFFFFF5, s10;
	s3 =	simm.s32 @!p0 $0x0  }
0x1f2: {  	s23 =	sadd.s32 s30, s2;
	s30 =	simm.s32 $0x1;
	s3 =	simm.s32 @p0 $0x1  }
0x1f3: {  	s30 =	simm.s32 @!p0 $0x0;
	[smem:$0x7FD] =	sst s3;
	s3 =	sadd.s32 @p0 $0xFFFFFFF6, s10  }
0x1f4: {  	p0 =	por p6, p6;
	v5 =	vmov @p6 s29;
	p6 =	sgt.f32 s26, $5.000000000e-01;
	s26 =	sld [smem:$0x7FC]  }
0x1f5: {  	p1 =	sgt.f32 s25, $5.000000000e-01;
	s25 =	simm.s32 $0x1;
	s22 =	sadd.s32 s22, s23  }
0x1f6: {  	s11 =	sadd.s32 @p5 $0xFFFFFFF7, s10;
	s6 =	simm.s32 @!p5 $0x0;
	s30 =	sadd.s32 s30, s22  }
0x1f7: {  	s25 =	simm.s32 @!p1 $0x0;
	[tilespmem:s4+$0x2900] =	vst @p0 v5;
	v5 =	vmov @p4 s8;
	s4 =	sadd.s32 s6, s30;
	p0 =	seq.s32 s26, $0x1  }
0x1f8: {  	s29 =	sld [smem:$0x7FD];
	s6 =	simm.s32 $0x1;
	[tilespmem:s5+$0x2900] =	vst @p4 v5;
	s5 =	sadd.s32 s25, s4;
	v5 =	vmov @p0 s14  }
0x1f9: {  	s6 =	simm.s32 @!p6 $0x0;
	p4 =	sgt.f32 s28, $5.000000000e-01;
	s8 =	sadd.s32 @p6 $0xFFFFFFF9, s10;
	[tilespmem:s7+$0x2900] =	vst @p0 v5;
	v5 =	vmov @p2 s12  }
0x1fa: {  	s6 =	sadd.s32 s6, s5;
	s7 =	sadd.s32 @p1 $0xFFFFFFF8, s10;
	s12 =	simm.s32 $0x1;
	[tilespmem:s2+$0x2900] =	vst @p2 v5;
	v5 =	vmov @p3 s24  }
0x1fb: {  	p0 =	sgt.f32 s20, $5.000000000e-01;
	p2 =	sgt.f32 s21, $5.000000000e-01;
	[tilespmem:s23+$0x2900] =	vst @p3 v5;
	p3 =	seq.s32 s29, $0x1  }
0x1fc: {  	s2 =	sadd.s32 @p4 $0xFFFFFFFA, s10;
	s12 =	simm.s32 @!p4 $0x0;
	v5 =	vmov @p3 s3;
	s3 =	simm.s32 $0x1  }
0x1fd: {  	[tilespmem:s22+$0x2900] =	vst @p3 v5;
	v5 =	vmov @p5 s11;
	s11 =	sadd.s32 s12, s6;
	s3 =	simm.s32 @!p2 $0x0;
	s12 =	simm.s32 $0x1  }
0x1fe: {  	p3 =	sgt.f32 s18, $5.000000000e-01;
	[tilespmem:s30+$0x2900] =	vst @p5 v5;
	v5 =	vmov @p1 s7;
	s7 =	sadd.s32 @p2 $0xFFFFFFFB, s10;
	s3 =	sadd.s32 s3, s11  }
0x1ff: {  	s12 =	simm.s32 @!p0 $0x0;
	[tilespmem:s4+$0x2900] =	vst @p1 v5;
	v5 =	vmov @p6 s8;
	s4 =	sadd.s32 @p0 $0xFFFFFFFC, s10;
	s30 =	spop (v2sf)  }
0x200: {  	[tilespmem:s5+$0x2900] =	vst @p6 v5;
	v5 =	vmov @p4 s2;
	s2 =	sadd.s32 s12, s3;
	s5 =	simm.s32 $0x1;
	p1 =	sgt.f32 s30, $5.000000000e-01  }
0x201: {  	[tilespmem:s6+$0x2900] =	vst @p4 v5;
	v5 =	vmov @p2 s7;
	p4 =	sgt.f32 s17, $5.000000000e-01;
	s6 =	sadd.s32 @p3 $0xFFFFFFFD, s10;
	s5 =	simm.s32 @!p3 $0x0  }
0x202: {  	[tilespmem:s11+$0x2900] =	vst @p2 v5;
	v5 =	vmov @p0 s4;
	p2 =	sgt.f32 s19, $5.000000000e-01;
	s4 =	simm.s32 $0x1;
	p5 =	sgt.f32 @p1 s19, $5.000000000e-01  }
0x203: {  	[tilespmem:s3+$0x2900] =	vst @p0 v5;
	v5 =	vmov @p3 s6;
	s3 =	sadd.s32 s5, s2;
	s5 =	sadd.s32 @p4 $0xFFFFFFFE, s10;
	s4 =	simm.s32 @!p4 $0x0  }
0x204: {  	[tilespmem:s2+$0x2900] =	vst @p3 v5;
	v5 =	vmov @p4 s5;
	s2 =	sadd.s32 @p2 $0xFFFFFFFF, s10;
	s5 =	simm.s32 @p1 $0x1;
	p0 =	por !p5, !p1  }
0x205: {  	[tilespmem:s3+$0x2900] =	vst @p4 v5;
	s3 =	sadd.s32 s4, s3;
	v5 =	vmov @p2 s2;
	s5 =	simm.s32 @p0 $0x0  }
0x206: {  	[tilespmem:s3+$0x2900] =	vst @p2 v5;
	v5 =	vmov @p1 s10;
	s2 =	sadd.s32 @p1 s5, s3  }
0x207: {  	[tilespmem:s2+$0x2900] =	vst @p1 v5  }
.LBB2_6:
0x208: {  	s10 =	sadd.s32 $0x80, s10  }
0x209: {  	p0 =	sne.s32 s10, $0x207F  }
.Ltmp5:
0x20a: {  	_ = 	snop;
	(pc) =	sbr.rel @!p0 .LBB2_7-.Ltmp5, $2  }
0x20b: {  	_ =	sdelay $0x2  }
0x20c: {  	s1 =	sadd.s32 s1, s16;
	s31 =	sadd.s32 $0x1, s31;
	s13 =	sadd.s32 $0x80, s13  }
.LBB2_3:
0x20d: {  	v5 =	vld [tilespmem:s31+$0x0];
	_ =	sdelay $0x4  }
0x20e: {  	(v2sf) =	vpush v5, $0x0;
	_ =	sdelay $0xe  }
0x20f: {  	p0 =	sgt.s32 s1, $0x3F;
	s16 =	spop (v2sf)  }
0x210: {  	p1 =	slt.s32 @!p0 s16, $0x1  }
0x211: {  	p1 =	por p0, p1  }
.Ltmp6:
0x212: {  	_ = 	snop;
	(pc) =	sbr.rel @!p1 .LBB2_5-.Ltmp6, $1  }
0x213: {  	_ =	sdelay $0x3  }
.Ltmp7:
0x214: {  	(pc) =	sbr.rel .LBB2_6-.Ltmp7, $3  }
0x215: {  	_ =	sdelay $0x1  }
0x216: {  	s16 =	simm.s32 $0x0  }
0x217: {  	s16 =	simm.s32 @p0 $0x0  }
.LBB2_9:
0x218: {  	_ =	sfence.sel $0x180000  }
0x219: {  	[bflag:$0x0] =	sbarrier.arrive $0xFFFF  }
0x21a: {  	_ =	strace $0x9000004A  }
0x21b: {  	s0 =	stileid.u32;
	[bflag:$0x2] =	sbarrier.arrive $0xFFFF  }
0x21c: {  	p0 =	sne.s32 s0, $0x0;
	s0 =	rddreg [dreg:$0x1]  }
0x21d: {  	s0 =	sadd.s32 @!p0 $0x100000, s0  }
0x21e: {  	[sflag:s0] =	ssyncadd.tile.s32 @!p0 $0x1;
	_ =	shalt  }
.Lfunc_end2:
_tile_overlayer_lowered:
.L_overlay_start_2:
0x21f: {  	(tag) =	ssettag $0x2  }
0x220: {  	s0 =	rddreg [dreg:$0x0];
	s2 =	stileid.u32  }
0x221: {  	s1 =	rddreg [dreg:$0x1];
	p0 =	sne.s32 s2, $0x0  }
0x222: {  	s3 =	rddreg [dreg:$0x2];
	[bflag:$0x3] =	sbarrier.arrive $0xFFFF;
	s2 =	simm.s32 @!p0 $0x1C02  }
0x223: {  	[timem:s3], [sflag:s2] =	dma.local @!p0 [hbm:s0], s1  }
0x224: {  	s0 =	simm.s32 @!p0 $0x2  }
0x225: {  	_ =	swait.ge @!p0 [sflag:s0], s1  }
0x226: {  	s1 =	ssub.s32 @!p0 $0x0, s1;
	[sflag:s0] =	ssyncset.done @!p0 $0x0  }
0x227: {  	[sflag:s0] =	ssyncadd.s32 @!p0 s1  }
0x228: {  	[bflag:$0x3] =	sbarrier.arrive $0xFFFF  }
0x229: {  	_ =	shalt  }

// kernel: sparse-core-data-format-call.cloned.1.call-start
scs
called_computation_lowered:
.L_overlay_start_0:
0x0: {  	s1 =	sld [smem:$0x3FD9]  }
0x1: {  	s2 =	sld [smem:$0x3FFE];
	_ =	sdelay $0x1  }
0x2: {  	s3 =	srdreg.scid  }
0x3: {  	s0 =	sand.u32 $0x1, s3  }
0x4: {  	s17 =	sshll.u32 s0, $0xA;
	s1 =	sadd.s32 s2, s1  }
0x5: {  	s1 =	sadd.s32 s1, s17  }
0x6: {  	[smem:$0x3F9B] =	sst s1  }
0x7: {  	_ = 	snop  }
0x8: {  	(tm) =	ssettm $0x1  }
0x9: {  	s18 =	sld [smem:$0x3FFB];
	_ =	sdelay $0x3  }
0xa: {  	_ =	strace s18  }
0xb: {  	s1 =	sld [smem:$0x3FFC];
	_ =	sdelay $0x3  }
0xc: {  	_ =	strace s1  }
0xd: {  	s1 =	sld [smem:$0x3FFD];
	_ =	sdelay $0x3  }
0xe: {  	_ =	strace s1  }
0xf: {  	_ =	strace $0x8FFFFFFF  }
0x10: {  	s19 =	sld [smem:$0x3FDB];
	_ =	sdelay $0x1  }
0x11: {  	s20 =	simm.s32 $_scs_section_size  }
0x12: {  	s4 =	simm.s32 $_size__tile_overlayer_lowered;
	s5 =	simm.s32 $_tile_overlayer_lowered  }
0x13: {  	s23 =	simm.s32 $0x1BFF;
	s22 =	sshll.u32 s5, $0x1;
	s1 =	sadd.s32 s20, s19  }
0x14: {  	s6 =	simm.s32 $0x0;
	s21 =	sshll.u32 s4, $0x1;
	s4 =	sadd.s32 s22, s1  }
0x15: {  	[timem:s6], [sflag:s23] =	dma.local [hbm:s4], s21  }
0x16: {  	_ =	swait.ge [sflag:s23], s21  }
0x17: {  	s2 =	ssub.s32 $0x0, s21;
	[sflag:s23] =	ssyncset.done $0x0  }
0x18: {  	[sflag:s23] =	ssyncadd.s32 s2;
	_ =	sdelay $0x1  }
0x19: {  	s24 =	simm.s32 $0x1B8B  }
0x1a: {  	_ =	swait.ge [sflag:s24], $0x1  }
0x1b: {  	[sflag:s24] =	ssyncset.done $0x0  }
0x1c: {  	s26 =	simm.s32 $0x1B8E;
	s25 =	sld [smem:$0x3FFE];
	[sflag:s24] =	ssyncadd.s32 $0xFFFFFFFF  }
0x1d: {  	s27 =	simm.s32 $execute0_lowered;
	[smem:$0x3FD2] =	sst s26  }
0x1e: {  	s4 =	sshll.u32 s27, $0x1;
	_ =	strace $0x80000046;
	[dreg:$0x1] =	wrdreg $0xFFFFFFFF  }
0x1f: {  	s28 =	simm.s32 $_size_execute0_lowered;
	s1 =	sadd.s32 s1, s4;
	[dreg:$0x0] =	wrdreg $0x0  }
0x20: {  	s4 =	sshll.u32 s28, $0x1;
	[dreg:$0x2] =	wrdreg s1  }
0x21: {  	[dreg:$0x3] =	wrdreg s4  }
0x22: {  	[dreg:$0x4] =	wrdreg $0xC0  }
0x23: {  	_ =	task [dreg:s6], $0x5FFFF  }
0x24: {  	[dreg:$0x1] =	wrdreg $0xFFFFFFFF  }
0x25: {  	[dreg:$0x0] =	wrdreg $0x60  }
0x26: {  	[dreg:$0x2] =	wrdreg s25  }
0x27: {  	[dreg:$0x3] =	wrdreg $0x9  }
0x28: {  	_ =	task.clear_ibuf [dreg:s6], $0x4FFFF;
	_ =	strace $0x90000046  }
0x29: {  	s29 =	simm.s32 $0x9;
	_ =	strace $0x80000048  }
0x2a: {  	_ =	swait.ge [sflag:s29], $0x1  }
0x2b: {  	[sflag:s29] =	ssyncadd.s32 $0xFFFFFFFF  }
0x2c: {  	_ =	strace $0x90000048  }
0x2d: {  	_ =	sfence  }
0x2e: {  	s30 =	sld [smem:$0x0];
	_ =	sdelay $0x2  }
0x2f: {  	s31 =	sshll.u32 s3, $0xD;
	s3 =	sshrl.u32 s3, $0x2  }
0x30: {  	s2 =	sand.u32 $0x4000, s31;
	s1 =	sadd.s32 s3, s30  }
0x31: {  	s0 =	sor.u32 s2, s0;
	s1 =	sshll.u32 s1, $0x11  }
0x32: {  	s0 =	sor.u32 s1, s0  }
0x33: {  	s0 =	sadd.s32 $0x8F2B, s0  }
0x34: {  	[sflag:s0] =	ssyncadd.remote.s32 $0x1  }
0x35: {  	_ =	sfence.sel $0xFFFF  }
0x36: {  	[dreg:$0x0] =	wrdreg $0xFFFFFFFF;
	(pc) =	sbr.abs _section_cstart, $3  }
0x37: {  	[dreg:$0x1] =	wrdreg $0xFFFFFFFF  }
0x38: {  	_ =	task.clear_ibuf [dreg:s6], $0x2FFFF;
	_ =	strace $0x9FFFFFFF  }
0x39: {  	(tm) =	ssettm $0x7FFFFFFF  }
tec
execute0_lowered:
.L_overlay_start_1:
0x0: {  	(tag) =	ssettag $0x1  }
0x1: {  	s1 =	rddreg [dreg:$0x0]  }
0x2: {  	s0 =	rddreg [dreg:$0x1]  }
0x3: {  	_ =	strace $0x80000047;
	s4 =	srdreg.scid;
	s6 =	simm.s32 $0x2  }
0x4: {  	s11 =	simm.s32 $0x0;
	p0 =	por $0x0, $0x0;
	s7 =	simm.s32 $0x2000  }
.Ltmp0:
0x5: {  	s12 =	simm.s32 $0x0;
	s9 =	simm.s32 $0x0;
	(pc) =	sbr.rel .LBB1_1-.Ltmp0, $4  }
0x6: {  	s2 =	sadd.s32 $0x12C00, s1;
	s3 =	sadd.s32 $0x112C00, s1;
	s5 =	sshll.u32 s4, $0x4  }
0x7: {  	s1 =	stileid.u32;
	s4 =	simm.s32 $0x1;
	s5 =	sand.u32 $0x10, s5  }
0x8: {  	s8 =	simm.s32 $0x0;
	[sflag:s4] =	ssyncpa.u1 $0x0;
	s5 =	sor.u32 s1, s5  }
0x9: {  	[sflag:s6] =	ssyncpa.u1 $0x0;
	s6 =	simm.s32 $0x800;
	s10 =	smov.u32 s5  }
.LBB1_7:
0xa: {  	s13 =	sadd.s32 $0x10, s9  }
0xb: {  	s11 =	sadd.s32 $0x20, s10;
	s15 =	smov.u32 s10;
	p2 =	sgt.s32 s13, $0x3F  }
0xc: {  	p1 =	slt.u32 s8, $0x2;
	s15 =	smov.u32 @p2 s11  }
0xd: {  	s8 =	sadd.s32 $0x1, s8;
	s13 =	simm.s32 @p2 $0x0;
	p2 =	sgt.s32 s15, $0x7F  }
0xe: {  	s15 =	smov.u32 @p2 s5;
	p2 =	sne.s32 s8, $0x12  }
.Ltmp1:
0xf: {  	_ = 	snop;
	(pc) =	sbr.rel @!p2 .LBB1_8-.Ltmp1, $4  }
0x10: {  	s14 =	simm.s32 @!p1 $0x2  }
0x11: {  	s12 =	smov.u32 s10;
	_ =	swait.ge @!p1 [sflag:s14], $0x4000  }
0x12: {  	p0 =	por !p0, !p0;
	s11 =	smov.u32 s9;
	[sflag:s14] =	ssyncset.done @!p1 $0x0  }
0x13: {  	s9 =	smov.u32 s13;
	[sflag:s14] =	ssyncadd.s32 @!p1 $0xFFFFC000;
	s10 =	smov.u32 s15  }
.LBB1_1:
0x14: {  	p1 =	sgt.u32 s8, $0xF  }
0x15: {  	s13 =	sxor.u32 @!p1 $0xFFFFFFFF, s8;
	s14 =	sshll.u32 @!p1 s10, $0xD  }
0x16: {  	s15 =	sshll.u32 @!p1 s9, $0x7;
	s13 =	sshll.u32 @!p1 s13, $0xE;
	s14 =	sadd.s32 @!p1 s2, s14  }
0x17: {  	s13 =	sand.u32 @!p1 $0x4000, s13;
	s14 =	sadd.s32 @!p1 s15, s14;
	s15 =	simm.s32 @!p1 $0x0  }
0x18: {  	[tilespmem:s13], [sflag:$0x1] =	stream.linear.gather @!p1 [hbm4b:s14+s15], $0x4000, $0x38;
	[tilespmem:$0x10000] =	vst v63  }
0x19: {  	p1 =	seq.s32 s8, $0x0  }
0x1a: {  	p2 =	seq.s32 @!p1 s8, $0x11  }
0x1b: {  	p1 =	por p1, p2  }
.Ltmp2:
0x1c: {  	_ = 	snop;
	(pc) =	sbr.rel @p1 .LBB1_7-.Ltmp2, $1  }
0x1d: {  	_ =	sdelay $0x3  }
0x1e: {  	s13 =	simm.s32 $0x1;
	_ =	swait.ge [sflag:s4], $0x4000;
	s16 =	sshll.u32 s8, $0xE  }
0x1f: {  	s13 =	simm.s32 @!p0 $0x0;
	[sflag:s4] =	ssyncset.done $0x0;
	s31 =	sand.u32 $0x4000, s16  }
0x20: {  	s16 =	simm.s32 $0x0;
	s14 =	sshll.u32 s13, $0xE;
	[sflag:s4] =	ssyncadd.s32 $0xFFFFC000  }
0x21: {  	s13 =	sor.u32 $0x8040, s14;
	s15 =	sor.u32 $0x40, s14;
	s14 =	sor.u32 $0x8000, s31  }
.LBB1_3:
0x22: {  	v0 =	vmov s15;
	_ =	sdelay $0x3  }
0x23: {  	s18 =	simm.s32 $0x0  }
0x24: {  	v6 =	vld.idx.msk [tilespmem:v0+s18+$0x30 ss:$0x1], $0xffff  }
0x25: {  	v7 =	vld.idx.msk [tilespmem:v0+s18+$0xFFFFFFC0 ss:$0x1], $0xffff  }
0x26: {  	v5 =	vld.idx.msk [tilespmem:v0+s18+$0xFFFFFFD0 ss:$0x1], $0xffff  }
0x27: {  	v4 =	vld.idx.msk [tilespmem:v0+s18+$0xFFFFFFE0 ss:$0x1], $0xffff  }
0x28: {  	v3 =	vld.idx.msk [tilespmem:v0+s18+$0xFFFFFFF0 ss:$0x1], $0xffff  }
0x29: {  	v1 =	vld.idx.msk [tilespmem:v0+s18+$0x0 ss:$0x1], $0xffff  }
0x2a: {  	v2 =	vld.idx.msk [tilespmem:v0+s18+$0x10 ss:$0x1], $0xffff;
	[tilespmem:s13+$0x30] =	vst v6  }
0x2b: {  	s17 =	simm.s32 $0x80;
	s19 =	simm.s32 $0x400;
	[tilespmem:s13+$0xFFFFFFC0] =	vst v7;
	v6 =	vld.idx.msk [tilespmem:v0+s18+$0x20 ss:$0x1], $0xffff;
	s18 =	smov.u32 s13  }
.LBB1_4:
0x2c: {  	p1 =	sne.s32 s19, $0xE00;
	v7 =	vld.idx.msk [tilespmem:v0+s17+$0x30 ss:$0x1], $0xffff;
	[tilespmem:s18+$0xFFFFFFD0] =	vst v5  }
0x2d: {  	v8 =	vld.idx.msk [tilespmem:v0+s17+$0xFFFFFFC0 ss:$0x1], $0xffff;
	[tilespmem:s18+$0xFFFFFFE0] =	vst v4  }
0x2e: {  	v5 =	vld.idx.msk [tilespmem:v0+s17+$0xFFFFFFD0 ss:$0x1], $0xffff;
	[tilespmem:s18+$0xFFFFFFF0] =	vst v3  }
.Ltmp3:
0x2f: {  	v4 =	vld.idx.msk [tilespmem:v0+s17+$0xFFFFFFE0 ss:$0x1], $0xffff;
	[tilespmem:s18+$0x0] =	vst v1;
	(pc) =	sbr.rel @p1 .LBB1_4-.Ltmp3, $4  }
0x30: {  	v3 =	vld.idx.msk [tilespmem:v0+s17+$0xFFFFFFF0 ss:$0x1], $0xffff;
	[tilespmem:s18+$0x10] =	vst v2  }
0x31: {  	v1 =	vld.idx.msk [tilespmem:v0+s17+$0x0 ss:$0x1], $0xffff;
	[tilespmem:s18+$0x20] =	vst v6;
	s18 =	sadd.s32 $0x800, s18  }
0x32: {  	v2 =	vld.idx.msk [tilespmem:v0+s17+$0x10 ss:$0x1], $0xffff;
	[tilespmem:s18+$0x30] =	vst v7  }
0x33: {  	[tilespmem:s18+$0xFFFFFFC0] =	vst v8;
	v6 =	vld.idx.msk [tilespmem:v0+s17+$0x20 ss:$0x1], $0xffff;
	s17 =	sshra.s32 s19, $0x2;
	s19 =	sadd.s32 $0x200, s19  }
0x34: {  	_ =	sdelay $0x2  }
0x35: {  	[tilespmem:s18+$0xFFFFFFD0] =	vst v5  }
0x36: {  	v56 =	vld.idx.msk [tilespmem:v0+s17+$0x30 ss:$0x1], $0xffff;
	[tilespmem:s18+$0xFFFFFFE0] =	vst v4  }
0x37: {  	v57 =	vld.idx.msk [tilespmem:v0+s17+$0xFFFFFFC0 ss:$0x1], $0xffff;
	[tilespmem:s18+$0xFFFFFFF0] =	vst v3  }
0x38: {  	v58 =	vld.idx.msk [tilespmem:v0+s17+$0xFFFFFFD0 ss:$0x1], $0xffff;
	[tilespmem:s18+$0x0] =	vst v1  }
0x39: {  	v59 =	vld.idx.msk [tilespmem:v0+s17+$0xFFFFFFE0 ss:$0x1], $0xffff;
	[tilespmem:s18+$0x10] =	vst v2  }
0x3a: {  	v60 =	vld.idx.msk [tilespmem:v0+s17+$0xFFFFFFF0 ss:$0x1], $0xffff;
	s31 =	sadd.s32 $0x800, s18;
	[tilespmem:s18+$0x20] =	vst v6  }
0x3b: {  	v61 =	vld.idx.msk [tilespmem:v0+s17+$0x0 ss:$0x1], $0xffff;
	[tilespmem:s31+$0x30] =	vst v56  }
0x3c: {  	v62 =	vld.idx.msk [tilespmem:v0+s17+$0x10 ss:$0x1], $0xffff;
	s16 =	sadd.s32 $0x1, s16;
	[tilespmem:s31+$0xFFFFFFC0] =	vst v57  }
0x3d: {  	v63 =	vld.idx.msk [tilespmem:v0+s17+$0x20 ss:$0x1], $0xffff;
	p1 =	sne.s32 s16, $0x10;
	[tilespmem:s31+$0xFFFFFFD0] =	vst v58  }
.Ltmp4:
0x3e: {  	[tilespmem:s31+$0xFFFFFFE0] =	vst v59;
	(pc) =	sbr.rel @p1 .LBB1_3-.Ltmp4, $4  }
0x3f: {  	[tilespmem:s31+$0xFFFFFFF0] =	vst v60  }
0x40: {  	[tilespmem:s31+$0x0] =	vst v61  }
0x41: {  	[tilespmem:s31+$0x10] =	vst v62  }
0x42: {  	s13 =	sadd.s32 $0x80, s13;
	s15 =	sadd.s32 $0x400, s15;
	[tilespmem:s31+$0x20] =	vst v63  }
.Ltmp5:
0x43: {  	(pc) =	sbr.rel .LBB1_7-.Ltmp5, $4  }
0x44: {  	s12 =	sshll.u32 s12, $0xD;
	s11 =	sshll.u32 s11, $0x4  }
0x45: {  	s11 =	sand.u32 $0x3F0, s11;
	s12 =	sadd.s32 s3, s12  }
0x46: {  	s11 =	sadd.s32 s11, s12  }
0x47: {  	[hbm4b:s11+s6] =	stream.strided.scatter [tilespmem:s14], [sflag:$0x2], $0x4000, s7, s6, $0x38;
	[tilespmem:$0x10000] =	vst v63  }
.LBB1_8:
0x48: {  	_ =	sfence.sel $0x180000  }
0x49: {  	s2 =	simm.s32 $0x1;
	[bflag:$0x0] =	sbarrier.arrive $0xFFFF  }
0x4a: {  	s31 =	simm.s32 $0x2;
	[sflag:s2] =	ssyncpa.u1 $0x1  }
0x4b: {  	[sflag:s31] =	ssyncpa.u1 $0x1  }
0x4c: {  	p0 =	sne.s32 s1, $0x0;
	_ =	strace $0x90000047  }
0x4d: {  	s0 =	sadd.s32 @!p0 $0x100000, s0;
	[bflag:$0x2] =	sbarrier.arrive $0xFFFF  }
0x4e: {  	[sflag:s0] =	ssyncadd.tile.s32 @!p0 $0x1;
	_ =	shalt  }
.Lfunc_end1:
_tile_overlayer_lowered:
.L_overlay_start_2:
0x4f: {  	(tag) =	ssettag $0x2  }
0x50: {  	s0 =	rddreg [dreg:$0x0];
	s2 =	stileid.u32  }
0x51: {  	s1 =	rddreg [dreg:$0x1];
	p0 =	sne.s32 s2, $0x0  }
0x52: {  	s3 =	rddreg [dreg:$0x2];
	[bflag:$0x3] =	sbarrier.arrive $0xFFFF;
	s2 =	simm.s32 @!p0 $0x1C01  }
0x53: {  	[timem:s3], [sflag:s2] =	dma.local @!p0 [hbm:s0], s1  }
0x54: {  	s0 =	simm.s32 @!p0 $0x1  }
0x55: {  	_ =	swait.ge @!p0 [sflag:s0], s1  }
0x56: {  	s1 =	ssub.s32 @!p0 $0x0, s1;
	[sflag:s0] =	ssyncset.done @!p0 $0x0  }
0x57: {  	[sflag:s0] =	ssyncadd.s32 @!p0 s1  }
0x58: {  	[bflag:$0x3] =	sbarrier.arrive $0xFFFF  }
0x59: {  	_ =	shalt  }

</sc_bundles>
